<compile_context>
chip_gen: v7x
topology: tpu7x:2x2x1
jax: 0.10.2.dev20260603
libtpu: 0.0.44.dev20260713+nightly
codegen_flags: <defaults>
</compile_context>

<pallas_src>
import functools

import jax
import jax.numpy as jnp
from jax import lax
from jax.experimental import pallas as pl
from jax.experimental.pallas import tpu as pltpu
from jax.experimental.pallas import tpu_sc as plsc

EMB_DIM = 16
BATCH = 16384
NUM_ROWS = 1000000
ROWPITCH = 1000064
FLAT = ROWPITCH * EMB_DIM
NUM_CORES = 2
NUM_SUBCORES = 16
NUM_WORKERS = NUM_CORES * NUM_SUBCORES
BPW = BATCH // NUM_WORKERS
CHUNK = 128
NCHUNK = BPW // CHUNK
LANES = 16
NVEC = BPW // LANES
VALS = EMB_DIM * BPW

WIN = 3968
NFULL = NUM_ROWS // WIN
TAIL = NFULL * WIN
NITER = (NFULL + NUM_WORKERS - 1) // NUM_WORKERS
NBUF = 2


def _relayout_table(src, dst, stg, sem_r, sem_w, wid):

    def window(w):
        return src.at[:, pl.ds(pl.multiple_of(w * WIN, WIN), WIN)]

    for p in range(NBUF):
        @pl.when(wid + NUM_WORKERS * p < NFULL)
        def _(p=p):
            pltpu.async_copy(window(wid + NUM_WORKERS * p), stg.at[p],
                             sem_r.at[p])

    def body(n, carry):
        w = wid + NUM_WORKERS * n
        b = lax.rem(n, NBUF)

        @pl.when(w < NFULL)
        def _():
            pltpu.make_async_copy(window(w), stg.at[b], sem_r.at[b]).wait()
            for d in range(EMB_DIM):
                pltpu.async_copy(
                    stg.at[b].at[d],
                    dst.at[pl.ds(d * ROWPITCH + w * WIN, WIN)], sem_w.at[b])
            wn = w + NUM_WORKERS * NBUF

            @pl.when(wn < NFULL)
            def _():
                pltpu.async_copy(window(wn), stg.at[b], sem_r.at[b])

            pltpu.make_async_copy(window(w), stg.at[b], sem_w.at[b]).wait()
        return carry

    lax.fori_loop(0, NITER, body, 0)

    ntail = (ROWPITCH - TAIL) // 128

    for t in range(ntail):
        @pl.when(wid == t)
        def _(t=t):
            base = TAIL + t * 128
            tail_src = src.at[:, pl.ds(pl.multiple_of(base, 128), 128)]
            tail_stg = stg.at[0].at[:, pl.ds(0, 128)]
            pltpu.async_copy(tail_src, tail_stg, sem_r.at[0])
            pltpu.make_async_copy(tail_src, tail_stg, sem_r.at[0]).wait()
            for d in range(EMB_DIM):
                pltpu.async_copy(stg.at[0].at[d].at[pl.ds(0, 128)],
                                 dst.at[pl.ds(d * ROWPITCH + base, 128)],
                                 sem_w.at[0])
            pltpu.make_async_copy(tail_src, tail_stg, sem_w.at[0]).wait()


def _conv_body(ut_hbm, it_hbm, uf_hbm, if_hbm, stg, sem_r, sem_w):
    wid = lax.axis_index("s") * NUM_CORES + lax.axis_index("c")
    _relayout_table(ut_hbm, uf_hbm, stg, sem_r, sem_w, wid)
    _relayout_table(it_hbm, if_hbm, stg, sem_r, sem_w, wid)


def _body(iu_hbm, ii_hbm, ut_hbm, it_hbm, bias_hbm, out_hbm,
          idx_u, idx_i, off_u, off_i, vals_u, vals_i, out_v,
          sem_u, sem_i, sem_b):
    wid = lax.axis_index("s") * NUM_CORES + lax.axis_index("c")
    base = wid * BPW

    pltpu.sync_copy(iu_hbm.at[pl.ds(base, BPW)], idx_u)
    pltpu.sync_copy(ii_hbm.at[pl.ds(base, BPW)], idx_i)

    bias_copies = [
        pltpu.async_copy(bias_hbm.at[idx_i.at[pl.ds(c * CHUNK, CHUNK)]],
                         out_v.at[pl.ds(c * CHUNK, CHUNK)], sem_b)
        for c in range(NCHUNK)
    ]

    def expand_body(j, carry):
        sl = pl.ds(j * LANES, LANES)
        iu = idx_u[sl]
        ii = idx_i[sl]
        for d in range(EMB_DIM):
            dsl = pl.ds(d * BPW + j * LANES, LANES)
            off_u[dsl] = iu + d * ROWPITCH
            off_i[dsl] = ii + d * ROWPITCH
        return carry

    lax.fori_loop(0, NVEC, expand_body, 0)

    for d in range(EMB_DIM):
        for c in range(NCHUNK):
            sl = pl.ds(d * BPW + c * CHUNK, CHUNK)
            pltpu.async_copy(ut_hbm.at[off_u.at[sl]], vals_u.at[sl], sem_u)
            pltpu.async_copy(it_hbm.at[off_i.at[sl]], vals_i.at[sl], sem_i)
    pltpu.make_async_copy(ut_hbm.at[pl.ds(0, VALS)], vals_u, sem_u).wait()
    pltpu.make_async_copy(it_hbm.at[pl.ds(0, VALS)], vals_i, sem_i).wait()
    for cb in bias_copies:
        cb.wait()

    def group_body(g, carry):
        nsl = pl.ds(g * LANES, LANES)
        acc = out_v[nsl]
        for d in range(EMB_DIM):
            dsl = pl.ds(d * BPW + g * LANES, LANES)
            acc = acc + vals_u[dsl] * vals_i[dsl]
        out_v[nsl] = acc
        return carry

    lax.fori_loop(0, NVEC, group_body, 0)

    pltpu.sync_copy(out_v, out_hbm.at[pl.ds(base, BPW)])


@jax.jit
def _run(input_user, input_item, u_table_t, i_table_t, d_item_bias):
    mesh = plsc.VectorSubcoreMesh(
        core_axis_name="c", subcore_axis_name="s",
        num_cores=NUM_CORES, num_subcores=NUM_SUBCORES)
    conv = pl.kernel(
        _conv_body,
        out_type=(jax.ShapeDtypeStruct((FLAT,), jnp.float32),
                  jax.ShapeDtypeStruct((FLAT,), jnp.float32)),
        mesh=mesh,
        scratch_types=[
            pltpu.VMEM((NBUF, EMB_DIM, WIN), jnp.float32),
            pltpu.SemaphoreType.DMA((NBUF,)),
            pltpu.SemaphoreType.DMA((NBUF,)),
        ],
        compiler_params=pltpu.CompilerParams(
            needs_layout_passes=False, use_tc_tiling_on_sc=True,
            disable_bounds_checks=True),
    )
    u_flat, i_flat = conv(u_table_t, i_table_t)

    f = pl.kernel(
        _body,
        out_type=jax.ShapeDtypeStruct((BATCH,), jnp.float32),
        mesh=mesh,
        scratch_types=[
            pltpu.VMEM((BPW,), jnp.int32),
            pltpu.VMEM((BPW,), jnp.int32),
            pltpu.VMEM((VALS,), jnp.int32),
            pltpu.VMEM((VALS,), jnp.int32),
            pltpu.VMEM((VALS,), jnp.float32),
            pltpu.VMEM((VALS,), jnp.float32),
            pltpu.VMEM((BPW,), jnp.float32),
            pltpu.SemaphoreType.DMA,
            pltpu.SemaphoreType.DMA,
            pltpu.SemaphoreType.DMA,
        ],
        compiler_params=pltpu.CompilerParams(
            needs_layout_passes=False, use_tc_tiling_on_sc=False),
    )
    return f(input_user, input_item, u_flat, i_flat, d_item_bias)


def kernel(input_user, input_item, u_table, i_table, d_item_bias):
    return _run(input_user.astype(jnp.int32), input_item.astype(jnp.int32),
                u_table.T, i_table.T, d_item_bias)

# --- scband reference (transcript-rebuilt; emitter-appended) ---
"""Pipeline reference for scband-inner-dis-72112500900146 (READ-ONLY COPY).

The authoritative reference and input builder live on the scoring server;
editing this copy changes nothing except your own understanding.
"""

import jax, jax.numpy as jnp
import numpy as np

EMB_DIM = 16
USER_NUM = 1000000
ITEM_NUM = 1000000
BATCH = 16384

def setup_inputs(seed: int = 0) -> dict:
    key = jax.random.key(seed)
    k1, k2, k3, k4 = jax.random.split(key, 4)
    input_user = jax.random.randint(k1, (BATCH,), 0, USER_NUM, dtype=jnp.int64) if jax.config.jax_enable_x64 else jax.random.randint(k1, (BATCH,), 0, USER_NUM, dtype=jnp.int32)
    input_item = jax.random.randint(k2, (BATCH,), 0, ITEM_NUM, dtype=jnp.int64) if jax.config.jax_enable_x64 else jax.random.randint(k2, (BATCH,), 0, ITEM_NUM, dtype=jnp.int32)
    u_table = jax.random.normal(k3, (USER_NUM, EMB_DIM), dtype=jnp.float32) * 0.05
    i_table = jax.random.normal(k4, (ITEM_NUM, EMB_DIM), dtype=jnp.float32) * 0.05
    d_item_bias = jnp.zeros((ITEM_NUM,), dtype=jnp.float32)
    return {"input_user": input_user, "input_item": input_item, "u_table": u_table, "i_table": i_table, "d_item_bias": d_item_bias}

def reference(input_user, input_item, u_table, i_table, d_item_bias):
    # u_emb = Embedding(user_num, emb_dim)(input_user)
    u_emb = jnp.take(u_table, input_user, axis=0)
    # i_emb = Embedding(item_num, emb_dim)(input_item)
    i_emb = jnp.take(i_table, input_item, axis=0)
    # score = sum(u_emb * i_emb, axis=1) + gather(d_item_bias, input_item)
    score = jnp.sum(u_emb * i_emb, axis=1) + jnp.take(d_item_bias, input_item, axis=0)
    return score

if __name__ == "__main__":
    import jax
    _d = setup_inputs()
    print(jax.jit(kernel)(*tuple(_d.values())))

</pallas_src>

<mosaic_0001>
#map = affine_map<(d0, d1) -> (0, 0)>
#map1 = affine_map<(d0, d1) -> (0)>
module attributes {stable_mosaic.version = 14 : i64} {
  func.func @_conv_body(%arg0: i32, %arg1: i32, %arg2: memref<16x1000000xf32, #tpu.memory_space<hbm>>, %arg3: memref<16x1000000xf32, #tpu.memory_space<hbm>>, %arg4: memref<16001024xf32, #tpu.memory_space<hbm>>, %arg5: memref<16001024xf32, #tpu.memory_space<hbm>>, %arg6: memref<2x16x3968xf32, #tpu.memory_space<vmem>>, %arg7: memref<2x!tpu.dma_semaphore, #tpu.memory_space<semaphore_mem>>, %arg8: memref<2x!tpu.dma_semaphore, #tpu.memory_space<semaphore_mem>>) attributes {dimension_semantics = [#tpu.dimension_semantics<core_parallel>, #tpu.dimension_semantics<subcore_parallel>], iteration_bounds = array<i64: 2, 16>, scalar_prefetch = 0 : i64, scratch_operands = 3 : i64, tpu.core_type = #tpu.core_type<sc_vector_subcore>, window_params = [{transform_indices = #map}, {transform_indices = #map}, {transform_indices = #map1}, {transform_indices = #map1}]} {
    %mul3A = arith.constant 2 : i32
    %mul3A_0 = arith.muli %arg1, %mul3A : i32
    %add3A = arith.addi %mul3A_0, %arg0 : i32
    %add3A_1 = arith.constant 0 : i32
    %add3A_2 = arith.addi %add3A, %add3A_1 : i32
    %lt3A = arith.constant 252 : i32
    %lt3A_3 = arith.cmpi slt, %add3A_2, %lt3A : i32
    %convert_element_type3A = arith.extui %lt3A_3 : i1 to i32
    %cond3A = arith.constant 0 : i32
    %cond3A_4 = arith.cmpi ne, %convert_element_type3A, %cond3A : i32
    scf.if %cond3A_4 {
      %add3A_46 = arith.constant 0 : i32
      %add3A_47 = arith.addi %add3A, %add3A_46 : i32
      %mul3A_48 = arith.constant 3968 : i32
      %mul3A_49 = arith.muli %add3A_47, %mul3A_48 : i32
      %multiple_of3A = tpu.assume_multiple %mul3A_49, 3968 : i32
      %dma_start3A = arith.constant 0 : i32
      %dma_start3A_50 = arith.constant 0 : i32
      %dma_start3A_51 = arith.constant 0 : i32
      %dma_start3A_52 = arith.constant 0 : i32
      %dma_start3A_53 = tpu.memref_slice %arg6[%dma_start3A, %dma_start3A_51, %dma_start3A_52] : memref<2x16x3968xf32, #tpu.memory_space<vmem>> -> memref<1x16x3968xf32, #tpu.memory_space<vmem>>
      %dma_start3A_54 = tpu.memref_squeeze %dma_start3A_53 : memref<1x16x3968xf32, #tpu.memory_space<vmem>> -> memref<16x3968xf32, #tpu.memory_space<vmem>>
      %dma_start3A_55 = arith.constant 0 : i32
      %dma_start3A_56 = tpu.memref_slice %arg2[%dma_start3A_55, %multiple_of3A] : memref<16x1000000xf32, #tpu.memory_space<hbm>> -> memref<16x3968xf32, #tpu.memory_space<hbm>>
      %dma_start3A_57 = tpu.memref_slice %arg7[%dma_start3A_50] : memref<2x!tpu.dma_semaphore, #tpu.memory_space<semaphore_mem>> -> memref<1x!tpu.dma_semaphore, #tpu.memory_space<semaphore_mem>>
      %dma_start3A_58 = tpu.memref_squeeze %dma_start3A_57 : memref<1x!tpu.dma_semaphore, #tpu.memory_space<semaphore_mem>> -> memref<!tpu.dma_semaphore, #tpu.memory_space<semaphore_mem>>
      %dma_start3A_59 = arith.constant 0 : i32
      %dma_start3A_60 = arith.constant 0 : i32
      %dma_start3A_61 = tpu.memref_slice %arg6[%dma_start3A, %dma_start3A_59, %dma_start3A_60] : memref<2x16x3968xf32, #tpu.memory_space<vmem>> -> memref<1x16x3968xf32, #tpu.memory_space<vmem>>
      %dma_start3A_62 = tpu.memref_squeeze %dma_start3A_61 : memref<1x16x3968xf32, #tpu.memory_space<vmem>> -> memref<16x3968xf32, #tpu.memory_space<vmem>>
      %dma_start3A_63 = arith.constant 0 : i32
      %dma_start3A_64 = tpu.memref_slice %arg2[%dma_start3A_63, %multiple_of3A] : memref<16x1000000xf32, #tpu.memory_space<hbm>> -> memref<16x3968xf32, #tpu.memory_space<hbm>>
      tpu.enqueue_dma source(%dma_start3A_64 : memref<16x3968xf32, #tpu.memory_space<hbm>>) target(%dma_start3A_62 : memref<16x3968xf32, #tpu.memory_space<vmem>>) target_semaphore(%dma_start3A_58 : memref<!tpu.dma_semaphore, #tpu.memory_space<semaphore_mem>>)
    } else {
    }
    %add3A_5 = arith.constant 32 : i32
    %add3A_6 = arith.addi %add3A, %add3A_5 : i32
    %lt3A_7 = arith.constant 252 : i32
    %lt3A_8 = arith.cmpi slt, %add3A_6, %lt3A_7 : i32
    %convert_element_type3A_9 = arith.extui %lt3A_8 : i1 to i32
    %cond3A_10 = arith.constant 0 : i32
    %cond3A_11 = arith.cmpi ne, %convert_element_type3A_9, %cond3A_10 : i32
    scf.if %cond3A_11 {
      %add3A_46 = arith.constant 32 : i32
      %add3A_47 = arith.addi %add3A, %add3A_46 : i32
      %mul3A_48 = arith.constant 3968 : i32
      %mul3A_49 = arith.muli %add3A_47, %mul3A_48 : i32
      %multiple_of3A = tpu.assume_multiple %mul3A_49, 3968 : i32
      %dma_start3A = arith.constant 1 : i32
      %dma_start3A_50 = arith.constant 1 : i32
      %dma_start3A_51 = arith.constant 0 : i32
      %dma_start3A_52 = arith.constant 0 : i32
      %dma_start3A_53 = tpu.memref_slice %arg6[%dma_start3A, %dma_start3A_51, %dma_start3A_52] : memref<2x16x3968xf32, #tpu.memory_space<vmem>> -> memref<1x16x3968xf32, #tpu.memory_space<vmem>>
      %dma_start3A_54 = tpu.memref_squeeze %dma_start3A_53 : memref<1x16x3968xf32, #tpu.memory_space<vmem>> -> memref<16x3968xf32, #tpu.memory_space<vmem>>
      %dma_start3A_55 = arith.constant 0 : i32
      %dma_start3A_56 = tpu.memref_slice %arg2[%dma_start3A_55, %multiple_of3A] : memref<16x1000000xf32, #tpu.memory_space<hbm>> -> memref<16x3968xf32, #tpu.memory_space<hbm>>
      %dma_start3A_57 = tpu.memref_slice %arg7[%dma_start3A_50] : memref<2x!tpu.dma_semaphore, #tpu.memory_space<semaphore_mem>> -> memref<1x!tpu.dma_semaphore, #tpu.memory_space<semaphore_mem>>
      %dma_start3A_58 = tpu.memref_squeeze %dma_start3A_57 : memref<1x!tpu.dma_semaphore, #tpu.memory_space<semaphore_mem>> -> memref<!tpu.dma_semaphore, #tpu.memory_space<semaphore_mem>>
      %dma_start3A_59 = arith.constant 0 : i32
      %dma_start3A_60 = arith.constant 0 : i32
      %dma_start3A_61 = tpu.memref_slice %arg6[%dma_start3A, %dma_start3A_59, %dma_start3A_60] : memref<2x16x3968xf32, #tpu.memory_space<vmem>> -> memref<1x16x3968xf32, #tpu.memory_space<vmem>>
      %dma_start3A_62 = tpu.memref_squeeze %dma_start3A_61 : memref<1x16x3968xf32, #tpu.memory_space<vmem>> -> memref<16x3968xf32, #tpu.memory_space<vmem>>
      %dma_start3A_63 = arith.constant 0 : i32
      %dma_start3A_64 = tpu.memref_slice %arg2[%dma_start3A_63, %multiple_of3A] : memref<16x1000000xf32, #tpu.memory_space<hbm>> -> memref<16x3968xf32, #tpu.memory_space<hbm>>
      tpu.enqueue_dma source(%dma_start3A_64 : memref<16x3968xf32, #tpu.memory_space<hbm>>) target(%dma_start3A_62 : memref<16x3968xf32, #tpu.memory_space<vmem>>) target_semaphore(%dma_start3A_58 : memref<!tpu.dma_semaphore, #tpu.memory_space<semaphore_mem>>)
    } else {
    }
    %scan3A = arith.constant 0 : i32
    %scan3A_12 = arith.constant 0 : i32
    %scan3A_13 = arith.constant 8 : i32
    %scan3A_14 = arith.addi %scan3A_12, %scan3A_13 : i32
    %scan3A_15 = arith.constant 1 : i32
    scf.for %scan3A_46 = %scan3A_12 to %scan3A_14 step %scan3A_15  : i32 {
      %mul3A_47 = arith.constant 32 : i32
      %mul3A_48 = arith.muli %mul3A_47, %scan3A_46 : i32
      %add3A_49 = arith.addi %add3A, %mul3A_48 : i32
      %rem3A = arith.constant 2 : i32
      %rem3A_50 = arith.remsi %scan3A_46, %rem3A : i32
      %lt3A_51 = arith.constant 252 : i32
      %lt3A_52 = arith.cmpi slt, %add3A_49, %lt3A_51 : i32
      %convert_element_type3A_53 = arith.extui %lt3A_52 : i1 to i32
      %cond3A_54 = arith.constant 0 : i32
      %cond3A_55 = arith.cmpi ne, %convert_element_type3A_53, %cond3A_54 : i32
      scf.if %cond3A_55 {
        %mul3A_56 = arith.constant 3968 : i32
        %mul3A_57 = arith.muli %add3A_49, %mul3A_56 : i32
        %multiple_of3A = tpu.assume_multiple %mul3A_57, 3968 : i32
        %dma_wait3A = arith.constant 0 : i32
        %dma_wait3A_58 = arith.constant 0 : i32
        %dma_wait3A_59 = tpu.memref_slice %arg6[%rem3A_50, %dma_wait3A, %dma_wait3A_58] : memref<2x16x3968xf32, #tpu.memory_space<vmem>> -> memref<1x16x3968xf32, #tpu.memory_space<vmem>>
        %dma_wait3A_60 = tpu.memref_squeeze %dma_wait3A_59 : memref<1x16x3968xf32, #tpu.memory_space<vmem>> -> memref<16x3968xf32, #tpu.memory_space<vmem>>
        %dma_wait3A_61 = arith.constant 0 : i32
        %dma_wait3A_62 = tpu.memref_slice %arg2[%dma_wait3A_61, %multiple_of3A] : memref<16x1000000xf32, #tpu.memory_space<hbm>> -> memref<16x3968xf32, #tpu.memory_space<hbm>>
        %dma_wait3A_63 = tpu.memref_slice %arg7[%rem3A_50] : memref<2x!tpu.dma_semaphore, #tpu.memory_space<semaphore_mem>> -> memref<1x!tpu.dma_semaphore, #tpu.memory_space<semaphore_mem>>
        %dma_wait3A_64 = tpu.memref_squeeze %dma_wait3A_63 : memref<1x!tpu.dma_semaphore, #tpu.memory_space<semaphore_mem>> -> memref<!tpu.dma_semaphore, #tpu.memory_space<semaphore_mem>>
        %dma_wait3A_65 = arith.constant 0 : i32
        %dma_wait3A_66 = arith.constant 0 : i32
        %dma_wait3A_67 = tpu.memref_slice %arg6[%rem3A_50, %dma_wait3A_65, %dma_wait3A_66] : memref<2x16x3968xf32, #tpu.memory_space<vmem>> -> memref<1x16x3968xf32, #tpu.memory_space<vmem>>
        %dma_wait3A_68 = tpu.memref_squeeze %dma_wait3A_67 : memref<1x16x3968xf32, #tpu.memory_space<vmem>> -> memref<16x3968xf32, #tpu.memory_space<vmem>>
        %dma_wait3A_69 = arith.constant 0 : i32
        %dma_wait3A_70 = tpu.memref_slice %arg2[%dma_wait3A_69, %multiple_of3A] : memref<16x1000000xf32, #tpu.memory_space<hbm>> -> memref<16x3968xf32, #tpu.memory_space<hbm>>
        tpu.wait_dma2 semaphore(%dma_wait3A_64 : memref<!tpu.dma_semaphore, #tpu.memory_space<semaphore_mem>>) src(%dma_wait3A_70 : memref<16x3968xf32, #tpu.memory_space<hbm>>) dst(%dma_wait3A_68 : memref<16x3968xf32, #tpu.memory_space<vmem>>)
        %mul3A_71 = arith.constant 3968 : i32
        %mul3A_72 = arith.muli %add3A_49, %mul3A_71 : i32
        %add3A_73 = arith.constant 0 : i32
        %add3A_74 = arith.addi %add3A_73, %mul3A_72 : i32
        %dma_start3A = arith.constant 0 : i32
        %dma_start3A_75 = arith.constant 0 : i32
        %dma_start3A_76 = arith.constant 0 : i32
        %dma_start3A_77 = tpu.memref_slice %arg6[%rem3A_50, %dma_start3A_75, %dma_start3A_76] : memref<2x16x3968xf32, #tpu.memory_space<vmem>> -> memref<1x16x3968xf32, #tpu.memory_space<vmem>>
        %dma_start3A_78 = tpu.memref_squeeze %dma_start3A_77 : memref<1x16x3968xf32, #tpu.memory_space<vmem>> -> memref<16x3968xf32, #tpu.memory_space<vmem>>
        %dma_start3A_79 = arith.constant 0 : i32
        %dma_start3A_80 = tpu.memref_slice %dma_start3A_78[%dma_start3A, %dma_start3A_79] : memref<16x3968xf32, #tpu.memory_space<vmem>> -> memref<1x3968xf32, #tpu.memory_space<vmem>>
        %dma_start3A_81 = tpu.memref_squeeze %dma_start3A_80 : memref<1x3968xf32, #tpu.memory_space<vmem>> -> memref<3968xf32, #tpu.memory_space<vmem>>
        %dma_start3A_82 = tpu.memref_slice %arg4[%add3A_74] : memref<16001024xf32, #tpu.memory_space<hbm>> -> memref<3968xf32, #tpu.memory_space<hbm>>
        %dma_start3A_83 = tpu.memref_slice %arg8[%rem3A_50] : memref<2x!tpu.dma_semaphore, #tpu.memory_space<semaphore_mem>> -> memref<1x!tpu.dma_semaphore, #tpu.memory_space<semaphore_mem>>
        %dma_start3A_84 = tpu.memref_squeeze %dma_start3A_83 : memref<1x!tpu.dma_semaphore, #tpu.memory_space<semaphore_mem>> -> memref<!tpu.dma_semaphore, #tpu.memory_space<semaphore_mem>>
        %dma_start3A_85 = tpu.memref_slice %arg4[%add3A_74] : memref<16001024xf32, #tpu.memory_space<hbm>> -> memref<3968xf32, #tpu.memory_space<hbm>>
        %dma_start3A_86 = arith.constant 0 : i32
        %dma_start3A_87 = arith.constant 0 : i32
        %dma_start3A_88 = tpu.memref_slice %arg6[%rem3A_50, %dma_start3A_86, %dma_start3A_87] : memref<2x16x3968xf32, #tpu.memory_space<vmem>> -> memref<1x16x3968xf32, #tpu.memory_space<vmem>>
        %dma_start3A_89 = tpu.memref_squeeze %dma_start3A_88 : memref<1x16x3968xf32, #tpu.memory_space<vmem>> -> memref<16x3968xf32, #tpu.memory_space<vmem>>
        %dma_start3A_90 = arith.constant 0 : i32
        %dma_start3A_91 = tpu.memref_slice %dma_start3A_89[%dma_start3A, %dma_start3A_90] : memref<16x3968xf32, #tpu.memory_space<vmem>> -> memref<1x3968xf32, #tpu.memory_space<vmem>>
        %dma_start3A_92 = tpu.memref_squeeze %dma_start3A_91 : memref<1x3968xf32, #tpu.memory_space<vmem>> -> memref<3968xf32, #tpu.memory_space<vmem>>
        tpu.enqueue_dma source(%dma_start3A_92 : memref<3968xf32, #tpu.memory_space<vmem>>) target(%dma_start3A_85 : memref<3968xf32, #tpu.memory_space<hbm>>) target_semaphore(%dma_start3A_84 : memref<!tpu.dma_semaphore, #tpu.memory_space<semaphore_mem>>)
        %mul3A_93 = arith.constant 3968 : i32
        %mul3A_94 = arith.muli %add3A_49, %mul3A_93 : i32
        %add3A_95 = arith.constant 1000064 : i32
        %add3A_96 = arith.addi %add3A_95, %mul3A_94 : i32
        %dma_start3A_97 = arith.constant 1 : i32
        %dma_start3A_98 = arith.constant 0 : i32
        %dma_start3A_99 = arith.constant 0 : i32
        %dma_start3A_100 = tpu.memref_slice %arg6[%rem3A_50, %dma_start3A_98, %dma_start3A_99] : memref<2x16x3968xf32, #tpu.memory_space<vmem>> -> memref<1x16x3968xf32, #tpu.memory_space<vmem>>
        %dma_start3A_101 = tpu.memref_squeeze %dma_start3A_100 : memref<1x16x3968xf32, #tpu.memory_space<vmem>> -> memref<16x3968xf32, #tpu.memory_space<vmem>>
        %dma_start3A_102 = arith.constant 0 : i32
        %dma_start3A_103 = tpu.memref_slice %dma_start3A_101[%dma_start3A_97, %dma_start3A_102] : memref<16x3968xf32, #tpu.memory_space<vmem>> -> memref<1x3968xf32, #tpu.memory_space<vmem>>
        %dma_start3A_104 = tpu.memref_squeeze %dma_start3A_103 : memref<1x3968xf32, #tpu.memory_space<vmem>> -> memref<3968xf32, #tpu.memory_space<vmem>>
        %dma_start3A_105 = tpu.memref_slice %arg4[%add3A_96] : memref<16001024xf32, #tpu.memory_space<hbm>> -> memref<3968xf32, #tpu.memory_space<hbm>>
        %dma_start3A_106 = tpu.memref_slice %arg8[%rem3A_50] : memref<2x!tpu.dma_semaphore, #tpu.memory_space<semaphore_mem>> -> memref<1x!tpu.dma_semaphore, #tpu.memory_space<semaphore_mem>>
        %dma_start3A_107 = tpu.memref_squeeze %dma_start3A_106 : memref<1x!tpu.dma_semaphore, #tpu.memory_space<semaphore_mem>> -> memref<!tpu.dma_semaphore, #tpu.memory_space<semaphore_mem>>
        %dma_start3A_108 = tpu.memref_slice %arg4[%add3A_96] : memref<16001024xf32, #tpu.memory_space<hbm>> -> memref<3968xf32, #tpu.memory_space<hbm>>
        %dma_start3A_109 = arith.constant 0 : i32
        %dma_start3A_110 = arith.constant 0 : i32
        %dma_start3A_111 = tpu.memref_slice %arg6[%rem3A_50, %dma_start3A_109, %dma_start3A_110] : memref<2x16x3968xf32, #tpu.memory_space<vmem>> -> memref<1x16x3968xf32, #tpu.memory_space<vmem>>
        %dma_start3A_112 = tpu.memref_squeeze %dma_start3A_111 : memref<1x16x3968xf32, #tpu.memory_space<vmem>> -> memref<16x3968xf32, #tpu.memory_space<vmem>>
        %dma_start3A_113 = arith.constant 0 : i32
        %dma_start3A_114 = tpu.memref_slice %dma_start3A_112[%dma_start3A_97, %dma_start3A_113] : memref<16x3968xf32, #tpu.memory_space<vmem>> -> memref<1x3968xf32, #tpu.memory_space<vmem>>
        %dma_start3A_115 = tpu.memref_squeeze %dma_start3A_114 : memref<1x3968xf32, #tpu.memory_space<vmem>> -> memref<3968xf32, #tpu.memory_space<vmem>>
        tpu.enqueue_dma source(%dma_start3A_115 : memref<3968xf32, #tpu.memory_space<vmem>>) target(%dma_start3A_108 : memref<3968xf32, #tpu.memory_space<hbm>>) target_semaphore(%dma_start3A_107 : memref<!tpu.dma_semaphore, #tpu.memory_space<semaphore_mem>>)
        %mul3A_116 = arith.constant 3968 : i32
        %mul3A_117 = arith.muli %add3A_49, %mul3A_116 : i32
        %add3A_118 = arith.constant 2000128 : i32
        %add3A_119 = arith.addi %add3A_118, %mul3A_117 : i32
        %dma_start3A_120 = arith.constant 2 : i32
        %dma_start3A_121 = arith.constant 0 : i32
        %dma_start3A_122 = arith.constant 0 : i32
        %dma_start3A_123 = tpu.memref_slice %arg6[%rem3A_50, %dma_start3A_121, %dma_start3A_122] : memref<2x16x3968xf32, #tpu.memory_space<vmem>> -> memref<1x16x3968xf32, #tpu.memory_space<vmem>>
        %dma_start3A_124 = tpu.memref_squeeze %dma_start3A_123 : memref<1x16x3968xf32, #tpu.memory_space<vmem>> -> memref<16x3968xf32, #tpu.memory_space<vmem>>
        %dma_start3A_125 = arith.constant 0 : i32
        %dma_start3A_126 = tpu.memref_slice %dma_start3A_124[%dma_start3A_120, %dma_start3A_125] : memref<16x3968xf32, #tpu.memory_space<vmem>> -> memref<1x3968xf32, #tpu.memory_space<vmem>>
        %dma_start3A_127 = tpu.memref_squeeze %dma_start3A_126 : memref<1x3968xf32, #tpu.memory_space<vmem>> -> memref<3968xf32, #tpu.memory_space<vmem>>
        %dma_start3A_128 = tpu.memref_slice %arg4[%add3A_119] : memref<16001024xf32, #tpu.memory_space<hbm>> -> memref<3968xf32, #tpu.memory_space<hbm>>
        %dma_start3A_129 = tpu.memref_slice %arg8[%rem3A_50] : memref<2x!tpu.dma_semaphore, #tpu.memory_space<semaphore_mem>> -> memref<1x!tpu.dma_semaphore, #tpu.memory_space<semaphore_mem>>
        %dma_start3A_130 = tpu.memref_squeeze %dma_start3A_129 : memref<1x!tpu.dma_semaphore, #tpu.memory_space<semaphore_mem>> -> memref<!tpu.dma_semaphore, #tpu.memory_space<semaphore_mem>>
        %dma_start3A_131 = tpu.memref_slice %arg4[%add3A_119] : memref<16001024xf32, #tpu.memory_space<hbm>> -> memref<3968xf32, #tpu.memory_space<hbm>>
        %dma_start3A_132 = arith.constant 0 : i32
        %dma_start3A_133 = arith.constant 0 : i32
        %dma_start3A_134 = tpu.memref_slice %arg6[%rem3A_50, %dma_start3A_132, %dma_start3A_133] : memref<2x16x3968xf32, #tpu.memory_space<vmem>> -> memref<1x16x3968xf32, #tpu.memory_space<vmem>>
        %dma_start3A_135 = tpu.memref_squeeze %dma_start3A_134 : memref<1x16x3968xf32, #tpu.memory_space<vmem>> -> memref<16x3968xf32, #tpu.memory_space<vmem>>
        %dma_start3A_136 = arith.constant 0 : i32
        %dma_start3A_137 = tpu.memref_slice %dma_start3A_135[%dma_start3A_120, %dma_start3A_136] : memref<16x3968xf32, #tpu.memory_space<vmem>> -> memref<1x3968xf32, #tpu.memory_space<vmem>>
        %dma_start3A_138 = tpu.memref_squeeze %dma_start3A_137 : memref<1x3968xf32, #tpu.memory_space<vmem>> -> memref<3968xf32, #tpu.memory_space<vmem>>
        tpu.enqueue_dma source(%dma_start3A_138 : memref<3968xf32, #tpu.memory_space<vmem>>) target(%dma_start3A_131 : memref<3968xf32, #tpu.memory_space<hbm>>) target_semaphore(%dma_start3A_130 : memref<!tpu.dma_semaphore, #tpu.memory_space<semaphore_mem>>)
        %mul3A_139 = arith.constant 3968 : i32
        %mul3A_140 = arith.muli %add3A_49, %mul3A_139 : i32
        %add3A_141 = arith.constant 3000192 : i32
        %add3A_142 = arith.addi %add3A_141, %mul3A_140 : i32
        %dma_start3A_143 = arith.constant 3 : i32
        %dma_start3A_144 = arith.constant 0 : i32
        %dma_start3A_145 = arith.constant 0 : i32
        %dma_start3A_146 = tpu.memref_slice %arg6[%rem3A_50, %dma_start3A_144, %dma_start3A_145] : memref<2x16x3968xf32, #tpu.memory_space<vmem>> -> memref<1x16x3968xf32, #tpu.memory_space<vmem>>
        %dma_start3A_147 = tpu.memref_squeeze %dma_start3A_146 : memref<1x16x3968xf32, #tpu.memory_space<vmem>> -> memref<16x3968xf32, #tpu.memory_space<vmem>>
        %dma_start3A_148 = arith.constant 0 : i32
        %dma_start3A_149 = tpu.memref_slice %dma_start3A_147[%dma_start3A_143, %dma_start3A_148] : memref<16x3968xf32, #tpu.memory_space<vmem>> -> memref<1x3968xf32, #tpu.memory_space<vmem>>
        %dma_start3A_150 = tpu.memref_squeeze %dma_start3A_149 : memref<1x3968xf32, #tpu.memory_space<vmem>> -> memref<3968xf32, #tpu.memory_space<vmem>>
        %dma_start3A_151 = tpu.memref_slice %arg4[%add3A_142] : memref<16001024xf32, #tpu.memory_space<hbm>> -> memref<3968xf32, #tpu.memory_space<hbm>>
        %dma_start3A_152 = tpu.memref_slice %arg8[%rem3A_50] : memref<2x!tpu.dma_semaphore, #tpu.memory_space<semaphore_mem>> -> memref<1x!tpu.dma_semaphore, #tpu.memory_space<semaphore_mem>>
        %dma_start3A_153 = tpu.memref_squeeze %dma_start3A_152 : memref<1x!tpu.dma_semaphore, #tpu.memory_space<semaphore_mem>> -> memref<!tpu.dma_semaphore, #tpu.memory_space<semaphore_mem>>
        %dma_start3A_154 = tpu.memref_slice %arg4[%add3A_142] : memref<16001024xf32, #tpu.memory_space<hbm>> -> memref<3968xf32, #tpu.memory_space<hbm>>
        %dma_start3A_155 = arith.constant 0 : i32
        %dma_start3A_156 = arith.constant 0 : i32
        %dma_start3A_157 = tpu.memref_slice %arg6[%rem3A_50, %dma_start3A_155, %dma_start3A_156] : memref<2x16x3968xf32, #tpu.memory_space<vmem>> -> memref<1x16x3968xf32, #tpu.memory_space<vmem>>
        %dma_start3A_158 = tpu.memref_squeeze %dma_start3A_157 : memref<1x16x3968xf32, #tpu.memory_space<vmem>> -> memref<16x3968xf32, #tpu.memory_space<vmem>>
        %dma_start3A_159 = arith.constant 0 : i32
        %dma_start3A_160 = tpu.memref_slice %dma_start3A_158[%dma_start3A_143, %dma_start3A_159] : memref<16x3968xf32, #tpu.memory_space<vmem>> -> memref<1x3968xf32, #tpu.memory_space<vmem>>
        %dma_start3A_161 = tpu.memref_squeeze %dma_start3A_160 : memref<1x3968xf32, #tpu.memory_space<vmem>> -> memref<3968xf32, #tpu.memory_space<vmem>>
        tpu.enqueue_dma source(%dma_start3A_161 : memref<3968xf32, #tpu.memory_space<vmem>>) target(%dma_start3A_154 : memref<3968xf32, #tpu.memory_space<hbm>>) target_semaphore(%dma_start3A_153 : memref<!tpu.dma_semaphore, #tpu.memory_space<semaphore_mem>>)
        %mul3A_162 = arith.constant 3968 : i32
        %mul3A_163 = arith.muli %add3A_49, %mul3A_162 : i32
        %add3A_164 = arith.constant 4000256 : i32
        %add3A_165 = arith.addi %add3A_164, %mul3A_163 : i32
        %dma_start3A_166 = arith.constant 4 : i32
        %dma_start3A_167 = arith.constant 0 : i32
        %dma_start3A_168 = arith.constant 0 : i32
        %dma_start3A_169 = tpu.memref_slice %arg6[%rem3A_50, %dma_start3A_167, %dma_start3A_168] : memref<2x16x3968xf32, #tpu.memory_space<vmem>> -> memref<1x16x3968xf32, #tpu.memory_space<vmem>>
        %dma_start3A_170 = tpu.memref_squeeze %dma_start3A_169 : memref<1x16x3968xf32, #tpu.memory_space<vmem>> -> memref<16x3968xf32, #tpu.memory_space<vmem>>
        %dma_start3A_171 = arith.constant 0 : i32
        %dma_start3A_172 = tpu.memref_slice %dma_start3A_170[%dma_start3A_166, %dma_start3A_171] : memref<16x3968xf32, #tpu.memory_space<vmem>> -> memref<1x3968xf32, #tpu.memory_space<vmem>>
        %dma_start3A_173 = tpu.memref_squeeze %dma_start3A_172 : memref<1x3968xf32, #tpu.memory_space<vmem>> -> memref<3968xf32, #tpu.memory_space<vmem>>
        %dma_start3A_174 = tpu.memref_slice %arg4[%add3A_165] : memref<16001024xf32, #tpu.memory_space<hbm>> -> memref<3968xf32, #tpu.memory_space<hbm>>
        %dma_start3A_175 = tpu.memref_slice %arg8[%rem3A_50] : memref<2x!tpu.dma_semaphore, #tpu.memory_space<semaphore_mem>> -> memref<1x!tpu.dma_semaphore, #tpu.memory_space<semaphore_mem>>
        %dma_start3A_176 = tpu.memref_squeeze %dma_start3A_175 : memref<1x!tpu.dma_semaphore, #tpu.memory_space<semaphore_mem>> -> memref<!tpu.dma_semaphore, #tpu.memory_space<semaphore_mem>>
        %dma_start3A_177 = tpu.memref_slice %arg4[%add3A_165] : memref<16001024xf32, #tpu.memory_space<hbm>> -> memref<3968xf32, #tpu.memory_space<hbm>>
        %dma_start3A_178 = arith.constant 0 : i32
        %dma_start3A_179 = arith.constant 0 : i32
        %dma_start3A_180 = tpu.memref_slice %arg6[%rem3A_50, %dma_start3A_178, %dma_start3A_179] : memref<2x16x3968xf32, #tpu.memory_space<vmem>> -> memref<1x16x3968xf32, #tpu.memory_space<vmem>>
        %dma_start3A_181 = tpu.memref_squeeze %dma_start3A_180 : memref<1x16x3968xf32, #tpu.memory_space<vmem>> -> memref<16x3968xf32, #tpu.memory_space<vmem>>
        %dma_start3A_182 = arith.constant 0 : i32
        %dma_start3A_183 = tpu.memref_slice %dma_start3A_181[%dma_start3A_166, %dma_start3A_182] : memref<16x3968xf32, #tpu.memory_space<vmem>> -> memref<1x3968xf32, #tpu.memory_space<vmem>>
        %dma_start3A_184 = tpu.memref_squeeze %dma_start3A_183 : memref<1x3968xf32, #tpu.memory_space<vmem>> -> memref<3968xf32, #tpu.memory_space<vmem>>
        tpu.enqueue_dma source(%dma_start3A_184 : memref<3968xf32, #tpu.memory_space<vmem>>) target(%dma_start3A_177 : memref<3968xf32, #tpu.memory_space<hbm>>) target_semaphore(%dma_start3A_176 : memref<!tpu.dma_semaphore, #tpu.memory_space<semaphore_mem>>)
        %mul3A_185 = arith.constant 3968 : i32
        %mul3A_186 = arith.muli %add3A_49, %mul3A_185 : i32
        %add3A_187 = arith.constant 5000320 : i32
        %add3A_188 = arith.addi %add3A_187, %mul3A_186 : i32
        %dma_start3A_189 = arith.constant 5 : i32
        %dma_start3A_190 = arith.constant 0 : i32
        %dma_start3A_191 = arith.constant 0 : i32
        %dma_start3A_192 = tpu.memref_slice %arg6[%rem3A_50, %dma_start3A_190, %dma_start3A_191] : memref<2x16x3968xf32, #tpu.memory_space<vmem>> -> memref<1x16x3968xf32, #tpu.memory_space<vmem>>
        %dma_start3A_193 = tpu.memref_squeeze %dma_start3A_192 : memref<1x16x3968xf32, #tpu.memory_space<vmem>> -> memref<16x3968xf32, #tpu.memory_space<vmem>>
        %dma_start3A_194 = arith.constant 0 : i32
        %dma_start3A_195 = tpu.memref_slice %dma_start3A_193[%dma_start3A_189, %dma_start3A_194] : memref<16x3968xf32, #tpu.memory_space<vmem>> -> memref<1x3968xf32, #tpu.memory_space<vmem>>
        %dma_start3A_196 = tpu.memref_squeeze %dma_start3A_195 : memref<1x3968xf32, #tpu.memory_space<vmem>> -> memref<3968xf32, #tpu.memory_space<vmem>>
        %dma_start3A_197 = tpu.memref_slice %arg4[%add3A_188] : memref<16001024xf32, #tpu.memory_space<hbm>> -> memref<3968xf32, #tpu.memory_space<hbm>>
        %dma_start3A_198 = tpu.memref_slice %arg8[%rem3A_50] : memref<2x!tpu.dma_semaphore, #tpu.memory_space<semaphore_mem>> -> memref<1x!tpu.dma_semaphore, #tpu.memory_space<semaphore_mem>>
        %dma_start3A_199 = tpu.memref_squeeze %dma_start3A_198 : memref<1x!tpu.dma_semaphore, #tpu.memory_space<semaphore_mem>> -> memref<!tpu.dma_semaphore, #tpu.memory_space<semaphore_mem>>
        %dma_start3A_200 = tpu.memref_slice %arg4[%add3A_188] : memref<16001024xf32, #tpu.memory_space<hbm>> -> memref<3968xf32, #tpu.memory_space<hbm>>
        %dma_start3A_201 = arith.constant 0 : i32
        %dma_start3A_202 = arith.constant 0 : i32
        %dma_start3A_203 = tpu.memref_slice %arg6[%rem3A_50, %dma_start3A_201, %dma_start3A_202] : memref<2x16x3968xf32, #tpu.memory_space<vmem>> -> memref<1x16x3968xf32, #tpu.memory_space<vmem>>
        %dma_start3A_204 = tpu.memref_squeeze %dma_start3A_203 : memref<1x16x3968xf32, #tpu.memory_space<vmem>> -> memref<16x3968xf32, #tpu.memory_space<vmem>>
        %dma_start3A_205 = arith.constant 0 : i32
        %dma_start3A_206 = tpu.memref_slice %dma_start3A_204[%dma_start3A_189, %dma_start3A_205] : memref<16x3968xf32, #tpu.memory_space<vmem>> -> memref<1x3968xf32, #tpu.memory_space<vmem>>
        %dma_start3A_207 = tpu.memref_squeeze %dma_start3A_206 : memref<1x3968xf32, #tpu.memory_space<vmem>> -> memref<3968xf32, #tpu.memory_space<vmem>>
        tpu.enqueue_dma source(%dma_start3A_207 : memref<3968xf32, #tpu.memory_space<vmem>>) target(%dma_start3A_200 : memref<3968xf32, #tpu.memory_space<hbm>>) target_semaphore(%dma_start3A_199 : memref<!tpu.dma_semaphore, #tpu.memory_space<semaphore_mem>>)
        %mul3A_208 = arith.constant 3968 : i32
        %mul3A_209 = arith.muli %add3A_49, %mul3A_208 : i32
        %add3A_210 = arith.constant 6000384 : i32
        %add3A_211 = arith.addi %add3A_210, %mul3A_209 : i32
        %dma_start3A_212 = arith.constant 6 : i32
        %dma_start3A_213 = arith.constant 0 : i32
        %dma_start3A_214 = arith.constant 0 : i32
        %dma_start3A_215 = tpu.memref_slice %arg6[%rem3A_50, %dma_start3A_213, %dma_start3A_214] : memref<2x16x3968xf32, #tpu.memory_space<vmem>> -> memref<1x16x3968xf32, #tpu.memory_space<vmem>>
        %dma_start3A_216 = tpu.memref_squeeze %dma_start3A_215 : memref<1x16x3968xf32, #tpu.memory_space<vmem>> -> memref<16x3968xf32, #tpu.memory_space<vmem>>
        %dma_start3A_217 = arith.constant 0 : i32
        %dma_start3A_218 = tpu.memref_slice %dma_start3A_216[%dma_start3A_212, %dma_start3A_217] : memref<16x3968xf32, #tpu.memory_space<vmem>> -> memref<1x3968xf32, #tpu.memory_space<vmem>>
        %dma_start3A_219 = tpu.memref_squeeze %dma_start3A_218 : memref<1x3968xf32, #tpu.memory_space<vmem>> -> memref<3968xf32, #tpu.memory_space<vmem>>
        %dma_start3A_220 = tpu.memref_slice %arg4[%add3A_211] : memref<16001024xf32, #tpu.memory_space<hbm>> -> memref<3968xf32, #tpu.memory_space<hbm>>
        %dma_start3A_221 = tpu.memref_slice %arg8[%rem3A_50] : memref<2x!tpu.dma_semaphore, #tpu.memory_space<semaphore_mem>> -> memref<1x!tpu.dma_semaphore, #tpu.memory_space<semaphore_mem>>
        %dma_start3A_222 = tpu.memref_squeeze %dma_start3A_221 : memref<1x!tpu.dma_semaphore, #tpu.memory_space<semaphore_mem>> -> memref<!tpu.dma_semaphore, #tpu.memory_space<semaphore_mem>>
        %dma_start3A_223 = tpu.memref_slice %arg4[%add3A_211] : memref<16001024xf32, #tpu.memory_space<hbm>> -> memref<3968xf32, #tpu.memory_space<hbm>>
        %dma_start3A_224 = arith.constant 0 : i32
        %dma_start3A_225 = arith.constant 0 : i32
        %dma_start3A_226 = tpu.memref_slice %arg6[%rem3A_50, %dma_start3A_224, %dma_start3A_225] : memref<2x16x3968xf32, #tpu.memory_space<vmem>> -> memref<1x16x3968xf32, #tpu.memory_space<vmem>>
        %dma_start3A_227 = tpu.memref_squeeze %dma_start3A_226 : memref<1x16x3968xf32, #tpu.memory_space<vmem>> -> memref<16x3968xf32, #tpu.memory_space<vmem>>
        %dma_start3A_228 = arith.constant 0 : i32
        %dma_start3A_229 = tpu.memref_slice %dma_start3A_227[%dma_start3A_212, %dma_start3A_228] : memref<16x3968xf32, #tpu.memory_space<vmem>> -> memref<1x3968xf32, #tpu.memory_space<vmem>>
        %dma_start3A_230 = tpu.memref_squeeze %dma_start3A_229 : memref<1x3968xf32, #tpu.memory_space<vmem>> -> memref<3968xf32, #tpu.memory_space<vmem>>
        tpu.enqueue_dma source(%dma_start3A_230 : memref<3968xf32, #tpu.memory_space<vmem>>) target(%dma_start3A_223 : memref<3968xf32, #tpu.memory_space<hbm>>) target_semaphore(%dma_start3A_222 : memref<!tpu.dma_semaphore, #tpu.memory_space<semaphore_mem>>)
        %mul3A_231 = arith.constant 3968 : i32
        %mul3A_232 = arith.muli %add3A_49, %mul3A_231 : i32
        %add3A_233 = arith.constant 7000448 : i32
        %add3A_234 = arith.addi %add3A_233, %mul3A_232 : i32
        %dma_start3A_235 = arith.constant 7 : i32
        %dma_start3A_236 = arith.constant 0 : i32
        %dma_start3A_237 = arith.constant 0 : i32
        %dma_start3A_238 = tpu.memref_slice %arg6[%rem3A_50, %dma_start3A_236, %dma_start3A_237] : memref<2x16x3968xf32, #tpu.memory_space<vmem>> -> memref<1x16x3968xf32, #tpu.memory_space<vmem>>
        %dma_start3A_239 = tpu.memref_squeeze %dma_start3A_238 : memref<1x16x3968xf32, #tpu.memory_space<vmem>> -> memref<16x3968xf32, #tpu.memory_space<vmem>>
        %dma_start3A_240 = arith.constant 0 : i32
        %dma_start3A_241 = tpu.memref_slice %dma_start3A_239[%dma_start3A_235, %dma_start3A_240] : memref<16x3968xf32, #tpu.memory_space<vmem>> -> memref<1x3968xf32, #tpu.memory_space<vmem>>
        %dma_start3A_242 = tpu.memref_squeeze %dma_start3A_241 : memref<1x3968xf32, #tpu.memory_space<vmem>> -> memref<3968xf32, #tpu.memory_space<vmem>>
        %dma_start3A_243 = tpu.memref_slice %arg4[%add3A_234] : memref<16001024xf32, #tpu.memory_space<hbm>> -> memref<3968xf32, #tpu.memory_space<hbm>>
        %dma_start3A_244 = tpu.memref_slice %arg8[%rem3A_50] : memref<2x!tpu.dma_semaphore, #tpu.memory_space<semaphore_mem>> -> memref<1x!tpu.dma_semaphore, #tpu.memory_space<semaphore_mem>>
        %dma_start3A_245 = tpu.memref_squeeze %dma_start3A_244 : memref<1x!tpu.dma_semaphore, #tpu.memory_space<semaphore_mem>> -> memref<!tpu.dma_semaphore, #tpu.memory_space<semaphore_mem>>
        %dma_start3A_246 = tpu.memref_slice %arg4[%add3A_234] : memref<16001024xf32, #tpu.memory_space<hbm>> -> memref<3968xf32, #tpu.memory_space<hbm>>
        %dma_start3A_247 = arith.constant 0 : i32
        %dma_start3A_248 = arith.constant 0 : i32
        %dma_start3A_249 = tpu.memref_slice %arg6[%rem3A_50, %dma_start3A_247, %dma_start3A_248] : memref<2x16x3968xf32, #tpu.memory_space<vmem>> -> memref<1x16x3968xf32, #tpu.memory_space<vmem>>
        %dma_start3A_250 = tpu.memref_squeeze %dma_start3A_249 : memref<1x16x3968xf32, #tpu.memory_space<vmem>> -> memref<16x3968xf32, #tpu.memory_space<vmem>>
        %dma_start3A_251 = arith.constant 0 : i32
        %dma_start3A_252 = tpu.memref_slice %dma_start3A_250[%dma_start3A_235, %dma_start3A_251] : memref<16x3968xf32, #tpu.memory_space<vmem>> -> memref<1x3968xf32, #tpu.memory_space<vmem>>
        %dma_start3A_253 = tpu.memref_squeeze %dma_start3A_252 : memref<1x3968xf32, #tpu.memory_space<vmem>> -> memref<3968xf32, #tpu.memory_space<vmem>>
        tpu.enqueue_dma source(%dma_start3A_253 : memref<3968xf32, #tpu.memory_space<vmem>>) target(%dma_start3A_246 : memref<3968xf32, #tpu.memory_space<hbm>>) target_semaphore(%dma_start3A_245 : memref<!tpu.dma_semaphore, #tpu.memory_space<semaphore_mem>>)
        %mul3A_254 = arith.constant 3968 : i32
        %mul3A_255 = arith.muli %add3A_49, %mul3A_254 : i32
        %add3A_256 = arith.constant 8000512 : i32
        %add3A_257 = arith.addi %add3A_256, %mul3A_255 : i32
        %dma_start3A_258 = arith.constant 8 : i32
        %dma_start3A_259 = arith.constant 0 : i32
        %dma_start3A_260 = arith.constant 0 : i32
        %dma_start3A_261 = tpu.memref_slice %arg6[%rem3A_50, %dma_start3A_259, %dma_start3A_260] : memref<2x16x3968xf32, #tpu.memory_space<vmem>> -> memref<1x16x3968xf32, #tpu.memory_space<vmem>>
        %dma_start3A_262 = tpu.memref_squeeze %dma_start3A_261 : memref<1x16x3968xf32, #tpu.memory_space<vmem>> -> memref<16x3968xf32, #tpu.memory_space<vmem>>
        %dma_start3A_263 = arith.constant 0 : i32
        %dma_start3A_264 = tpu.memref_slice %dma_start3A_262[%dma_start3A_258, %dma_start3A_263] : memref<16x3968xf32, #tpu.memory_space<vmem>> -> memref<1x3968xf32, #tpu.memory_space<vmem>>
        %dma_start3A_265 = tpu.memref_squeeze %dma_start3A_264 : memref<1x3968xf32, #tpu.memory_space<vmem>> -> memref<3968xf32, #tpu.memory_space<vmem>>
        %dma_start3A_266 = tpu.memref_slice %arg4[%add3A_257] : memref<16001024xf32, #tpu.memory_space<hbm>> -> memref<3968xf32, #tpu.memory_space<hbm>>
        %dma_start3A_267 = tpu.memref_slice %arg8[%rem3A_50] : memref<2x!tpu.dma_semaphore, #tpu.memory_space<semaphore_mem>> -> memref<1x!tpu.dma_semaphore, #tpu.memory_space<semaphore_mem>>
        %dma_start3A_268 = tpu.memref_squeeze %dma_start3A_267 : memref<1x!tpu.dma_semaphore, #tpu.memory_space<semaphore_mem>> -> memref<!tpu.dma_semaphore, #tpu.memory_space<semaphore_mem>>
        %dma_start3A_269 = tpu.memref_slice %arg4[%add3A_257] : memref<16001024xf32, #tpu.memory_space<hbm>> -> memref<3968xf32, #tpu.memory_space<hbm>>
        %dma_start3A_270 = arith.constant 0 : i32
        %dma_start3A_271 = arith.constant 0 : i32
        %dma_start3A_272 = tpu.memref_slice %arg6[%rem3A_50, %dma_start3A_270, %dma_start3A_271] : memref<2x16x3968xf32, #tpu.memory_space<vmem>> -> memref<1x16x3968xf32, #tpu.memory_space<vmem>>
        %dma_start3A_273 = tpu.memref_squeeze %dma_start3A_272 : memref<1x16x3968xf32, #tpu.memory_space<vmem>> -> memref<16x3968xf32, #tpu.memory_space<vmem>>
        %dma_start3A_274 = arith.constant 0 : i32
        %dma_start3A_275 = tpu.memref_slice %dma_start3A_273[%dma_start3A_258, %dma_start3A_274] : memref<16x3968xf32, #tpu.memory_space<vmem>> -> memref<1x3968xf32, #tpu.memory_space<vmem>>
        %dma_start3A_276 = tpu.memref_squeeze %dma_start3A_275 : memref<1x3968xf32, #tpu.memory_space<vmem>> -> memref<3968xf32, #tpu.memory_space<vmem>>
        tpu.enqueue_dma source(%dma_start3A_276 : memref<3968xf32, #tpu.memory_space<vmem>>) target(%dma_start3A_269 : memref<3968xf32, #tpu.memory_space<hbm>>) target_semaphore(%dma_start3A_268 : memref<!tpu.dma_semaphore, #tpu.memory_space<semaphore_mem>>)
        %mul3A_277 = arith.constant 3968 : i32
        %mul3A_278 = arith.muli %add3A_49, %mul3A_277 : i32
        %add3A_279 = arith.constant 9000576 : i32
        %add3A_280 = arith.addi %add3A_279, %mul3A_278 : i32
        %dma_start3A_281 = arith.constant 9 : i32
        %dma_start3A_282 = arith.constant 0 : i32
        %dma_start3A_283 = arith.constant 0 : i32
        %dma_start3A_284 = tpu.memref_slice %arg6[%rem3A_50, %dma_start3A_282, %dma_start3A_283] : memref<2x16x3968xf32, #tpu.memory_space<vmem>> -> memref<1x16x3968xf32, #tpu.memory_space<vmem>>
        %dma_start3A_285 = tpu.memref_squeeze %dma_start3A_284 : memref<1x16x3968xf32, #tpu.memory_space<vmem>> -> memref<16x3968xf32, #tpu.memory_space<vmem>>
        %dma_start3A_286 = arith.constant 0 : i32
        %dma_start3A_287 = tpu.memref_slice %dma_start3A_285[%dma_start3A_281, %dma_start3A_286] : memref<16x3968xf32, #tpu.memory_space<vmem>> -> memref<1x3968xf32, #tpu.memory_space<vmem>>
        %dma_start3A_288 = tpu.memref_squeeze %dma_start3A_287 : memref<1x3968xf32, #tpu.memory_space<vmem>> -> memref<3968xf32, #tpu.memory_space<vmem>>
        %dma_start3A_289 = tpu.memref_slice %arg4[%add3A_280] : memref<16001024xf32, #tpu.memory_space<hbm>> -> memref<3968xf32, #tpu.memory_space<hbm>>
        %dma_start3A_290 = tpu.memref_slice %arg8[%rem3A_50] : memref<2x!tpu.dma_semaphore, #tpu.memory_space<semaphore_mem>> -> memref<1x!tpu.dma_semaphore, #tpu.memory_space<semaphore_mem>>
        %dma_start3A_291 = tpu.memref_squeeze %dma_start3A_290 : memref<1x!tpu.dma_semaphore, #tpu.memory_space<semaphore_mem>> -> memref<!tpu.dma_semaphore, #tpu.memory_space<semaphore_mem>>
        %dma_start3A_292 = tpu.memref_slice %arg4[%add3A_280] : memref<16001024xf32, #tpu.memory_space<hbm>> -> memref<3968xf32, #tpu.memory_space<hbm>>
        %dma_start3A_293 = arith.constant 0 : i32
        %dma_start3A_294 = arith.constant 0 : i32
        %dma_start3A_295 = tpu.memref_slice %arg6[%rem3A_50, %dma_start3A_293, %dma_start3A_294] : memref<2x16x3968xf32, #tpu.memory_space<vmem>> -> memref<1x16x3968xf32, #tpu.memory_space<vmem>>
        %dma_start3A_296 = tpu.memref_squeeze %dma_start3A_295 : memref<1x16x3968xf32, #tpu.memory_space<vmem>> -> memref<16x3968xf32, #tpu.memory_space<vmem>>
        %dma_start3A_297 = arith.constant 0 : i32
        %dma_start3A_298 = tpu.memref_slice %dma_start3A_296[%dma_start3A_281, %dma_start3A_297] : memref<16x3968xf32, #tpu.memory_space<vmem>> -> memref<1x3968xf32, #tpu.memory_space<vmem>>
        %dma_start3A_299 = tpu.memref_squeeze %dma_start3A_298 : memref<1x3968xf32, #tpu.memory_space<vmem>> -> memref<3968xf32, #tpu.memory_space<vmem>>
        tpu.enqueue_dma source(%dma_start3A_299 : memref<3968xf32, #tpu.memory_space<vmem>>) target(%dma_start3A_292 : memref<3968xf32, #tpu.memory_space<hbm>>) target_semaphore(%dma_start3A_291 : memref<!tpu.dma_semaphore, #tpu.memory_space<semaphore_mem>>)
        %mul3A_300 = arith.constant 3968 : i32
        %mul3A_301 = arith.muli %add3A_49, %mul3A_300 : i32
        %add3A_302 = arith.constant 10000640 : i32
        %add3A_303 = arith.addi %add3A_302, %mul3A_301 : i32
        %dma_start3A_304 = arith.constant 10 : i32
        %dma_start3A_305 = arith.constant 0 : i32
        %dma_start3A_306 = arith.constant 0 : i32
        %dma_start3A_307 = tpu.memref_slice %arg6[%rem3A_50, %dma_start3A_305, %dma_start3A_306] : memref<2x16x3968xf32, #tpu.memory_space<vmem>> -> memref<1x16x3968xf32, #tpu.memory_space<vmem>>
        %dma_start3A_308 = tpu.memref_squeeze %dma_start3A_307 : memref<1x16x3968xf32, #tpu.memory_space<vmem>> -> memref<16x3968xf32, #tpu.memory_space<vmem>>
        %dma_start3A_309 = arith.constant 0 : i32
        %dma_start3A_310 = tpu.memref_slice %dma_start3A_308[%dma_start3A_304, %dma_start3A_309] : memref<16x3968xf32, #tpu.memory_space<vmem>> -> memref<1x3968xf32, #tpu.memory_space<vmem>>
        %dma_start3A_311 = tpu.memref_squeeze %dma_start3A_310 : memref<1x3968xf32, #tpu.memory_space<vmem>> -> memref<3968xf32, #tpu.memory_space<vmem>>
        %dma_start3A_312 = tpu.memref_slice %arg4[%add3A_303] : memref<16001024xf32, #tpu.memory_space<hbm>> -> memref<3968xf32, #tpu.memory_space<hbm>>
        %dma_start3A_313 = tpu.memref_slice %arg8[%rem3A_50] : memref<2x!tpu.dma_semaphore, #tpu.memory_space<semaphore_mem>> -> memref<1x!tpu.dma_semaphore, #tpu.memory_space<semaphore_mem>>
        %dma_start3A_314 = tpu.memref_squeeze %dma_start3A_313 : memref<1x!tpu.dma_semaphore, #tpu.memory_space<semaphore_mem>> -> memref<!tpu.dma_semaphore, #tpu.memory_space<semaphore_mem>>
        %dma_start3A_315 = tpu.memref_slice %arg4[%add3A_303] : memref<16001024xf32, #tpu.memory_space<hbm>> -> memref<3968xf32, #tpu.memory_space<hbm>>
        %dma_start3A_316 = arith.constant 0 : i32
        %dma_start3A_317 = arith.constant 0 : i32
        %dma_start3A_318 = tpu.memref_slice %arg6[%rem3A_50, %dma_start3A_316, %dma_start3A_317] : memref<2x16x3968xf32, #tpu.memory_space<vmem>> -> memref<1x16x3968xf32, #tpu.memory_space<vmem>>
        %dma_start3A_319 = tpu.memref_squeeze %dma_start3A_318 : memref<1x16x3968xf32, #tpu.memory_space<vmem>> -> memref<16x3968xf32, #tpu.memory_space<vmem>>
        %dma_start3A_320 = arith.constant 0 : i32
        %dma_start3A_321 = tpu.memref_slice %dma_start3A_319[%dma_start3A_304, %dma_start3A_320] : memref<16x3968xf32, #tpu.memory_space<vmem>> -> memref<1x3968xf32, #tpu.memory_space<vmem>>
        %dma_start3A_322 = tpu.memref_squeeze %dma_start3A_321 : memref<1x3968xf32, #tpu.memory_space<vmem>> -> memref<3968xf32, #tpu.memory_space<vmem>>
        tpu.enqueue_dma source(%dma_start3A_322 : memref<3968xf32, #tpu.memory_space<vmem>>) target(%dma_start3A_315 : memref<3968xf32, #tpu.memory_space<hbm>>) target_semaphore(%dma_start3A_314 : memref<!tpu.dma_semaphore, #tpu.memory_space<semaphore_mem>>)
        %mul3A_323 = arith.constant 3968 : i32
        %mul3A_324 = arith.muli %add3A_49, %mul3A_323 : i32
        %add3A_325 = arith.constant 11000704 : i32
        %add3A_326 = arith.addi %add3A_325, %mul3A_324 : i32
        %dma_start3A_327 = arith.constant 11 : i32
        %dma_start3A_328 = arith.constant 0 : i32
        %dma_start3A_329 = arith.constant 0 : i32
        %dma_start3A_330 = tpu.memref_slice %arg6[%rem3A_50, %dma_start3A_328, %dma_start3A_329] : memref<2x16x3968xf32, #tpu.memory_space<vmem>> -> memref<1x16x3968xf32, #tpu.memory_space<vmem>>
        %dma_start3A_331 = tpu.memref_squeeze %dma_start3A_330 : memref<1x16x3968xf32, #tpu.memory_space<vmem>> -> memref<16x3968xf32, #tpu.memory_space<vmem>>
        %dma_start3A_332 = arith.constant 0 : i32
        %dma_start3A_333 = tpu.memref_slice %dma_start3A_331[%dma_start3A_327, %dma_start3A_332] : memref<16x3968xf32, #tpu.memory_space<vmem>> -> memref<1x3968xf32, #tpu.memory_space<vmem>>
        %dma_start3A_334 = tpu.memref_squeeze %dma_start3A_333 : memref<1x3968xf32, #tpu.memory_space<vmem>> -> memref<3968xf32, #tpu.memory_space<vmem>>
        %dma_start3A_335 = tpu.memref_slice %arg4[%add3A_326] : memref<16001024xf32, #tpu.memory_space<hbm>> -> memref<3968xf32, #tpu.memory_space<hbm>>
        %dma_start3A_336 = tpu.memref_slice %arg8[%rem3A_50] : memref<2x!tpu.dma_semaphore, #tpu.memory_space<semaphore_mem>> -> memref<1x!tpu.dma_semaphore, #tpu.memory_space<semaphore_mem>>
        %dma_start3A_337 = tpu.memref_squeeze %dma_start3A_336 : memref<1x!tpu.dma_semaphore, #tpu.memory_space<semaphore_mem>> -> memref<!tpu.dma_semaphore, #tpu.memory_space<semaphore_mem>>
        %dma_start3A_338 = tpu.memref_slice %arg4[%add3A_326] : memref<16001024xf32, #tpu.memory_space<hbm>> -> memref<3968xf32, #tpu.memory_space<hbm>>
        %dma_start3A_339 = arith.constant 0 : i32
        %dma_start3A_340 = arith.constant 0 : i32
        %dma_start3A_341 = tpu.memref_slice %arg6[%rem3A_50, %dma_start3A_339, %dma_start3A_340] : memref<2x16x3968xf32, #tpu.memory_space<vmem>> -> memref<1x16x3968xf32, #tpu.memory_space<vmem>>
        %dma_start3A_342 = tpu.memref_squeeze %dma_start3A_341 : memref<1x16x3968xf32, #tpu.memory_space<vmem>> -> memref<16x3968xf32, #tpu.memory_space<vmem>>
        %dma_start3A_343 = arith.constant 0 : i32
        %dma_start3A_344 = tpu.memref_slice %dma_start3A_342[%dma_start3A_327, %dma_start3A_343] : memref<16x3968xf32, #tpu.memory_space<vmem>> -> memref<1x3968xf32, #tpu.memory_space<vmem>>
        %dma_start3A_345 = tpu.memref_squeeze %dma_start3A_344 : memref<1x3968xf32, #tpu.memory_space<vmem>> -> memref<3968xf32, #tpu.memory_space<vmem>>
        tpu.enqueue_dma source(%dma_start3A_345 : memref<3968xf32, #tpu.memory_space<vmem>>) target(%dma_start3A_338 : memref<3968xf32, #tpu.memory_space<hbm>>) target_semaphore(%dma_start3A_337 : memref<!tpu.dma_semaphore, #tpu.memory_space<semaphore_mem>>)
        %mul3A_346 = arith.constant 3968 : i32
        %mul3A_347 = arith.muli %add3A_49, %mul3A_346 : i32
        %add3A_348 = arith.constant 12000768 : i32
        %add3A_349 = arith.addi %add3A_348, %mul3A_347 : i32
        %dma_start3A_350 = arith.constant 12 : i32
        %dma_start3A_351 = arith.constant 0 : i32
        %dma_start3A_352 = arith.constant 0 : i32
        %dma_start3A_353 = tpu.memref_slice %arg6[%rem3A_50, %dma_start3A_351, %dma_start3A_352] : memref<2x16x3968xf32, #tpu.memory_space<vmem>> -> memref<1x16x3968xf32, #tpu.memory_space<vmem>>
        %dma_start3A_354 = tpu.memref_squeeze %dma_start3A_353 : memref<1x16x3968xf32, #tpu.memory_space<vmem>> -> memref<16x3968xf32, #tpu.memory_space<vmem>>
        %dma_start3A_355 = arith.constant 0 : i32
        %dma_start3A_356 = tpu.memref_slice %dma_start3A_354[%dma_start3A_350, %dma_start3A_355] : memref<16x3968xf32, #tpu.memory_space<vmem>> -> memref<1x3968xf32, #tpu.memory_space<vmem>>
        %dma_start3A_357 = tpu.memref_squeeze %dma_start3A_356 : memref<1x3968xf32, #tpu.memory_space<vmem>> -> memref<3968xf32, #tpu.memory_space<vmem>>
        %dma_start3A_358 = tpu.memref_slice %arg4[%add3A_349] : memref<16001024xf32, #tpu.memory_space<hbm>> -> memref<3968xf32, #tpu.memory_space<hbm>>
        %dma_start3A_359 = tpu.memref_slice %arg8[%rem3A_50] : memref<2x!tpu.dma_semaphore, #tpu.memory_space<semaphore_mem>> -> memref<1x!tpu.dma_semaphore, #tpu.memory_space<semaphore_mem>>
        %dma_start3A_360 = tpu.memref_squeeze %dma_start3A_359 : memref<1x!tpu.dma_semaphore, #tpu.memory_space<semaphore_mem>> -> memref<!tpu.dma_semaphore, #tpu.memory_space<semaphore_mem>>
        %dma_start3A_361 = tpu.memref_slice %arg4[%add3A_349] : memref<16001024xf32, #tpu.memory_space<hbm>> -> memref<3968xf32, #tpu.memory_space<hbm>>
        %dma_start3A_362 = arith.constant 0 : i32
        %dma_start3A_363 = arith.constant 0 : i32
        %dma_start3A_364 = tpu.memref_slice %arg6[%rem3A_50, %dma_start3A_362, %dma_start3A_363] : memref<2x16x3968xf32, #tpu.memory_space<vmem>> -> memref<1x16x3968xf32, #tpu.memory_space<vmem>>
        %dma_start3A_365 = tpu.memref_squeeze %dma_start3A_364 : memref<1x16x3968xf32, #tpu.memory_space<vmem>> -> memref<16x3968xf32, #tpu.memory_space<vmem>>
        %dma_start3A_366 = arith.constant 0 : i32
        %dma_start3A_367 = tpu.memref_slice %dma_start3A_365[%dma_start3A_350, %dma_start3A_366] : memref<16x3968xf32, #tpu.memory_space<vmem>> -> memref<1x3968xf32, #tpu.memory_space<vmem>>
        %dma_start3A_368 = tpu.memref_squeeze %dma_start3A_367 : memref<1x3968xf32, #tpu.memory_space<vmem>> -> memref<3968xf32, #tpu.memory_space<vmem>>
        tpu.enqueue_dma source(%dma_start3A_368 : memref<3968xf32, #tpu.memory_space<vmem>>) target(%dma_start3A_361 : memref<3968xf32, #tpu.memory_space<hbm>>) target_semaphore(%dma_start3A_360 : memref<!tpu.dma_semaphore, #tpu.memory_space<semaphore_mem>>)
        %mul3A_369 = arith.constant 3968 : i32
        %mul3A_370 = arith.muli %add3A_49, %mul3A_369 : i32
        %add3A_371 = arith.constant 13000832 : i32
        %add3A_372 = arith.addi %add3A_371, %mul3A_370 : i32
        %dma_start3A_373 = arith.constant 13 : i32
        %dma_start3A_374 = arith.constant 0 : i32
        %dma_start3A_375 = arith.constant 0 : i32
        %dma_start3A_376 = tpu.memref_slice %arg6[%rem3A_50, %dma_start3A_374, %dma_start3A_375] : memref<2x16x3968xf32, #tpu.memory_space<vmem>> -> memref<1x16x3968xf32, #tpu.memory_space<vmem>>
        %dma_start3A_377 = tpu.memref_squeeze %dma_start3A_376 : memref<1x16x3968xf32, #tpu.memory_space<vmem>> -> memref<16x3968xf32, #tpu.memory_space<vmem>>
        %dma_start3A_378 = arith.constant 0 : i32
        %dma_start3A_379 = tpu.memref_slice %dma_start3A_377[%dma_start3A_373, %dma_start3A_378] : memref<16x3968xf32, #tpu.memory_space<vmem>> -> memref<1x3968xf32, #tpu.memory_space<vmem>>
        %dma_start3A_380 = tpu.memref_squeeze %dma_start3A_379 : memref<1x3968xf32, #tpu.memory_space<vmem>> -> memref<3968xf32, #tpu.memory_space<vmem>>
        %dma_start3A_381 = tpu.memref_slice %arg4[%add3A_372] : memref<16001024xf32, #tpu.memory_space<hbm>> -> memref<3968xf32, #tpu.memory_space<hbm>>
        %dma_start3A_382 = tpu.memref_slice %arg8[%rem3A_50] : memref<2x!tpu.dma_semaphore, #tpu.memory_space<semaphore_mem>> -> memref<1x!tpu.dma_semaphore, #tpu.memory_space<semaphore_mem>>
        %dma_start3A_383 = tpu.memref_squeeze %dma_start3A_382 : memref<1x!tpu.dma_semaphore, #tpu.memory_space<semaphore_mem>> -> memref<!tpu.dma_semaphore, #tpu.memory_space<semaphore_mem>>
        %dma_start3A_384 = tpu.memref_slice %arg4[%add3A_372] : memref<16001024xf32, #tpu.memory_space<hbm>> -> memref<3968xf32, #tpu.memory_space<hbm>>
        %dma_start3A_385 = arith.constant 0 : i32
        %dma_start3A_386 = arith.constant 0 : i32
        %dma_start3A_387 = tpu.memref_slice %arg6[%rem3A_50, %dma_start3A_385, %dma_start3A_386] : memref<2x16x3968xf32, #tpu.memory_space<vmem>> -> memref<1x16x3968xf32, #tpu.memory_space<vmem>>
        %dma_start3A_388 = tpu.memref_squeeze %dma_start3A_387 : memref<1x16x3968xf32, #tpu.memory_space<vmem>> -> memref<16x3968xf32, #tpu.memory_space<vmem>>
        %dma_start3A_389 = arith.constant 0 : i32
        %dma_start3A_390 = tpu.memref_slice %dma_start3A_388[%dma_start3A_373, %dma_start3A_389] : memref<16x3968xf32, #tpu.memory_space<vmem>> -> memref<1x3968xf32, #tpu.memory_space<vmem>>
        %dma_start3A_391 = tpu.memref_squeeze %dma_start3A_390 : memref<1x3968xf32, #tpu.memory_space<vmem>> -> memref<3968xf32, #tpu.memory_space<vmem>>
        tpu.enqueue_dma source(%dma_start3A_391 : memref<3968xf32, #tpu.memory_space<vmem>>) target(%dma_start3A_384 : memref<3968xf32, #tpu.memory_space<hbm>>) target_semaphore(%dma_start3A_383 : memref<!tpu.dma_semaphore, #tpu.memory_space<semaphore_mem>>)
        %mul3A_392 = arith.constant 3968 : i32
        %mul3A_393 = arith.muli %add3A_49, %mul3A_392 : i32
        %add3A_394 = arith.constant 14000896 : i32
        %add3A_395 = arith.addi %add3A_394, %mul3A_393 : i32
        %dma_start3A_396 = arith.constant 14 : i32
        %dma_start3A_397 = arith.constant 0 : i32
        %dma_start3A_398 = arith.constant 0 : i32
        %dma_start3A_399 = tpu.memref_slice %arg6[%rem3A_50, %dma_start3A_397, %dma_start3A_398] : memref<2x16x3968xf32, #tpu.memory_space<vmem>> -> memref<1x16x3968xf32, #tpu.memory_space<vmem>>
        %dma_start3A_400 = tpu.memref_squeeze %dma_start3A_399 : memref<1x16x3968xf32, #tpu.memory_space<vmem>> -> memref<16x3968xf32, #tpu.memory_space<vmem>>
        %dma_start3A_401 = arith.constant 0 : i32
        %dma_start3A_402 = tpu.memref_slice %dma_start3A_400[%dma_start3A_396, %dma_start3A_401] : memref<16x3968xf32, #tpu.memory_space<vmem>> -> memref<1x3968xf32, #tpu.memory_space<vmem>>
        %dma_start3A_403 = tpu.memref_squeeze %dma_start3A_402 : memref<1x3968xf32, #tpu.memory_space<vmem>> -> memref<3968xf32, #tpu.memory_space<vmem>>
        %dma_start3A_404 = tpu.memref_slice %arg4[%add3A_395] : memref<16001024xf32, #tpu.memory_space<hbm>> -> memref<3968xf32, #tpu.memory_space<hbm>>
        %dma_start3A_405 = tpu.memref_slice %arg8[%rem3A_50] : memref<2x!tpu.dma_semaphore, #tpu.memory_space<semaphore_mem>> -> memref<1x!tpu.dma_semaphore, #tpu.memory_space<semaphore_mem>>
        %dma_start3A_406 = tpu.memref_squeeze %dma_start3A_405 : memref<1x!tpu.dma_semaphore, #tpu.memory_space<semaphore_mem>> -> memref<!tpu.dma_semaphore, #tpu.memory_space<semaphore_mem>>
        %dma_start3A_407 = tpu.memref_slice %arg4[%add3A_395] : memref<16001024xf32, #tpu.memory_space<hbm>> -> memref<3968xf32, #tpu.memory_space<hbm>>
        %dma_start3A_408 = arith.constant 0 : i32
        %dma_start3A_409 = arith.constant 0 : i32
        %dma_start3A_410 = tpu.memref_slice %arg6[%rem3A_50, %dma_start3A_408, %dma_start3A_409] : memref<2x16x3968xf32, #tpu.memory_space<vmem>> -> memref<1x16x3968xf32, #tpu.memory_space<vmem>>
        %dma_start3A_411 = tpu.memref_squeeze %dma_start3A_410 : memref<1x16x3968xf32, #tpu.memory_space<vmem>> -> memref<16x3968xf32, #tpu.memory_space<vmem>>
        %dma_start3A_412 = arith.constant 0 : i32
        %dma_start3A_413 = tpu.memref_slice %dma_start3A_411[%dma_start3A_396, %dma_start3A_412] : memref<16x3968xf32, #tpu.memory_space<vmem>> -> memref<1x3968xf32, #tpu.memory_space<vmem>>
        %dma_start3A_414 = tpu.memref_squeeze %dma_start3A_413 : memref<1x3968xf32, #tpu.memory_space<vmem>> -> memref<3968xf32, #tpu.memory_space<vmem>>
        tpu.enqueue_dma source(%dma_start3A_414 : memref<3968xf32, #tpu.memory_space<vmem>>) target(%dma_start3A_407 : memref<3968xf32, #tpu.memory_space<hbm>>) target_semaphore(%dma_start3A_406 : memref<!tpu.dma_semaphore, #tpu.memory_space<semaphore_mem>>)
        %mul3A_415 = arith.constant 3968 : i32
        %mul3A_416 = arith.muli %add3A_49, %mul3A_415 : i32
        %add3A_417 = arith.constant 15000960 : i32
        %add3A_418 = arith.addi %add3A_417, %mul3A_416 : i32
        %dma_start3A_419 = arith.constant 15 : i32
        %dma_start3A_420 = arith.constant 0 : i32
        %dma_start3A_421 = arith.constant 0 : i32
        %dma_start3A_422 = tpu.memref_slice %arg6[%rem3A_50, %dma_start3A_420, %dma_start3A_421] : memref<2x16x3968xf32, #tpu.memory_space<vmem>> -> memref<1x16x3968xf32, #tpu.memory_space<vmem>>
        %dma_start3A_423 = tpu.memref_squeeze %dma_start3A_422 : memref<1x16x3968xf32, #tpu.memory_space<vmem>> -> memref<16x3968xf32, #tpu.memory_space<vmem>>
        %dma_start3A_424 = arith.constant 0 : i32
        %dma_start3A_425 = tpu.memref_slice %dma_start3A_423[%dma_start3A_419, %dma_start3A_424] : memref<16x3968xf32, #tpu.memory_space<vmem>> -> memref<1x3968xf32, #tpu.memory_space<vmem>>
        %dma_start3A_426 = tpu.memref_squeeze %dma_start3A_425 : memref<1x3968xf32, #tpu.memory_space<vmem>> -> memref<3968xf32, #tpu.memory_space<vmem>>
        %dma_start3A_427 = tpu.memref_slice %arg4[%add3A_418] : memref<16001024xf32, #tpu.memory_space<hbm>> -> memref<3968xf32, #tpu.memory_space<hbm>>
        %dma_start3A_428 = tpu.memref_slice %arg8[%rem3A_50] : memref<2x!tpu.dma_semaphore, #tpu.memory_space<semaphore_mem>> -> memref<1x!tpu.dma_semaphore, #tpu.memory_space<semaphore_mem>>
        %dma_start3A_429 = tpu.memref_squeeze %dma_start3A_428 : memref<1x!tpu.dma_semaphore, #tpu.memory_space<semaphore_mem>> -> memref<!tpu.dma_semaphore, #tpu.memory_space<semaphore_mem>>
        %dma_start3A_430 = tpu.memref_slice %arg4[%add3A_418] : memref<16001024xf32, #tpu.memory_space<hbm>> -> memref<3968xf32, #tpu.memory_space<hbm>>
        %dma_start3A_431 = arith.constant 0 : i32
        %dma_start3A_432 = arith.constant 0 : i32
        %dma_start3A_433 = tpu.memref_slice %arg6[%rem3A_50, %dma_start3A_431, %dma_start3A_432] : memref<2x16x3968xf32, #tpu.memory_space<vmem>> -> memref<1x16x3968xf32, #tpu.memory_space<vmem>>
        %dma_start3A_434 = tpu.memref_squeeze %dma_start3A_433 : memref<1x16x3968xf32, #tpu.memory_space<vmem>> -> memref<16x3968xf32, #tpu.memory_space<vmem>>
        %dma_start3A_435 = arith.constant 0 : i32
        %dma_start3A_436 = tpu.memref_slice %dma_start3A_434[%dma_start3A_419, %dma_start3A_435] : memref<16x3968xf32, #tpu.memory_space<vmem>> -> memref<1x3968xf32, #tpu.memory_space<vmem>>
        %dma_start3A_437 = tpu.memref_squeeze %dma_start3A_436 : memref<1x3968xf32, #tpu.memory_space<vmem>> -> memref<3968xf32, #tpu.memory_space<vmem>>
        tpu.enqueue_dma source(%dma_start3A_437 : memref<3968xf32, #tpu.memory_space<vmem>>) target(%dma_start3A_430 : memref<3968xf32, #tpu.memory_space<hbm>>) target_semaphore(%dma_start3A_429 : memref<!tpu.dma_semaphore, #tpu.memory_space<semaphore_mem>>)
        %add3A_438 = arith.constant 64 : i32
        %add3A_439 = arith.addi %add3A_49, %add3A_438 : i32
        %lt3A_440 = arith.constant 252 : i32
        %lt3A_441 = arith.cmpi slt, %add3A_439, %lt3A_440 : i32
        %convert_element_type3A_442 = arith.extui %lt3A_441 : i1 to i32
        %cond3A_443 = arith.constant 0 : i32
        %cond3A_444 = arith.cmpi ne, %convert_element_type3A_442, %cond3A_443 : i32
        scf.if %cond3A_444 {
          %mul3A_462 = arith.constant 3968 : i32
          %mul3A_463 = arith.muli %add3A_439, %mul3A_462 : i32
          %multiple_of3A_464 = tpu.assume_multiple %mul3A_463, 3968 : i32
          %dma_start3A_465 = arith.constant 0 : i32
          %dma_start3A_466 = arith.constant 0 : i32
          %dma_start3A_467 = tpu.memref_slice %arg6[%rem3A_50, %dma_start3A_465, %dma_start3A_466] : memref<2x16x3968xf32, #tpu.memory_space<vmem>> -> memref<1x16x3968xf32, #tpu.memory_space<vmem>>
          %dma_start3A_468 = tpu.memref_squeeze %dma_start3A_467 : memref<1x16x3968xf32, #tpu.memory_space<vmem>> -> memref<16x3968xf32, #tpu.memory_space<vmem>>
          %dma_start3A_469 = arith.constant 0 : i32
          %dma_start3A_470 = tpu.memref_slice %arg2[%dma_start3A_469, %multiple_of3A_464] : memref<16x1000000xf32, #tpu.memory_space<hbm>> -> memref<16x3968xf32, #tpu.memory_space<hbm>>
          %dma_start3A_471 = tpu.memref_slice %arg7[%rem3A_50] : memref<2x!tpu.dma_semaphore, #tpu.memory_space<semaphore_mem>> -> memref<1x!tpu.dma_semaphore, #tpu.memory_space<semaphore_mem>>
          %dma_start3A_472 = tpu.memref_squeeze %dma_start3A_471 : memref<1x!tpu.dma_semaphore, #tpu.memory_space<semaphore_mem>> -> memref<!tpu.dma_semaphore, #tpu.memory_space<semaphore_mem>>
          %dma_start3A_473 = arith.constant 0 : i32
          %dma_start3A_474 = arith.constant 0 : i32
          %dma_start3A_475 = tpu.memref_slice %arg6[%rem3A_50, %dma_start3A_473, %dma_start3A_474] : memref<2x16x3968xf32, #tpu.memory_space<vmem>> -> memref<1x16x3968xf32, #tpu.memory_space<vmem>>
          %dma_start3A_476 = tpu.memref_squeeze %dma_start3A_475 : memref<1x16x3968xf32, #tpu.memory_space<vmem>> -> memref<16x3968xf32, #tpu.memory_space<vmem>>
          %dma_start3A_477 = arith.constant 0 : i32
          %dma_start3A_478 = tpu.memref_slice %arg2[%dma_start3A_477, %multiple_of3A_464] : memref<16x1000000xf32, #tpu.memory_space<hbm>> -> memref<16x3968xf32, #tpu.memory_space<hbm>>
          tpu.enqueue_dma source(%dma_start3A_478 : memref<16x3968xf32, #tpu.memory_space<hbm>>) target(%dma_start3A_476 : memref<16x3968xf32, #tpu.memory_space<vmem>>) target_semaphore(%dma_start3A_472 : memref<!tpu.dma_semaphore, #tpu.memory_space<semaphore_mem>>)
        } else {
        }
        %mul3A_445 = arith.constant 3968 : i32
        %mul3A_446 = arith.muli %add3A_49, %mul3A_445 : i32
        %multiple_of3A_447 = tpu.assume_multiple %mul3A_446, 3968 : i32
        %dma_wait3A_448 = arith.constant 0 : i32
        %dma_wait3A_449 = arith.constant 0 : i32
        %dma_wait3A_450 = tpu.memref_slice %arg6[%rem3A_50, %dma_wait3A_448, %dma_wait3A_449] : memref<2x16x3968xf32, #tpu.memory_space<vmem>> -> memref<1x16x3968xf32, #tpu.memory_space<vmem>>
        %dma_wait3A_451 = tpu.memref_squeeze %dma_wait3A_450 : memref<1x16x3968xf32, #tpu.memory_space<vmem>> -> memref<16x3968xf32, #tpu.memory_space<vmem>>
        %dma_wait3A_452 = arith.constant 0 : i32
        %dma_wait3A_453 = tpu.memref_slice %arg2[%dma_wait3A_452, %multiple_of3A_447] : memref<16x1000000xf32, #tpu.memory_space<hbm>> -> memref<16x3968xf32, #tpu.memory_space<hbm>>
        %dma_wait3A_454 = tpu.memref_slice %arg8[%rem3A_50] : memref<2x!tpu.dma_semaphore, #tpu.memory_space<semaphore_mem>> -> memref<1x!tpu.dma_semaphore, #tpu.memory_space<semaphore_mem>>
        %dma_wait3A_455 = tpu.memref_squeeze %dma_wait3A_454 : memref<1x!tpu.dma_semaphore, #tpu.memory_space<semaphore_mem>> -> memref<!tpu.dma_semaphore, #tpu.memory_space<semaphore_mem>>
        %dma_wait3A_456 = arith.constant 0 : i32
        %dma_wait3A_457 = arith.constant 0 : i32
        %dma_wait3A_458 = tpu.memref_slice %arg6[%rem3A_50, %dma_wait3A_456, %dma_wait3A_457] : memref<2x16x3968xf32, #tpu.memory_space<vmem>> -> memref<1x16x3968xf32, #tpu.memory_space<vmem>>
        %dma_wait3A_459 = tpu.memref_squeeze %dma_wait3A_458 : memref<1x16x3968xf32, #tpu.memory_space<vmem>> -> memref<16x3968xf32, #tpu.memory_space<vmem>>
        %dma_wait3A_460 = arith.constant 0 : i32
        %dma_wait3A_461 = tpu.memref_slice %arg2[%dma_wait3A_460, %multiple_of3A_447] : memref<16x1000000xf32, #tpu.memory_space<hbm>> -> memref<16x3968xf32, #tpu.memory_space<hbm>>
        tpu.wait_dma2 semaphore(%dma_wait3A_455 : memref<!tpu.dma_semaphore, #tpu.memory_space<semaphore_mem>>) src(%dma_wait3A_461 : memref<16x3968xf32, #tpu.memory_space<hbm>>) dst(%dma_wait3A_459 : memref<16x3968xf32, #tpu.memory_space<vmem>>)
      } else {
      }
    }
    %scan3A_16 = arith.constant 8 : i32
    %eq3A = arith.constant 0 : i32
    %eq3A_17 = arith.cmpi eq, %add3A, %eq3A : i32
    %convert_element_type3A_18 = arith.extui %eq3A_17 : i1 to i32
    %cond3A_19 = arith.constant 0 : i32
    %cond3A_20 = arith.cmpi ne, %convert_element_type3A_18, %cond3A_19 : i32
    scf.if %cond3A_20 {
      %multiple_of3A = arith.constant 999936 : i32
      %multiple_of3A_46 = tpu.assume_multiple %multiple_of3A, 128 : i32
      %dma_start3A = arith.constant 0 : i32
      %dma_start3A_47 = arith.constant 0 : i32
      %dma_start3A_48 = arith.constant 0 : i32
      %dma_start3A_49 = arith.constant 0 : i32
      %dma_start3A_50 = tpu.memref_slice %arg6[%dma_start3A, %dma_start3A_48, %dma_start3A_49] : memref<2x16x3968xf32, #tpu.memory_space<vmem>> -> memref<1x16x3968xf32, #tpu.memory_space<vmem>>
      %dma_start3A_51 = tpu.memref_squeeze %dma_start3A_50 : memref<1x16x3968xf32, #tpu.memory_space<vmem>> -> memref<16x3968xf32, #tpu.memory_space<vmem>>
      %dma_start3A_52 = arith.constant 0 : i32
      %dma_start3A_53 = arith.constant 0 : i32
      %dma_start3A_54 = tpu.memref_slice %dma_start3A_51[%dma_start3A_52, %dma_start3A_53] : memref<16x3968xf32, #tpu.memory_space<vmem>> -> memref<16x128xf32, #tpu.memory_space<vmem>>
      %dma_start3A_55 = arith.constant 0 : i32
      %dma_start3A_56 = tpu.memref_slice %arg2[%dma_start3A_55, %multiple_of3A_46] : memref<16x1000000xf32, #tpu.memory_space<hbm>> -> memref<16x128xf32, #tpu.memory_space<hbm>>
      %dma_start3A_57 = tpu.memref_slice %arg7[%dma_start3A_47] : memref<2x!tpu.dma_semaphore, #tpu.memory_space<semaphore_mem>> -> memref<1x!tpu.dma_semaphore, #tpu.memory_space<semaphore_mem>>
      %dma_start3A_58 = tpu.memref_squeeze %dma_start3A_57 : memref<1x!tpu.dma_semaphore, #tpu.memory_space<semaphore_mem>> -> memref<!tpu.dma_semaphore, #tpu.memory_space<semaphore_mem>>
      %dma_start3A_59 = arith.constant 0 : i32
      %dma_start3A_60 = arith.constant 0 : i32
      %dma_start3A_61 = tpu.memref_slice %arg6[%dma_start3A, %dma_start3A_59, %dma_start3A_60] : memref<2x16x3968xf32, #tpu.memory_space<vmem>> -> memref<1x16x3968xf32, #tpu.memory_space<vmem>>
      %dma_start3A_62 = tpu.memref_squeeze %dma_start3A_61 : memref<1x16x3968xf32, #tpu.memory_space<vmem>> -> memref<16x3968xf32, #tpu.memory_space<vmem>>
      %dma_start3A_63 = arith.constant 0 : i32
      %dma_start3A_64 = arith.constant 0 : i32
      %dma_start3A_65 = tpu.memref_slice %dma_start3A_62[%dma_start3A_63, %dma_start3A_64] : memref<16x3968xf32, #tpu.memory_space<vmem>> -> memref<16x128xf32, #tpu.memory_space<vmem>>
      %dma_start3A_66 = arith.constant 0 : i32
      %dma_start3A_67 = tpu.memref_slice %arg2[%dma_start3A_66, %multiple_of3A_46] : memref<16x1000000xf32, #tpu.memory_space<hbm>> -> memref<16x128xf32, #tpu.memory_space<hbm>>
      tpu.enqueue_dma source(%dma_start3A_67 : memref<16x128xf32, #tpu.memory_space<hbm>>) target(%dma_start3A_65 : memref<16x128xf32, #tpu.memory_space<vmem>>) target_semaphore(%dma_start3A_58 : memref<!tpu.dma_semaphore, #tpu.memory_space<semaphore_mem>>)
      %dma_wait3A = arith.constant 0 : i32
      %dma_wait3A_68 = arith.constant 0 : i32
      %dma_wait3A_69 = arith.constant 0 : i32
      %dma_wait3A_70 = arith.constant 0 : i32
      %dma_wait3A_71 = tpu.memref_slice %arg6[%dma_wait3A, %dma_wait3A_69, %dma_wait3A_70] : memref<2x16x3968xf32, #tpu.memory_space<vmem>> -> memref<1x16x3968xf32, #tpu.memory_space<vmem>>
      %dma_wait3A_72 = tpu.memref_squeeze %dma_wait3A_71 : memref<1x16x3968xf32, #tpu.memory_space<vmem>> -> memref<16x3968xf32, #tpu.memory_space<vmem>>
      %dma_wait3A_73 = arith.constant 0 : i32
      %dma_wait3A_74 = arith.constant 0 : i32
      %dma_wait3A_75 = tpu.memref_slice %dma_wait3A_72[%dma_wait3A_73, %dma_wait3A_74] : memref<16x3968xf32, #tpu.memory_space<vmem>> -> memref<16x128xf32, #tpu.memory_space<vmem>>
      %dma_wait3A_76 = arith.constant 0 : i32
      %dma_wait3A_77 = tpu.memref_slice %arg2[%dma_wait3A_76, %multiple_of3A_46] : memref<16x1000000xf32, #tpu.memory_space<hbm>> -> memref<16x128xf32, #tpu.memory_space<hbm>>
      %dma_wait3A_78 = tpu.memref_slice %arg7[%dma_wait3A_68] : memref<2x!tpu.dma_semaphore, #tpu.memory_space<semaphore_mem>> -> memref<1x!tpu.dma_semaphore, #tpu.memory_space<semaphore_mem>>
      %dma_wait3A_79 = tpu.memref_squeeze %dma_wait3A_78 : memref<1x!tpu.dma_semaphore, #tpu.memory_space<semaphore_mem>> -> memref<!tpu.dma_semaphore, #tpu.memory_space<semaphore_mem>>
      %dma_wait3A_80 = arith.constant 0 : i32
      %dma_wait3A_81 = arith.constant 0 : i32
      %dma_wait3A_82 = tpu.memref_slice %arg6[%dma_wait3A, %dma_wait3A_80, %dma_wait3A_81] : memref<2x16x3968xf32, #tpu.memory_space<vmem>> -> memref<1x16x3968xf32, #tpu.memory_space<vmem>>
      %dma_wait3A_83 = tpu.memref_squeeze %dma_wait3A_82 : memref<1x16x3968xf32, #tpu.memory_space<vmem>> -> memref<16x3968xf32, #tpu.memory_space<vmem>>
      %dma_wait3A_84 = arith.constant 0 : i32
      %dma_wait3A_85 = arith.constant 0 : i32
      %dma_wait3A_86 = tpu.memref_slice %dma_wait3A_83[%dma_wait3A_84, %dma_wait3A_85] : memref<16x3968xf32, #tpu.memory_space<vmem>> -> memref<16x128xf32, #tpu.memory_space<vmem>>
      %dma_wait3A_87 = arith.constant 0 : i32
      %dma_wait3A_88 = tpu.memref_slice %arg2[%dma_wait3A_87, %multiple_of3A_46] : memref<16x1000000xf32, #tpu.memory_space<hbm>> -> memref<16x128xf32, #tpu.memory_space<hbm>>
      tpu.wait_dma2 semaphore(%dma_wait3A_79 : memref<!tpu.dma_semaphore, #tpu.memory_space<semaphore_mem>>) src(%dma_wait3A_88 : memref<16x128xf32, #tpu.memory_space<hbm>>) dst(%dma_wait3A_86 : memref<16x128xf32, #tpu.memory_space<vmem>>)
      %dma_start3A_89 = arith.constant 0 : i32
      %dma_start3A_90 = arith.constant 0 : i32
      %dma_start3A_91 = arith.constant 0 : i32
      %dma_start3A_92 = arith.constant 0 : i32
      %dma_start3A_93 = arith.constant 0 : i32
      %dma_start3A_94 = tpu.memref_slice %arg6[%dma_start3A_89, %dma_start3A_92, %dma_start3A_93] : memref<2x16x3968xf32, #tpu.memory_space<vmem>> -> memref<1x16x3968xf32, #tpu.memory_space<vmem>>
      %dma_start3A_95 = tpu.memref_squeeze %dma_start3A_94 : memref<1x16x3968xf32, #tpu.memory_space<vmem>> -> memref<16x3968xf32, #tpu.memory_space<vmem>>
      %dma_start3A_96 = arith.constant 0 : i32
      %dma_start3A_97 = tpu.memref_slice %dma_start3A_95[%dma_start3A_90, %dma_start3A_96] : memref<16x3968xf32, #tpu.memory_space<vmem>> -> memref<1x3968xf32, #tpu.memory_space<vmem>>
      %dma_start3A_98 = tpu.memref_squeeze %dma_start3A_97 : memref<1x3968xf32, #tpu.memory_space<vmem>> -> memref<3968xf32, #tpu.memory_space<vmem>>
      %dma_start3A_99 = arith.constant 0 : i32
      %dma_start3A_100 = tpu.memref_slice %dma_start3A_98[%dma_start3A_99] : memref<3968xf32, #tpu.memory_space<vmem>> -> memref<128xf32, #tpu.memory_space<vmem>>
      %dma_start3A_101 = arith.constant 999936 : i32
      %dma_start3A_102 = tpu.memref_slice %arg4[%dma_start3A_101] : memref<16001024xf32, #tpu.memory_space<hbm>> -> memref<128xf32, #tpu.memory_space<hbm>>
      %dma_start3A_103 = tpu.memref_slice %arg8[%dma_start3A_91] : memref<2x!tpu.dma_semaphore, #tpu.memory_space<semaphore_mem>> -> memref<1x!tpu.dma_semaphore, #tpu.memory_space<semaphore_mem>>
      %dma_start3A_104 = tpu.memref_squeeze %dma_start3A_103 : memref<1x!tpu.dma_semaphore, #tpu.memory_space<semaphore_mem>> -> memref<!tpu.dma_semaphore, #tpu.memory_space<semaphore_mem>>
      %dma_start3A_105 = arith.constant 999936 : i32
      %dma_start3A_106 = tpu.memref_slice %arg4[%dma_start3A_105] : memref<16001024xf32, #tpu.memory_space<hbm>> -> memref<128xf32, #tpu.memory_space<hbm>>
      %dma_start3A_107 = arith.constant 0 : i32
      %dma_start3A_108 = arith.constant 0 : i32
      %dma_start3A_109 = tpu.memref_slice %arg6[%dma_start3A_89, %dma_start3A_107, %dma_start3A_108] : memref<2x16x3968xf32, #tpu.memory_space<vmem>> -> memref<1x16x3968xf32, #tpu.memory_space<vmem>>
      %dma_start3A_110 = tpu.memref_squeeze %dma_start3A_109 : memref<1x16x3968xf32, #tpu.memory_space<vmem>> -> memref<16x3968xf32, #tpu.memory_space<vmem>>
      %dma_start3A_111 = arith.constant 0 : i32
      %dma_start3A_112 = tpu.memref_slice %dma_start3A_110[%dma_start3A_90, %dma_start3A_111] : memref<16x3968xf32, #tpu.memory_space<vmem>> -> memref<1x3968xf32, #tpu.memory_space<vmem>>
      %dma_start3A_113 = tpu.memref_squeeze %dma_start3A_112 : memref<1x3968xf32, #tpu.memory_space<vmem>> -> memref<3968xf32, #tpu.memory_space<vmem>>
      %dma_start3A_114 = arith.constant 0 : i32
      %dma_start3A_115 = tpu.memref_slice %dma_start3A_113[%dma_start3A_114] : memref<3968xf32, #tpu.memory_space<vmem>> -> memref<128xf32, #tpu.memory_space<vmem>>
      tpu.enqueue_dma source(%dma_start3A_115 : memref<128xf32, #tpu.memory_space<vmem>>) target(%dma_start3A_106 : memref<128xf32, #tpu.memory_space<hbm>>) target_semaphore(%dma_start3A_104 : memref<!tpu.dma_semaphore, #tpu.memory_space<semaphore_mem>>)
      %dma_start3A_116 = arith.constant 0 : i32
      %dma_start3A_117 = arith.constant 1 : i32
      %dma_start3A_118 = arith.constant 0 : i32
      %dma_start3A_119 = arith.constant 0 : i32
      %dma_start3A_120 = arith.constant 0 : i32
      %dma_start3A_121 = tpu.memref_slice %arg6[%dma_start3A_116, %dma_start3A_119, %dma_start3A_120] : memref<2x16x3968xf32, #tpu.memory_space<vmem>> -> memref<1x16x3968xf32, #tpu.memory_space<vmem>>
      %dma_start3A_122 = tpu.memref_squeeze %dma_start3A_121 : memref<1x16x3968xf32, #tpu.memory_space<vmem>> -> memref<16x3968xf32, #tpu.memory_space<vmem>>
      %dma_start3A_123 = arith.constant 0 : i32
      %dma_start3A_124 = tpu.memref_slice %dma_start3A_122[%dma_start3A_117, %dma_start3A_123] : memref<16x3968xf32, #tpu.memory_space<vmem>> -> memref<1x3968xf32, #tpu.memory_space<vmem>>
      %dma_start3A_125 = tpu.memref_squeeze %dma_start3A_124 : memref<1x3968xf32, #tpu.memory_space<vmem>> -> memref<3968xf32, #tpu.memory_space<vmem>>
      %dma_start3A_126 = arith.constant 0 : i32
      %dma_start3A_127 = tpu.memref_slice %dma_start3A_125[%dma_start3A_126] : memref<3968xf32, #tpu.memory_space<vmem>> -> memref<128xf32, #tpu.memory_space<vmem>>
      %dma_start3A_128 = arith.constant 2000000 : i32
      %dma_start3A_129 = tpu.memref_slice %arg4[%dma_start3A_128] : memref<16001024xf32, #tpu.memory_space<hbm>> -> memref<128xf32, #tpu.memory_space<hbm>>
      %dma_start3A_130 = tpu.memref_slice %arg8[%dma_start3A_118] : memref<2x!tpu.dma_semaphore, #tpu.memory_space<semaphore_mem>> -> memref<1x!tpu.dma_semaphore, #tpu.memory_space<semaphore_mem>>
      %dma_start3A_131 = tpu.memref_squeeze %dma_start3A_130 : memref<1x!tpu.dma_semaphore, #tpu.memory_space<semaphore_mem>> -> memref<!tpu.dma_semaphore, #tpu.memory_space<semaphore_mem>>
      %dma_start3A_132 = arith.constant 2000000 : i32
      %dma_start3A_133 = tpu.memref_slice %arg4[%dma_start3A_132] : memref<16001024xf32, #tpu.memory_space<hbm>> -> memref<128xf32, #tpu.memory_space<hbm>>
      %dma_start3A_134 = arith.constant 0 : i32
      %dma_start3A_135 = arith.constant 0 : i32
      %dma_start3A_136 = tpu.memref_slice %arg6[%dma_start3A_116, %dma_start3A_134, %dma_start3A_135] : memref<2x16x3968xf32, #tpu.memory_space<vmem>> -> memref<1x16x3968xf32, #tpu.memory_space<vmem>>
      %dma_start3A_137 = tpu.memref_squeeze %dma_start3A_136 : memref<1x16x3968xf32, #tpu.memory_space<vmem>> -> memref<16x3968xf32, #tpu.memory_space<vmem>>
      %dma_start3A_138 = arith.constant 0 : i32
      %dma_start3A_139 = tpu.memref_slice %dma_start3A_137[%dma_start3A_117, %dma_start3A_138] : memref<16x3968xf32, #tpu.memory_space<vmem>> -> memref<1x3968xf32, #tpu.memory_space<vmem>>
      %dma_start3A_140 = tpu.memref_squeeze %dma_start3A_139 : memref<1x3968xf32, #tpu.memory_space<vmem>> -> memref<3968xf32, #tpu.memory_space<vmem>>
      %dma_start3A_141 = arith.constant 0 : i32
      %dma_start3A_142 = tpu.memref_slice %dma_start3A_140[%dma_start3A_141] : memref<3968xf32, #tpu.memory_space<vmem>> -> memref<128xf32, #tpu.memory_space<vmem>>
      tpu.enqueue_dma source(%dma_start3A_142 : memref<128xf32, #tpu.memory_space<vmem>>) target(%dma_start3A_133 : memref<128xf32, #tpu.memory_space<hbm>>) target_semaphore(%dma_start3A_131 : memref<!tpu.dma_semaphore, #tpu.memory_space<semaphore_mem>>)
      %dma_start3A_143 = arith.constant 0 : i32
      %dma_start3A_144 = arith.constant 2 : i32
      %dma_start3A_145 = arith.constant 0 : i32
      %dma_start3A_146 = arith.constant 0 : i32
      %dma_start3A_147 = arith.constant 0 : i32
      %dma_start3A_148 = tpu.memref_slice %arg6[%dma_start3A_143, %dma_start3A_146, %dma_start3A_147] : memref<2x16x3968xf32, #tpu.memory_space<vmem>> -> memref<1x16x3968xf32, #tpu.memory_space<vmem>>
      %dma_start3A_149 = tpu.memref_squeeze %dma_start3A_148 : memref<1x16x3968xf32, #tpu.memory_space<vmem>> -> memref<16x3968xf32, #tpu.memory_space<vmem>>
      %dma_start3A_150 = arith.constant 0 : i32
      %dma_start3A_151 = tpu.memref_slice %dma_start3A_149[%dma_start3A_144, %dma_start3A_150] : memref<16x3968xf32, #tpu.memory_space<vmem>> -> memref<1x3968xf32, #tpu.memory_space<vmem>>
      %dma_start3A_152 = tpu.memref_squeeze %dma_start3A_151 : memref<1x3968xf32, #tpu.memory_space<vmem>> -> memref<3968xf32, #tpu.memory_space<vmem>>
      %dma_start3A_153 = arith.constant 0 : i32
      %dma_start3A_154 = tpu.memref_slice %dma_start3A_152[%dma_start3A_153] : memref<3968xf32, #tpu.memory_space<vmem>> -> memref<128xf32, #tpu.memory_space<vmem>>
      %dma_start3A_155 = arith.constant 3000064 : i32
      %dma_start3A_156 = tpu.memref_slice %arg4[%dma_start3A_155] : memref<16001024xf32, #tpu.memory_space<hbm>> -> memref<128xf32, #tpu.memory_space<hbm>>
      %dma_start3A_157 = tpu.memref_slice %arg8[%dma_start3A_145] : memref<2x!tpu.dma_semaphore, #tpu.memory_space<semaphore_mem>> -> memref<1x!tpu.dma_semaphore, #tpu.memory_space<semaphore_mem>>
      %dma_start3A_158 = tpu.memref_squeeze %dma_start3A_157 : memref<1x!tpu.dma_semaphore, #tpu.memory_space<semaphore_mem>> -> memref<!tpu.dma_semaphore, #tpu.memory_space<semaphore_mem>>
      %dma_start3A_159 = arith.constant 3000064 : i32
      %dma_start3A_160 = tpu.memref_slice %arg4[%dma_start3A_159] : memref<16001024xf32, #tpu.memory_space<hbm>> -> memref<128xf32, #tpu.memory_space<hbm>>
      %dma_start3A_161 = arith.constant 0 : i32
      %dma_start3A_162 = arith.constant 0 : i32
      %dma_start3A_163 = tpu.memref_slice %arg6[%dma_start3A_143, %dma_start3A_161, %dma_start3A_162] : memref<2x16x3968xf32, #tpu.memory_space<vmem>> -> memref<1x16x3968xf32, #tpu.memory_space<vmem>>
      %dma_start3A_164 = tpu.memref_squeeze %dma_start3A_163 : memref<1x16x3968xf32, #tpu.memory_space<vmem>> -> memref<16x3968xf32, #tpu.memory_space<vmem>>
      %dma_start3A_165 = arith.constant 0 : i32
      %dma_start3A_166 = tpu.memref_slice %dma_start3A_164[%dma_start3A_144, %dma_start3A_165] : memref<16x3968xf32, #tpu.memory_space<vmem>> -> memref<1x3968xf32, #tpu.memory_space<vmem>>
      %dma_start3A_167 = tpu.memref_squeeze %dma_start3A_166 : memref<1x3968xf32, #tpu.memory_space<vmem>> -> memref<3968xf32, #tpu.memory_space<vmem>>
      %dma_start3A_168 = arith.constant 0 : i32
      %dma_start3A_169 = tpu.memref_slice %dma_start3A_167[%dma_start3A_168] : memref<3968xf32, #tpu.memory_space<vmem>> -> memref<128xf32, #tpu.memory_space<vmem>>
      tpu.enqueue_dma source(%dma_start3A_169 : memref<128xf32, #tpu.memory_space<vmem>>) target(%dma_start3A_160 : memref<128xf32, #tpu.memory_space<hbm>>) target_semaphore(%dma_start3A_158 : memref<!tpu.dma_semaphore, #tpu.memory_space<semaphore_mem>>)
      %dma_start3A_170 = arith.constant 0 : i32
      %dma_start3A_171 = arith.constant 3 : i32
      %dma_start3A_172 = arith.constant 0 : i32
      %dma_start3A_173 = arith.constant 0 : i32
      %dma_start3A_174 = arith.constant 0 : i32
      %dma_start3A_175 = tpu.memref_slice %arg6[%dma_start3A_170, %dma_start3A_173, %dma_start3A_174] : memref<2x16x3968xf32, #tpu.memory_space<vmem>> -> memref<1x16x3968xf32, #tpu.memory_space<vmem>>
      %dma_start3A_176 = tpu.memref_squeeze %dma_start3A_175 : memref<1x16x3968xf32, #tpu.memory_space<vmem>> -> memref<16x3968xf32, #tpu.memory_space<vmem>>
      %dma_start3A_177 = arith.constant 0 : i32
      %dma_start3A_178 = tpu.memref_slice %dma_start3A_176[%dma_start3A_171, %dma_start3A_177] : memref<16x3968xf32, #tpu.memory_space<vmem>> -> memref<1x3968xf32, #tpu.memory_space<vmem>>
      %dma_start3A_179 = tpu.memref_squeeze %dma_start3A_178 : memref<1x3968xf32, #tpu.memory_space<vmem>> -> memref<3968xf32, #tpu.memory_space<vmem>>
      %dma_start3A_180 = arith.constant 0 : i32
      %dma_start3A_181 = tpu.memref_slice %dma_start3A_179[%dma_start3A_180] : memref<3968xf32, #tpu.memory_space<vmem>> -> memref<128xf32, #tpu.memory_space<vmem>>
      %dma_start3A_182 = arith.constant 4000128 : i32
      %dma_start3A_183 = tpu.memref_slice %arg4[%dma_start3A_182] : memref<16001024xf32, #tpu.memory_space<hbm>> -> memref<128xf32, #tpu.memory_space<hbm>>
      %dma_start3A_184 = tpu.memref_slice %arg8[%dma_start3A_172] : memref<2x!tpu.dma_semaphore, #tpu.memory_space<semaphore_mem>> -> memref<1x!tpu.dma_semaphore, #tpu.memory_space<semaphore_mem>>
      %dma_start3A_185 = tpu.memref_squeeze %dma_start3A_184 : memref<1x!tpu.dma_semaphore, #tpu.memory_space<semaphore_mem>> -> memref<!tpu.dma_semaphore, #tpu.memory_space<semaphore_mem>>
      %dma_start3A_186 = arith.constant 4000128 : i32
      %dma_start3A_187 = tpu.memref_slice %arg4[%dma_start3A_186] : memref<16001024xf32, #tpu.memory_space<hbm>> -> memref<128xf32, #tpu.memory_space<hbm>>
      %dma_start3A_188 = arith.constant 0 : i32
      %dma_start3A_189 = arith.constant 0 : i32
      %dma_start3A_190 = tpu.memref_slice %arg6[%dma_start3A_170, %dma_start3A_188, %dma_start3A_189] : memref<2x16x3968xf32, #tpu.memory_space<vmem>> -> memref<1x16x3968xf32, #tpu.memory_space<vmem>>
      %dma_start3A_191 = tpu.memref_squeeze %dma_start3A_190 : memref<1x16x3968xf32, #tpu.memory_space<vmem>> -> memref<16x3968xf32, #tpu.memory_space<vmem>>
      %dma_start3A_192 = arith.constant 0 : i32
      %dma_start3A_193 = tpu.memref_slice %dma_start3A_191[%dma_start3A_171, %dma_start3A_192] : memref<16x3968xf32, #tpu.memory_space<vmem>> -> memref<1x3968xf32, #tpu.memory_space<vmem>>
      %dma_start3A_194 = tpu.memref_squeeze %dma_start3A_193 : memref<1x3968xf32, #tpu.memory_space<vmem>> -> memref<3968xf32, #tpu.memory_space<vmem>>
      %dma_start3A_195 = arith.constant 0 : i32
      %dma_start3A_196 = tpu.memref_slice %dma_start3A_194[%dma_start3A_195] : memref<3968xf32, #tpu.memory_space<vmem>> -> memref<128xf32, #tpu.memory_space<vmem>>
      tpu.enqueue_dma source(%dma_start3A_196 : memref<128xf32, #tpu.memory_space<vmem>>) target(%dma_start3A_187 : memref<128xf32, #tpu.memory_space<hbm>>) target_semaphore(%dma_start3A_185 : memref<!tpu.dma_semaphore, #tpu.memory_space<semaphore_mem>>)
      %dma_start3A_197 = arith.constant 0 : i32
      %dma_start3A_198 = arith.constant 4 : i32
      %dma_start3A_199 = arith.constant 0 : i32
      %dma_start3A_200 = arith.constant 0 : i32
      %dma_start3A_201 = arith.constant 0 : i32
      %dma_start3A_202 = tpu.memref_slice %arg6[%dma_start3A_197, %dma_start3A_200, %dma_start3A_201] : memref<2x16x3968xf32, #tpu.memory_space<vmem>> -> memref<1x16x3968xf32, #tpu.memory_space<vmem>>
      %dma_start3A_203 = tpu.memref_squeeze %dma_start3A_202 : memref<1x16x3968xf32, #tpu.memory_space<vmem>> -> memref<16x3968xf32, #tpu.memory_space<vmem>>
      %dma_start3A_204 = arith.constant 0 : i32
      %dma_start3A_205 = tpu.memref_slice %dma_start3A_203[%dma_start3A_198, %dma_start3A_204] : memref<16x3968xf32, #tpu.memory_space<vmem>> -> memref<1x3968xf32, #tpu.memory_space<vmem>>
      %dma_start3A_206 = tpu.memref_squeeze %dma_start3A_205 : memref<1x3968xf32, #tpu.memory_space<vmem>> -> memref<3968xf32, #tpu.memory_space<vmem>>
      %dma_start3A_207 = arith.constant 0 : i32
      %dma_start3A_208 = tpu.memref_slice %dma_start3A_206[%dma_start3A_207] : memref<3968xf32, #tpu.memory_space<vmem>> -> memref<128xf32, #tpu.memory_space<vmem>>
      %dma_start3A_209 = arith.constant 5000192 : i32
      %dma_start3A_210 = tpu.memref_slice %arg4[%dma_start3A_209] : memref<16001024xf32, #tpu.memory_space<hbm>> -> memref<128xf32, #tpu.memory_space<hbm>>
      %dma_start3A_211 = tpu.memref_slice %arg8[%dma_start3A_199] : memref<2x!tpu.dma_semaphore, #tpu.memory_space<semaphore_mem>> -> memref<1x!tpu.dma_semaphore, #tpu.memory_space<semaphore_mem>>
      %dma_start3A_212 = tpu.memref_squeeze %dma_start3A_211 : memref<1x!tpu.dma_semaphore, #tpu.memory_space<semaphore_mem>> -> memref<!tpu.dma_semaphore, #tpu.memory_space<semaphore_mem>>
      %dma_start3A_213 = arith.constant 5000192 : i32
      %dma_start3A_214 = tpu.memref_slice %arg4[%dma_start3A_213] : memref<16001024xf32, #tpu.memory_space<hbm>> -> memref<128xf32, #tpu.memory_space<hbm>>
      %dma_start3A_215 = arith.constant 0 : i32
      %dma_start3A_216 = arith.constant 0 : i32
      %dma_start3A_217 = tpu.memref_slice %arg6[%dma_start3A_197, %dma_start3A_215, %dma_start3A_216] : memref<2x16x3968xf32, #tpu.memory_space<vmem>> -> memref<1x16x3968xf32, #tpu.memory_space<vmem>>
      %dma_start3A_218 = tpu.memref_squeeze %dma_start3A_217 : memref<1x16x3968xf32, #tpu.memory_space<vmem>> -> memref<16x3968xf32, #tpu.memory_space<vmem>>
      %dma_start3A_219 = arith.constant 0 : i32
      %dma_start3A_220 = tpu.memref_slice %dma_start3A_218[%dma_start3A_198, %dma_start3A_219] : memref<16x3968xf32, #tpu.memory_space<vmem>> -> memref<1x3968xf32, #tpu.memory_space<vmem>>
      %dma_start3A_221 = tpu.memref_squeeze %dma_start3A_220 : memref<1x3968xf32, #tpu.memory_space<vmem>> -> memref<3968xf32, #tpu.memory_space<vmem>>
      %dma_start3A_222 = arith.constant 0 : i32
      %dma_start3A_223 = tpu.memref_slice %dma_start3A_221[%dma_start3A_222] : memref<3968xf32, #tpu.memory_space<vmem>> -> memref<128xf32, #tpu.memory_space<vmem>>
      tpu.enqueue_dma source(%dma_start3A_223 : memref<128xf32, #tpu.memory_space<vmem>>) target(%dma_start3A_214 : memref<128xf32, #tpu.memory_space<hbm>>) target_semaphore(%dma_start3A_212 : memref<!tpu.dma_semaphore, #tpu.memory_space<semaphore_mem>>)
      %dma_start3A_224 = arith.constant 0 : i32
      %dma_start3A_225 = arith.constant 5 : i32
      %dma_start3A_226 = arith.constant 0 : i32
      %dma_start3A_227 = arith.constant 0 : i32
      %dma_start3A_228 = arith.constant 0 : i32
      %dma_start3A_229 = tpu.memref_slice %arg6[%dma_start3A_224, %dma_start3A_227, %dma_start3A_228] : memref<2x16x3968xf32, #tpu.memory_space<vmem>> -> memref<1x16x3968xf32, #tpu.memory_space<vmem>>
      %dma_start3A_230 = tpu.memref_squeeze %dma_start3A_229 : memref<1x16x3968xf32, #tpu.memory_space<vmem>> -> memref<16x3968xf32, #tpu.memory_space<vmem>>
      %dma_start3A_231 = arith.constant 0 : i32
      %dma_start3A_232 = tpu.memref_slice %dma_start3A_230[%dma_start3A_225, %dma_start3A_231] : memref<16x3968xf32, #tpu.memory_space<vmem>> -> memref<1x3968xf32, #tpu.memory_space<vmem>>
      %dma_start3A_233 = tpu.memref_squeeze %dma_start3A_232 : memref<1x3968xf32, #tpu.memory_space<vmem>> -> memref<3968xf32, #tpu.memory_space<vmem>>
      %dma_start3A_234 = arith.constant 0 : i32
      %dma_start3A_235 = tpu.memref_slice %dma_start3A_233[%dma_start3A_234] : memref<3968xf32, #tpu.memory_space<vmem>> -> memref<128xf32, #tpu.memory_space<vmem>>
      %dma_start3A_236 = arith.constant 6000256 : i32
      %dma_start3A_237 = tpu.memref_slice %arg4[%dma_start3A_236] : memref<16001024xf32, #tpu.memory_space<hbm>> -> memref<128xf32, #tpu.memory_space<hbm>>
      %dma_start3A_238 = tpu.memref_slice %arg8[%dma_start3A_226] : memref<2x!tpu.dma_semaphore, #tpu.memory_space<semaphore_mem>> -> memref<1x!tpu.dma_semaphore, #tpu.memory_space<semaphore_mem>>
      %dma_start3A_239 = tpu.memref_squeeze %dma_start3A_238 : memref<1x!tpu.dma_semaphore, #tpu.memory_space<semaphore_mem>> -> memref<!tpu.dma_semaphore, #tpu.memory_space<semaphore_mem>>
      %dma_start3A_240 = arith.constant 6000256 : i32
      %dma_start3A_241 = tpu.memref_slice %arg4[%dma_start3A_240] : memref<16001024xf32, #tpu.memory_space<hbm>> -> memref<128xf32, #tpu.memory_space<hbm>>
      %dma_start3A_242 = arith.constant 0 : i32
      %dma_start3A_243 = arith.constant 0 : i32
      %dma_start3A_244 = tpu.memref_slice %arg6[%dma_start3A_224, %dma_start3A_242, %dma_start3A_243] : memref<2x16x3968xf32, #tpu.memory_space<vmem>> -> memref<1x16x3968xf32, #tpu.memory_space<vmem>>
      %dma_start3A_245 = tpu.memref_squeeze %dma_start3A_244 : memref<1x16x3968xf32, #tpu.memory_space<vmem>> -> memref<16x3968xf32, #tpu.memory_space<vmem>>
      %dma_start3A_246 = arith.constant 0 : i32
      %dma_start3A_247 = tpu.memref_slice %dma_start3A_245[%dma_start3A_225, %dma_start3A_246] : memref<16x3968xf32, #tpu.memory_space<vmem>> -> memref<1x3968xf32, #tpu.memory_space<vmem>>
      %dma_start3A_248 = tpu.memref_squeeze %dma_start3A_247 : memref<1x3968xf32, #tpu.memory_space<vmem>> -> memref<3968xf32, #tpu.memory_space<vmem>>
      %dma_start3A_249 = arith.constant 0 : i32
      %dma_start3A_250 = tpu.memref_slice %dma_start3A_248[%dma_start3A_249] : memref<3968xf32, #tpu.memory_space<vmem>> -> memref<128xf32, #tpu.memory_space<vmem>>
      tpu.enqueue_dma source(%dma_start3A_250 : memref<128xf32, #tpu.memory_space<vmem>>) target(%dma_start3A_241 : memref<128xf32, #tpu.memory_space<hbm>>) target_semaphore(%dma_start3A_239 : memref<!tpu.dma_semaphore, #tpu.memory_space<semaphore_mem>>)
      %dma_start3A_251 = arith.constant 0 : i32
      %dma_start3A_252 = arith.constant 6 : i32
      %dma_start3A_253 = arith.constant 0 : i32
      %dma_start3A_254 = arith.constant 0 : i32
      %dma_start3A_255 = arith.constant 0 : i32
      %dma_start3A_256 = tpu.memref_slice %arg6[%dma_start3A_251, %dma_start3A_254, %dma_start3A_255] : memref<2x16x3968xf32, #tpu.memory_space<vmem>> -> memref<1x16x3968xf32, #tpu.memory_space<vmem>>
      %dma_start3A_257 = tpu.memref_squeeze %dma_start3A_256 : memref<1x16x3968xf32, #tpu.memory_space<vmem>> -> memref<16x3968xf32, #tpu.memory_space<vmem>>
      %dma_start3A_258 = arith.constant 0 : i32
      %dma_start3A_259 = tpu.memref_slice %dma_start3A_257[%dma_start3A_252, %dma_start3A_258] : memref<16x3968xf32, #tpu.memory_space<vmem>> -> memref<1x3968xf32, #tpu.memory_space<vmem>>
      %dma_start3A_260 = tpu.memref_squeeze %dma_start3A_259 : memref<1x3968xf32, #tpu.memory_space<vmem>> -> memref<3968xf32, #tpu.memory_space<vmem>>
      %dma_start3A_261 = arith.constant 0 : i32
      %dma_start3A_262 = tpu.memref_slice %dma_start3A_260[%dma_start3A_261] : memref<3968xf32, #tpu.memory_space<vmem>> -> memref<128xf32, #tpu.memory_space<vmem>>
      %dma_start3A_263 = arith.constant 7000320 : i32
      %dma_start3A_264 = tpu.memref_slice %arg4[%dma_start3A_263] : memref<16001024xf32, #tpu.memory_space<hbm>> -> memref<128xf32, #tpu.memory_space<hbm>>
      %dma_start3A_265 = tpu.memref_slice %arg8[%dma_start3A_253] : memref<2x!tpu.dma_semaphore, #tpu.memory_space<semaphore_mem>> -> memref<1x!tpu.dma_semaphore, #tpu.memory_space<semaphore_mem>>
      %dma_start3A_266 = tpu.memref_squeeze %dma_start3A_265 : memref<1x!tpu.dma_semaphore, #tpu.memory_space<semaphore_mem>> -> memref<!tpu.dma_semaphore, #tpu.memory_space<semaphore_mem>>
      %dma_start3A_267 = arith.constant 7000320 : i32
      %dma_start3A_268 = tpu.memref_slice %arg4[%dma_start3A_267] : memref<16001024xf32, #tpu.memory_space<hbm>> -> memref<128xf32, #tpu.memory_space<hbm>>
      %dma_start3A_269 = arith.constant 0 : i32
      %dma_start3A_270 = arith.constant 0 : i32
      %dma_start3A_271 = tpu.memref_slice %arg6[%dma_start3A_251, %dma_start3A_269, %dma_start3A_270] : memref<2x16x3968xf32, #tpu.memory_space<vmem>> -> memref<1x16x3968xf32, #tpu.memory_space<vmem>>
      %dma_start3A_272 = tpu.memref_squeeze %dma_start3A_271 : memref<1x16x3968xf32, #tpu.memory_space<vmem>> -> memref<16x3968xf32, #tpu.memory_space<vmem>>
      %dma_start3A_273 = arith.constant 0 : i32
      %dma_start3A_274 = tpu.memref_slice %dma_start3A_272[%dma_start3A_252, %dma_start3A_273] : memref<16x3968xf32, #tpu.memory_space<vmem>> -> memref<1x3968xf32, #tpu.memory_space<vmem>>
      %dma_start3A_275 = tpu.memref_squeeze %dma_start3A_274 : memref<1x3968xf32, #tpu.memory_space<vmem>> -> memref<3968xf32, #tpu.memory_space<vmem>>
      %dma_start3A_276 = arith.constant 0 : i32
      %dma_start3A_277 = tpu.memref_slice %dma_start3A_275[%dma_start3A_276] : memref<3968xf32, #tpu.memory_space<vmem>> -> memref<128xf32, #tpu.memory_space<vmem>>
      tpu.enqueue_dma source(%dma_start3A_277 : memref<128xf32, #tpu.memory_space<vmem>>) target(%dma_start3A_268 : memref<128xf32, #tpu.memory_space<hbm>>) target_semaphore(%dma_start3A_266 : memref<!tpu.dma_semaphore, #tpu.memory_space<semaphore_mem>>)
      %dma_start3A_278 = arith.constant 0 : i32
      %dma_start3A_279 = arith.constant 7 : i32
      %dma_start3A_280 = arith.constant 0 : i32
      %dma_start3A_281 = arith.constant 0 : i32
      %dma_start3A_282 = arith.constant 0 : i32
      %dma_start3A_283 = tpu.memref_slice %arg6[%dma_start3A_278, %dma_start3A_281, %dma_start3A_282] : memref<2x16x3968xf32, #tpu.memory_space<vmem>> -> memref<1x16x3968xf32, #tpu.memory_space<vmem>>
      %dma_start3A_284 = tpu.memref_squeeze %dma_start3A_283 : memref<1x16x3968xf32, #tpu.memory_space<vmem>> -> memref<16x3968xf32, #tpu.memory_space<vmem>>
      %dma_start3A_285 = arith.constant 0 : i32
      %dma_start3A_286 = tpu.memref_slice %dma_start3A_284[%dma_start3A_279, %dma_start3A_285] : memref<16x3968xf32, #tpu.memory_space<vmem>> -> memref<1x3968xf32, #tpu.memory_space<vmem>>
      %dma_start3A_287 = tpu.memref_squeeze %dma_start3A_286 : memref<1x3968xf32, #tpu.memory_space<vmem>> -> memref<3968xf32, #tpu.memory_space<vmem>>
      %dma_start3A_288 = arith.constant 0 : i32
      %dma_start3A_289 = tpu.memref_slice %dma_start3A_287[%dma_start3A_288] : memref<3968xf32, #tpu.memory_space<vmem>> -> memref<128xf32, #tpu.memory_space<vmem>>
      %dma_start3A_290 = arith.constant 8000384 : i32
      %dma_start3A_291 = tpu.memref_slice %arg4[%dma_start3A_290] : memref<16001024xf32, #tpu.memory_space<hbm>> -> memref<128xf32, #tpu.memory_space<hbm>>
      %dma_start3A_292 = tpu.memref_slice %arg8[%dma_start3A_280] : memref<2x!tpu.dma_semaphore, #tpu.memory_space<semaphore_mem>> -> memref<1x!tpu.dma_semaphore, #tpu.memory_space<semaphore_mem>>
      %dma_start3A_293 = tpu.memref_squeeze %dma_start3A_292 : memref<1x!tpu.dma_semaphore, #tpu.memory_space<semaphore_mem>> -> memref<!tpu.dma_semaphore, #tpu.memory_space<semaphore_mem>>
      %dma_start3A_294 = arith.constant 8000384 : i32
      %dma_start3A_295 = tpu.memref_slice %arg4[%dma_start3A_294] : memref<16001024xf32, #tpu.memory_space<hbm>> -> memref<128xf32, #tpu.memory_space<hbm>>
      %dma_start3A_296 = arith.constant 0 : i32
      %dma_start3A_297 = arith.constant 0 : i32
      %dma_start3A_298 = tpu.memref_slice %arg6[%dma_start3A_278, %dma_start3A_296, %dma_start3A_297] : memref<2x16x3968xf32, #tpu.memory_space<vmem>> -> memref<1x16x3968xf32, #tpu.memory_space<vmem>>
      %dma_start3A_299 = tpu.memref_squeeze %dma_start3A_298 : memref<1x16x3968xf32, #tpu.memory_space<vmem>> -> memref<16x3968xf32, #tpu.memory_space<vmem>>
      %dma_start3A_300 = arith.constant 0 : i32
      %dma_start3A_301 = tpu.memref_slice %dma_start3A_299[%dma_start3A_279, %dma_start3A_300] : memref<16x3968xf32, #tpu.memory_space<vmem>> -> memref<1x3968xf32, #tpu.memory_space<vmem>>
      %dma_start3A_302 = tpu.memref_squeeze %dma_start3A_301 : memref<1x3968xf32, #tpu.memory_space<vmem>> -> memref<3968xf32, #tpu.memory_space<vmem>>
      %dma_start3A_303 = arith.constant 0 : i32
      %dma_start3A_304 = tpu.memref_slice %dma_start3A_302[%dma_start3A_303] : memref<3968xf32, #tpu.memory_space<vmem>> -> memref<128xf32, #tpu.memory_space<vmem>>
      tpu.enqueue_dma source(%dma_start3A_304 : memref<128xf32, #tpu.memory_space<vmem>>) target(%dma_start3A_295 : memref<128xf32, #tpu.memory_space<hbm>>) target_semaphore(%dma_start3A_293 : memref<!tpu.dma_semaphore, #tpu.memory_space<semaphore_mem>>)
      %dma_start3A_305 = arith.constant 0 : i32
      %dma_start3A_306 = arith.constant 8 : i32
      %dma_start3A_307 = arith.constant 0 : i32
      %dma_start3A_308 = arith.constant 0 : i32
      %dma_start3A_309 = arith.constant 0 : i32
      %dma_start3A_310 = tpu.memref_slice %arg6[%dma_start3A_305, %dma_start3A_308, %dma_start3A_309] : memref<2x16x3968xf32, #tpu.memory_space<vmem>> -> memref<1x16x3968xf32, #tpu.memory_space<vmem>>
      %dma_start3A_311 = tpu.memref_squeeze %dma_start3A_310 : memref<1x16x3968xf32, #tpu.memory_space<vmem>> -> memref<16x3968xf32, #tpu.memory_space<vmem>>
      %dma_start3A_312 = arith.constant 0 : i32
      %dma_start3A_313 = tpu.memref_slice %dma_start3A_311[%dma_start3A_306, %dma_start3A_312] : memref<16x3968xf32, #tpu.memory_space<vmem>> -> memref<1x3968xf32, #tpu.memory_space<vmem>>
      %dma_start3A_314 = tpu.memref_squeeze %dma_start3A_313 : memref<1x3968xf32, #tpu.memory_space<vmem>> -> memref<3968xf32, #tpu.memory_space<vmem>>
      %dma_start3A_315 = arith.constant 0 : i32
      %dma_start3A_316 = tpu.memref_slice %dma_start3A_314[%dma_start3A_315] : memref<3968xf32, #tpu.memory_space<vmem>> -> memref<128xf32, #tpu.memory_space<vmem>>
      %dma_start3A_317 = arith.constant 9000448 : i32
      %dma_start3A_318 = tpu.memref_slice %arg4[%dma_start3A_317] : memref<16001024xf32, #tpu.memory_space<hbm>> -> memref<128xf32, #tpu.memory_space<hbm>>
      %dma_start3A_319 = tpu.memref_slice %arg8[%dma_start3A_307] : memref<2x!tpu.dma_semaphore, #tpu.memory_space<semaphore_mem>> -> memref<1x!tpu.dma_semaphore, #tpu.memory_space<semaphore_mem>>
      %dma_start3A_320 = tpu.memref_squeeze %dma_start3A_319 : memref<1x!tpu.dma_semaphore, #tpu.memory_space<semaphore_mem>> -> memref<!tpu.dma_semaphore, #tpu.memory_space<semaphore_mem>>
      %dma_start3A_321 = arith.constant 9000448 : i32
      %dma_start3A_322 = tpu.memref_slice %arg4[%dma_start3A_321] : memref<16001024xf32, #tpu.memory_space<hbm>> -> memref<128xf32, #tpu.memory_space<hbm>>
      %dma_start3A_323 = arith.constant 0 : i32
      %dma_start3A_324 = arith.constant 0 : i32
      %dma_start3A_325 = tpu.memref_slice %arg6[%dma_start3A_305, %dma_start3A_323, %dma_start3A_324] : memref<2x16x3968xf32, #tpu.memory_space<vmem>> -> memref<1x16x3968xf32, #tpu.memory_space<vmem>>
      %dma_start3A_326 = tpu.memref_squeeze %dma_start3A_325 : memref<1x16x3968xf32, #tpu.memory_space<vmem>> -> memref<16x3968xf32, #tpu.memory_space<vmem>>
      %dma_start3A_327 = arith.constant 0 : i32
      %dma_start3A_328 = tpu.memref_slice %dma_start3A_326[%dma_start3A_306, %dma_start3A_327] : memref<16x3968xf32, #tpu.memory_space<vmem>> -> memref<1x3968xf32, #tpu.memory_space<vmem>>
      %dma_start3A_329 = tpu.memref_squeeze %dma_start3A_328 : memref<1x3968xf32, #tpu.memory_space<vmem>> -> memref<3968xf32, #tpu.memory_space<vmem>>
      %dma_start3A_330 = arith.constant 0 : i32
      %dma_start3A_331 = tpu.memref_slice %dma_start3A_329[%dma_start3A_330] : memref<3968xf32, #tpu.memory_space<vmem>> -> memref<128xf32, #tpu.memory_space<vmem>>
      tpu.enqueue_dma source(%dma_start3A_331 : memref<128xf32, #tpu.memory_space<vmem>>) target(%dma_start3A_322 : memref<128xf32, #tpu.memory_space<hbm>>) target_semaphore(%dma_start3A_320 : memref<!tpu.dma_semaphore, #tpu.memory_space<semaphore_mem>>)
      %dma_start3A_332 = arith.constant 0 : i32
      %dma_start3A_333 = arith.constant 9 : i32
      %dma_start3A_334 = arith.constant 0 : i32
      %dma_start3A_335 = arith.constant 0 : i32
      %dma_start3A_336 = arith.constant 0 : i32
      %dma_start3A_337 = tpu.memref_slice %arg6[%dma_start3A_332, %dma_start3A_335, %dma_start3A_336] : memref<2x16x3968xf32, #tpu.memory_space<vmem>> -> memref<1x16x3968xf32, #tpu.memory_space<vmem>>
      %dma_start3A_338 = tpu.memref_squeeze %dma_start3A_337 : memref<1x16x3968xf32, #tpu.memory_space<vmem>> -> memref<16x3968xf32, #tpu.memory_space<vmem>>
      %dma_start3A_339 = arith.constant 0 : i32
      %dma_start3A_340 = tpu.memref_slice %dma_start3A_338[%dma_start3A_333, %dma_start3A_339] : memref<16x3968xf32, #tpu.memory_space<vmem>> -> memref<1x3968xf32, #tpu.memory_space<vmem>>
      %dma_start3A_341 = tpu.memref_squeeze %dma_start3A_340 : memref<1x3968xf32, #tpu.memory_space<vmem>> -> memref<3968xf32, #tpu.memory_space<vmem>>
      %dma_start3A_342 = arith.constant 0 : i32
      %dma_start3A_343 = tpu.memref_slice %dma_start3A_341[%dma_start3A_342] : memref<3968xf32, #tpu.memory_space<vmem>> -> memref<128xf32, #tpu.memory_space<vmem>>
      %dma_start3A_344 = arith.constant 10000512 : i32
      %dma_start3A_345 = tpu.memref_slice %arg4[%dma_start3A_344] : memref<16001024xf32, #tpu.memory_space<hbm>> -> memref<128xf32, #tpu.memory_space<hbm>>
      %dma_start3A_346 = tpu.memref_slice %arg8[%dma_start3A_334] : memref<2x!tpu.dma_semaphore, #tpu.memory_space<semaphore_mem>> -> memref<1x!tpu.dma_semaphore, #tpu.memory_space<semaphore_mem>>
      %dma_start3A_347 = tpu.memref_squeeze %dma_start3A_346 : memref<1x!tpu.dma_semaphore, #tpu.memory_space<semaphore_mem>> -> memref<!tpu.dma_semaphore, #tpu.memory_space<semaphore_mem>>
      %dma_start3A_348 = arith.constant 10000512 : i32
      %dma_start3A_349 = tpu.memref_slice %arg4[%dma_start3A_348] : memref<16001024xf32, #tpu.memory_space<hbm>> -> memref<128xf32, #tpu.memory_space<hbm>>
      %dma_start3A_350 = arith.constant 0 : i32
      %dma_start3A_351 = arith.constant 0 : i32
      %dma_start3A_352 = tpu.memref_slice %arg6[%dma_start3A_332, %dma_start3A_350, %dma_start3A_351] : memref<2x16x3968xf32, #tpu.memory_space<vmem>> -> memref<1x16x3968xf32, #tpu.memory_space<vmem>>
      %dma_start3A_353 = tpu.memref_squeeze %dma_start3A_352 : memref<1x16x3968xf32, #tpu.memory_space<vmem>> -> memref<16x3968xf32, #tpu.memory_space<vmem>>
      %dma_start3A_354 = arith.constant 0 : i32
      %dma_start3A_355 = tpu.memref_slice %dma_start3A_353[%dma_start3A_333, %dma_start3A_354] : memref<16x3968xf32, #tpu.memory_space<vmem>> -> memref<1x3968xf32, #tpu.memory_space<vmem>>
      %dma_start3A_356 = tpu.memref_squeeze %dma_start3A_355 : memref<1x3968xf32, #tpu.memory_space<vmem>> -> memref<3968xf32, #tpu.memory_space<vmem>>
      %dma_start3A_357 = arith.constant 0 : i32
      %dma_start3A_358 = tpu.memref_slice %dma_start3A_356[%dma_start3A_357] : memref<3968xf32, #tpu.memory_space<vmem>> -> memref<128xf32, #tpu.memory_space<vmem>>
      tpu.enqueue_dma source(%dma_start3A_358 : memref<128xf32, #tpu.memory_space<vmem>>) target(%dma_start3A_349 : memref<128xf32, #tpu.memory_space<hbm>>) target_semaphore(%dma_start3A_347 : memref<!tpu.dma_semaphore, #tpu.memory_space<semaphore_mem>>)
      %dma_start3A_359 = arith.constant 0 : i32
      %dma_start3A_360 = arith.constant 10 : i32
      %dma_start3A_361 = arith.constant 0 : i32
      %dma_start3A_362 = arith.constant 0 : i32
      %dma_start3A_363 = arith.constant 0 : i32
      %dma_start3A_364 = tpu.memref_slice %arg6[%dma_start3A_359, %dma_start3A_362, %dma_start3A_363] : memref<2x16x3968xf32, #tpu.memory_space<vmem>> -> memref<1x16x3968xf32, #tpu.memory_space<vmem>>
      %dma_start3A_365 = tpu.memref_squeeze %dma_start3A_364 : memref<1x16x3968xf32, #tpu.memory_space<vmem>> -> memref<16x3968xf32, #tpu.memory_space<vmem>>
      %dma_start3A_366 = arith.constant 0 : i32
      %dma_start3A_367 = tpu.memref_slice %dma_start3A_365[%dma_start3A_360, %dma_start3A_366] : memref<16x3968xf32, #tpu.memory_space<vmem>> -> memref<1x3968xf32, #tpu.memory_space<vmem>>
      %dma_start3A_368 = tpu.memref_squeeze %dma_start3A_367 : memref<1x3968xf32, #tpu.memory_space<vmem>> -> memref<3968xf32, #tpu.memory_space<vmem>>
      %dma_start3A_369 = arith.constant 0 : i32
      %dma_start3A_370 = tpu.memref_slice %dma_start3A_368[%dma_start3A_369] : memref<3968xf32, #tpu.memory_space<vmem>> -> memref<128xf32, #tpu.memory_space<vmem>>
      %dma_start3A_371 = arith.constant 11000576 : i32
      %dma_start3A_372 = tpu.memref_slice %arg4[%dma_start3A_371] : memref<16001024xf32, #tpu.memory_space<hbm>> -> memref<128xf32, #tpu.memory_space<hbm>>
      %dma_start3A_373 = tpu.memref_slice %arg8[%dma_start3A_361] : memref<2x!tpu.dma_semaphore, #tpu.memory_space<semaphore_mem>> -> memref<1x!tpu.dma_semaphore, #tpu.memory_space<semaphore_mem>>
      %dma_start3A_374 = tpu.memref_squeeze %dma_start3A_373 : memref<1x!tpu.dma_semaphore, #tpu.memory_space<semaphore_mem>> -> memref<!tpu.dma_semaphore, #tpu.memory_space<semaphore_mem>>
      %dma_start3A_375 = arith.constant 11000576 : i32
      %dma_start3A_376 = tpu.memref_slice %arg4[%dma_start3A_375] : memref<16001024xf32, #tpu.memory_space<hbm>> -> memref<128xf32, #tpu.memory_space<hbm>>
      %dma_start3A_377 = arith.constant 0 : i32
      %dma_start3A_378 = arith.constant 0 : i32
      %dma_start3A_379 = tpu.memref_slice %arg6[%dma_start3A_359, %dma_start3A_377, %dma_start3A_378] : memref<2x16x3968xf32, #tpu.memory_space<vmem>> -> memref<1x16x3968xf32, #tpu.memory_space<vmem>>
      %dma_start3A_380 = tpu.memref_squeeze %dma_start3A_379 : memref<1x16x3968xf32, #tpu.memory_space<vmem>> -> memref<16x3968xf32, #tpu.memory_space<vmem>>
      %dma_start3A_381 = arith.constant 0 : i32
      %dma_start3A_382 = tpu.memref_slice %dma_start3A_380[%dma_start3A_360, %dma_start3A_381] : memref<16x3968xf32, #tpu.memory_space<vmem>> -> memref<1x3968xf32, #tpu.memory_space<vmem>>
      %dma_start3A_383 = tpu.memref_squeeze %dma_start3A_382 : memref<1x3968xf32, #tpu.memory_space<vmem>> -> memref<3968xf32, #tpu.memory_space<vmem>>
      %dma_start3A_384 = arith.constant 0 : i32
      %dma_start3A_385 = tpu.memref_slice %dma_start3A_383[%dma_start3A_384] : memref<3968xf32, #tpu.memory_space<vmem>> -> memref<128xf32, #tpu.memory_space<vmem>>
      tpu.enqueue_dma source(%dma_start3A_385 : memref<128xf32, #tpu.memory_space<vmem>>) target(%dma_start3A_376 : memref<128xf32, #tpu.memory_space<hbm>>) target_semaphore(%dma_start3A_374 : memref<!tpu.dma_semaphore, #tpu.memory_space<semaphore_mem>>)
      %dma_start3A_386 = arith.constant 0 : i32
      %dma_start3A_387 = arith.constant 11 : i32
      %dma_start3A_388 = arith.constant 0 : i32
      %dma_start3A_389 = arith.constant 0 : i32
      %dma_start3A_390 = arith.constant 0 : i32
      %dma_start3A_391 = tpu.memref_slice %arg6[%dma_start3A_386, %dma_start3A_389, %dma_start3A_390] : memref<2x16x3968xf32, #tpu.memory_space<vmem>> -> memref<1x16x3968xf32, #tpu.memory_space<vmem>>
      %dma_start3A_392 = tpu.memref_squeeze %dma_start3A_391 : memref<1x16x3968xf32, #tpu.memory_space<vmem>> -> memref<16x3968xf32, #tpu.memory_space<vmem>>
      %dma_start3A_393 = arith.constant 0 : i32
      %dma_start3A_394 = tpu.memref_slice %dma_start3A_392[%dma_start3A_387, %dma_start3A_393] : memref<16x3968xf32, #tpu.memory_space<vmem>> -> memref<1x3968xf32, #tpu.memory_space<vmem>>
      %dma_start3A_395 = tpu.memref_squeeze %dma_start3A_394 : memref<1x3968xf32, #tpu.memory_space<vmem>> -> memref<3968xf32, #tpu.memory_space<vmem>>
      %dma_start3A_396 = arith.constant 0 : i32
      %dma_start3A_397 = tpu.memref_slice %dma_start3A_395[%dma_start3A_396] : memref<3968xf32, #tpu.memory_space<vmem>> -> memref<128xf32, #tpu.memory_space<vmem>>
      %dma_start3A_398 = arith.constant 12000640 : i32
      %dma_start3A_399 = tpu.memref_slice %arg4[%dma_start3A_398] : memref<16001024xf32, #tpu.memory_space<hbm>> -> memref<128xf32, #tpu.memory_space<hbm>>
      %dma_start3A_400 = tpu.memref_slice %arg8[%dma_start3A_388] : memref<2x!tpu.dma_semaphore, #tpu.memory_space<semaphore_mem>> -> memref<1x!tpu.dma_semaphore, #tpu.memory_space<semaphore_mem>>
      %dma_start3A_401 = tpu.memref_squeeze %dma_start3A_400 : memref<1x!tpu.dma_semaphore, #tpu.memory_space<semaphore_mem>> -> memref<!tpu.dma_semaphore, #tpu.memory_space<semaphore_mem>>
      %dma_start3A_402 = arith.constant 12000640 : i32
      %dma_start3A_403 = tpu.memref_slice %arg4[%dma_start3A_402] : memref<16001024xf32, #tpu.memory_space<hbm>> -> memref<128xf32, #tpu.memory_space<hbm>>
      %dma_start3A_404 = arith.constant 0 : i32
      %dma_start3A_405 = arith.constant 0 : i32
      %dma_start3A_406 = tpu.memref_slice %arg6[%dma_start3A_386, %dma_start3A_404, %dma_start3A_405] : memref<2x16x3968xf32, #tpu.memory_space<vmem>> -> memref<1x16x3968xf32, #tpu.memory_space<vmem>>
      %dma_start3A_407 = tpu.memref_squeeze %dma_start3A_406 : memref<1x16x3968xf32, #tpu.memory_space<vmem>> -> memref<16x3968xf32, #tpu.memory_space<vmem>>
      %dma_start3A_408 = arith.constant 0 : i32
      %dma_start3A_409 = tpu.memref_slice %dma_start3A_407[%dma_start3A_387, %dma_start3A_408] : memref<16x3968xf32, #tpu.memory_space<vmem>> -> memref<1x3968xf32, #tpu.memory_space<vmem>>
      %dma_start3A_410 = tpu.memref_squeeze %dma_start3A_409 : memref<1x3968xf32, #tpu.memory_space<vmem>> -> memref<3968xf32, #tpu.memory_space<vmem>>
      %dma_start3A_411 = arith.constant 0 : i32
      %dma_start3A_412 = tpu.memref_slice %dma_start3A_410[%dma_start3A_411] : memref<3968xf32, #tpu.memory_space<vmem>> -> memref<128xf32, #tpu.memory_space<vmem>>
      tpu.enqueue_dma source(%dma_start3A_412 : memref<128xf32, #tpu.memory_space<vmem>>) target(%dma_start3A_403 : memref<128xf32, #tpu.memory_space<hbm>>) target_semaphore(%dma_start3A_401 : memref<!tpu.dma_semaphore, #tpu.memory_space<semaphore_mem>>)
      %dma_start3A_413 = arith.constant 0 : i32
      %dma_start3A_414 = arith.constant 12 : i32
      %dma_start3A_415 = arith.constant 0 : i32
      %dma_start3A_416 = arith.constant 0 : i32
      %dma_start3A_417 = arith.constant 0 : i32
      %dma_start3A_418 = tpu.memref_slice %arg6[%dma_start3A_413, %dma_start3A_416, %dma_start3A_417] : memref<2x16x3968xf32, #tpu.memory_space<vmem>> -> memref<1x16x3968xf32, #tpu.memory_space<vmem>>
      %dma_start3A_419 = tpu.memref_squeeze %dma_start3A_418 : memref<1x16x3968xf32, #tpu.memory_space<vmem>> -> memref<16x3968xf32, #tpu.memory_space<vmem>>
      %dma_start3A_420 = arith.constant 0 : i32
      %dma_start3A_421 = tpu.memref_slice %dma_start3A_419[%dma_start3A_414, %dma_start3A_420] : memref<16x3968xf32, #tpu.memory_space<vmem>> -> memref<1x3968xf32, #tpu.memory_space<vmem>>
      %dma_start3A_422 = tpu.memref_squeeze %dma_start3A_421 : memref<1x3968xf32, #tpu.memory_space<vmem>> -> memref<3968xf32, #tpu.memory_space<vmem>>
      %dma_start3A_423 = arith.constant 0 : i32
      %dma_start3A_424 = tpu.memref_slice %dma_start3A_422[%dma_start3A_423] : memref<3968xf32, #tpu.memory_space<vmem>> -> memref<128xf32, #tpu.memory_space<vmem>>
      %dma_start3A_425 = arith.constant 13000704 : i32
      %dma_start3A_426 = tpu.memref_slice %arg4[%dma_start3A_425] : memref<16001024xf32, #tpu.memory_space<hbm>> -> memref<128xf32, #tpu.memory_space<hbm>>
      %dma_start3A_427 = tpu.memref_slice %arg8[%dma_start3A_415] : memref<2x!tpu.dma_semaphore, #tpu.memory_space<semaphore_mem>> -> memref<1x!tpu.dma_semaphore, #tpu.memory_space<semaphore_mem>>
      %dma_start3A_428 = tpu.memref_squeeze %dma_start3A_427 : memref<1x!tpu.dma_semaphore, #tpu.memory_space<semaphore_mem>> -> memref<!tpu.dma_semaphore, #tpu.memory_space<semaphore_mem>>
      %dma_start3A_429 = arith.constant 13000704 : i32
      %dma_start3A_430 = tpu.memref_slice %arg4[%dma_start3A_429] : memref<16001024xf32, #tpu.memory_space<hbm>> -> memref<128xf32, #tpu.memory_space<hbm>>
      %dma_start3A_431 = arith.constant 0 : i32
      %dma_start3A_432 = arith.constant 0 : i32
      %dma_start3A_433 = tpu.memref_slice %arg6[%dma_start3A_413, %dma_start3A_431, %dma_start3A_432] : memref<2x16x3968xf32, #tpu.memory_space<vmem>> -> memref<1x16x3968xf32, #tpu.memory_space<vmem>>
      %dma_start3A_434 = tpu.memref_squeeze %dma_start3A_433 : memref<1x16x3968xf32, #tpu.memory_space<vmem>> -> memref<16x3968xf32, #tpu.memory_space<vmem>>
      %dma_start3A_435 = arith.constant 0 : i32
      %dma_start3A_436 = tpu.memref_slice %dma_start3A_434[%dma_start3A_414, %dma_start3A_435] : memref<16x3968xf32, #tpu.memory_space<vmem>> -> memref<1x3968xf32, #tpu.memory_space<vmem>>
      %dma_start3A_437 = tpu.memref_squeeze %dma_start3A_436 : memref<1x3968xf32, #tpu.memory_space<vmem>> -> memref<3968xf32, #tpu.memory_space<vmem>>
      %dma_start3A_438 = arith.constant 0 : i32
      %dma_start3A_439 = tpu.memref_slice %dma_start3A_437[%dma_start3A_438] : memref<3968xf32, #tpu.memory_space<vmem>> -> memref<128xf32, #tpu.memory_space<vmem>>
      tpu.enqueue_dma source(%dma_start3A_439 : memref<128xf32, #tpu.memory_space<vmem>>) target(%dma_start3A_430 : memref<128xf32, #tpu.memory_space<hbm>>) target_semaphore(%dma_start3A_428 : memref<!tpu.dma_semaphore, #tpu.memory_space<semaphore_mem>>)
      %dma_start3A_440 = arith.constant 0 : i32
      %dma_start3A_441 = arith.constant 13 : i32
      %dma_start3A_442 = arith.constant 0 : i32
      %dma_start3A_443 = arith.constant 0 : i32
      %dma_start3A_444 = arith.constant 0 : i32
      %dma_start3A_445 = tpu.memref_slice %arg6[%dma_start3A_440, %dma_start3A_443, %dma_start3A_444] : memref<2x16x3968xf32, #tpu.memory_space<vmem>> -> memref<1x16x3968xf32, #tpu.memory_space<vmem>>
      %dma_start3A_446 = tpu.memref_squeeze %dma_start3A_445 : memref<1x16x3968xf32, #tpu.memory_space<vmem>> -> memref<16x3968xf32, #tpu.memory_space<vmem>>
      %dma_start3A_447 = arith.constant 0 : i32
      %dma_start3A_448 = tpu.memref_slice %dma_start3A_446[%dma_start3A_441, %dma_start3A_447] : memref<16x3968xf32, #tpu.memory_space<vmem>> -> memref<1x3968xf32, #tpu.memory_space<vmem>>
      %dma_start3A_449 = tpu.memref_squeeze %dma_start3A_448 : memref<1x3968xf32, #tpu.memory_space<vmem>> -> memref<3968xf32, #tpu.memory_space<vmem>>
      %dma_start3A_450 = arith.constant 0 : i32
      %dma_start3A_451 = tpu.memref_slice %dma_start3A_449[%dma_start3A_450] : memref<3968xf32, #tpu.memory_space<vmem>> -> memref<128xf32, #tpu.memory_space<vmem>>
      %dma_start3A_452 = arith.constant 14000768 : i32
      %dma_start3A_453 = tpu.memref_slice %arg4[%dma_start3A_452] : memref<16001024xf32, #tpu.memory_space<hbm>> -> memref<128xf32, #tpu.memory_space<hbm>>
      %dma_start3A_454 = tpu.memref_slice %arg8[%dma_start3A_442] : memref<2x!tpu.dma_semaphore, #tpu.memory_space<semaphore_mem>> -> memref<1x!tpu.dma_semaphore, #tpu.memory_space<semaphore_mem>>
      %dma_start3A_455 = tpu.memref_squeeze %dma_start3A_454 : memref<1x!tpu.dma_semaphore, #tpu.memory_space<semaphore_mem>> -> memref<!tpu.dma_semaphore, #tpu.memory_space<semaphore_mem>>
      %dma_start3A_456 = arith.constant 14000768 : i32
      %dma_start3A_457 = tpu.memref_slice %arg4[%dma_start3A_456] : memref<16001024xf32, #tpu.memory_space<hbm>> -> memref<128xf32, #tpu.memory_space<hbm>>
      %dma_start3A_458 = arith.constant 0 : i32
      %dma_start3A_459 = arith.constant 0 : i32
      %dma_start3A_460 = tpu.memref_slice %arg6[%dma_start3A_440, %dma_start3A_458, %dma_start3A_459] : memref<2x16x3968xf32, #tpu.memory_space<vmem>> -> memref<1x16x3968xf32, #tpu.memory_space<vmem>>
      %dma_start3A_461 = tpu.memref_squeeze %dma_start3A_460 : memref<1x16x3968xf32, #tpu.memory_space<vmem>> -> memref<16x3968xf32, #tpu.memory_space<vmem>>
      %dma_start3A_462 = arith.constant 0 : i32
      %dma_start3A_463 = tpu.memref_slice %dma_start3A_461[%dma_start3A_441, %dma_start3A_462] : memref<16x3968xf32, #tpu.memory_space<vmem>> -> memref<1x3968xf32, #tpu.memory_space<vmem>>
      %dma_start3A_464 = tpu.memref_squeeze %dma_start3A_463 : memref<1x3968xf32, #tpu.memory_space<vmem>> -> memref<3968xf32, #tpu.memory_space<vmem>>
      %dma_start3A_465 = arith.constant 0 : i32
      %dma_start3A_466 = tpu.memref_slice %dma_start3A_464[%dma_start3A_465] : memref<3968xf32, #tpu.memory_space<vmem>> -> memref<128xf32, #tpu.memory_space<vmem>>
      tpu.enqueue_dma source(%dma_start3A_466 : memref<128xf32, #tpu.memory_space<vmem>>) target(%dma_start3A_457 : memref<128xf32, #tpu.memory_space<hbm>>) target_semaphore(%dma_start3A_455 : memref<!tpu.dma_semaphore, #tpu.memory_space<semaphore_mem>>)
      %dma_start3A_467 = arith.constant 0 : i32
      %dma_start3A_468 = arith.constant 14 : i32
      %dma_start3A_469 = arith.constant 0 : i32
      %dma_start3A_470 = arith.constant 0 : i32
      %dma_start3A_471 = arith.constant 0 : i32
      %dma_start3A_472 = tpu.memref_slice %arg6[%dma_start3A_467, %dma_start3A_470, %dma_start3A_471] : memref<2x16x3968xf32, #tpu.memory_space<vmem>> -> memref<1x16x3968xf32, #tpu.memory_space<vmem>>
      %dma_start3A_473 = tpu.memref_squeeze %dma_start3A_472 : memref<1x16x3968xf32, #tpu.memory_space<vmem>> -> memref<16x3968xf32, #tpu.memory_space<vmem>>
      %dma_start3A_474 = arith.constant 0 : i32
      %dma_start3A_475 = tpu.memref_slice %dma_start3A_473[%dma_start3A_468, %dma_start3A_474] : memref<16x3968xf32, #tpu.memory_space<vmem>> -> memref<1x3968xf32, #tpu.memory_space<vmem>>
      %dma_start3A_476 = tpu.memref_squeeze %dma_start3A_475 : memref<1x3968xf32, #tpu.memory_space<vmem>> -> memref<3968xf32, #tpu.memory_space<vmem>>
      %dma_start3A_477 = arith.constant 0 : i32
      %dma_start3A_478 = tpu.memref_slice %dma_start3A_476[%dma_start3A_477] : memref<3968xf32, #tpu.memory_space<vmem>> -> memref<128xf32, #tpu.memory_space<vmem>>
      %dma_start3A_479 = arith.constant 15000832 : i32
      %dma_start3A_480 = tpu.memref_slice %arg4[%dma_start3A_479] : memref<16001024xf32, #tpu.memory_space<hbm>> -> memref<128xf32, #tpu.memory_space<hbm>>
      %dma_start3A_481 = tpu.memref_slice %arg8[%dma_start3A_469] : memref<2x!tpu.dma_semaphore, #tpu.memory_space<semaphore_mem>> -> memref<1x!tpu.dma_semaphore, #tpu.memory_space<semaphore_mem>>
      %dma_start3A_482 = tpu.memref_squeeze %dma_start3A_481 : memref<1x!tpu.dma_semaphore, #tpu.memory_space<semaphore_mem>> -> memref<!tpu.dma_semaphore, #tpu.memory_space<semaphore_mem>>
      %dma_start3A_483 = arith.constant 15000832 : i32
      %dma_start3A_484 = tpu.memref_slice %arg4[%dma_start3A_483] : memref<16001024xf32, #tpu.memory_space<hbm>> -> memref<128xf32, #tpu.memory_space<hbm>>
      %dma_start3A_485 = arith.constant 0 : i32
      %dma_start3A_486 = arith.constant 0 : i32
      %dma_start3A_487 = tpu.memref_slice %arg6[%dma_start3A_467, %dma_start3A_485, %dma_start3A_486] : memref<2x16x3968xf32, #tpu.memory_space<vmem>> -> memref<1x16x3968xf32, #tpu.memory_space<vmem>>
      %dma_start3A_488 = tpu.memref_squeeze %dma_start3A_487 : memref<1x16x3968xf32, #tpu.memory_space<vmem>> -> memref<16x3968xf32, #tpu.memory_space<vmem>>
      %dma_start3A_489 = arith.constant 0 : i32
      %dma_start3A_490 = tpu.memref_slice %dma_start3A_488[%dma_start3A_468, %dma_start3A_489] : memref<16x3968xf32, #tpu.memory_space<vmem>> -> memref<1x3968xf32, #tpu.memory_space<vmem>>
      %dma_start3A_491 = tpu.memref_squeeze %dma_start3A_490 : memref<1x3968xf32, #tpu.memory_space<vmem>> -> memref<3968xf32, #tpu.memory_space<vmem>>
      %dma_start3A_492 = arith.constant 0 : i32
      %dma_start3A_493 = tpu.memref_slice %dma_start3A_491[%dma_start3A_492] : memref<3968xf32, #tpu.memory_space<vmem>> -> memref<128xf32, #tpu.memory_space<vmem>>
      tpu.enqueue_dma source(%dma_start3A_493 : memref<128xf32, #tpu.memory_space<vmem>>) target(%dma_start3A_484 : memref<128xf32, #tpu.memory_space<hbm>>) target_semaphore(%dma_start3A_482 : memref<!tpu.dma_semaphore, #tpu.memory_space<semaphore_mem>>)
      %dma_start3A_494 = arith.constant 0 : i32
      %dma_start3A_495 = arith.constant 15 : i32
      %dma_start3A_496 = arith.constant 0 : i32
      %dma_start3A_497 = arith.constant 0 : i32
      %dma_start3A_498 = arith.constant 0 : i32
      %dma_start3A_499 = tpu.memref_slice %arg6[%dma_start3A_494, %dma_start3A_497, %dma_start3A_498] : memref<2x16x3968xf32, #tpu.memory_space<vmem>> -> memref<1x16x3968xf32, #tpu.memory_space<vmem>>
      %dma_start3A_500 = tpu.memref_squeeze %dma_start3A_499 : memref<1x16x3968xf32, #tpu.memory_space<vmem>> -> memref<16x3968xf32, #tpu.memory_space<vmem>>
      %dma_start3A_501 = arith.constant 0 : i32
      %dma_start3A_502 = tpu.memref_slice %dma_start3A_500[%dma_start3A_495, %dma_start3A_501] : memref<16x3968xf32, #tpu.memory_space<vmem>> -> memref<1x3968xf32, #tpu.memory_space<vmem>>
      %dma_start3A_503 = tpu.memref_squeeze %dma_start3A_502 : memref<1x3968xf32, #tpu.memory_space<vmem>> -> memref<3968xf32, #tpu.memory_space<vmem>>
      %dma_start3A_504 = arith.constant 0 : i32
      %dma_start3A_505 = tpu.memref_slice %dma_start3A_503[%dma_start3A_504] : memref<3968xf32, #tpu.memory_space<vmem>> -> memref<128xf32, #tpu.memory_space<vmem>>
      %dma_start3A_506 = arith.constant 16000896 : i32
      %dma_start3A_507 = tpu.memref_slice %arg4[%dma_start3A_506] : memref<16001024xf32, #tpu.memory_space<hbm>> -> memref<128xf32, #tpu.memory_space<hbm>>
      %dma_start3A_508 = tpu.memref_slice %arg8[%dma_start3A_496] : memref<2x!tpu.dma_semaphore, #tpu.memory_space<semaphore_mem>> -> memref<1x!tpu.dma_semaphore, #tpu.memory_space<semaphore_mem>>
      %dma_start3A_509 = tpu.memref_squeeze %dma_start3A_508 : memref<1x!tpu.dma_semaphore, #tpu.memory_space<semaphore_mem>> -> memref<!tpu.dma_semaphore, #tpu.memory_space<semaphore_mem>>
      %dma_start3A_510 = arith.constant 16000896 : i32
      %dma_start3A_511 = tpu.memref_slice %arg4[%dma_start3A_510] : memref<16001024xf32, #tpu.memory_space<hbm>> -> memref<128xf32, #tpu.memory_space<hbm>>
      %dma_start3A_512 = arith.constant 0 : i32
      %dma_start3A_513 = arith.constant 0 : i32
      %dma_start3A_514 = tpu.memref_slice %arg6[%dma_start3A_494, %dma_start3A_512, %dma_start3A_513] : memref<2x16x3968xf32, #tpu.memory_space<vmem>> -> memref<1x16x3968xf32, #tpu.memory_space<vmem>>
      %dma_start3A_515 = tpu.memref_squeeze %dma_start3A_514 : memref<1x16x3968xf32, #tpu.memory_space<vmem>> -> memref<16x3968xf32, #tpu.memory_space<vmem>>
      %dma_start3A_516 = arith.constant 0 : i32
      %dma_start3A_517 = tpu.memref_slice %dma_start3A_515[%dma_start3A_495, %dma_start3A_516] : memref<16x3968xf32, #tpu.memory_space<vmem>> -> memref<1x3968xf32, #tpu.memory_space<vmem>>
      %dma_start3A_518 = tpu.memref_squeeze %dma_start3A_517 : memref<1x3968xf32, #tpu.memory_space<vmem>> -> memref<3968xf32, #tpu.memory_space<vmem>>
      %dma_start3A_519 = arith.constant 0 : i32
      %dma_start3A_520 = tpu.memref_slice %dma_start3A_518[%dma_start3A_519] : memref<3968xf32, #tpu.memory_space<vmem>> -> memref<128xf32, #tpu.memory_space<vmem>>
      tpu.enqueue_dma source(%dma_start3A_520 : memref<128xf32, #tpu.memory_space<vmem>>) target(%dma_start3A_511 : memref<128xf32, #tpu.memory_space<hbm>>) target_semaphore(%dma_start3A_509 : memref<!tpu.dma_semaphore, #tpu.memory_space<semaphore_mem>>)
      %dma_wait3A_521 = arith.constant 0 : i32
      %dma_wait3A_522 = arith.constant 0 : i32
      %dma_wait3A_523 = arith.constant 0 : i32
      %dma_wait3A_524 = arith.constant 0 : i32
      %dma_wait3A_525 = tpu.memref_slice %arg6[%dma_wait3A_521, %dma_wait3A_523, %dma_wait3A_524] : memref<2x16x3968xf32, #tpu.memory_space<vmem>> -> memref<1x16x3968xf32, #tpu.memory_space<vmem>>
      %dma_wait3A_526 = tpu.memref_squeeze %dma_wait3A_525 : memref<1x16x3968xf32, #tpu.memory_space<vmem>> -> memref<16x3968xf32, #tpu.memory_space<vmem>>
      %dma_wait3A_527 = arith.constant 0 : i32
      %dma_wait3A_528 = arith.constant 0 : i32
      %dma_wait3A_529 = tpu.memref_slice %dma_wait3A_526[%dma_wait3A_527, %dma_wait3A_528] : memref<16x3968xf32, #tpu.memory_space<vmem>> -> memref<16x128xf32, #tpu.memory_space<vmem>>
      %dma_wait3A_530 = arith.constant 0 : i32
      %dma_wait3A_531 = tpu.memref_slice %arg2[%dma_wait3A_530, %multiple_of3A_46] : memref<16x1000000xf32, #tpu.memory_space<hbm>> -> memref<16x128xf32, #tpu.memory_space<hbm>>
      %dma_wait3A_532 = tpu.memref_slice %arg8[%dma_wait3A_522] : memref<2x!tpu.dma_semaphore, #tpu.memory_space<semaphore_mem>> -> memref<1x!tpu.dma_semaphore, #tpu.memory_space<semaphore_mem>>
      %dma_wait3A_533 = tpu.memref_squeeze %dma_wait3A_532 : memref<1x!tpu.dma_semaphore, #tpu.memory_space<semaphore_mem>> -> memref<!tpu.dma_semaphore, #tpu.memory_space<semaphore_mem>>
      %dma_wait3A_534 = arith.constant 0 : i32
      %dma_wait3A_535 = arith.constant 0 : i32
      %dma_wait3A_536 = tpu.memref_slice %arg6[%dma_wait3A_521, %dma_wait3A_534, %dma_wait3A_535] : memref<2x16x3968xf32, #tpu.memory_space<vmem>> -> memref<1x16x3968xf32, #tpu.memory_space<vmem>>
      %dma_wait3A_537 = tpu.memref_squeeze %dma_wait3A_536 : memref<1x16x3968xf32, #tpu.memory_space<vmem>> -> memref<16x3968xf32, #tpu.memory_space<vmem>>
      %dma_wait3A_538 = arith.constant 0 : i32
      %dma_wait3A_539 = arith.constant 0 : i32
      %dma_wait3A_540 = tpu.memref_slice %dma_wait3A_537[%dma_wait3A_538, %dma_wait3A_539] : memref<16x3968xf32, #tpu.memory_space<vmem>> -> memref<16x128xf32, #tpu.memory_space<vmem>>
      %dma_wait3A_541 = arith.constant 0 : i32
      %dma_wait3A_542 = tpu.memref_slice %arg2[%dma_wait3A_541, %multiple_of3A_46] : memref<16x1000000xf32, #tpu.memory_space<hbm>> -> memref<16x128xf32, #tpu.memory_space<hbm>>
      tpu.wait_dma2 semaphore(%dma_wait3A_533 : memref<!tpu.dma_semaphore, #tpu.memory_space<semaphore_mem>>) src(%dma_wait3A_542 : memref<16x128xf32, #tpu.memory_space<hbm>>) dst(%dma_wait3A_540 : memref<16x128xf32, #tpu.memory_space<vmem>>)
    } else {
    }
    %add3A_21 = arith.constant 0 : i32
    %add3A_22 = arith.addi %add3A, %add3A_21 : i32
    %lt3A_23 = arith.constant 252 : i32
    %lt3A_24 = arith.cmpi slt, %add3A_22, %lt3A_23 : i32
    %convert_element_type3A_25 = arith.extui %lt3A_24 : i1 to i32
    %cond3A_26 = arith.constant 0 : i32
    %cond3A_27 = arith.cmpi ne, %convert_element_type3A_25, %cond3A_26 : i32
    scf.if %cond3A_27 {
      %add3A_46 = arith.constant 0 : i32
      %add3A_47 = arith.addi %add3A, %add3A_46 : i32
      %mul3A_48 = arith.constant 3968 : i32
      %mul3A_49 = arith.muli %add3A_47, %mul3A_48 : i32
      %multiple_of3A = tpu.assume_multiple %mul3A_49, 3968 : i32
      %dma_start3A = arith.constant 0 : i32
      %dma_start3A_50 = arith.constant 0 : i32
      %dma_start3A_51 = arith.constant 0 : i32
      %dma_start3A_52 = arith.constant 0 : i32
      %dma_start3A_53 = tpu.memref_slice %arg6[%dma_start3A, %dma_start3A_51, %dma_start3A_52] : memref<2x16x3968xf32, #tpu.memory_space<vmem>> -> memref<1x16x3968xf32, #tpu.memory_space<vmem>>
      %dma_start3A_54 = tpu.memref_squeeze %dma_start3A_53 : memref<1x16x3968xf32, #tpu.memory_space<vmem>> -> memref<16x3968xf32, #tpu.memory_space<vmem>>
      %dma_start3A_55 = arith.constant 0 : i32
      %dma_start3A_56 = tpu.memref_slice %arg3[%dma_start3A_55, %multiple_of3A] : memref<16x1000000xf32, #tpu.memory_space<hbm>> -> memref<16x3968xf32, #tpu.memory_space<hbm>>
      %dma_start3A_57 = tpu.memref_slice %arg7[%dma_start3A_50] : memref<2x!tpu.dma_semaphore, #tpu.memory_space<semaphore_mem>> -> memref<1x!tpu.dma_semaphore, #tpu.memory_space<semaphore_mem>>
      %dma_start3A_58 = tpu.memref_squeeze %dma_start3A_57 : memref<1x!tpu.dma_semaphore, #tpu.memory_space<semaphore_mem>> -> memref<!tpu.dma_semaphore, #tpu.memory_space<semaphore_mem>>
      %dma_start3A_59 = arith.constant 0 : i32
      %dma_start3A_60 = arith.constant 0 : i32
      %dma_start3A_61 = tpu.memref_slice %arg6[%dma_start3A, %dma_start3A_59, %dma_start3A_60] : memref<2x16x3968xf32, #tpu.memory_space<vmem>> -> memref<1x16x3968xf32, #tpu.memory_space<vmem>>
      %dma_start3A_62 = tpu.memref_squeeze %dma_start3A_61 : memref<1x16x3968xf32, #tpu.memory_space<vmem>> -> memref<16x3968xf32, #tpu.memory_space<vmem>>
      %dma_start3A_63 = arith.constant 0 : i32
      %dma_start3A_64 = tpu.memref_slice %arg3[%dma_start3A_63, %multiple_of3A] : memref<16x1000000xf32, #tpu.memory_space<hbm>> -> memref<16x3968xf32, #tpu.memory_space<hbm>>
      tpu.enqueue_dma source(%dma_start3A_64 : memref<16x3968xf32, #tpu.memory_space<hbm>>) target(%dma_start3A_62 : memref<16x3968xf32, #tpu.memory_space<vmem>>) target_semaphore(%dma_start3A_58 : memref<!tpu.dma_semaphore, #tpu.memory_space<semaphore_mem>>)
    } else {
    }
    %add3A_28 = arith.constant 32 : i32
    %add3A_29 = arith.addi %add3A, %add3A_28 : i32
    %lt3A_30 = arith.constant 252 : i32
    %lt3A_31 = arith.cmpi slt, %add3A_29, %lt3A_30 : i32
    %convert_element_type3A_32 = arith.extui %lt3A_31 : i1 to i32
    %cond3A_33 = arith.constant 0 : i32
    %cond3A_34 = arith.cmpi ne, %convert_element_type3A_32, %cond3A_33 : i32
    scf.if %cond3A_34 {
      %add3A_46 = arith.constant 32 : i32
      %add3A_47 = arith.addi %add3A, %add3A_46 : i32
      %mul3A_48 = arith.constant 3968 : i32
      %mul3A_49 = arith.muli %add3A_47, %mul3A_48 : i32
      %multiple_of3A = tpu.assume_multiple %mul3A_49, 3968 : i32
      %dma_start3A = arith.constant 1 : i32
      %dma_start3A_50 = arith.constant 1 : i32
      %dma_start3A_51 = arith.constant 0 : i32
      %dma_start3A_52 = arith.constant 0 : i32
      %dma_start3A_53 = tpu.memref_slice %arg6[%dma_start3A, %dma_start3A_51, %dma_start3A_52] : memref<2x16x3968xf32, #tpu.memory_space<vmem>> -> memref<1x16x3968xf32, #tpu.memory_space<vmem>>
      %dma_start3A_54 = tpu.memref_squeeze %dma_start3A_53 : memref<1x16x3968xf32, #tpu.memory_space<vmem>> -> memref<16x3968xf32, #tpu.memory_space<vmem>>
      %dma_start3A_55 = arith.constant 0 : i32
      %dma_start3A_56 = tpu.memref_slice %arg3[%dma_start3A_55, %multiple_of3A] : memref<16x1000000xf32, #tpu.memory_space<hbm>> -> memref<16x3968xf32, #tpu.memory_space<hbm>>
      %dma_start3A_57 = tpu.memref_slice %arg7[%dma_start3A_50] : memref<2x!tpu.dma_semaphore, #tpu.memory_space<semaphore_mem>> -> memref<1x!tpu.dma_semaphore, #tpu.memory_space<semaphore_mem>>
      %dma_start3A_58 = tpu.memref_squeeze %dma_start3A_57 : memref<1x!tpu.dma_semaphore, #tpu.memory_space<semaphore_mem>> -> memref<!tpu.dma_semaphore, #tpu.memory_space<semaphore_mem>>
      %dma_start3A_59 = arith.constant 0 : i32
      %dma_start3A_60 = arith.constant 0 : i32
      %dma_start3A_61 = tpu.memref_slice %arg6[%dma_start3A, %dma_start3A_59, %dma_start3A_60] : memref<2x16x3968xf32, #tpu.memory_space<vmem>> -> memref<1x16x3968xf32, #tpu.memory_space<vmem>>
      %dma_start3A_62 = tpu.memref_squeeze %dma_start3A_61 : memref<1x16x3968xf32, #tpu.memory_space<vmem>> -> memref<16x3968xf32, #tpu.memory_space<vmem>>
      %dma_start3A_63 = arith.constant 0 : i32
      %dma_start3A_64 = tpu.memref_slice %arg3[%dma_start3A_63, %multiple_of3A] : memref<16x1000000xf32, #tpu.memory_space<hbm>> -> memref<16x3968xf32, #tpu.memory_space<hbm>>
      tpu.enqueue_dma source(%dma_start3A_64 : memref<16x3968xf32, #tpu.memory_space<hbm>>) target(%dma_start3A_62 : memref<16x3968xf32, #tpu.memory_space<vmem>>) target_semaphore(%dma_start3A_58 : memref<!tpu.dma_semaphore, #tpu.memory_space<semaphore_mem>>)
    } else {
    }
    %scan3A_35 = arith.constant 0 : i32
    %scan3A_36 = arith.constant 0 : i32
    %scan3A_37 = arith.constant 8 : i32
    %scan3A_38 = arith.addi %scan3A_36, %scan3A_37 : i32
    %scan3A_39 = arith.constant 1 : i32
    scf.for %scan3A_46 = %scan3A_36 to %scan3A_38 step %scan3A_39  : i32 {
      %mul3A_47 = arith.constant 32 : i32
      %mul3A_48 = arith.muli %mul3A_47, %scan3A_46 : i32
      %add3A_49 = arith.addi %add3A, %mul3A_48 : i32
      %rem3A = arith.constant 2 : i32
      %rem3A_50 = arith.remsi %scan3A_46, %rem3A : i32
      %lt3A_51 = arith.constant 252 : i32
      %lt3A_52 = arith.cmpi slt, %add3A_49, %lt3A_51 : i32
      %convert_element_type3A_53 = arith.extui %lt3A_52 : i1 to i32
      %cond3A_54 = arith.constant 0 : i32
      %cond3A_55 = arith.cmpi ne, %convert_element_type3A_53, %cond3A_54 : i32
      scf.if %cond3A_55 {
        %mul3A_56 = arith.constant 3968 : i32
        %mul3A_57 = arith.muli %add3A_49, %mul3A_56 : i32
        %multiple_of3A = tpu.assume_multiple %mul3A_57, 3968 : i32
        %dma_wait3A = arith.constant 0 : i32
        %dma_wait3A_58 = arith.constant 0 : i32
        %dma_wait3A_59 = tpu.memref_slice %arg6[%rem3A_50, %dma_wait3A, %dma_wait3A_58] : memref<2x16x3968xf32, #tpu.memory_space<vmem>> -> memref<1x16x3968xf32, #tpu.memory_space<vmem>>
        %dma_wait3A_60 = tpu.memref_squeeze %dma_wait3A_59 : memref<1x16x3968xf32, #tpu.memory_space<vmem>> -> memref<16x3968xf32, #tpu.memory_space<vmem>>
        %dma_wait3A_61 = arith.constant 0 : i32
        %dma_wait3A_62 = tpu.memref_slice %arg3[%dma_wait3A_61, %multiple_of3A] : memref<16x1000000xf32, #tpu.memory_space<hbm>> -> memref<16x3968xf32, #tpu.memory_space<hbm>>
        %dma_wait3A_63 = tpu.memref_slice %arg7[%rem3A_50] : memref<2x!tpu.dma_semaphore, #tpu.memory_space<semaphore_mem>> -> memref<1x!tpu.dma_semaphore, #tpu.memory_space<semaphore_mem>>
        %dma_wait3A_64 = tpu.memref_squeeze %dma_wait3A_63 : memref<1x!tpu.dma_semaphore, #tpu.memory_space<semaphore_mem>> -> memref<!tpu.dma_semaphore, #tpu.memory_space<semaphore_mem>>
        %dma_wait3A_65 = arith.constant 0 : i32
        %dma_wait3A_66 = arith.constant 0 : i32
        %dma_wait3A_67 = tpu.memref_slice %arg6[%rem3A_50, %dma_wait3A_65, %dma_wait3A_66] : memref<2x16x3968xf32, #tpu.memory_space<vmem>> -> memref<1x16x3968xf32, #tpu.memory_space<vmem>>
        %dma_wait3A_68 = tpu.memref_squeeze %dma_wait3A_67 : memref<1x16x3968xf32, #tpu.memory_space<vmem>> -> memref<16x3968xf32, #tpu.memory_space<vmem>>
        %dma_wait3A_69 = arith.constant 0 : i32
        %dma_wait3A_70 = tpu.memref_slice %arg3[%dma_wait3A_69, %multiple_of3A] : memref<16x1000000xf32, #tpu.memory_space<hbm>> -> memref<16x3968xf32, #tpu.memory_space<hbm>>
        tpu.wait_dma2 semaphore(%dma_wait3A_64 : memref<!tpu.dma_semaphore, #tpu.memory_space<semaphore_mem>>) src(%dma_wait3A_70 : memref<16x3968xf32, #tpu.memory_space<hbm>>) dst(%dma_wait3A_68 : memref<16x3968xf32, #tpu.memory_space<vmem>>)
        %mul3A_71 = arith.constant 3968 : i32
        %mul3A_72 = arith.muli %add3A_49, %mul3A_71 : i32
        %add3A_73 = arith.constant 0 : i32
        %add3A_74 = arith.addi %add3A_73, %mul3A_72 : i32
        %dma_start3A = arith.constant 0 : i32
        %dma_start3A_75 = arith.constant 0 : i32
        %dma_start3A_76 = arith.constant 0 : i32
        %dma_start3A_77 = tpu.memref_slice %arg6[%rem3A_50, %dma_start3A_75, %dma_start3A_76] : memref<2x16x3968xf32, #tpu.memory_space<vmem>> -> memref<1x16x3968xf32, #tpu.memory_space<vmem>>
        %dma_start3A_78 = tpu.memref_squeeze %dma_start3A_77 : memref<1x16x3968xf32, #tpu.memory_space<vmem>> -> memref<16x3968xf32, #tpu.memory_space<vmem>>
        %dma_start3A_79 = arith.constant 0 : i32
        %dma_start3A_80 = tpu.memref_slice %dma_start3A_78[%dma_start3A, %dma_start3A_79] : memref<16x3968xf32, #tpu.memory_space<vmem>> -> memref<1x3968xf32, #tpu.memory_space<vmem>>
        %dma_start3A_81 = tpu.memref_squeeze %dma_start3A_80 : memref<1x3968xf32, #tpu.memory_space<vmem>> -> memref<3968xf32, #tpu.memory_space<vmem>>
        %dma_start3A_82 = tpu.memref_slice %arg5[%add3A_74] : memref<16001024xf32, #tpu.memory_space<hbm>> -> memref<3968xf32, #tpu.memory_space<hbm>>
        %dma_start3A_83 = tpu.memref_slice %arg8[%rem3A_50] : memref<2x!tpu.dma_semaphore, #tpu.memory_space<semaphore_mem>> -> memref<1x!tpu.dma_semaphore, #tpu.memory_space<semaphore_mem>>
        %dma_start3A_84 = tpu.memref_squeeze %dma_start3A_83 : memref<1x!tpu.dma_semaphore, #tpu.memory_space<semaphore_mem>> -> memref<!tpu.dma_semaphore, #tpu.memory_space<semaphore_mem>>
        %dma_start3A_85 = tpu.memref_slice %arg5[%add3A_74] : memref<16001024xf32, #tpu.memory_space<hbm>> -> memref<3968xf32, #tpu.memory_space<hbm>>
        %dma_start3A_86 = arith.constant 0 : i32
        %dma_start3A_87 = arith.constant 0 : i32
        %dma_start3A_88 = tpu.memref_slice %arg6[%rem3A_50, %dma_start3A_86, %dma_start3A_87] : memref<2x16x3968xf32, #tpu.memory_space<vmem>> -> memref<1x16x3968xf32, #tpu.memory_space<vmem>>
        %dma_start3A_89 = tpu.memref_squeeze %dma_start3A_88 : memref<1x16x3968xf32, #tpu.memory_space<vmem>> -> memref<16x3968xf32, #tpu.memory_space<vmem>>
        %dma_start3A_90 = arith.constant 0 : i32
        %dma_start3A_91 = tpu.memref_slice %dma_start3A_89[%dma_start3A, %dma_start3A_90] : memref<16x3968xf32, #tpu.memory_space<vmem>> -> memref<1x3968xf32, #tpu.memory_space<vmem>>
        %dma_start3A_92 = tpu.memref_squeeze %dma_start3A_91 : memref<1x3968xf32, #tpu.memory_space<vmem>> -> memref<3968xf32, #tpu.memory_space<vmem>>
        tpu.enqueue_dma source(%dma_start3A_92 : memref<3968xf32, #tpu.memory_space<vmem>>) target(%dma_start3A_85 : memref<3968xf32, #tpu.memory_space<hbm>>) target_semaphore(%dma_start3A_84 : memref<!tpu.dma_semaphore, #tpu.memory_space<semaphore_mem>>)
        %mul3A_93 = arith.constant 3968 : i32
        %mul3A_94 = arith.muli %add3A_49, %mul3A_93 : i32
        %add3A_95 = arith.constant 1000064 : i32
        %add3A_96 = arith.addi %add3A_95, %mul3A_94 : i32
        %dma_start3A_97 = arith.constant 1 : i32
        %dma_start3A_98 = arith.constant 0 : i32
        %dma_start3A_99 = arith.constant 0 : i32
        %dma_start3A_100 = tpu.memref_slice %arg6[%rem3A_50, %dma_start3A_98, %dma_start3A_99] : memref<2x16x3968xf32, #tpu.memory_space<vmem>> -> memref<1x16x3968xf32, #tpu.memory_space<vmem>>
        %dma_start3A_101 = tpu.memref_squeeze %dma_start3A_100 : memref<1x16x3968xf32, #tpu.memory_space<vmem>> -> memref<16x3968xf32, #tpu.memory_space<vmem>>
        %dma_start3A_102 = arith.constant 0 : i32
        %dma_start3A_103 = tpu.memref_slice %dma_start3A_101[%dma_start3A_97, %dma_start3A_102] : memref<16x3968xf32, #tpu.memory_space<vmem>> -> memref<1x3968xf32, #tpu.memory_space<vmem>>
        %dma_start3A_104 = tpu.memref_squeeze %dma_start3A_103 : memref<1x3968xf32, #tpu.memory_space<vmem>> -> memref<3968xf32, #tpu.memory_space<vmem>>
        %dma_start3A_105 = tpu.memref_slice %arg5[%add3A_96] : memref<16001024xf32, #tpu.memory_space<hbm>> -> memref<3968xf32, #tpu.memory_space<hbm>>
        %dma_start3A_106 = tpu.memref_slice %arg8[%rem3A_50] : memref<2x!tpu.dma_semaphore, #tpu.memory_space<semaphore_mem>> -> memref<1x!tpu.dma_semaphore, #tpu.memory_space<semaphore_mem>>
        %dma_start3A_107 = tpu.memref_squeeze %dma_start3A_106 : memref<1x!tpu.dma_semaphore, #tpu.memory_space<semaphore_mem>> -> memref<!tpu.dma_semaphore, #tpu.memory_space<semaphore_mem>>
        %dma_start3A_108 = tpu.memref_slice %arg5[%add3A_96] : memref<16001024xf32, #tpu.memory_space<hbm>> -> memref<3968xf32, #tpu.memory_space<hbm>>
        %dma_start3A_109 = arith.constant 0 : i32
        %dma_start3A_110 = arith.constant 0 : i32
        %dma_start3A_111 = tpu.memref_slice %arg6[%rem3A_50, %dma_start3A_109, %dma_start3A_110] : memref<2x16x3968xf32, #tpu.memory_space<vmem>> -> memref<1x16x3968xf32, #tpu.memory_space<vmem>>
        %dma_start3A_112 = tpu.memref_squeeze %dma_start3A_111 : memref<1x16x3968xf32, #tpu.memory_space<vmem>> -> memref<16x3968xf32, #tpu.memory_space<vmem>>
        %dma_start3A_113 = arith.constant 0 : i32
        %dma_start3A_114 = tpu.memref_slice %dma_start3A_112[%dma_start3A_97, %dma_start3A_113] : memref<16x3968xf32, #tpu.memory_space<vmem>> -> memref<1x3968xf32, #tpu.memory_space<vmem>>
        %dma_start3A_115 = tpu.memref_squeeze %dma_start3A_114 : memref<1x3968xf32, #tpu.memory_space<vmem>> -> memref<3968xf32, #tpu.memory_space<vmem>>
        tpu.enqueue_dma source(%dma_start3A_115 : memref<3968xf32, #tpu.memory_space<vmem>>) target(%dma_start3A_108 : memref<3968xf32, #tpu.memory_space<hbm>>) target_semaphore(%dma_start3A_107 : memref<!tpu.dma_semaphore, #tpu.memory_space<semaphore_mem>>)
        %mul3A_116 = arith.constant 3968 : i32
        %mul3A_117 = arith.muli %add3A_49, %mul3A_116 : i32
        %add3A_118 = arith.constant 2000128 : i32
        %add3A_119 = arith.addi %add3A_118, %mul3A_117 : i32
        %dma_start3A_120 = arith.constant 2 : i32
        %dma_start3A_121 = arith.constant 0 : i32
        %dma_start3A_122 = arith.constant 0 : i32
        %dma_start3A_123 = tpu.memref_slice %arg6[%rem3A_50, %dma_start3A_121, %dma_start3A_122] : memref<2x16x3968xf32, #tpu.memory_space<vmem>> -> memref<1x16x3968xf32, #tpu.memory_space<vmem>>
        %dma_start3A_124 = tpu.memref_squeeze %dma_start3A_123 : memref<1x16x3968xf32, #tpu.memory_space<vmem>> -> memref<16x3968xf32, #tpu.memory_space<vmem>>
        %dma_start3A_125 = arith.constant 0 : i32
        %dma_start3A_126 = tpu.memref_slice %dma_start3A_124[%dma_start3A_120, %dma_start3A_125] : memref<16x3968xf32, #tpu.memory_space<vmem>> -> memref<1x3968xf32, #tpu.memory_space<vmem>>
        %dma_start3A_127 = tpu.memref_squeeze %dma_start3A_126 : memref<1x3968xf32, #tpu.memory_space<vmem>> -> memref<3968xf32, #tpu.memory_space<vmem>>
        %dma_start3A_128 = tpu.memref_slice %arg5[%add3A_119] : memref<16001024xf32, #tpu.memory_space<hbm>> -> memref<3968xf32, #tpu.memory_space<hbm>>
        %dma_start3A_129 = tpu.memref_slice %arg8[%rem3A_50] : memref<2x!tpu.dma_semaphore, #tpu.memory_space<semaphore_mem>> -> memref<1x!tpu.dma_semaphore, #tpu.memory_space<semaphore_mem>>
        %dma_start3A_130 = tpu.memref_squeeze %dma_start3A_129 : memref<1x!tpu.dma_semaphore, #tpu.memory_space<semaphore_mem>> -> memref<!tpu.dma_semaphore, #tpu.memory_space<semaphore_mem>>
        %dma_start3A_131 = tpu.memref_slice %arg5[%add3A_119] : memref<16001024xf32, #tpu.memory_space<hbm>> -> memref<3968xf32, #tpu.memory_space<hbm>>
        %dma_start3A_132 = arith.constant 0 : i32
        %dma_start3A_133 = arith.constant 0 : i32
        %dma_start3A_134 = tpu.memref_slice %arg6[%rem3A_50, %dma_start3A_132, %dma_start3A_133] : memref<2x16x3968xf32, #tpu.memory_space<vmem>> -> memref<1x16x3968xf32, #tpu.memory_space<vmem>>
        %dma_start3A_135 = tpu.memref_squeeze %dma_start3A_134 : memref<1x16x3968xf32, #tpu.memory_space<vmem>> -> memref<16x3968xf32, #tpu.memory_space<vmem>>
        %dma_start3A_136 = arith.constant 0 : i32
        %dma_start3A_137 = tpu.memref_slice %dma_start3A_135[%dma_start3A_120, %dma_start3A_136] : memref<16x3968xf32, #tpu.memory_space<vmem>> -> memref<1x3968xf32, #tpu.memory_space<vmem>>
        %dma_start3A_138 = tpu.memref_squeeze %dma_start3A_137 : memref<1x3968xf32, #tpu.memory_space<vmem>> -> memref<3968xf32, #tpu.memory_space<vmem>>
        tpu.enqueue_dma source(%dma_start3A_138 : memref<3968xf32, #tpu.memory_space<vmem>>) target(%dma_start3A_131 : memref<3968xf32, #tpu.memory_space<hbm>>) target_semaphore(%dma_start3A_130 : memref<!tpu.dma_semaphore, #tpu.memory_space<semaphore_mem>>)
        %mul3A_139 = arith.constant 3968 : i32
        %mul3A_140 = arith.muli %add3A_49, %mul3A_139 : i32
        %add3A_141 = arith.constant 3000192 : i32
        %add3A_142 = arith.addi %add3A_141, %mul3A_140 : i32
        %dma_start3A_143 = arith.constant 3 : i32
        %dma_start3A_144 = arith.constant 0 : i32
        %dma_start3A_145 = arith.constant 0 : i32
        %dma_start3A_146 = tpu.memref_slice %arg6[%rem3A_50, %dma_start3A_144, %dma_start3A_145] : memref<2x16x3968xf32, #tpu.memory_space<vmem>> -> memref<1x16x3968xf32, #tpu.memory_space<vmem>>
        %dma_start3A_147 = tpu.memref_squeeze %dma_start3A_146 : memref<1x16x3968xf32, #tpu.memory_space<vmem>> -> memref<16x3968xf32, #tpu.memory_space<vmem>>
        %dma_start3A_148 = arith.constant 0 : i32
        %dma_start3A_149 = tpu.memref_slice %dma_start3A_147[%dma_start3A_143, %dma_start3A_148] : memref<16x3968xf32, #tpu.memory_space<vmem>> -> memref<1x3968xf32, #tpu.memory_space<vmem>>
        %dma_start3A_150 = tpu.memref_squeeze %dma_start3A_149 : memref<1x3968xf32, #tpu.memory_space<vmem>> -> memref<3968xf32, #tpu.memory_space<vmem>>
        %dma_start3A_151 = tpu.memref_slice %arg5[%add3A_142] : memref<16001024xf32, #tpu.memory_space<hbm>> -> memref<3968xf32, #tpu.memory_space<hbm>>
        %dma_start3A_152 = tpu.memref_slice %arg8[%rem3A_50] : memref<2x!tpu.dma_semaphore, #tpu.memory_space<semaphore_mem>> -> memref<1x!tpu.dma_semaphore, #tpu.memory_space<semaphore_mem>>
        %dma_start3A_153 = tpu.memref_squeeze %dma_start3A_152 : memref<1x!tpu.dma_semaphore, #tpu.memory_space<semaphore_mem>> -> memref<!tpu.dma_semaphore, #tpu.memory_space<semaphore_mem>>
        %dma_start3A_154 = tpu.memref_slice %arg5[%add3A_142] : memref<16001024xf32, #tpu.memory_space<hbm>> -> memref<3968xf32, #tpu.memory_space<hbm>>
        %dma_start3A_155 = arith.constant 0 : i32
        %dma_start3A_156 = arith.constant 0 : i32
        %dma_start3A_157 = tpu.memref_slice %arg6[%rem3A_50, %dma_start3A_155, %dma_start3A_156] : memref<2x16x3968xf32, #tpu.memory_space<vmem>> -> memref<1x16x3968xf32, #tpu.memory_space<vmem>>
        %dma_start3A_158 = tpu.memref_squeeze %dma_start3A_157 : memref<1x16x3968xf32, #tpu.memory_space<vmem>> -> memref<16x3968xf32, #tpu.memory_space<vmem>>
        %dma_start3A_159 = arith.constant 0 : i32
        %dma_start3A_160 = tpu.memref_slice %dma_start3A_158[%dma_start3A_143, %dma_start3A_159] : memref<16x3968xf32, #tpu.memory_space<vmem>> -> memref<1x3968xf32, #tpu.memory_space<vmem>>
        %dma_start3A_161 = tpu.memref_squeeze %dma_start3A_160 : memref<1x3968xf32, #tpu.memory_space<vmem>> -> memref<3968xf32, #tpu.memory_space<vmem>>
        tpu.enqueue_dma source(%dma_start3A_161 : memref<3968xf32, #tpu.memory_space<vmem>>) target(%dma_start3A_154 : memref<3968xf32, #tpu.memory_space<hbm>>) target_semaphore(%dma_start3A_153 : memref<!tpu.dma_semaphore, #tpu.memory_space<semaphore_mem>>)
        %mul3A_162 = arith.constant 3968 : i32
        %mul3A_163 = arith.muli %add3A_49, %mul3A_162 : i32
        %add3A_164 = arith.constant 4000256 : i32
        %add3A_165 = arith.addi %add3A_164, %mul3A_163 : i32
        %dma_start3A_166 = arith.constant 4 : i32
        %dma_start3A_167 = arith.constant 0 : i32
        %dma_start3A_168 = arith.constant 0 : i32
        %dma_start3A_169 = tpu.memref_slice %arg6[%rem3A_50, %dma_start3A_167, %dma_start3A_168] : memref<2x16x3968xf32, #tpu.memory_space<vmem>> -> memref<1x16x3968xf32, #tpu.memory_space<vmem>>
        %dma_start3A_170 = tpu.memref_squeeze %dma_start3A_169 : memref<1x16x3968xf32, #tpu.memory_space<vmem>> -> memref<16x3968xf32, #tpu.memory_space<vmem>>
        %dma_start3A_171 = arith.constant 0 : i32
        %dma_start3A_172 = tpu.memref_slice %dma_start3A_170[%dma_start3A_166, %dma_start3A_171] : memref<16x3968xf32, #tpu.memory_space<vmem>> -> memref<1x3968xf32, #tpu.memory_space<vmem>>
        %dma_start3A_173 = tpu.memref_squeeze %dma_start3A_172 : memref<1x3968xf32, #tpu.memory_space<vmem>> -> memref<3968xf32, #tpu.memory_space<vmem>>
        %dma_start3A_174 = tpu.memref_slice %arg5[%add3A_165] : memref<16001024xf32, #tpu.memory_space<hbm>> -> memref<3968xf32, #tpu.memory_space<hbm>>
        %dma_start3A_175 = tpu.memref_slice %arg8[%rem3A_50] : memref<2x!tpu.dma_semaphore, #tpu.memory_space<semaphore_mem>> -> memref<1x!tpu.dma_semaphore, #tpu.memory_space<semaphore_mem>>
        %dma_start3A_176 = tpu.memref_squeeze %dma_start3A_175 : memref<1x!tpu.dma_semaphore, #tpu.memory_space<semaphore_mem>> -> memref<!tpu.dma_semaphore, #tpu.memory_space<semaphore_mem>>
        %dma_start3A_177 = tpu.memref_slice %arg5[%add3A_165] : memref<16001024xf32, #tpu.memory_space<hbm>> -> memref<3968xf32, #tpu.memory_space<hbm>>
        %dma_start3A_178 = arith.constant 0 : i32
        %dma_start3A_179 = arith.constant 0 : i32
        %dma_start3A_180 = tpu.memref_slice %arg6[%rem3A_50, %dma_start3A_178, %dma_start3A_179] : memref<2x16x3968xf32, #tpu.memory_space<vmem>> -> memref<1x16x3968xf32, #tpu.memory_space<vmem>>
        %dma_start3A_181 = tpu.memref_squeeze %dma_start3A_180 : memref<1x16x3968xf32, #tpu.memory_space<vmem>> -> memref<16x3968xf32, #tpu.memory_space<vmem>>
        %dma_start3A_182 = arith.constant 0 : i32
        %dma_start3A_183 = tpu.memref_slice %dma_start3A_181[%dma_start3A_166, %dma_start3A_182] : memref<16x3968xf32, #tpu.memory_space<vmem>> -> memref<1x3968xf32, #tpu.memory_space<vmem>>
        %dma_start3A_184 = tpu.memref_squeeze %dma_start3A_183 : memref<1x3968xf32, #tpu.memory_space<vmem>> -> memref<3968xf32, #tpu.memory_space<vmem>>
        tpu.enqueue_dma source(%dma_start3A_184 : memref<3968xf32, #tpu.memory_space<vmem>>) target(%dma_start3A_177 : memref<3968xf32, #tpu.memory_space<hbm>>) target_semaphore(%dma_start3A_176 : memref<!tpu.dma_semaphore, #tpu.memory_space<semaphore_mem>>)
        %mul3A_185 = arith.constant 3968 : i32
        %mul3A_186 = arith.muli %add3A_49, %mul3A_185 : i32
        %add3A_187 = arith.constant 5000320 : i32
        %add3A_188 = arith.addi %add3A_187, %mul3A_186 : i32
        %dma_start3A_189 = arith.constant 5 : i32
        %dma_start3A_190 = arith.constant 0 : i32
        %dma_start3A_191 = arith.constant 0 : i32
        %dma_start3A_192 = tpu.memref_slice %arg6[%rem3A_50, %dma_start3A_190, %dma_start3A_191] : memref<2x16x3968xf32, #tpu.memory_space<vmem>> -> memref<1x16x3968xf32, #tpu.memory_space<vmem>>
        %dma_start3A_193 = tpu.memref_squeeze %dma_start3A_192 : memref<1x16x3968xf32, #tpu.memory_space<vmem>> -> memref<16x3968xf32, #tpu.memory_space<vmem>>
        %dma_start3A_194 = arith.constant 0 : i32
        %dma_start3A_195 = tpu.memref_slice %dma_start3A_193[%dma_start3A_189, %dma_start3A_194] : memref<16x3968xf32, #tpu.memory_space<vmem>> -> memref<1x3968xf32, #tpu.memory_space<vmem>>
        %dma_start3A_196 = tpu.memref_squeeze %dma_start3A_195 : memref<1x3968xf32, #tpu.memory_space<vmem>> -> memref<3968xf32, #tpu.memory_space<vmem>>
        %dma_start3A_197 = tpu.memref_slice %arg5[%add3A_188] : memref<16001024xf32, #tpu.memory_space<hbm>> -> memref<3968xf32, #tpu.memory_space<hbm>>
        %dma_start3A_198 = tpu.memref_slice %arg8[%rem3A_50] : memref<2x!tpu.dma_semaphore, #tpu.memory_space<semaphore_mem>> -> memref<1x!tpu.dma_semaphore, #tpu.memory_space<semaphore_mem>>
        %dma_start3A_199 = tpu.memref_squeeze %dma_start3A_198 : memref<1x!tpu.dma_semaphore, #tpu.memory_space<semaphore_mem>> -> memref<!tpu.dma_semaphore, #tpu.memory_space<semaphore_mem>>
        %dma_start3A_200 = tpu.memref_slice %arg5[%add3A_188] : memref<16001024xf32, #tpu.memory_space<hbm>> -> memref<3968xf32, #tpu.memory_space<hbm>>
        %dma_start3A_201 = arith.constant 0 : i32
        %dma_start3A_202 = arith.constant 0 : i32
        %dma_start3A_203 = tpu.memref_slice %arg6[%rem3A_50, %dma_start3A_201, %dma_start3A_202] : memref<2x16x3968xf32, #tpu.memory_space<vmem>> -> memref<1x16x3968xf32, #tpu.memory_space<vmem>>
        %dma_start3A_204 = tpu.memref_squeeze %dma_start3A_203 : memref<1x16x3968xf32, #tpu.memory_space<vmem>> -> memref<16x3968xf32, #tpu.memory_space<vmem>>
        %dma_start3A_205 = arith.constant 0 : i32
        %dma_start3A_206 = tpu.memref_slice %dma_start3A_204[%dma_start3A_189, %dma_start3A_205] : memref<16x3968xf32, #tpu.memory_space<vmem>> -> memref<1x3968xf32, #tpu.memory_space<vmem>>
        %dma_start3A_207 = tpu.memref_squeeze %dma_start3A_206 : memref<1x3968xf32, #tpu.memory_space<vmem>> -> memref<3968xf32, #tpu.memory_space<vmem>>
        tpu.enqueue_dma source(%dma_start3A_207 : memref<3968xf32, #tpu.memory_space<vmem>>) target(%dma_start3A_200 : memref<3968xf32, #tpu.memory_space<hbm>>) target_semaphore(%dma_start3A_199 : memref<!tpu.dma_semaphore, #tpu.memory_space<semaphore_mem>>)
        %mul3A_208 = arith.constant 3968 : i32
        %mul3A_209 = arith.muli %add3A_49, %mul3A_208 : i32
        %add3A_210 = arith.constant 6000384 : i32
        %add3A_211 = arith.addi %add3A_210, %mul3A_209 : i32
        %dma_start3A_212 = arith.constant 6 : i32
        %dma_start3A_213 = arith.constant 0 : i32
        %dma_start3A_214 = arith.constant 0 : i32
        %dma_start3A_215 = tpu.memref_slice %arg6[%rem3A_50, %dma_start3A_213, %dma_start3A_214] : memref<2x16x3968xf32, #tpu.memory_space<vmem>> -> memref<1x16x3968xf32, #tpu.memory_space<vmem>>
        %dma_start3A_216 = tpu.memref_squeeze %dma_start3A_215 : memref<1x16x3968xf32, #tpu.memory_space<vmem>> -> memref<16x3968xf32, #tpu.memory_space<vmem>>
        %dma_start3A_217 = arith.constant 0 : i32
        %dma_start3A_218 = tpu.memref_slice %dma_start3A_216[%dma_start3A_212, %dma_start3A_217] : memref<16x3968xf32, #tpu.memory_space<vmem>> -> memref<1x3968xf32, #tpu.memory_space<vmem>>
        %dma_start3A_219 = tpu.memref_squeeze %dma_start3A_218 : memref<1x3968xf32, #tpu.memory_space<vmem>> -> memref<3968xf32, #tpu.memory_space<vmem>>
        %dma_start3A_220 = tpu.memref_slice %arg5[%add3A_211] : memref<16001024xf32, #tpu.memory_space<hbm>> -> memref<3968xf32, #tpu.memory_space<hbm>>
        %dma_start3A_221 = tpu.memref_slice %arg8[%rem3A_50] : memref<2x!tpu.dma_semaphore, #tpu.memory_space<semaphore_mem>> -> memref<1x!tpu.dma_semaphore, #tpu.memory_space<semaphore_mem>>
        %dma_start3A_222 = tpu.memref_squeeze %dma_start3A_221 : memref<1x!tpu.dma_semaphore, #tpu.memory_space<semaphore_mem>> -> memref<!tpu.dma_semaphore, #tpu.memory_space<semaphore_mem>>
        %dma_start3A_223 = tpu.memref_slice %arg5[%add3A_211] : memref<16001024xf32, #tpu.memory_space<hbm>> -> memref<3968xf32, #tpu.memory_space<hbm>>
        %dma_start3A_224 = arith.constant 0 : i32
        %dma_start3A_225 = arith.constant 0 : i32
        %dma_start3A_226 = tpu.memref_slice %arg6[%rem3A_50, %dma_start3A_224, %dma_start3A_225] : memref<2x16x3968xf32, #tpu.memory_space<vmem>> -> memref<1x16x3968xf32, #tpu.memory_space<vmem>>
        %dma_start3A_227 = tpu.memref_squeeze %dma_start3A_226 : memref<1x16x3968xf32, #tpu.memory_space<vmem>> -> memref<16x3968xf32, #tpu.memory_space<vmem>>
        %dma_start3A_228 = arith.constant 0 : i32
        %dma_start3A_229 = tpu.memref_slice %dma_start3A_227[%dma_start3A_212, %dma_start3A_228] : memref<16x3968xf32, #tpu.memory_space<vmem>> -> memref<1x3968xf32, #tpu.memory_space<vmem>>
        %dma_start3A_230 = tpu.memref_squeeze %dma_start3A_229 : memref<1x3968xf32, #tpu.memory_space<vmem>> -> memref<3968xf32, #tpu.memory_space<vmem>>
        tpu.enqueue_dma source(%dma_start3A_230 : memref<3968xf32, #tpu.memory_space<vmem>>) target(%dma_start3A_223 : memref<3968xf32, #tpu.memory_space<hbm>>) target_semaphore(%dma_start3A_222 : memref<!tpu.dma_semaphore, #tpu.memory_space<semaphore_mem>>)
        %mul3A_231 = arith.constant 3968 : i32
        %mul3A_232 = arith.muli %add3A_49, %mul3A_231 : i32
        %add3A_233 = arith.constant 7000448 : i32
        %add3A_234 = arith.addi %add3A_233, %mul3A_232 : i32
        %dma_start3A_235 = arith.constant 7 : i32
        %dma_start3A_236 = arith.constant 0 : i32
        %dma_start3A_237 = arith.constant 0 : i32
        %dma_start3A_238 = tpu.memref_slice %arg6[%rem3A_50, %dma_start3A_236, %dma_start3A_237] : memref<2x16x3968xf32, #tpu.memory_space<vmem>> -> memref<1x16x3968xf32, #tpu.memory_space<vmem>>
        %dma_start3A_239 = tpu.memref_squeeze %dma_start3A_238 : memref<1x16x3968xf32, #tpu.memory_space<vmem>> -> memref<16x3968xf32, #tpu.memory_space<vmem>>
        %dma_start3A_240 = arith.constant 0 : i32
        %dma_start3A_241 = tpu.memref_slice %dma_start3A_239[%dma_start3A_235, %dma_start3A_240] : memref<16x3968xf32, #tpu.memory_space<vmem>> -> memref<1x3968xf32, #tpu.memory_space<vmem>>
        %dma_start3A_242 = tpu.memref_squeeze %dma_start3A_241 : memref<1x3968xf32, #tpu.memory_space<vmem>> -> memref<3968xf32, #tpu.memory_space<vmem>>
        %dma_start3A_243 = tpu.memref_slice %arg5[%add3A_234] : memref<16001024xf32, #tpu.memory_space<hbm>> -> memref<3968xf32, #tpu.memory_space<hbm>>
        %dma_start3A_244 = tpu.memref_slice %arg8[%rem3A_50] : memref<2x!tpu.dma_semaphore, #tpu.memory_space<semaphore_mem>> -> memref<1x!tpu.dma_semaphore, #tpu.memory_space<semaphore_mem>>
        %dma_start3A_245 = tpu.memref_squeeze %dma_start3A_244 : memref<1x!tpu.dma_semaphore, #tpu.memory_space<semaphore_mem>> -> memref<!tpu.dma_semaphore, #tpu.memory_space<semaphore_mem>>
        %dma_start3A_246 = tpu.memref_slice %arg5[%add3A_234] : memref<16001024xf32, #tpu.memory_space<hbm>> -> memref<3968xf32, #tpu.memory_space<hbm>>
        %dma_start3A_247 = arith.constant 0 : i32
        %dma_start3A_248 = arith.constant 0 : i32
        %dma_start3A_249 = tpu.memref_slice %arg6[%rem3A_50, %dma_start3A_247, %dma_start3A_248] : memref<2x16x3968xf32, #tpu.memory_space<vmem>> -> memref<1x16x3968xf32, #tpu.memory_space<vmem>>
        %dma_start3A_250 = tpu.memref_squeeze %dma_start3A_249 : memref<1x16x3968xf32, #tpu.memory_space<vmem>> -> memref<16x3968xf32, #tpu.memory_space<vmem>>
        %dma_start3A_251 = arith.constant 0 : i32
        %dma_start3A_252 = tpu.memref_slice %dma_start3A_250[%dma_start3A_235, %dma_start3A_251] : memref<16x3968xf32, #tpu.memory_space<vmem>> -> memref<1x3968xf32, #tpu.memory_space<vmem>>
        %dma_start3A_253 = tpu.memref_squeeze %dma_start3A_252 : memref<1x3968xf32, #tpu.memory_space<vmem>> -> memref<3968xf32, #tpu.memory_space<vmem>>
        tpu.enqueue_dma source(%dma_start3A_253 : memref<3968xf32, #tpu.memory_space<vmem>>) target(%dma_start3A_246 : memref<3968xf32, #tpu.memory_space<hbm>>) target_semaphore(%dma_start3A_245 : memref<!tpu.dma_semaphore, #tpu.memory_space<semaphore_mem>>)
        %mul3A_254 = arith.constant 3968 : i32
        %mul3A_255 = arith.muli %add3A_49, %mul3A_254 : i32
        %add3A_256 = arith.constant 8000512 : i32
        %add3A_257 = arith.addi %add3A_256, %mul3A_255 : i32
        %dma_start3A_258 = arith.constant 8 : i32
        %dma_start3A_259 = arith.constant 0 : i32
        %dma_start3A_260 = arith.constant 0 : i32
        %dma_start3A_261 = tpu.memref_slice %arg6[%rem3A_50, %dma_start3A_259, %dma_start3A_260] : memref<2x16x3968xf32, #tpu.memory_space<vmem>> -> memref<1x16x3968xf32, #tpu.memory_space<vmem>>
        %dma_start3A_262 = tpu.memref_squeeze %dma_start3A_261 : memref<1x16x3968xf32, #tpu.memory_space<vmem>> -> memref<16x3968xf32, #tpu.memory_space<vmem>>
        %dma_start3A_263 = arith.constant 0 : i32
        %dma_start3A_264 = tpu.memref_slice %dma_start3A_262[%dma_start3A_258, %dma_start3A_263] : memref<16x3968xf32, #tpu.memory_space<vmem>> -> memref<1x3968xf32, #tpu.memory_space<vmem>>
        %dma_start3A_265 = tpu.memref_squeeze %dma_start3A_264 : memref<1x3968xf32, #tpu.memory_space<vmem>> -> memref<3968xf32, #tpu.memory_space<vmem>>
        %dma_start3A_266 = tpu.memref_slice %arg5[%add3A_257] : memref<16001024xf32, #tpu.memory_space<hbm>> -> memref<3968xf32, #tpu.memory_space<hbm>>
        %dma_start3A_267 = tpu.memref_slice %arg8[%rem3A_50] : memref<2x!tpu.dma_semaphore, #tpu.memory_space<semaphore_mem>> -> memref<1x!tpu.dma_semaphore, #tpu.memory_space<semaphore_mem>>
        %dma_start3A_268 = tpu.memref_squeeze %dma_start3A_267 : memref<1x!tpu.dma_semaphore, #tpu.memory_space<semaphore_mem>> -> memref<!tpu.dma_semaphore, #tpu.memory_space<semaphore_mem>>
        %dma_start3A_269 = tpu.memref_slice %arg5[%add3A_257] : memref<16001024xf32, #tpu.memory_space<hbm>> -> memref<3968xf32, #tpu.memory_space<hbm>>
        %dma_start3A_270 = arith.constant 0 : i32
        %dma_start3A_271 = arith.constant 0 : i32
        %dma_start3A_272 = tpu.memref_slice %arg6[%rem3A_50, %dma_start3A_270, %dma_start3A_271] : memref<2x16x3968xf32, #tpu.memory_space<vmem>> -> memref<1x16x3968xf32, #tpu.memory_space<vmem>>
        %dma_start3A_273 = tpu.memref_squeeze %dma_start3A_272 : memref<1x16x3968xf32, #tpu.memory_space<vmem>> -> memref<16x3968xf32, #tpu.memory_space<vmem>>
        %dma_start3A_274 = arith.constant 0 : i32
        %dma_start3A_275 = tpu.memref_slice %dma_start3A_273[%dma_start3A_258, %dma_start3A_274] : memref<16x3968xf32, #tpu.memory_space<vmem>> -> memref<1x3968xf32, #tpu.memory_space<vmem>>
        %dma_start3A_276 = tpu.memref_squeeze %dma_start3A_275 : memref<1x3968xf32, #tpu.memory_space<vmem>> -> memref<3968xf32, #tpu.memory_space<vmem>>
        tpu.enqueue_dma source(%dma_start3A_276 : memref<3968xf32, #tpu.memory_space<vmem>>) target(%dma_start3A_269 : memref<3968xf32, #tpu.memory_space<hbm>>) target_semaphore(%dma_start3A_268 : memref<!tpu.dma_semaphore, #tpu.memory_space<semaphore_mem>>)
        %mul3A_277 = arith.constant 3968 : i32
        %mul3A_278 = arith.muli %add3A_49, %mul3A_277 : i32
        %add3A_279 = arith.constant 9000576 : i32
        %add3A_280 = arith.addi %add3A_279, %mul3A_278 : i32
        %dma_start3A_281 = arith.constant 9 : i32
        %dma_start3A_282 = arith.constant 0 : i32
        %dma_start3A_283 = arith.constant 0 : i32
        %dma_start3A_284 = tpu.memref_slice %arg6[%rem3A_50, %dma_start3A_282, %dma_start3A_283] : memref<2x16x3968xf32, #tpu.memory_space<vmem>> -> memref<1x16x3968xf32, #tpu.memory_space<vmem>>
        %dma_start3A_285 = tpu.memref_squeeze %dma_start3A_284 : memref<1x16x3968xf32, #tpu.memory_space<vmem>> -> memref<16x3968xf32, #tpu.memory_space<vmem>>
        %dma_start3A_286 = arith.constant 0 : i32
        %dma_start3A_287 = tpu.memref_slice %dma_start3A_285[%dma_start3A_281, %dma_start3A_286] : memref<16x3968xf32, #tpu.memory_space<vmem>> -> memref<1x3968xf32, #tpu.memory_space<vmem>>
        %dma_start3A_288 = tpu.memref_squeeze %dma_start3A_287 : memref<1x3968xf32, #tpu.memory_space<vmem>> -> memref<3968xf32, #tpu.memory_space<vmem>>
        %dma_start3A_289 = tpu.memref_slice %arg5[%add3A_280] : memref<16001024xf32, #tpu.memory_space<hbm>> -> memref<3968xf32, #tpu.memory_space<hbm>>
        %dma_start3A_290 = tpu.memref_slice %arg8[%rem3A_50] : memref<2x!tpu.dma_semaphore, #tpu.memory_space<semaphore_mem>> -> memref<1x!tpu.dma_semaphore, #tpu.memory_space<semaphore_mem>>
        %dma_start3A_291 = tpu.memref_squeeze %dma_start3A_290 : memref<1x!tpu.dma_semaphore, #tpu.memory_space<semaphore_mem>> -> memref<!tpu.dma_semaphore, #tpu.memory_space<semaphore_mem>>
        %dma_start3A_292 = tpu.memref_slice %arg5[%add3A_280] : memref<16001024xf32, #tpu.memory_space<hbm>> -> memref<3968xf32, #tpu.memory_space<hbm>>
        %dma_start3A_293 = arith.constant 0 : i32
        %dma_start3A_294 = arith.constant 0 : i32
        %dma_start3A_295 = tpu.memref_slice %arg6[%rem3A_50, %dma_start3A_293, %dma_start3A_294] : memref<2x16x3968xf32, #tpu.memory_space<vmem>> -> memref<1x16x3968xf32, #tpu.memory_space<vmem>>
        %dma_start3A_296 = tpu.memref_squeeze %dma_start3A_295 : memref<1x16x3968xf32, #tpu.memory_space<vmem>> -> memref<16x3968xf32, #tpu.memory_space<vmem>>
        %dma_start3A_297 = arith.constant 0 : i32
        %dma_start3A_298 = tpu.memref_slice %dma_start3A_296[%dma_start3A_281, %dma_start3A_297] : memref<16x3968xf32, #tpu.memory_space<vmem>> -> memref<1x3968xf32, #tpu.memory_space<vmem>>
        %dma_start3A_299 = tpu.memref_squeeze %dma_start3A_298 : memref<1x3968xf32, #tpu.memory_space<vmem>> -> memref<3968xf32, #tpu.memory_space<vmem>>
        tpu.enqueue_dma source(%dma_start3A_299 : memref<3968xf32, #tpu.memory_space<vmem>>) target(%dma_start3A_292 : memref<3968xf32, #tpu.memory_space<hbm>>) target_semaphore(%dma_start3A_291 : memref<!tpu.dma_semaphore, #tpu.memory_space<semaphore_mem>>)
        %mul3A_300 = arith.constant 3968 : i32
        %mul3A_301 = arith.muli %add3A_49, %mul3A_300 : i32
        %add3A_302 = arith.constant 10000640 : i32
        %add3A_303 = arith.addi %add3A_302, %mul3A_301 : i32
        %dma_start3A_304 = arith.constant 10 : i32
        %dma_start3A_305 = arith.constant 0 : i32
        %dma_start3A_306 = arith.constant 0 : i32
        %dma_start3A_307 = tpu.memref_slice %arg6[%rem3A_50, %dma_start3A_305, %dma_start3A_306] : memref<2x16x3968xf32, #tpu.memory_space<vmem>> -> memref<1x16x3968xf32, #tpu.memory_space<vmem>>
        %dma_start3A_308 = tpu.memref_squeeze %dma_start3A_307 : memref<1x16x3968xf32, #tpu.memory_space<vmem>> -> memref<16x3968xf32, #tpu.memory_space<vmem>>
        %dma_start3A_309 = arith.constant 0 : i32
        %dma_start3A_310 = tpu.memref_slice %dma_start3A_308[%dma_start3A_304, %dma_start3A_309] : memref<16x3968xf32, #tpu.memory_space<vmem>> -> memref<1x3968xf32, #tpu.memory_space<vmem>>
        %dma_start3A_311 = tpu.memref_squeeze %dma_start3A_310 : memref<1x3968xf32, #tpu.memory_space<vmem>> -> memref<3968xf32, #tpu.memory_space<vmem>>
        %dma_start3A_312 = tpu.memref_slice %arg5[%add3A_303] : memref<16001024xf32, #tpu.memory_space<hbm>> -> memref<3968xf32, #tpu.memory_space<hbm>>
        %dma_start3A_313 = tpu.memref_slice %arg8[%rem3A_50] : memref<2x!tpu.dma_semaphore, #tpu.memory_space<semaphore_mem>> -> memref<1x!tpu.dma_semaphore, #tpu.memory_space<semaphore_mem>>
        %dma_start3A_314 = tpu.memref_squeeze %dma_start3A_313 : memref<1x!tpu.dma_semaphore, #tpu.memory_space<semaphore_mem>> -> memref<!tpu.dma_semaphore, #tpu.memory_space<semaphore_mem>>
        %dma_start3A_315 = tpu.memref_slice %arg5[%add3A_303] : memref<16001024xf32, #tpu.memory_space<hbm>> -> memref<3968xf32, #tpu.memory_space<hbm>>
        %dma_start3A_316 = arith.constant 0 : i32
        %dma_start3A_317 = arith.constant 0 : i32
        %dma_start3A_318 = tpu.memref_slice %arg6[%rem3A_50, %dma_start3A_316, %dma_start3A_317] : memref<2x16x3968xf32, #tpu.memory_space<vmem>> -> memref<1x16x3968xf32, #tpu.memory_space<vmem>>
        %dma_start3A_319 = tpu.memref_squeeze %dma_start3A_318 : memref<1x16x3968xf32, #tpu.memory_space<vmem>> -> memref<16x3968xf32, #tpu.memory_space<vmem>>
        %dma_start3A_320 = arith.constant 0 : i32
        %dma_start3A_321 = tpu.memref_slice %dma_start3A_319[%dma_start3A_304, %dma_start3A_320] : memref<16x3968xf32, #tpu.memory_space<vmem>> -> memref<1x3968xf32, #tpu.memory_space<vmem>>
        %dma_start3A_322 = tpu.memref_squeeze %dma_start3A_321 : memref<1x3968xf32, #tpu.memory_space<vmem>> -> memref<3968xf32, #tpu.memory_space<vmem>>
        tpu.enqueue_dma source(%dma_start3A_322 : memref<3968xf32, #tpu.memory_space<vmem>>) target(%dma_start3A_315 : memref<3968xf32, #tpu.memory_space<hbm>>) target_semaphore(%dma_start3A_314 : memref<!tpu.dma_semaphore, #tpu.memory_space<semaphore_mem>>)
        %mul3A_323 = arith.constant 3968 : i32
        %mul3A_324 = arith.muli %add3A_49, %mul3A_323 : i32
        %add3A_325 = arith.constant 11000704 : i32
        %add3A_326 = arith.addi %add3A_325, %mul3A_324 : i32
        %dma_start3A_327 = arith.constant 11 : i32
        %dma_start3A_328 = arith.constant 0 : i32
        %dma_start3A_329 = arith.constant 0 : i32
        %dma_start3A_330 = tpu.memref_slice %arg6[%rem3A_50, %dma_start3A_328, %dma_start3A_329] : memref<2x16x3968xf32, #tpu.memory_space<vmem>> -> memref<1x16x3968xf32, #tpu.memory_space<vmem>>
        %dma_start3A_331 = tpu.memref_squeeze %dma_start3A_330 : memref<1x16x3968xf32, #tpu.memory_space<vmem>> -> memref<16x3968xf32, #tpu.memory_space<vmem>>
        %dma_start3A_332 = arith.constant 0 : i32
        %dma_start3A_333 = tpu.memref_slice %dma_start3A_331[%dma_start3A_327, %dma_start3A_332] : memref<16x3968xf32, #tpu.memory_space<vmem>> -> memref<1x3968xf32, #tpu.memory_space<vmem>>
        %dma_start3A_334 = tpu.memref_squeeze %dma_start3A_333 : memref<1x3968xf32, #tpu.memory_space<vmem>> -> memref<3968xf32, #tpu.memory_space<vmem>>
        %dma_start3A_335 = tpu.memref_slice %arg5[%add3A_326] : memref<16001024xf32, #tpu.memory_space<hbm>> -> memref<3968xf32, #tpu.memory_space<hbm>>
        %dma_start3A_336 = tpu.memref_slice %arg8[%rem3A_50] : memref<2x!tpu.dma_semaphore, #tpu.memory_space<semaphore_mem>> -> memref<1x!tpu.dma_semaphore, #tpu.memory_space<semaphore_mem>>
        %dma_start3A_337 = tpu.memref_squeeze %dma_start3A_336 : memref<1x!tpu.dma_semaphore, #tpu.memory_space<semaphore_mem>> -> memref<!tpu.dma_semaphore, #tpu.memory_space<semaphore_mem>>
        %dma_start3A_338 = tpu.memref_slice %arg5[%add3A_326] : memref<16001024xf32, #tpu.memory_space<hbm>> -> memref<3968xf32, #tpu.memory_space<hbm>>
        %dma_start3A_339 = arith.constant 0 : i32
        %dma_start3A_340 = arith.constant 0 : i32
        %dma_start3A_341 = tpu.memref_slice %arg6[%rem3A_50, %dma_start3A_339, %dma_start3A_340] : memref<2x16x3968xf32, #tpu.memory_space<vmem>> -> memref<1x16x3968xf32, #tpu.memory_space<vmem>>
        %dma_start3A_342 = tpu.memref_squeeze %dma_start3A_341 : memref<1x16x3968xf32, #tpu.memory_space<vmem>> -> memref<16x3968xf32, #tpu.memory_space<vmem>>
        %dma_start3A_343 = arith.constant 0 : i32
        %dma_start3A_344 = tpu.memref_slice %dma_start3A_342[%dma_start3A_327, %dma_start3A_343] : memref<16x3968xf32, #tpu.memory_space<vmem>> -> memref<1x3968xf32, #tpu.memory_space<vmem>>
        %dma_start3A_345 = tpu.memref_squeeze %dma_start3A_344 : memref<1x3968xf32, #tpu.memory_space<vmem>> -> memref<3968xf32, #tpu.memory_space<vmem>>
        tpu.enqueue_dma source(%dma_start3A_345 : memref<3968xf32, #tpu.memory_space<vmem>>) target(%dma_start3A_338 : memref<3968xf32, #tpu.memory_space<hbm>>) target_semaphore(%dma_start3A_337 : memref<!tpu.dma_semaphore, #tpu.memory_space<semaphore_mem>>)
        %mul3A_346 = arith.constant 3968 : i32
        %mul3A_347 = arith.muli %add3A_49, %mul3A_346 : i32
        %add3A_348 = arith.constant 12000768 : i32
        %add3A_349 = arith.addi %add3A_348, %mul3A_347 : i32
        %dma_start3A_350 = arith.constant 12 : i32
        %dma_start3A_351 = arith.constant 0 : i32
        %dma_start3A_352 = arith.constant 0 : i32
        %dma_start3A_353 = tpu.memref_slice %arg6[%rem3A_50, %dma_start3A_351, %dma_start3A_352] : memref<2x16x3968xf32, #tpu.memory_space<vmem>> -> memref<1x16x3968xf32, #tpu.memory_space<vmem>>
        %dma_start3A_354 = tpu.memref_squeeze %dma_start3A_353 : memref<1x16x3968xf32, #tpu.memory_space<vmem>> -> memref<16x3968xf32, #tpu.memory_space<vmem>>
        %dma_start3A_355 = arith.constant 0 : i32
        %dma_start3A_356 = tpu.memref_slice %dma_start3A_354[%dma_start3A_350, %dma_start3A_355] : memref<16x3968xf32, #tpu.memory_space<vmem>> -> memref<1x3968xf32, #tpu.memory_space<vmem>>
        %dma_start3A_357 = tpu.memref_squeeze %dma_start3A_356 : memref<1x3968xf32, #tpu.memory_space<vmem>> -> memref<3968xf32, #tpu.memory_space<vmem>>
        %dma_start3A_358 = tpu.memref_slice %arg5[%add3A_349] : memref<16001024xf32, #tpu.memory_space<hbm>> -> memref<3968xf32, #tpu.memory_space<hbm>>
        %dma_start3A_359 = tpu.memref_slice %arg8[%rem3A_50] : memref<2x!tpu.dma_semaphore, #tpu.memory_space<semaphore_mem>> -> memref<1x!tpu.dma_semaphore, #tpu.memory_space<semaphore_mem>>
        %dma_start3A_360 = tpu.memref_squeeze %dma_start3A_359 : memref<1x!tpu.dma_semaphore, #tpu.memory_space<semaphore_mem>> -> memref<!tpu.dma_semaphore, #tpu.memory_space<semaphore_mem>>
        %dma_start3A_361 = tpu.memref_slice %arg5[%add3A_349] : memref<16001024xf32, #tpu.memory_space<hbm>> -> memref<3968xf32, #tpu.memory_space<hbm>>
        %dma_start3A_362 = arith.constant 0 : i32
        %dma_start3A_363 = arith.constant 0 : i32
        %dma_start3A_364 = tpu.memref_slice %arg6[%rem3A_50, %dma_start3A_362, %dma_start3A_363] : memref<2x16x3968xf32, #tpu.memory_space<vmem>> -> memref<1x16x3968xf32, #tpu.memory_space<vmem>>
        %dma_start3A_365 = tpu.memref_squeeze %dma_start3A_364 : memref<1x16x3968xf32, #tpu.memory_space<vmem>> -> memref<16x3968xf32, #tpu.memory_space<vmem>>
        %dma_start3A_366 = arith.constant 0 : i32
        %dma_start3A_367 = tpu.memref_slice %dma_start3A_365[%dma_start3A_350, %dma_start3A_366] : memref<16x3968xf32, #tpu.memory_space<vmem>> -> memref<1x3968xf32, #tpu.memory_space<vmem>>
        %dma_start3A_368 = tpu.memref_squeeze %dma_start3A_367 : memref<1x3968xf32, #tpu.memory_space<vmem>> -> memref<3968xf32, #tpu.memory_space<vmem>>
        tpu.enqueue_dma source(%dma_start3A_368 : memref<3968xf32, #tpu.memory_space<vmem>>) target(%dma_start3A_361 : memref<3968xf32, #tpu.memory_space<hbm>>) target_semaphore(%dma_start3A_360 : memref<!tpu.dma_semaphore, #tpu.memory_space<semaphore_mem>>)
        %mul3A_369 = arith.constant 3968 : i32
        %mul3A_370 = arith.muli %add3A_49, %mul3A_369 : i32
        %add3A_371 = arith.constant 13000832 : i32
        %add3A_372 = arith.addi %add3A_371, %mul3A_370 : i32
        %dma_start3A_373 = arith.constant 13 : i32
        %dma_start3A_374 = arith.constant 0 : i32
        %dma_start3A_375 = arith.constant 0 : i32
        %dma_start3A_376 = tpu.memref_slice %arg6[%rem3A_50, %dma_start3A_374, %dma_start3A_375] : memref<2x16x3968xf32, #tpu.memory_space<vmem>> -> memref<1x16x3968xf32, #tpu.memory_space<vmem>>
        %dma_start3A_377 = tpu.memref_squeeze %dma_start3A_376 : memref<1x16x3968xf32, #tpu.memory_space<vmem>> -> memref<16x3968xf32, #tpu.memory_space<vmem>>
        %dma_start3A_378 = arith.constant 0 : i32
        %dma_start3A_379 = tpu.memref_slice %dma_start3A_377[%dma_start3A_373, %dma_start3A_378] : memref<16x3968xf32, #tpu.memory_space<vmem>> -> memref<1x3968xf32, #tpu.memory_space<vmem>>
        %dma_start3A_380 = tpu.memref_squeeze %dma_start3A_379 : memref<1x3968xf32, #tpu.memory_space<vmem>> -> memref<3968xf32, #tpu.memory_space<vmem>>
        %dma_start3A_381 = tpu.memref_slice %arg5[%add3A_372] : memref<16001024xf32, #tpu.memory_space<hbm>> -> memref<3968xf32, #tpu.memory_space<hbm>>
        %dma_start3A_382 = tpu.memref_slice %arg8[%rem3A_50] : memref<2x!tpu.dma_semaphore, #tpu.memory_space<semaphore_mem>> -> memref<1x!tpu.dma_semaphore, #tpu.memory_space<semaphore_mem>>
        %dma_start3A_383 = tpu.memref_squeeze %dma_start3A_382 : memref<1x!tpu.dma_semaphore, #tpu.memory_space<semaphore_mem>> -> memref<!tpu.dma_semaphore, #tpu.memory_space<semaphore_mem>>
        %dma_start3A_384 = tpu.memref_slice %arg5[%add3A_372] : memref<16001024xf32, #tpu.memory_space<hbm>> -> memref<3968xf32, #tpu.memory_space<hbm>>
        %dma_start3A_385 = arith.constant 0 : i32
        %dma_start3A_386 = arith.constant 0 : i32
        %dma_start3A_387 = tpu.memref_slice %arg6[%rem3A_50, %dma_start3A_385, %dma_start3A_386] : memref<2x16x3968xf32, #tpu.memory_space<vmem>> -> memref<1x16x3968xf32, #tpu.memory_space<vmem>>
        %dma_start3A_388 = tpu.memref_squeeze %dma_start3A_387 : memref<1x16x3968xf32, #tpu.memory_space<vmem>> -> memref<16x3968xf32, #tpu.memory_space<vmem>>
        %dma_start3A_389 = arith.constant 0 : i32
        %dma_start3A_390 = tpu.memref_slice %dma_start3A_388[%dma_start3A_373, %dma_start3A_389] : memref<16x3968xf32, #tpu.memory_space<vmem>> -> memref<1x3968xf32, #tpu.memory_space<vmem>>
        %dma_start3A_391 = tpu.memref_squeeze %dma_start3A_390 : memref<1x3968xf32, #tpu.memory_space<vmem>> -> memref<3968xf32, #tpu.memory_space<vmem>>
        tpu.enqueue_dma source(%dma_start3A_391 : memref<3968xf32, #tpu.memory_space<vmem>>) target(%dma_start3A_384 : memref<3968xf32, #tpu.memory_space<hbm>>) target_semaphore(%dma_start3A_383 : memref<!tpu.dma_semaphore, #tpu.memory_space<semaphore_mem>>)
        %mul3A_392 = arith.constant 3968 : i32
        %mul3A_393 = arith.muli %add3A_49, %mul3A_392 : i32
        %add3A_394 = arith.constant 14000896 : i32
        %add3A_395 = arith.addi %add3A_394, %mul3A_393 : i32
        %dma_start3A_396 = arith.constant 14 : i32
        %dma_start3A_397 = arith.constant 0 : i32
        %dma_start3A_398 = arith.constant 0 : i32
        %dma_start3A_399 = tpu.memref_slice %arg6[%rem3A_50, %dma_start3A_397, %dma_start3A_398] : memref<2x16x3968xf32, #tpu.memory_space<vmem>> -> memref<1x16x3968xf32, #tpu.memory_space<vmem>>
        %dma_start3A_400 = tpu.memref_squeeze %dma_start3A_399 : memref<1x16x3968xf32, #tpu.memory_space<vmem>> -> memref<16x3968xf32, #tpu.memory_space<vmem>>
        %dma_start3A_401 = arith.constant 0 : i32
        %dma_start3A_402 = tpu.memref_slice %dma_start3A_400[%dma_start3A_396, %dma_start3A_401] : memref<16x3968xf32, #tpu.memory_space<vmem>> -> memref<1x3968xf32, #tpu.memory_space<vmem>>
        %dma_start3A_403 = tpu.memref_squeeze %dma_start3A_402 : memref<1x3968xf32, #tpu.memory_space<vmem>> -> memref<3968xf32, #tpu.memory_space<vmem>>
        %dma_start3A_404 = tpu.memref_slice %arg5[%add3A_395] : memref<16001024xf32, #tpu.memory_space<hbm>> -> memref<3968xf32, #tpu.memory_space<hbm>>
        %dma_start3A_405 = tpu.memref_slice %arg8[%rem3A_50] : memref<2x!tpu.dma_semaphore, #tpu.memory_space<semaphore_mem>> -> memref<1x!tpu.dma_semaphore, #tpu.memory_space<semaphore_mem>>
        %dma_start3A_406 = tpu.memref_squeeze %dma_start3A_405 : memref<1x!tpu.dma_semaphore, #tpu.memory_space<semaphore_mem>> -> memref<!tpu.dma_semaphore, #tpu.memory_space<semaphore_mem>>
        %dma_start3A_407 = tpu.memref_slice %arg5[%add3A_395] : memref<16001024xf32, #tpu.memory_space<hbm>> -> memref<3968xf32, #tpu.memory_space<hbm>>
        %dma_start3A_408 = arith.constant 0 : i32
        %dma_start3A_409 = arith.constant 0 : i32
        %dma_start3A_410 = tpu.memref_slice %arg6[%rem3A_50, %dma_start3A_408, %dma_start3A_409] : memref<2x16x3968xf32, #tpu.memory_space<vmem>> -> memref<1x16x3968xf32, #tpu.memory_space<vmem>>
        %dma_start3A_411 = tpu.memref_squeeze %dma_start3A_410 : memref<1x16x3968xf32, #tpu.memory_space<vmem>> -> memref<16x3968xf32, #tpu.memory_space<vmem>>
        %dma_start3A_412 = arith.constant 0 : i32
        %dma_start3A_413 = tpu.memref_slice %dma_start3A_411[%dma_start3A_396, %dma_start3A_412] : memref<16x3968xf32, #tpu.memory_space<vmem>> -> memref<1x3968xf32, #tpu.memory_space<vmem>>
        %dma_start3A_414 = tpu.memref_squeeze %dma_start3A_413 : memref<1x3968xf32, #tpu.memory_space<vmem>> -> memref<3968xf32, #tpu.memory_space<vmem>>
        tpu.enqueue_dma source(%dma_start3A_414 : memref<3968xf32, #tpu.memory_space<vmem>>) target(%dma_start3A_407 : memref<3968xf32, #tpu.memory_space<hbm>>) target_semaphore(%dma_start3A_406 : memref<!tpu.dma_semaphore, #tpu.memory_space<semaphore_mem>>)
        %mul3A_415 = arith.constant 3968 : i32
        %mul3A_416 = arith.muli %add3A_49, %mul3A_415 : i32
        %add3A_417 = arith.constant 15000960 : i32
        %add3A_418 = arith.addi %add3A_417, %mul3A_416 : i32
        %dma_start3A_419 = arith.constant 15 : i32
        %dma_start3A_420 = arith.constant 0 : i32
        %dma_start3A_421 = arith.constant 0 : i32
        %dma_start3A_422 = tpu.memref_slice %arg6[%rem3A_50, %dma_start3A_420, %dma_start3A_421] : memref<2x16x3968xf32, #tpu.memory_space<vmem>> -> memref<1x16x3968xf32, #tpu.memory_space<vmem>>
        %dma_start3A_423 = tpu.memref_squeeze %dma_start3A_422 : memref<1x16x3968xf32, #tpu.memory_space<vmem>> -> memref<16x3968xf32, #tpu.memory_space<vmem>>
        %dma_start3A_424 = arith.constant 0 : i32
        %dma_start3A_425 = tpu.memref_slice %dma_start3A_423[%dma_start3A_419, %dma_start3A_424] : memref<16x3968xf32, #tpu.memory_space<vmem>> -> memref<1x3968xf32, #tpu.memory_space<vmem>>
        %dma_start3A_426 = tpu.memref_squeeze %dma_start3A_425 : memref<1x3968xf32, #tpu.memory_space<vmem>> -> memref<3968xf32, #tpu.memory_space<vmem>>
        %dma_start3A_427 = tpu.memref_slice %arg5[%add3A_418] : memref<16001024xf32, #tpu.memory_space<hbm>> -> memref<3968xf32, #tpu.memory_space<hbm>>
        %dma_start3A_428 = tpu.memref_slice %arg8[%rem3A_50] : memref<2x!tpu.dma_semaphore, #tpu.memory_space<semaphore_mem>> -> memref<1x!tpu.dma_semaphore, #tpu.memory_space<semaphore_mem>>
        %dma_start3A_429 = tpu.memref_squeeze %dma_start3A_428 : memref<1x!tpu.dma_semaphore, #tpu.memory_space<semaphore_mem>> -> memref<!tpu.dma_semaphore, #tpu.memory_space<semaphore_mem>>
        %dma_start3A_430 = tpu.memref_slice %arg5[%add3A_418] : memref<16001024xf32, #tpu.memory_space<hbm>> -> memref<3968xf32, #tpu.memory_space<hbm>>
        %dma_start3A_431 = arith.constant 0 : i32
        %dma_start3A_432 = arith.constant 0 : i32
        %dma_start3A_433 = tpu.memref_slice %arg6[%rem3A_50, %dma_start3A_431, %dma_start3A_432] : memref<2x16x3968xf32, #tpu.memory_space<vmem>> -> memref<1x16x3968xf32, #tpu.memory_space<vmem>>
        %dma_start3A_434 = tpu.memref_squeeze %dma_start3A_433 : memref<1x16x3968xf32, #tpu.memory_space<vmem>> -> memref<16x3968xf32, #tpu.memory_space<vmem>>
        %dma_start3A_435 = arith.constant 0 : i32
        %dma_start3A_436 = tpu.memref_slice %dma_start3A_434[%dma_start3A_419, %dma_start3A_435] : memref<16x3968xf32, #tpu.memory_space<vmem>> -> memref<1x3968xf32, #tpu.memory_space<vmem>>
        %dma_start3A_437 = tpu.memref_squeeze %dma_start3A_436 : memref<1x3968xf32, #tpu.memory_space<vmem>> -> memref<3968xf32, #tpu.memory_space<vmem>>
        tpu.enqueue_dma source(%dma_start3A_437 : memref<3968xf32, #tpu.memory_space<vmem>>) target(%dma_start3A_430 : memref<3968xf32, #tpu.memory_space<hbm>>) target_semaphore(%dma_start3A_429 : memref<!tpu.dma_semaphore, #tpu.memory_space<semaphore_mem>>)
        %add3A_438 = arith.constant 64 : i32
        %add3A_439 = arith.addi %add3A_49, %add3A_438 : i32
        %lt3A_440 = arith.constant 252 : i32
        %lt3A_441 = arith.cmpi slt, %add3A_439, %lt3A_440 : i32
        %convert_element_type3A_442 = arith.extui %lt3A_441 : i1 to i32
        %cond3A_443 = arith.constant 0 : i32
        %cond3A_444 = arith.cmpi ne, %convert_element_type3A_442, %cond3A_443 : i32
        scf.if %cond3A_444 {
          %mul3A_462 = arith.constant 3968 : i32
          %mul3A_463 = arith.muli %add3A_439, %mul3A_462 : i32
          %multiple_of3A_464 = tpu.assume_multiple %mul3A_463, 3968 : i32
          %dma_start3A_465 = arith.constant 0 : i32
          %dma_start3A_466 = arith.constant 0 : i32
          %dma_start3A_467 = tpu.memref_slice %arg6[%rem3A_50, %dma_start3A_465, %dma_start3A_466] : memref<2x16x3968xf32, #tpu.memory_space<vmem>> -> memref<1x16x3968xf32, #tpu.memory_space<vmem>>
          %dma_start3A_468 = tpu.memref_squeeze %dma_start3A_467 : memref<1x16x3968xf32, #tpu.memory_space<vmem>> -> memref<16x3968xf32, #tpu.memory_space<vmem>>
          %dma_start3A_469 = arith.constant 0 : i32
          %dma_start3A_470 = tpu.memref_slice %arg3[%dma_start3A_469, %multiple_of3A_464] : memref<16x1000000xf32, #tpu.memory_space<hbm>> -> memref<16x3968xf32, #tpu.memory_space<hbm>>
          %dma_start3A_471 = tpu.memref_slice %arg7[%rem3A_50] : memref<2x!tpu.dma_semaphore, #tpu.memory_space<semaphore_mem>> -> memref<1x!tpu.dma_semaphore, #tpu.memory_space<semaphore_mem>>
          %dma_start3A_472 = tpu.memref_squeeze %dma_start3A_471 : memref<1x!tpu.dma_semaphore, #tpu.memory_space<semaphore_mem>> -> memref<!tpu.dma_semaphore, #tpu.memory_space<semaphore_mem>>
          %dma_start3A_473 = arith.constant 0 : i32
          %dma_start3A_474 = arith.constant 0 : i32
          %dma_start3A_475 = tpu.memref_slice %arg6[%rem3A_50, %dma_start3A_473, %dma_start3A_474] : memref<2x16x3968xf32, #tpu.memory_space<vmem>> -> memref<1x16x3968xf32, #tpu.memory_space<vmem>>
          %dma_start3A_476 = tpu.memref_squeeze %dma_start3A_475 : memref<1x16x3968xf32, #tpu.memory_space<vmem>> -> memref<16x3968xf32, #tpu.memory_space<vmem>>
          %dma_start3A_477 = arith.constant 0 : i32
          %dma_start3A_478 = tpu.memref_slice %arg3[%dma_start3A_477, %multiple_of3A_464] : memref<16x1000000xf32, #tpu.memory_space<hbm>> -> memref<16x3968xf32, #tpu.memory_space<hbm>>
          tpu.enqueue_dma source(%dma_start3A_478 : memref<16x3968xf32, #tpu.memory_space<hbm>>) target(%dma_start3A_476 : memref<16x3968xf32, #tpu.memory_space<vmem>>) target_semaphore(%dma_start3A_472 : memref<!tpu.dma_semaphore, #tpu.memory_space<semaphore_mem>>)
        } else {
        }
        %mul3A_445 = arith.constant 3968 : i32
        %mul3A_446 = arith.muli %add3A_49, %mul3A_445 : i32
        %multiple_of3A_447 = tpu.assume_multiple %mul3A_446, 3968 : i32
        %dma_wait3A_448 = arith.constant 0 : i32
        %dma_wait3A_449 = arith.constant 0 : i32
        %dma_wait3A_450 = tpu.memref_slice %arg6[%rem3A_50, %dma_wait3A_448, %dma_wait3A_449] : memref<2x16x3968xf32, #tpu.memory_space<vmem>> -> memref<1x16x3968xf32, #tpu.memory_space<vmem>>
        %dma_wait3A_451 = tpu.memref_squeeze %dma_wait3A_450 : memref<1x16x3968xf32, #tpu.memory_space<vmem>> -> memref<16x3968xf32, #tpu.memory_space<vmem>>
        %dma_wait3A_452 = arith.constant 0 : i32
        %dma_wait3A_453 = tpu.memref_slice %arg3[%dma_wait3A_452, %multiple_of3A_447] : memref<16x1000000xf32, #tpu.memory_space<hbm>> -> memref<16x3968xf32, #tpu.memory_space<hbm>>
        %dma_wait3A_454 = tpu.memref_slice %arg8[%rem3A_50] : memref<2x!tpu.dma_semaphore, #tpu.memory_space<semaphore_mem>> -> memref<1x!tpu.dma_semaphore, #tpu.memory_space<semaphore_mem>>
        %dma_wait3A_455 = tpu.memref_squeeze %dma_wait3A_454 : memref<1x!tpu.dma_semaphore, #tpu.memory_space<semaphore_mem>> -> memref<!tpu.dma_semaphore, #tpu.memory_space<semaphore_mem>>
        %dma_wait3A_456 = arith.constant 0 : i32
        %dma_wait3A_457 = arith.constant 0 : i32
        %dma_wait3A_458 = tpu.memref_slice %arg6[%rem3A_50, %dma_wait3A_456, %dma_wait3A_457] : memref<2x16x3968xf32, #tpu.memory_space<vmem>> -> memref<1x16x3968xf32, #tpu.memory_space<vmem>>
        %dma_wait3A_459 = tpu.memref_squeeze %dma_wait3A_458 : memref<1x16x3968xf32, #tpu.memory_space<vmem>> -> memref<16x3968xf32, #tpu.memory_space<vmem>>
        %dma_wait3A_460 = arith.constant 0 : i32
        %dma_wait3A_461 = tpu.memref_slice %arg3[%dma_wait3A_460, %multiple_of3A_447] : memref<16x1000000xf32, #tpu.memory_space<hbm>> -> memref<16x3968xf32, #tpu.memory_space<hbm>>
        tpu.wait_dma2 semaphore(%dma_wait3A_455 : memref<!tpu.dma_semaphore, #tpu.memory_space<semaphore_mem>>) src(%dma_wait3A_461 : memref<16x3968xf32, #tpu.memory_space<hbm>>) dst(%dma_wait3A_459 : memref<16x3968xf32, #tpu.memory_space<vmem>>)
      } else {
      }
    }
    %scan3A_40 = arith.constant 8 : i32
    %eq3A_41 = arith.constant 0 : i32
    %eq3A_42 = arith.cmpi eq, %add3A, %eq3A_41 : i32
    %convert_element_type3A_43 = arith.extui %eq3A_42 : i1 to i32
    %cond3A_44 = arith.constant 0 : i32
    %cond3A_45 = arith.cmpi ne, %convert_element_type3A_43, %cond3A_44 : i32
    scf.if %cond3A_45 {
      %multiple_of3A = arith.constant 999936 : i32
      %multiple_of3A_46 = tpu.assume_multiple %multiple_of3A, 128 : i32
      %dma_start3A = arith.constant 0 : i32
      %dma_start3A_47 = arith.constant 0 : i32
      %dma_start3A_48 = arith.constant 0 : i32
      %dma_start3A_49 = arith.constant 0 : i32
      %dma_start3A_50 = tpu.memref_slice %arg6[%dma_start3A, %dma_start3A_48, %dma_start3A_49] : memref<2x16x3968xf32, #tpu.memory_space<vmem>> -> memref<1x16x3968xf32, #tpu.memory_space<vmem>>
      %dma_start3A_51 = tpu.memref_squeeze %dma_start3A_50 : memref<1x16x3968xf32, #tpu.memory_space<vmem>> -> memref<16x3968xf32, #tpu.memory_space<vmem>>
      %dma_start3A_52 = arith.constant 0 : i32
      %dma_start3A_53 = arith.constant 0 : i32
      %dma_start3A_54 = tpu.memref_slice %dma_start3A_51[%dma_start3A_52, %dma_start3A_53] : memref<16x3968xf32, #tpu.memory_space<vmem>> -> memref<16x128xf32, #tpu.memory_space<vmem>>
      %dma_start3A_55 = arith.constant 0 : i32
      %dma_start3A_56 = tpu.memref_slice %arg3[%dma_start3A_55, %multiple_of3A_46] : memref<16x1000000xf32, #tpu.memory_space<hbm>> -> memref<16x128xf32, #tpu.memory_space<hbm>>
      %dma_start3A_57 = tpu.memref_slice %arg7[%dma_start3A_47] : memref<2x!tpu.dma_semaphore, #tpu.memory_space<semaphore_mem>> -> memref<1x!tpu.dma_semaphore, #tpu.memory_space<semaphore_mem>>
      %dma_start3A_58 = tpu.memref_squeeze %dma_start3A_57 : memref<1x!tpu.dma_semaphore, #tpu.memory_space<semaphore_mem>> -> memref<!tpu.dma_semaphore, #tpu.memory_space<semaphore_mem>>
      %dma_start3A_59 = arith.constant 0 : i32
      %dma_start3A_60 = arith.constant 0 : i32
      %dma_start3A_61 = tpu.memref_slice %arg6[%dma_start3A, %dma_start3A_59, %dma_start3A_60] : memref<2x16x3968xf32, #tpu.memory_space<vmem>> -> memref<1x16x3968xf32, #tpu.memory_space<vmem>>
      %dma_start3A_62 = tpu.memref_squeeze %dma_start3A_61 : memref<1x16x3968xf32, #tpu.memory_space<vmem>> -> memref<16x3968xf32, #tpu.memory_space<vmem>>
      %dma_start3A_63 = arith.constant 0 : i32
      %dma_start3A_64 = arith.constant 0 : i32
      %dma_start3A_65 = tpu.memref_slice %dma_start3A_62[%dma_start3A_63, %dma_start3A_64] : memref<16x3968xf32, #tpu.memory_space<vmem>> -> memref<16x128xf32, #tpu.memory_space<vmem>>
      %dma_start3A_66 = arith.constant 0 : i32
      %dma_start3A_67 = tpu.memref_slice %arg3[%dma_start3A_66, %multiple_of3A_46] : memref<16x1000000xf32, #tpu.memory_space<hbm>> -> memref<16x128xf32, #tpu.memory_space<hbm>>
      tpu.enqueue_dma source(%dma_start3A_67 : memref<16x128xf32, #tpu.memory_space<hbm>>) target(%dma_start3A_65 : memref<16x128xf32, #tpu.memory_space<vmem>>) target_semaphore(%dma_start3A_58 : memref<!tpu.dma_semaphore, #tpu.memory_space<semaphore_mem>>)
      %dma_wait3A = arith.constant 0 : i32
      %dma_wait3A_68 = arith.constant 0 : i32
      %dma_wait3A_69 = arith.constant 0 : i32
      %dma_wait3A_70 = arith.constant 0 : i32
      %dma_wait3A_71 = tpu.memref_slice %arg6[%dma_wait3A, %dma_wait3A_69, %dma_wait3A_70] : memref<2x16x3968xf32, #tpu.memory_space<vmem>> -> memref<1x16x3968xf32, #tpu.memory_space<vmem>>
      %dma_wait3A_72 = tpu.memref_squeeze %dma_wait3A_71 : memref<1x16x3968xf32, #tpu.memory_space<vmem>> -> memref<16x3968xf32, #tpu.memory_space<vmem>>
      %dma_wait3A_73 = arith.constant 0 : i32
      %dma_wait3A_74 = arith.constant 0 : i32
      %dma_wait3A_75 = tpu.memref_slice %dma_wait3A_72[%dma_wait3A_73, %dma_wait3A_74] : memref<16x3968xf32, #tpu.memory_space<vmem>> -> memref<16x128xf32, #tpu.memory_space<vmem>>
      %dma_wait3A_76 = arith.constant 0 : i32
      %dma_wait3A_77 = tpu.memref_slice %arg3[%dma_wait3A_76, %multiple_of3A_46] : memref<16x1000000xf32, #tpu.memory_space<hbm>> -> memref<16x128xf32, #tpu.memory_space<hbm>>
      %dma_wait3A_78 = tpu.memref_slice %arg7[%dma_wait3A_68] : memref<2x!tpu.dma_semaphore, #tpu.memory_space<semaphore_mem>> -> memref<1x!tpu.dma_semaphore, #tpu.memory_space<semaphore_mem>>
      %dma_wait3A_79 = tpu.memref_squeeze %dma_wait3A_78 : memref<1x!tpu.dma_semaphore, #tpu.memory_space<semaphore_mem>> -> memref<!tpu.dma_semaphore, #tpu.memory_space<semaphore_mem>>
      %dma_wait3A_80 = arith.constant 0 : i32
      %dma_wait3A_81 = arith.constant 0 : i32
      %dma_wait3A_82 = tpu.memref_slice %arg6[%dma_wait3A, %dma_wait3A_80, %dma_wait3A_81] : memref<2x16x3968xf32, #tpu.memory_space<vmem>> -> memref<1x16x3968xf32, #tpu.memory_space<vmem>>
      %dma_wait3A_83 = tpu.memref_squeeze %dma_wait3A_82 : memref<1x16x3968xf32, #tpu.memory_space<vmem>> -> memref<16x3968xf32, #tpu.memory_space<vmem>>
      %dma_wait3A_84 = arith.constant 0 : i32
      %dma_wait3A_85 = arith.constant 0 : i32
      %dma_wait3A_86 = tpu.memref_slice %dma_wait3A_83[%dma_wait3A_84, %dma_wait3A_85] : memref<16x3968xf32, #tpu.memory_space<vmem>> -> memref<16x128xf32, #tpu.memory_space<vmem>>
      %dma_wait3A_87 = arith.constant 0 : i32
      %dma_wait3A_88 = tpu.memref_slice %arg3[%dma_wait3A_87, %multiple_of3A_46] : memref<16x1000000xf32, #tpu.memory_space<hbm>> -> memref<16x128xf32, #tpu.memory_space<hbm>>
      tpu.wait_dma2 semaphore(%dma_wait3A_79 : memref<!tpu.dma_semaphore, #tpu.memory_space<semaphore_mem>>) src(%dma_wait3A_88 : memref<16x128xf32, #tpu.memory_space<hbm>>) dst(%dma_wait3A_86 : memref<16x128xf32, #tpu.memory_space<vmem>>)
      %dma_start3A_89 = arith.constant 0 : i32
      %dma_start3A_90 = arith.constant 0 : i32
      %dma_start3A_91 = arith.constant 0 : i32
      %dma_start3A_92 = arith.constant 0 : i32
      %dma_start3A_93 = arith.constant 0 : i32
      %dma_start3A_94 = tpu.memref_slice %arg6[%dma_start3A_89, %dma_start3A_92, %dma_start3A_93] : memref<2x16x3968xf32, #tpu.memory_space<vmem>> -> memref<1x16x3968xf32, #tpu.memory_space<vmem>>
      %dma_start3A_95 = tpu.memref_squeeze %dma_start3A_94 : memref<1x16x3968xf32, #tpu.memory_space<vmem>> -> memref<16x3968xf32, #tpu.memory_space<vmem>>
      %dma_start3A_96 = arith.constant 0 : i32
      %dma_start3A_97 = tpu.memref_slice %dma_start3A_95[%dma_start3A_90, %dma_start3A_96] : memref<16x3968xf32, #tpu.memory_space<vmem>> -> memref<1x3968xf32, #tpu.memory_space<vmem>>
      %dma_start3A_98 = tpu.memref_squeeze %dma_start3A_97 : memref<1x3968xf32, #tpu.memory_space<vmem>> -> memref<3968xf32, #tpu.memory_space<vmem>>
      %dma_start3A_99 = arith.constant 0 : i32
      %dma_start3A_100 = tpu.memref_slice %dma_start3A_98[%dma_start3A_99] : memref<3968xf32, #tpu.memory_space<vmem>> -> memref<128xf32, #tpu.memory_space<vmem>>
      %dma_start3A_101 = arith.constant 999936 : i32
      %dma_start3A_102 = tpu.memref_slice %arg5[%dma_start3A_101] : memref<16001024xf32, #tpu.memory_space<hbm>> -> memref<128xf32, #tpu.memory_space<hbm>>
      %dma_start3A_103 = tpu.memref_slice %arg8[%dma_start3A_91] : memref<2x!tpu.dma_semaphore, #tpu.memory_space<semaphore_mem>> -> memref<1x!tpu.dma_semaphore, #tpu.memory_space<semaphore_mem>>
      %dma_start3A_104 = tpu.memref_squeeze %dma_start3A_103 : memref<1x!tpu.dma_semaphore, #tpu.memory_space<semaphore_mem>> -> memref<!tpu.dma_semaphore, #tpu.memory_space<semaphore_mem>>
      %dma_start3A_105 = arith.constant 999936 : i32
      %dma_start3A_106 = tpu.memref_slice %arg5[%dma_start3A_105] : memref<16001024xf32, #tpu.memory_space<hbm>> -> memref<128xf32, #tpu.memory_space<hbm>>
      %dma_start3A_107 = arith.constant 0 : i32
      %dma_start3A_108 = arith.constant 0 : i32
      %dma_start3A_109 = tpu.memref_slice %arg6[%dma_start3A_89, %dma_start3A_107, %dma_start3A_108] : memref<2x16x3968xf32, #tpu.memory_space<vmem>> -> memref<1x16x3968xf32, #tpu.memory_space<vmem>>
      %dma_start3A_110 = tpu.memref_squeeze %dma_start3A_109 : memref<1x16x3968xf32, #tpu.memory_space<vmem>> -> memref<16x3968xf32, #tpu.memory_space<vmem>>
      %dma_start3A_111 = arith.constant 0 : i32
      %dma_start3A_112 = tpu.memref_slice %dma_start3A_110[%dma_start3A_90, %dma_start3A_111] : memref<16x3968xf32, #tpu.memory_space<vmem>> -> memref<1x3968xf32, #tpu.memory_space<vmem>>
      %dma_start3A_113 = tpu.memref_squeeze %dma_start3A_112 : memref<1x3968xf32, #tpu.memory_space<vmem>> -> memref<3968xf32, #tpu.memory_space<vmem>>
      %dma_start3A_114 = arith.constant 0 : i32
      %dma_start3A_115 = tpu.memref_slice %dma_start3A_113[%dma_start3A_114] : memref<3968xf32, #tpu.memory_space<vmem>> -> memref<128xf32, #tpu.memory_space<vmem>>
      tpu.enqueue_dma source(%dma_start3A_115 : memref<128xf32, #tpu.memory_space<vmem>>) target(%dma_start3A_106 : memref<128xf32, #tpu.memory_space<hbm>>) target_semaphore(%dma_start3A_104 : memref<!tpu.dma_semaphore, #tpu.memory_space<semaphore_mem>>)
      %dma_start3A_116 = arith.constant 0 : i32
      %dma_start3A_117 = arith.constant 1 : i32
      %dma_start3A_118 = arith.constant 0 : i32
      %dma_start3A_119 = arith.constant 0 : i32
      %dma_start3A_120 = arith.constant 0 : i32
      %dma_start3A_121 = tpu.memref_slice %arg6[%dma_start3A_116, %dma_start3A_119, %dma_start3A_120] : memref<2x16x3968xf32, #tpu.memory_space<vmem>> -> memref<1x16x3968xf32, #tpu.memory_space<vmem>>
      %dma_start3A_122 = tpu.memref_squeeze %dma_start3A_121 : memref<1x16x3968xf32, #tpu.memory_space<vmem>> -> memref<16x3968xf32, #tpu.memory_space<vmem>>
      %dma_start3A_123 = arith.constant 0 : i32
      %dma_start3A_124 = tpu.memref_slice %dma_start3A_122[%dma_start3A_117, %dma_start3A_123] : memref<16x3968xf32, #tpu.memory_space<vmem>> -> memref<1x3968xf32, #tpu.memory_space<vmem>>
      %dma_start3A_125 = tpu.memref_squeeze %dma_start3A_124 : memref<1x3968xf32, #tpu.memory_space<vmem>> -> memref<3968xf32, #tpu.memory_space<vmem>>
      %dma_start3A_126 = arith.constant 0 : i32
      %dma_start3A_127 = tpu.memref_slice %dma_start3A_125[%dma_start3A_126] : memref<3968xf32, #tpu.memory_space<vmem>> -> memref<128xf32, #tpu.memory_space<vmem>>
      %dma_start3A_128 = arith.constant 2000000 : i32
      %dma_start3A_129 = tpu.memref_slice %arg5[%dma_start3A_128] : memref<16001024xf32, #tpu.memory_space<hbm>> -> memref<128xf32, #tpu.memory_space<hbm>>
      %dma_start3A_130 = tpu.memref_slice %arg8[%dma_start3A_118] : memref<2x!tpu.dma_semaphore, #tpu.memory_space<semaphore_mem>> -> memref<1x!tpu.dma_semaphore, #tpu.memory_space<semaphore_mem>>
      %dma_start3A_131 = tpu.memref_squeeze %dma_start3A_130 : memref<1x!tpu.dma_semaphore, #tpu.memory_space<semaphore_mem>> -> memref<!tpu.dma_semaphore, #tpu.memory_space<semaphore_mem>>
      %dma_start3A_132 = arith.constant 2000000 : i32
      %dma_start3A_133 = tpu.memref_slice %arg5[%dma_start3A_132] : memref<16001024xf32, #tpu.memory_space<hbm>> -> memref<128xf32, #tpu.memory_space<hbm>>
      %dma_start3A_134 = arith.constant 0 : i32
      %dma_start3A_135 = arith.constant 0 : i32
      %dma_start3A_136 = tpu.memref_slice %arg6[%dma_start3A_116, %dma_start3A_134, %dma_start3A_135] : memref<2x16x3968xf32, #tpu.memory_space<vmem>> -> memref<1x16x3968xf32, #tpu.memory_space<vmem>>
      %dma_start3A_137 = tpu.memref_squeeze %dma_start3A_136 : memref<1x16x3968xf32, #tpu.memory_space<vmem>> -> memref<16x3968xf32, #tpu.memory_space<vmem>>
      %dma_start3A_138 = arith.constant 0 : i32
      %dma_start3A_139 = tpu.memref_slice %dma_start3A_137[%dma_start3A_117, %dma_start3A_138] : memref<16x3968xf32, #tpu.memory_space<vmem>> -> memref<1x3968xf32, #tpu.memory_space<vmem>>
      %dma_start3A_140 = tpu.memref_squeeze %dma_start3A_139 : memref<1x3968xf32, #tpu.memory_space<vmem>> -> memref<3968xf32, #tpu.memory_space<vmem>>
      %dma_start3A_141 = arith.constant 0 : i32
      %dma_start3A_142 = tpu.memref_slice %dma_start3A_140[%dma_start3A_141] : memref<3968xf32, #tpu.memory_space<vmem>> -> memref<128xf32, #tpu.memory_space<vmem>>
      tpu.enqueue_dma source(%dma_start3A_142 : memref<128xf32, #tpu.memory_space<vmem>>) target(%dma_start3A_133 : memref<128xf32, #tpu.memory_space<hbm>>) target_semaphore(%dma_start3A_131 : memref<!tpu.dma_semaphore, #tpu.memory_space<semaphore_mem>>)
      %dma_start3A_143 = arith.constant 0 : i32
      %dma_start3A_144 = arith.constant 2 : i32
      %dma_start3A_145 = arith.constant 0 : i32
      %dma_start3A_146 = arith.constant 0 : i32
      %dma_start3A_147 = arith.constant 0 : i32
      %dma_start3A_148 = tpu.memref_slice %arg6[%dma_start3A_143, %dma_start3A_146, %dma_start3A_147] : memref<2x16x3968xf32, #tpu.memory_space<vmem>> -> memref<1x16x3968xf32, #tpu.memory_space<vmem>>
      %dma_start3A_149 = tpu.memref_squeeze %dma_start3A_148 : memref<1x16x3968xf32, #tpu.memory_space<vmem>> -> memref<16x3968xf32, #tpu.memory_space<vmem>>
      %dma_start3A_150 = arith.constant 0 : i32
      %dma_start3A_151 = tpu.memref_slice %dma_start3A_149[%dma_start3A_144, %dma_start3A_150] : memref<16x3968xf32, #tpu.memory_space<vmem>> -> memref<1x3968xf32, #tpu.memory_space<vmem>>
      %dma_start3A_152 = tpu.memref_squeeze %dma_start3A_151 : memref<1x3968xf32, #tpu.memory_space<vmem>> -> memref<3968xf32, #tpu.memory_space<vmem>>
      %dma_start3A_153 = arith.constant 0 : i32
      %dma_start3A_154 = tpu.memref_slice %dma_start3A_152[%dma_start3A_153] : memref<3968xf32, #tpu.memory_space<vmem>> -> memref<128xf32, #tpu.memory_space<vmem>>
      %dma_start3A_155 = arith.constant 3000064 : i32
      %dma_start3A_156 = tpu.memref_slice %arg5[%dma_start3A_155] : memref<16001024xf32, #tpu.memory_space<hbm>> -> memref<128xf32, #tpu.memory_space<hbm>>
      %dma_start3A_157 = tpu.memref_slice %arg8[%dma_start3A_145] : memref<2x!tpu.dma_semaphore, #tpu.memory_space<semaphore_mem>> -> memref<1x!tpu.dma_semaphore, #tpu.memory_space<semaphore_mem>>
      %dma_start3A_158 = tpu.memref_squeeze %dma_start3A_157 : memref<1x!tpu.dma_semaphore, #tpu.memory_space<semaphore_mem>> -> memref<!tpu.dma_semaphore, #tpu.memory_space<semaphore_mem>>
      %dma_start3A_159 = arith.constant 3000064 : i32
      %dma_start3A_160 = tpu.memref_slice %arg5[%dma_start3A_159] : memref<16001024xf32, #tpu.memory_space<hbm>> -> memref<128xf32, #tpu.memory_space<hbm>>
      %dma_start3A_161 = arith.constant 0 : i32
      %dma_start3A_162 = arith.constant 0 : i32
      %dma_start3A_163 = tpu.memref_slice %arg6[%dma_start3A_143, %dma_start3A_161, %dma_start3A_162] : memref<2x16x3968xf32, #tpu.memory_space<vmem>> -> memref<1x16x3968xf32, #tpu.memory_space<vmem>>
      %dma_start3A_164 = tpu.memref_squeeze %dma_start3A_163 : memref<1x16x3968xf32, #tpu.memory_space<vmem>> -> memref<16x3968xf32, #tpu.memory_space<vmem>>
      %dma_start3A_165 = arith.constant 0 : i32
      %dma_start3A_166 = tpu.memref_slice %dma_start3A_164[%dma_start3A_144, %dma_start3A_165] : memref<16x3968xf32, #tpu.memory_space<vmem>> -> memref<1x3968xf32, #tpu.memory_space<vmem>>
      %dma_start3A_167 = tpu.memref_squeeze %dma_start3A_166 : memref<1x3968xf32, #tpu.memory_space<vmem>> -> memref<3968xf32, #tpu.memory_space<vmem>>
      %dma_start3A_168 = arith.constant 0 : i32
      %dma_start3A_169 = tpu.memref_slice %dma_start3A_167[%dma_start3A_168] : memref<3968xf32, #tpu.memory_space<vmem>> -> memref<128xf32, #tpu.memory_space<vmem>>
      tpu.enqueue_dma source(%dma_start3A_169 : memref<128xf32, #tpu.memory_space<vmem>>) target(%dma_start3A_160 : memref<128xf32, #tpu.memory_space<hbm>>) target_semaphore(%dma_start3A_158 : memref<!tpu.dma_semaphore, #tpu.memory_space<semaphore_mem>>)
      %dma_start3A_170 = arith.constant 0 : i32
      %dma_start3A_171 = arith.constant 3 : i32
      %dma_start3A_172 = arith.constant 0 : i32
      %dma_start3A_173 = arith.constant 0 : i32
      %dma_start3A_174 = arith.constant 0 : i32
      %dma_start3A_175 = tpu.memref_slice %arg6[%dma_start3A_170, %dma_start3A_173, %dma_start3A_174] : memref<2x16x3968xf32, #tpu.memory_space<vmem>> -> memref<1x16x3968xf32, #tpu.memory_space<vmem>>
      %dma_start3A_176 = tpu.memref_squeeze %dma_start3A_175 : memref<1x16x3968xf32, #tpu.memory_space<vmem>> -> memref<16x3968xf32, #tpu.memory_space<vmem>>
      %dma_start3A_177 = arith.constant 0 : i32
      %dma_start3A_178 = tpu.memref_slice %dma_start3A_176[%dma_start3A_171, %dma_start3A_177] : memref<16x3968xf32, #tpu.memory_space<vmem>> -> memref<1x3968xf32, #tpu.memory_space<vmem>>
      %dma_start3A_179 = tpu.memref_squeeze %dma_start3A_178 : memref<1x3968xf32, #tpu.memory_space<vmem>> -> memref<3968xf32, #tpu.memory_space<vmem>>
      %dma_start3A_180 = arith.constant 0 : i32
      %dma_start3A_181 = tpu.memref_slice %dma_start3A_179[%dma_start3A_180] : memref<3968xf32, #tpu.memory_space<vmem>> -> memref<128xf32, #tpu.memory_space<vmem>>
      %dma_start3A_182 = arith.constant 4000128 : i32
      %dma_start3A_183 = tpu.memref_slice %arg5[%dma_start3A_182] : memref<16001024xf32, #tpu.memory_space<hbm>> -> memref<128xf32, #tpu.memory_space<hbm>>
      %dma_start3A_184 = tpu.memref_slice %arg8[%dma_start3A_172] : memref<2x!tpu.dma_semaphore, #tpu.memory_space<semaphore_mem>> -> memref<1x!tpu.dma_semaphore, #tpu.memory_space<semaphore_mem>>
      %dma_start3A_185 = tpu.memref_squeeze %dma_start3A_184 : memref<1x!tpu.dma_semaphore, #tpu.memory_space<semaphore_mem>> -> memref<!tpu.dma_semaphore, #tpu.memory_space<semaphore_mem>>
      %dma_start3A_186 = arith.constant 4000128 : i32
      %dma_start3A_187 = tpu.memref_slice %arg5[%dma_start3A_186] : memref<16001024xf32, #tpu.memory_space<hbm>> -> memref<128xf32, #tpu.memory_space<hbm>>
      %dma_start3A_188 = arith.constant 0 : i32
      %dma_start3A_189 = arith.constant 0 : i32
      %dma_start3A_190 = tpu.memref_slice %arg6[%dma_start3A_170, %dma_start3A_188, %dma_start3A_189] : memref<2x16x3968xf32, #tpu.memory_space<vmem>> -> memref<1x16x3968xf32, #tpu.memory_space<vmem>>
      %dma_start3A_191 = tpu.memref_squeeze %dma_start3A_190 : memref<1x16x3968xf32, #tpu.memory_space<vmem>> -> memref<16x3968xf32, #tpu.memory_space<vmem>>
      %dma_start3A_192 = arith.constant 0 : i32
      %dma_start3A_193 = tpu.memref_slice %dma_start3A_191[%dma_start3A_171, %dma_start3A_192] : memref<16x3968xf32, #tpu.memory_space<vmem>> -> memref<1x3968xf32, #tpu.memory_space<vmem>>
      %dma_start3A_194 = tpu.memref_squeeze %dma_start3A_193 : memref<1x3968xf32, #tpu.memory_space<vmem>> -> memref<3968xf32, #tpu.memory_space<vmem>>
      %dma_start3A_195 = arith.constant 0 : i32
      %dma_start3A_196 = tpu.memref_slice %dma_start3A_194[%dma_start3A_195] : memref<3968xf32, #tpu.memory_space<vmem>> -> memref<128xf32, #tpu.memory_space<vmem>>
      tpu.enqueue_dma source(%dma_start3A_196 : memref<128xf32, #tpu.memory_space<vmem>>) target(%dma_start3A_187 : memref<128xf32, #tpu.memory_space<hbm>>) target_semaphore(%dma_start3A_185 : memref<!tpu.dma_semaphore, #tpu.memory_space<semaphore_mem>>)
      %dma_start3A_197 = arith.constant 0 : i32
      %dma_start3A_198 = arith.constant 4 : i32
      %dma_start3A_199 = arith.constant 0 : i32
      %dma_start3A_200 = arith.constant 0 : i32
      %dma_start3A_201 = arith.constant 0 : i32
      %dma_start3A_202 = tpu.memref_slice %arg6[%dma_start3A_197, %dma_start3A_200, %dma_start3A_201] : memref<2x16x3968xf32, #tpu.memory_space<vmem>> -> memref<1x16x3968xf32, #tpu.memory_space<vmem>>
      %dma_start3A_203 = tpu.memref_squeeze %dma_start3A_202 : memref<1x16x3968xf32, #tpu.memory_space<vmem>> -> memref<16x3968xf32, #tpu.memory_space<vmem>>
      %dma_start3A_204 = arith.constant 0 : i32
      %dma_start3A_205 = tpu.memref_slice %dma_start3A_203[%dma_start3A_198, %dma_start3A_204] : memref<16x3968xf32, #tpu.memory_space<vmem>> -> memref<1x3968xf32, #tpu.memory_space<vmem>>
      %dma_start3A_206 = tpu.memref_squeeze %dma_start3A_205 : memref<1x3968xf32, #tpu.memory_space<vmem>> -> memref<3968xf32, #tpu.memory_space<vmem>>
      %dma_start3A_207 = arith.constant 0 : i32
      %dma_start3A_208 = tpu.memref_slice %dma_start3A_206[%dma_start3A_207] : memref<3968xf32, #tpu.memory_space<vmem>> -> memref<128xf32, #tpu.memory_space<vmem>>
      %dma_start3A_209 = arith.constant 5000192 : i32
      %dma_start3A_210 = tpu.memref_slice %arg5[%dma_start3A_209] : memref<16001024xf32, #tpu.memory_space<hbm>> -> memref<128xf32, #tpu.memory_space<hbm>>
      %dma_start3A_211 = tpu.memref_slice %arg8[%dma_start3A_199] : memref<2x!tpu.dma_semaphore, #tpu.memory_space<semaphore_mem>> -> memref<1x!tpu.dma_semaphore, #tpu.memory_space<semaphore_mem>>
      %dma_start3A_212 = tpu.memref_squeeze %dma_start3A_211 : memref<1x!tpu.dma_semaphore, #tpu.memory_space<semaphore_mem>> -> memref<!tpu.dma_semaphore, #tpu.memory_space<semaphore_mem>>
      %dma_start3A_213 = arith.constant 5000192 : i32
      %dma_start3A_214 = tpu.memref_slice %arg5[%dma_start3A_213] : memref<16001024xf32, #tpu.memory_space<hbm>> -> memref<128xf32, #tpu.memory_space<hbm>>
      %dma_start3A_215 = arith.constant 0 : i32
      %dma_start3A_216 = arith.constant 0 : i32
      %dma_start3A_217 = tpu.memref_slice %arg6[%dma_start3A_197, %dma_start3A_215, %dma_start3A_216] : memref<2x16x3968xf32, #tpu.memory_space<vmem>> -> memref<1x16x3968xf32, #tpu.memory_space<vmem>>
      %dma_start3A_218 = tpu.memref_squeeze %dma_start3A_217 : memref<1x16x3968xf32, #tpu.memory_space<vmem>> -> memref<16x3968xf32, #tpu.memory_space<vmem>>
      %dma_start3A_219 = arith.constant 0 : i32
      %dma_start3A_220 = tpu.memref_slice %dma_start3A_218[%dma_start3A_198, %dma_start3A_219] : memref<16x3968xf32, #tpu.memory_space<vmem>> -> memref<1x3968xf32, #tpu.memory_space<vmem>>
      %dma_start3A_221 = tpu.memref_squeeze %dma_start3A_220 : memref<1x3968xf32, #tpu.memory_space<vmem>> -> memref<3968xf32, #tpu.memory_space<vmem>>
      %dma_start3A_222 = arith.constant 0 : i32
      %dma_start3A_223 = tpu.memref_slice %dma_start3A_221[%dma_start3A_222] : memref<3968xf32, #tpu.memory_space<vmem>> -> memref<128xf32, #tpu.memory_space<vmem>>
      tpu.enqueue_dma source(%dma_start3A_223 : memref<128xf32, #tpu.memory_space<vmem>>) target(%dma_start3A_214 : memref<128xf32, #tpu.memory_space<hbm>>) target_semaphore(%dma_start3A_212 : memref<!tpu.dma_semaphore, #tpu.memory_space<semaphore_mem>>)
      %dma_start3A_224 = arith.constant 0 : i32
      %dma_start3A_225 = arith.constant 5 : i32
      %dma_start3A_226 = arith.constant 0 : i32
      %dma_start3A_227 = arith.constant 0 : i32
      %dma_start3A_228 = arith.constant 0 : i32
      %dma_start3A_229 = tpu.memref_slice %arg6[%dma_start3A_224, %dma_start3A_227, %dma_start3A_228] : memref<2x16x3968xf32, #tpu.memory_space<vmem>> -> memref<1x16x3968xf32, #tpu.memory_space<vmem>>
      %dma_start3A_230 = tpu.memref_squeeze %dma_start3A_229 : memref<1x16x3968xf32, #tpu.memory_space<vmem>> -> memref<16x3968xf32, #tpu.memory_space<vmem>>
      %dma_start3A_231 = arith.constant 0 : i32
      %dma_start3A_232 = tpu.memref_slice %dma_start3A_230[%dma_start3A_225, %dma_start3A_231] : memref<16x3968xf32, #tpu.memory_space<vmem>> -> memref<1x3968xf32, #tpu.memory_space<vmem>>
      %dma_start3A_233 = tpu.memref_squeeze %dma_start3A_232 : memref<1x3968xf32, #tpu.memory_space<vmem>> -> memref<3968xf32, #tpu.memory_space<vmem>>
      %dma_start3A_234 = arith.constant 0 : i32
      %dma_start3A_235 = tpu.memref_slice %dma_start3A_233[%dma_start3A_234] : memref<3968xf32, #tpu.memory_space<vmem>> -> memref<128xf32, #tpu.memory_space<vmem>>
      %dma_start3A_236 = arith.constant 6000256 : i32
      %dma_start3A_237 = tpu.memref_slice %arg5[%dma_start3A_236] : memref<16001024xf32, #tpu.memory_space<hbm>> -> memref<128xf32, #tpu.memory_space<hbm>>
      %dma_start3A_238 = tpu.memref_slice %arg8[%dma_start3A_226] : memref<2x!tpu.dma_semaphore, #tpu.memory_space<semaphore_mem>> -> memref<1x!tpu.dma_semaphore, #tpu.memory_space<semaphore_mem>>
      %dma_start3A_239 = tpu.memref_squeeze %dma_start3A_238 : memref<1x!tpu.dma_semaphore, #tpu.memory_space<semaphore_mem>> -> memref<!tpu.dma_semaphore, #tpu.memory_space<semaphore_mem>>
      %dma_start3A_240 = arith.constant 6000256 : i32
      %dma_start3A_241 = tpu.memref_slice %arg5[%dma_start3A_240] : memref<16001024xf32, #tpu.memory_space<hbm>> -> memref<128xf32, #tpu.memory_space<hbm>>
      %dma_start3A_242 = arith.constant 0 : i32
      %dma_start3A_243 = arith.constant 0 : i32
      %dma_start3A_244 = tpu.memref_slice %arg6[%dma_start3A_224, %dma_start3A_242, %dma_start3A_243] : memref<2x16x3968xf32, #tpu.memory_space<vmem>> -> memref<1x16x3968xf32, #tpu.memory_space<vmem>>
      %dma_start3A_245 = tpu.memref_squeeze %dma_start3A_244 : memref<1x16x3968xf32, #tpu.memory_space<vmem>> -> memref<16x3968xf32, #tpu.memory_space<vmem>>
      %dma_start3A_246 = arith.constant 0 : i32
      %dma_start3A_247 = tpu.memref_slice %dma_start3A_245[%dma_start3A_225, %dma_start3A_246] : memref<16x3968xf32, #tpu.memory_space<vmem>> -> memref<1x3968xf32, #tpu.memory_space<vmem>>
      %dma_start3A_248 = tpu.memref_squeeze %dma_start3A_247 : memref<1x3968xf32, #tpu.memory_space<vmem>> -> memref<3968xf32, #tpu.memory_space<vmem>>
      %dma_start3A_249 = arith.constant 0 : i32
      %dma_start3A_250 = tpu.memref_slice %dma_start3A_248[%dma_start3A_249] : memref<3968xf32, #tpu.memory_space<vmem>> -> memref<128xf32, #tpu.memory_space<vmem>>
      tpu.enqueue_dma source(%dma_start3A_250 : memref<128xf32, #tpu.memory_space<vmem>>) target(%dma_start3A_241 : memref<128xf32, #tpu.memory_space<hbm>>) target_semaphore(%dma_start3A_239 : memref<!tpu.dma_semaphore, #tpu.memory_space<semaphore_mem>>)
      %dma_start3A_251 = arith.constant 0 : i32
      %dma_start3A_252 = arith.constant 6 : i32
      %dma_start3A_253 = arith.constant 0 : i32
      %dma_start3A_254 = arith.constant 0 : i32
      %dma_start3A_255 = arith.constant 0 : i32
      %dma_start3A_256 = tpu.memref_slice %arg6[%dma_start3A_251, %dma_start3A_254, %dma_start3A_255] : memref<2x16x3968xf32, #tpu.memory_space<vmem>> -> memref<1x16x3968xf32, #tpu.memory_space<vmem>>
      %dma_start3A_257 = tpu.memref_squeeze %dma_start3A_256 : memref<1x16x3968xf32, #tpu.memory_space<vmem>> -> memref<16x3968xf32, #tpu.memory_space<vmem>>
      %dma_start3A_258 = arith.constant 0 : i32
      %dma_start3A_259 = tpu.memref_slice %dma_start3A_257[%dma_start3A_252, %dma_start3A_258] : memref<16x3968xf32, #tpu.memory_space<vmem>> -> memref<1x3968xf32, #tpu.memory_space<vmem>>
      %dma_start3A_260 = tpu.memref_squeeze %dma_start3A_259 : memref<1x3968xf32, #tpu.memory_space<vmem>> -> memref<3968xf32, #tpu.memory_space<vmem>>
      %dma_start3A_261 = arith.constant 0 : i32
      %dma_start3A_262 = tpu.memref_slice %dma_start3A_260[%dma_start3A_261] : memref<3968xf32, #tpu.memory_space<vmem>> -> memref<128xf32, #tpu.memory_space<vmem>>
      %dma_start3A_263 = arith.constant 7000320 : i32
      %dma_start3A_264 = tpu.memref_slice %arg5[%dma_start3A_263] : memref<16001024xf32, #tpu.memory_space<hbm>> -> memref<128xf32, #tpu.memory_space<hbm>>
      %dma_start3A_265 = tpu.memref_slice %arg8[%dma_start3A_253] : memref<2x!tpu.dma_semaphore, #tpu.memory_space<semaphore_mem>> -> memref<1x!tpu.dma_semaphore, #tpu.memory_space<semaphore_mem>>
      %dma_start3A_266 = tpu.memref_squeeze %dma_start3A_265 : memref<1x!tpu.dma_semaphore, #tpu.memory_space<semaphore_mem>> -> memref<!tpu.dma_semaphore, #tpu.memory_space<semaphore_mem>>
      %dma_start3A_267 = arith.constant 7000320 : i32
      %dma_start3A_268 = tpu.memref_slice %arg5[%dma_start3A_267] : memref<16001024xf32, #tpu.memory_space<hbm>> -> memref<128xf32, #tpu.memory_space<hbm>>
      %dma_start3A_269 = arith.constant 0 : i32
      %dma_start3A_270 = arith.constant 0 : i32
      %dma_start3A_271 = tpu.memref_slice %arg6[%dma_start3A_251, %dma_start3A_269, %dma_start3A_270] : memref<2x16x3968xf32, #tpu.memory_space<vmem>> -> memref<1x16x3968xf32, #tpu.memory_space<vmem>>
      %dma_start3A_272 = tpu.memref_squeeze %dma_start3A_271 : memref<1x16x3968xf32, #tpu.memory_space<vmem>> -> memref<16x3968xf32, #tpu.memory_space<vmem>>
      %dma_start3A_273 = arith.constant 0 : i32
      %dma_start3A_274 = tpu.memref_slice %dma_start3A_272[%dma_start3A_252, %dma_start3A_273] : memref<16x3968xf32, #tpu.memory_space<vmem>> -> memref<1x3968xf32, #tpu.memory_space<vmem>>
      %dma_start3A_275 = tpu.memref_squeeze %dma_start3A_274 : memref<1x3968xf32, #tpu.memory_space<vmem>> -> memref<3968xf32, #tpu.memory_space<vmem>>
      %dma_start3A_276 = arith.constant 0 : i32
      %dma_start3A_277 = tpu.memref_slice %dma_start3A_275[%dma_start3A_276] : memref<3968xf32, #tpu.memory_space<vmem>> -> memref<128xf32, #tpu.memory_space<vmem>>
      tpu.enqueue_dma source(%dma_start3A_277 : memref<128xf32, #tpu.memory_space<vmem>>) target(%dma_start3A_268 : memref<128xf32, #tpu.memory_space<hbm>>) target_semaphore(%dma_start3A_266 : memref<!tpu.dma_semaphore, #tpu.memory_space<semaphore_mem>>)
      %dma_start3A_278 = arith.constant 0 : i32
      %dma_start3A_279 = arith.constant 7 : i32
      %dma_start3A_280 = arith.constant 0 : i32
      %dma_start3A_281 = arith.constant 0 : i32
      %dma_start3A_282 = arith.constant 0 : i32
      %dma_start3A_283 = tpu.memref_slice %arg6[%dma_start3A_278, %dma_start3A_281, %dma_start3A_282] : memref<2x16x3968xf32, #tpu.memory_space<vmem>> -> memref<1x16x3968xf32, #tpu.memory_space<vmem>>
      %dma_start3A_284 = tpu.memref_squeeze %dma_start3A_283 : memref<1x16x3968xf32, #tpu.memory_space<vmem>> -> memref<16x3968xf32, #tpu.memory_space<vmem>>
      %dma_start3A_285 = arith.constant 0 : i32
      %dma_start3A_286 = tpu.memref_slice %dma_start3A_284[%dma_start3A_279, %dma_start3A_285] : memref<16x3968xf32, #tpu.memory_space<vmem>> -> memref<1x3968xf32, #tpu.memory_space<vmem>>
      %dma_start3A_287 = tpu.memref_squeeze %dma_start3A_286 : memref<1x3968xf32, #tpu.memory_space<vmem>> -> memref<3968xf32, #tpu.memory_space<vmem>>
      %dma_start3A_288 = arith.constant 0 : i32
      %dma_start3A_289 = tpu.memref_slice %dma_start3A_287[%dma_start3A_288] : memref<3968xf32, #tpu.memory_space<vmem>> -> memref<128xf32, #tpu.memory_space<vmem>>
      %dma_start3A_290 = arith.constant 8000384 : i32
      %dma_start3A_291 = tpu.memref_slice %arg5[%dma_start3A_290] : memref<16001024xf32, #tpu.memory_space<hbm>> -> memref<128xf32, #tpu.memory_space<hbm>>
      %dma_start3A_292 = tpu.memref_slice %arg8[%dma_start3A_280] : memref<2x!tpu.dma_semaphore, #tpu.memory_space<semaphore_mem>> -> memref<1x!tpu.dma_semaphore, #tpu.memory_space<semaphore_mem>>
      %dma_start3A_293 = tpu.memref_squeeze %dma_start3A_292 : memref<1x!tpu.dma_semaphore, #tpu.memory_space<semaphore_mem>> -> memref<!tpu.dma_semaphore, #tpu.memory_space<semaphore_mem>>
      %dma_start3A_294 = arith.constant 8000384 : i32
      %dma_start3A_295 = tpu.memref_slice %arg5[%dma_start3A_294] : memref<16001024xf32, #tpu.memory_space<hbm>> -> memref<128xf32, #tpu.memory_space<hbm>>
      %dma_start3A_296 = arith.constant 0 : i32
      %dma_start3A_297 = arith.constant 0 : i32
      %dma_start3A_298 = tpu.memref_slice %arg6[%dma_start3A_278, %dma_start3A_296, %dma_start3A_297] : memref<2x16x3968xf32, #tpu.memory_space<vmem>> -> memref<1x16x3968xf32, #tpu.memory_space<vmem>>
      %dma_start3A_299 = tpu.memref_squeeze %dma_start3A_298 : memref<1x16x3968xf32, #tpu.memory_space<vmem>> -> memref<16x3968xf32, #tpu.memory_space<vmem>>
      %dma_start3A_300 = arith.constant 0 : i32
      %dma_start3A_301 = tpu.memref_slice %dma_start3A_299[%dma_start3A_279, %dma_start3A_300] : memref<16x3968xf32, #tpu.memory_space<vmem>> -> memref<1x3968xf32, #tpu.memory_space<vmem>>
      %dma_start3A_302 = tpu.memref_squeeze %dma_start3A_301 : memref<1x3968xf32, #tpu.memory_space<vmem>> -> memref<3968xf32, #tpu.memory_space<vmem>>
      %dma_start3A_303 = arith.constant 0 : i32
      %dma_start3A_304 = tpu.memref_slice %dma_start3A_302[%dma_start3A_303] : memref<3968xf32, #tpu.memory_space<vmem>> -> memref<128xf32, #tpu.memory_space<vmem>>
      tpu.enqueue_dma source(%dma_start3A_304 : memref<128xf32, #tpu.memory_space<vmem>>) target(%dma_start3A_295 : memref<128xf32, #tpu.memory_space<hbm>>) target_semaphore(%dma_start3A_293 : memref<!tpu.dma_semaphore, #tpu.memory_space<semaphore_mem>>)
      %dma_start3A_305 = arith.constant 0 : i32
      %dma_start3A_306 = arith.constant 8 : i32
      %dma_start3A_307 = arith.constant 0 : i32
      %dma_start3A_308 = arith.constant 0 : i32
      %dma_start3A_309 = arith.constant 0 : i32
      %dma_start3A_310 = tpu.memref_slice %arg6[%dma_start3A_305, %dma_start3A_308, %dma_start3A_309] : memref<2x16x3968xf32, #tpu.memory_space<vmem>> -> memref<1x16x3968xf32, #tpu.memory_space<vmem>>
      %dma_start3A_311 = tpu.memref_squeeze %dma_start3A_310 : memref<1x16x3968xf32, #tpu.memory_space<vmem>> -> memref<16x3968xf32, #tpu.memory_space<vmem>>
      %dma_start3A_312 = arith.constant 0 : i32
      %dma_start3A_313 = tpu.memref_slice %dma_start3A_311[%dma_start3A_306, %dma_start3A_312] : memref<16x3968xf32, #tpu.memory_space<vmem>> -> memref<1x3968xf32, #tpu.memory_space<vmem>>
      %dma_start3A_314 = tpu.memref_squeeze %dma_start3A_313 : memref<1x3968xf32, #tpu.memory_space<vmem>> -> memref<3968xf32, #tpu.memory_space<vmem>>
      %dma_start3A_315 = arith.constant 0 : i32
      %dma_start3A_316 = tpu.memref_slice %dma_start3A_314[%dma_start3A_315] : memref<3968xf32, #tpu.memory_space<vmem>> -> memref<128xf32, #tpu.memory_space<vmem>>
      %dma_start3A_317 = arith.constant 9000448 : i32
      %dma_start3A_318 = tpu.memref_slice %arg5[%dma_start3A_317] : memref<16001024xf32, #tpu.memory_space<hbm>> -> memref<128xf32, #tpu.memory_space<hbm>>
      %dma_start3A_319 = tpu.memref_slice %arg8[%dma_start3A_307] : memref<2x!tpu.dma_semaphore, #tpu.memory_space<semaphore_mem>> -> memref<1x!tpu.dma_semaphore, #tpu.memory_space<semaphore_mem>>
      %dma_start3A_320 = tpu.memref_squeeze %dma_start3A_319 : memref<1x!tpu.dma_semaphore, #tpu.memory_space<semaphore_mem>> -> memref<!tpu.dma_semaphore, #tpu.memory_space<semaphore_mem>>
      %dma_start3A_321 = arith.constant 9000448 : i32
      %dma_start3A_322 = tpu.memref_slice %arg5[%dma_start3A_321] : memref<16001024xf32, #tpu.memory_space<hbm>> -> memref<128xf32, #tpu.memory_space<hbm>>
      %dma_start3A_323 = arith.constant 0 : i32
      %dma_start3A_324 = arith.constant 0 : i32
      %dma_start3A_325 = tpu.memref_slice %arg6[%dma_start3A_305, %dma_start3A_323, %dma_start3A_324] : memref<2x16x3968xf32, #tpu.memory_space<vmem>> -> memref<1x16x3968xf32, #tpu.memory_space<vmem>>
      %dma_start3A_326 = tpu.memref_squeeze %dma_start3A_325 : memref<1x16x3968xf32, #tpu.memory_space<vmem>> -> memref<16x3968xf32, #tpu.memory_space<vmem>>
      %dma_start3A_327 = arith.constant 0 : i32
      %dma_start3A_328 = tpu.memref_slice %dma_start3A_326[%dma_start3A_306, %dma_start3A_327] : memref<16x3968xf32, #tpu.memory_space<vmem>> -> memref<1x3968xf32, #tpu.memory_space<vmem>>
      %dma_start3A_329 = tpu.memref_squeeze %dma_start3A_328 : memref<1x3968xf32, #tpu.memory_space<vmem>> -> memref<3968xf32, #tpu.memory_space<vmem>>
      %dma_start3A_330 = arith.constant 0 : i32
      %dma_start3A_331 = tpu.memref_slice %dma_start3A_329[%dma_start3A_330] : memref<3968xf32, #tpu.memory_space<vmem>> -> memref<128xf32, #tpu.memory_space<vmem>>
      tpu.enqueue_dma source(%dma_start3A_331 : memref<128xf32, #tpu.memory_space<vmem>>) target(%dma_start3A_322 : memref<128xf32, #tpu.memory_space<hbm>>) target_semaphore(%dma_start3A_320 : memref<!tpu.dma_semaphore, #tpu.memory_space<semaphore_mem>>)
      %dma_start3A_332 = arith.constant 0 : i32
      %dma_start3A_333 = arith.constant 9 : i32
      %dma_start3A_334 = arith.constant 0 : i32
      %dma_start3A_335 = arith.constant 0 : i32
      %dma_start3A_336 = arith.constant 0 : i32
      %dma_start3A_337 = tpu.memref_slice %arg6[%dma_start3A_332, %dma_start3A_335, %dma_start3A_336] : memref<2x16x3968xf32, #tpu.memory_space<vmem>> -> memref<1x16x3968xf32, #tpu.memory_space<vmem>>
      %dma_start3A_338 = tpu.memref_squeeze %dma_start3A_337 : memref<1x16x3968xf32, #tpu.memory_space<vmem>> -> memref<16x3968xf32, #tpu.memory_space<vmem>>
      %dma_start3A_339 = arith.constant 0 : i32
      %dma_start3A_340 = tpu.memref_slice %dma_start3A_338[%dma_start3A_333, %dma_start3A_339] : memref<16x3968xf32, #tpu.memory_space<vmem>> -> memref<1x3968xf32, #tpu.memory_space<vmem>>
      %dma_start3A_341 = tpu.memref_squeeze %dma_start3A_340 : memref<1x3968xf32, #tpu.memory_space<vmem>> -> memref<3968xf32, #tpu.memory_space<vmem>>
      %dma_start3A_342 = arith.constant 0 : i32
      %dma_start3A_343 = tpu.memref_slice %dma_start3A_341[%dma_start3A_342] : memref<3968xf32, #tpu.memory_space<vmem>> -> memref<128xf32, #tpu.memory_space<vmem>>
      %dma_start3A_344 = arith.constant 10000512 : i32
      %dma_start3A_345 = tpu.memref_slice %arg5[%dma_start3A_344] : memref<16001024xf32, #tpu.memory_space<hbm>> -> memref<128xf32, #tpu.memory_space<hbm>>
      %dma_start3A_346 = tpu.memref_slice %arg8[%dma_start3A_334] : memref<2x!tpu.dma_semaphore, #tpu.memory_space<semaphore_mem>> -> memref<1x!tpu.dma_semaphore, #tpu.memory_space<semaphore_mem>>
      %dma_start3A_347 = tpu.memref_squeeze %dma_start3A_346 : memref<1x!tpu.dma_semaphore, #tpu.memory_space<semaphore_mem>> -> memref<!tpu.dma_semaphore, #tpu.memory_space<semaphore_mem>>
      %dma_start3A_348 = arith.constant 10000512 : i32
      %dma_start3A_349 = tpu.memref_slice %arg5[%dma_start3A_348] : memref<16001024xf32, #tpu.memory_space<hbm>> -> memref<128xf32, #tpu.memory_space<hbm>>
      %dma_start3A_350 = arith.constant 0 : i32
      %dma_start3A_351 = arith.constant 0 : i32
      %dma_start3A_352 = tpu.memref_slice %arg6[%dma_start3A_332, %dma_start3A_350, %dma_start3A_351] : memref<2x16x3968xf32, #tpu.memory_space<vmem>> -> memref<1x16x3968xf32, #tpu.memory_space<vmem>>
      %dma_start3A_353 = tpu.memref_squeeze %dma_start3A_352 : memref<1x16x3968xf32, #tpu.memory_space<vmem>> -> memref<16x3968xf32, #tpu.memory_space<vmem>>
      %dma_start3A_354 = arith.constant 0 : i32
      %dma_start3A_355 = tpu.memref_slice %dma_start3A_353[%dma_start3A_333, %dma_start3A_354] : memref<16x3968xf32, #tpu.memory_space<vmem>> -> memref<1x3968xf32, #tpu.memory_space<vmem>>
      %dma_start3A_356 = tpu.memref_squeeze %dma_start3A_355 : memref<1x3968xf32, #tpu.memory_space<vmem>> -> memref<3968xf32, #tpu.memory_space<vmem>>
      %dma_start3A_357 = arith.constant 0 : i32
      %dma_start3A_358 = tpu.memref_slice %dma_start3A_356[%dma_start3A_357] : memref<3968xf32, #tpu.memory_space<vmem>> -> memref<128xf32, #tpu.memory_space<vmem>>
      tpu.enqueue_dma source(%dma_start3A_358 : memref<128xf32, #tpu.memory_space<vmem>>) target(%dma_start3A_349 : memref<128xf32, #tpu.memory_space<hbm>>) target_semaphore(%dma_start3A_347 : memref<!tpu.dma_semaphore, #tpu.memory_space<semaphore_mem>>)
      %dma_start3A_359 = arith.constant 0 : i32
      %dma_start3A_360 = arith.constant 10 : i32
      %dma_start3A_361 = arith.constant 0 : i32
      %dma_start3A_362 = arith.constant 0 : i32
      %dma_start3A_363 = arith.constant 0 : i32
      %dma_start3A_364 = tpu.memref_slice %arg6[%dma_start3A_359, %dma_start3A_362, %dma_start3A_363] : memref<2x16x3968xf32, #tpu.memory_space<vmem>> -> memref<1x16x3968xf32, #tpu.memory_space<vmem>>
      %dma_start3A_365 = tpu.memref_squeeze %dma_start3A_364 : memref<1x16x3968xf32, #tpu.memory_space<vmem>> -> memref<16x3968xf32, #tpu.memory_space<vmem>>
      %dma_start3A_366 = arith.constant 0 : i32
      %dma_start3A_367 = tpu.memref_slice %dma_start3A_365[%dma_start3A_360, %dma_start3A_366] : memref<16x3968xf32, #tpu.memory_space<vmem>> -> memref<1x3968xf32, #tpu.memory_space<vmem>>
      %dma_start3A_368 = tpu.memref_squeeze %dma_start3A_367 : memref<1x3968xf32, #tpu.memory_space<vmem>> -> memref<3968xf32, #tpu.memory_space<vmem>>
      %dma_start3A_369 = arith.constant 0 : i32
      %dma_start3A_370 = tpu.memref_slice %dma_start3A_368[%dma_start3A_369] : memref<3968xf32, #tpu.memory_space<vmem>> -> memref<128xf32, #tpu.memory_space<vmem>>
      %dma_start3A_371 = arith.constant 11000576 : i32
      %dma_start3A_372 = tpu.memref_slice %arg5[%dma_start3A_371] : memref<16001024xf32, #tpu.memory_space<hbm>> -> memref<128xf32, #tpu.memory_space<hbm>>
      %dma_start3A_373 = tpu.memref_slice %arg8[%dma_start3A_361] : memref<2x!tpu.dma_semaphore, #tpu.memory_space<semaphore_mem>> -> memref<1x!tpu.dma_semaphore, #tpu.memory_space<semaphore_mem>>
      %dma_start3A_374 = tpu.memref_squeeze %dma_start3A_373 : memref<1x!tpu.dma_semaphore, #tpu.memory_space<semaphore_mem>> -> memref<!tpu.dma_semaphore, #tpu.memory_space<semaphore_mem>>
      %dma_start3A_375 = arith.constant 11000576 : i32
      %dma_start3A_376 = tpu.memref_slice %arg5[%dma_start3A_375] : memref<16001024xf32, #tpu.memory_space<hbm>> -> memref<128xf32, #tpu.memory_space<hbm>>
      %dma_start3A_377 = arith.constant 0 : i32
      %dma_start3A_378 = arith.constant 0 : i32
      %dma_start3A_379 = tpu.memref_slice %arg6[%dma_start3A_359, %dma_start3A_377, %dma_start3A_378] : memref<2x16x3968xf32, #tpu.memory_space<vmem>> -> memref<1x16x3968xf32, #tpu.memory_space<vmem>>
      %dma_start3A_380 = tpu.memref_squeeze %dma_start3A_379 : memref<1x16x3968xf32, #tpu.memory_space<vmem>> -> memref<16x3968xf32, #tpu.memory_space<vmem>>
      %dma_start3A_381 = arith.constant 0 : i32
      %dma_start3A_382 = tpu.memref_slice %dma_start3A_380[%dma_start3A_360, %dma_start3A_381] : memref<16x3968xf32, #tpu.memory_space<vmem>> -> memref<1x3968xf32, #tpu.memory_space<vmem>>
      %dma_start3A_383 = tpu.memref_squeeze %dma_start3A_382 : memref<1x3968xf32, #tpu.memory_space<vmem>> -> memref<3968xf32, #tpu.memory_space<vmem>>
      %dma_start3A_384 = arith.constant 0 : i32
      %dma_start3A_385 = tpu.memref_slice %dma_start3A_383[%dma_start3A_384] : memref<3968xf32, #tpu.memory_space<vmem>> -> memref<128xf32, #tpu.memory_space<vmem>>
      tpu.enqueue_dma source(%dma_start3A_385 : memref<128xf32, #tpu.memory_space<vmem>>) target(%dma_start3A_376 : memref<128xf32, #tpu.memory_space<hbm>>) target_semaphore(%dma_start3A_374 : memref<!tpu.dma_semaphore, #tpu.memory_space<semaphore_mem>>)
      %dma_start3A_386 = arith.constant 0 : i32
      %dma_start3A_387 = arith.constant 11 : i32
      %dma_start3A_388 = arith.constant 0 : i32
      %dma_start3A_389 = arith.constant 0 : i32
      %dma_start3A_390 = arith.constant 0 : i32
      %dma_start3A_391 = tpu.memref_slice %arg6[%dma_start3A_386, %dma_start3A_389, %dma_start3A_390] : memref<2x16x3968xf32, #tpu.memory_space<vmem>> -> memref<1x16x3968xf32, #tpu.memory_space<vmem>>
      %dma_start3A_392 = tpu.memref_squeeze %dma_start3A_391 : memref<1x16x3968xf32, #tpu.memory_space<vmem>> -> memref<16x3968xf32, #tpu.memory_space<vmem>>
      %dma_start3A_393 = arith.constant 0 : i32
      %dma_start3A_394 = tpu.memref_slice %dma_start3A_392[%dma_start3A_387, %dma_start3A_393] : memref<16x3968xf32, #tpu.memory_space<vmem>> -> memref<1x3968xf32, #tpu.memory_space<vmem>>
      %dma_start3A_395 = tpu.memref_squeeze %dma_start3A_394 : memref<1x3968xf32, #tpu.memory_space<vmem>> -> memref<3968xf32, #tpu.memory_space<vmem>>
      %dma_start3A_396 = arith.constant 0 : i32
      %dma_start3A_397 = tpu.memref_slice %dma_start3A_395[%dma_start3A_396] : memref<3968xf32, #tpu.memory_space<vmem>> -> memref<128xf32, #tpu.memory_space<vmem>>
      %dma_start3A_398 = arith.constant 12000640 : i32
      %dma_start3A_399 = tpu.memref_slice %arg5[%dma_start3A_398] : memref<16001024xf32, #tpu.memory_space<hbm>> -> memref<128xf32, #tpu.memory_space<hbm>>
      %dma_start3A_400 = tpu.memref_slice %arg8[%dma_start3A_388] : memref<2x!tpu.dma_semaphore, #tpu.memory_space<semaphore_mem>> -> memref<1x!tpu.dma_semaphore, #tpu.memory_space<semaphore_mem>>
      %dma_start3A_401 = tpu.memref_squeeze %dma_start3A_400 : memref<1x!tpu.dma_semaphore, #tpu.memory_space<semaphore_mem>> -> memref<!tpu.dma_semaphore, #tpu.memory_space<semaphore_mem>>
      %dma_start3A_402 = arith.constant 12000640 : i32
      %dma_start3A_403 = tpu.memref_slice %arg5[%dma_start3A_402] : memref<16001024xf32, #tpu.memory_space<hbm>> -> memref<128xf32, #tpu.memory_space<hbm>>
      %dma_start3A_404 = arith.constant 0 : i32
      %dma_start3A_405 = arith.constant 0 : i32
      %dma_start3A_406 = tpu.memref_slice %arg6[%dma_start3A_386, %dma_start3A_404, %dma_start3A_405] : memref<2x16x3968xf32, #tpu.memory_space<vmem>> -> memref<1x16x3968xf32, #tpu.memory_space<vmem>>
      %dma_start3A_407 = tpu.memref_squeeze %dma_start3A_406 : memref<1x16x3968xf32, #tpu.memory_space<vmem>> -> memref<16x3968xf32, #tpu.memory_space<vmem>>
      %dma_start3A_408 = arith.constant 0 : i32
      %dma_start3A_409 = tpu.memref_slice %dma_start3A_407[%dma_start3A_387, %dma_start3A_408] : memref<16x3968xf32, #tpu.memory_space<vmem>> -> memref<1x3968xf32, #tpu.memory_space<vmem>>
      %dma_start3A_410 = tpu.memref_squeeze %dma_start3A_409 : memref<1x3968xf32, #tpu.memory_space<vmem>> -> memref<3968xf32, #tpu.memory_space<vmem>>
      %dma_start3A_411 = arith.constant 0 : i32
      %dma_start3A_412 = tpu.memref_slice %dma_start3A_410[%dma_start3A_411] : memref<3968xf32, #tpu.memory_space<vmem>> -> memref<128xf32, #tpu.memory_space<vmem>>
      tpu.enqueue_dma source(%dma_start3A_412 : memref<128xf32, #tpu.memory_space<vmem>>) target(%dma_start3A_403 : memref<128xf32, #tpu.memory_space<hbm>>) target_semaphore(%dma_start3A_401 : memref<!tpu.dma_semaphore, #tpu.memory_space<semaphore_mem>>)
      %dma_start3A_413 = arith.constant 0 : i32
      %dma_start3A_414 = arith.constant 12 : i32
      %dma_start3A_415 = arith.constant 0 : i32
      %dma_start3A_416 = arith.constant 0 : i32
      %dma_start3A_417 = arith.constant 0 : i32
      %dma_start3A_418 = tpu.memref_slice %arg6[%dma_start3A_413, %dma_start3A_416, %dma_start3A_417] : memref<2x16x3968xf32, #tpu.memory_space<vmem>> -> memref<1x16x3968xf32, #tpu.memory_space<vmem>>
      %dma_start3A_419 = tpu.memref_squeeze %dma_start3A_418 : memref<1x16x3968xf32, #tpu.memory_space<vmem>> -> memref<16x3968xf32, #tpu.memory_space<vmem>>
      %dma_start3A_420 = arith.constant 0 : i32
      %dma_start3A_421 = tpu.memref_slice %dma_start3A_419[%dma_start3A_414, %dma_start3A_420] : memref<16x3968xf32, #tpu.memory_space<vmem>> -> memref<1x3968xf32, #tpu.memory_space<vmem>>
      %dma_start3A_422 = tpu.memref_squeeze %dma_start3A_421 : memref<1x3968xf32, #tpu.memory_space<vmem>> -> memref<3968xf32, #tpu.memory_space<vmem>>
      %dma_start3A_423 = arith.constant 0 : i32
      %dma_start3A_424 = tpu.memref_slice %dma_start3A_422[%dma_start3A_423] : memref<3968xf32, #tpu.memory_space<vmem>> -> memref<128xf32, #tpu.memory_space<vmem>>
      %dma_start3A_425 = arith.constant 13000704 : i32
      %dma_start3A_426 = tpu.memref_slice %arg5[%dma_start3A_425] : memref<16001024xf32, #tpu.memory_space<hbm>> -> memref<128xf32, #tpu.memory_space<hbm>>
      %dma_start3A_427 = tpu.memref_slice %arg8[%dma_start3A_415] : memref<2x!tpu.dma_semaphore, #tpu.memory_space<semaphore_mem>> -> memref<1x!tpu.dma_semaphore, #tpu.memory_space<semaphore_mem>>
      %dma_start3A_428 = tpu.memref_squeeze %dma_start3A_427 : memref<1x!tpu.dma_semaphore, #tpu.memory_space<semaphore_mem>> -> memref<!tpu.dma_semaphore, #tpu.memory_space<semaphore_mem>>
      %dma_start3A_429 = arith.constant 13000704 : i32
      %dma_start3A_430 = tpu.memref_slice %arg5[%dma_start3A_429] : memref<16001024xf32, #tpu.memory_space<hbm>> -> memref<128xf32, #tpu.memory_space<hbm>>
      %dma_start3A_431 = arith.constant 0 : i32
      %dma_start3A_432 = arith.constant 0 : i32
      %dma_start3A_433 = tpu.memref_slice %arg6[%dma_start3A_413, %dma_start3A_431, %dma_start3A_432] : memref<2x16x3968xf32, #tpu.memory_space<vmem>> -> memref<1x16x3968xf32, #tpu.memory_space<vmem>>
      %dma_start3A_434 = tpu.memref_squeeze %dma_start3A_433 : memref<1x16x3968xf32, #tpu.memory_space<vmem>> -> memref<16x3968xf32, #tpu.memory_space<vmem>>
      %dma_start3A_435 = arith.constant 0 : i32
      %dma_start3A_436 = tpu.memref_slice %dma_start3A_434[%dma_start3A_414, %dma_start3A_435] : memref<16x3968xf32, #tpu.memory_space<vmem>> -> memref<1x3968xf32, #tpu.memory_space<vmem>>
      %dma_start3A_437 = tpu.memref_squeeze %dma_start3A_436 : memref<1x3968xf32, #tpu.memory_space<vmem>> -> memref<3968xf32, #tpu.memory_space<vmem>>
      %dma_start3A_438 = arith.constant 0 : i32
      %dma_start3A_439 = tpu.memref_slice %dma_start3A_437[%dma_start3A_438] : memref<3968xf32, #tpu.memory_space<vmem>> -> memref<128xf32, #tpu.memory_space<vmem>>
      tpu.enqueue_dma source(%dma_start3A_439 : memref<128xf32, #tpu.memory_space<vmem>>) target(%dma_start3A_430 : memref<128xf32, #tpu.memory_space<hbm>>) target_semaphore(%dma_start3A_428 : memref<!tpu.dma_semaphore, #tpu.memory_space<semaphore_mem>>)
      %dma_start3A_440 = arith.constant 0 : i32
      %dma_start3A_441 = arith.constant 13 : i32
      %dma_start3A_442 = arith.constant 0 : i32
      %dma_start3A_443 = arith.constant 0 : i32
      %dma_start3A_444 = arith.constant 0 : i32
      %dma_start3A_445 = tpu.memref_slice %arg6[%dma_start3A_440, %dma_start3A_443, %dma_start3A_444] : memref<2x16x3968xf32, #tpu.memory_space<vmem>> -> memref<1x16x3968xf32, #tpu.memory_space<vmem>>
      %dma_start3A_446 = tpu.memref_squeeze %dma_start3A_445 : memref<1x16x3968xf32, #tpu.memory_space<vmem>> -> memref<16x3968xf32, #tpu.memory_space<vmem>>
      %dma_start3A_447 = arith.constant 0 : i32
      %dma_start3A_448 = tpu.memref_slice %dma_start3A_446[%dma_start3A_441, %dma_start3A_447] : memref<16x3968xf32, #tpu.memory_space<vmem>> -> memref<1x3968xf32, #tpu.memory_space<vmem>>
      %dma_start3A_449 = tpu.memref_squeeze %dma_start3A_448 : memref<1x3968xf32, #tpu.memory_space<vmem>> -> memref<3968xf32, #tpu.memory_space<vmem>>
      %dma_start3A_450 = arith.constant 0 : i32
      %dma_start3A_451 = tpu.memref_slice %dma_start3A_449[%dma_start3A_450] : memref<3968xf32, #tpu.memory_space<vmem>> -> memref<128xf32, #tpu.memory_space<vmem>>
      %dma_start3A_452 = arith.constant 14000768 : i32
      %dma_start3A_453 = tpu.memref_slice %arg5[%dma_start3A_452] : memref<16001024xf32, #tpu.memory_space<hbm>> -> memref<128xf32, #tpu.memory_space<hbm>>
      %dma_start3A_454 = tpu.memref_slice %arg8[%dma_start3A_442] : memref<2x!tpu.dma_semaphore, #tpu.memory_space<semaphore_mem>> -> memref<1x!tpu.dma_semaphore, #tpu.memory_space<semaphore_mem>>
      %dma_start3A_455 = tpu.memref_squeeze %dma_start3A_454 : memref<1x!tpu.dma_semaphore, #tpu.memory_space<semaphore_mem>> -> memref<!tpu.dma_semaphore, #tpu.memory_space<semaphore_mem>>
      %dma_start3A_456 = arith.constant 14000768 : i32
      %dma_start3A_457 = tpu.memref_slice %arg5[%dma_start3A_456] : memref<16001024xf32, #tpu.memory_space<hbm>> -> memref<128xf32, #tpu.memory_space<hbm>>
      %dma_start3A_458 = arith.constant 0 : i32
      %dma_start3A_459 = arith.constant 0 : i32
      %dma_start3A_460 = tpu.memref_slice %arg6[%dma_start3A_440, %dma_start3A_458, %dma_start3A_459] : memref<2x16x3968xf32, #tpu.memory_space<vmem>> -> memref<1x16x3968xf32, #tpu.memory_space<vmem>>
      %dma_start3A_461 = tpu.memref_squeeze %dma_start3A_460 : memref<1x16x3968xf32, #tpu.memory_space<vmem>> -> memref<16x3968xf32, #tpu.memory_space<vmem>>
      %dma_start3A_462 = arith.constant 0 : i32
      %dma_start3A_463 = tpu.memref_slice %dma_start3A_461[%dma_start3A_441, %dma_start3A_462] : memref<16x3968xf32, #tpu.memory_space<vmem>> -> memref<1x3968xf32, #tpu.memory_space<vmem>>
      %dma_start3A_464 = tpu.memref_squeeze %dma_start3A_463 : memref<1x3968xf32, #tpu.memory_space<vmem>> -> memref<3968xf32, #tpu.memory_space<vmem>>
      %dma_start3A_465 = arith.constant 0 : i32
      %dma_start3A_466 = tpu.memref_slice %dma_start3A_464[%dma_start3A_465] : memref<3968xf32, #tpu.memory_space<vmem>> -> memref<128xf32, #tpu.memory_space<vmem>>
      tpu.enqueue_dma source(%dma_start3A_466 : memref<128xf32, #tpu.memory_space<vmem>>) target(%dma_start3A_457 : memref<128xf32, #tpu.memory_space<hbm>>) target_semaphore(%dma_start3A_455 : memref<!tpu.dma_semaphore, #tpu.memory_space<semaphore_mem>>)
      %dma_start3A_467 = arith.constant 0 : i32
      %dma_start3A_468 = arith.constant 14 : i32
      %dma_start3A_469 = arith.constant 0 : i32
      %dma_start3A_470 = arith.constant 0 : i32
      %dma_start3A_471 = arith.constant 0 : i32
      %dma_start3A_472 = tpu.memref_slice %arg6[%dma_start3A_467, %dma_start3A_470, %dma_start3A_471] : memref<2x16x3968xf32, #tpu.memory_space<vmem>> -> memref<1x16x3968xf32, #tpu.memory_space<vmem>>
      %dma_start3A_473 = tpu.memref_squeeze %dma_start3A_472 : memref<1x16x3968xf32, #tpu.memory_space<vmem>> -> memref<16x3968xf32, #tpu.memory_space<vmem>>
      %dma_start3A_474 = arith.constant 0 : i32
      %dma_start3A_475 = tpu.memref_slice %dma_start3A_473[%dma_start3A_468, %dma_start3A_474] : memref<16x3968xf32, #tpu.memory_space<vmem>> -> memref<1x3968xf32, #tpu.memory_space<vmem>>
      %dma_start3A_476 = tpu.memref_squeeze %dma_start3A_475 : memref<1x3968xf32, #tpu.memory_space<vmem>> -> memref<3968xf32, #tpu.memory_space<vmem>>
      %dma_start3A_477 = arith.constant 0 : i32
      %dma_start3A_478 = tpu.memref_slice %dma_start3A_476[%dma_start3A_477] : memref<3968xf32, #tpu.memory_space<vmem>> -> memref<128xf32, #tpu.memory_space<vmem>>
      %dma_start3A_479 = arith.constant 15000832 : i32
      %dma_start3A_480 = tpu.memref_slice %arg5[%dma_start3A_479] : memref<16001024xf32, #tpu.memory_space<hbm>> -> memref<128xf32, #tpu.memory_space<hbm>>
      %dma_start3A_481 = tpu.memref_slice %arg8[%dma_start3A_469] : memref<2x!tpu.dma_semaphore, #tpu.memory_space<semaphore_mem>> -> memref<1x!tpu.dma_semaphore, #tpu.memory_space<semaphore_mem>>
      %dma_start3A_482 = tpu.memref_squeeze %dma_start3A_481 : memref<1x!tpu.dma_semaphore, #tpu.memory_space<semaphore_mem>> -> memref<!tpu.dma_semaphore, #tpu.memory_space<semaphore_mem>>
      %dma_start3A_483 = arith.constant 15000832 : i32
      %dma_start3A_484 = tpu.memref_slice %arg5[%dma_start3A_483] : memref<16001024xf32, #tpu.memory_space<hbm>> -> memref<128xf32, #tpu.memory_space<hbm>>
      %dma_start3A_485 = arith.constant 0 : i32
      %dma_start3A_486 = arith.constant 0 : i32
      %dma_start3A_487 = tpu.memref_slice %arg6[%dma_start3A_467, %dma_start3A_485, %dma_start3A_486] : memref<2x16x3968xf32, #tpu.memory_space<vmem>> -> memref<1x16x3968xf32, #tpu.memory_space<vmem>>
      %dma_start3A_488 = tpu.memref_squeeze %dma_start3A_487 : memref<1x16x3968xf32, #tpu.memory_space<vmem>> -> memref<16x3968xf32, #tpu.memory_space<vmem>>
      %dma_start3A_489 = arith.constant 0 : i32
      %dma_start3A_490 = tpu.memref_slice %dma_start3A_488[%dma_start3A_468, %dma_start3A_489] : memref<16x3968xf32, #tpu.memory_space<vmem>> -> memref<1x3968xf32, #tpu.memory_space<vmem>>
      %dma_start3A_491 = tpu.memref_squeeze %dma_start3A_490 : memref<1x3968xf32, #tpu.memory_space<vmem>> -> memref<3968xf32, #tpu.memory_space<vmem>>
      %dma_start3A_492 = arith.constant 0 : i32
      %dma_start3A_493 = tpu.memref_slice %dma_start3A_491[%dma_start3A_492] : memref<3968xf32, #tpu.memory_space<vmem>> -> memref<128xf32, #tpu.memory_space<vmem>>
      tpu.enqueue_dma source(%dma_start3A_493 : memref<128xf32, #tpu.memory_space<vmem>>) target(%dma_start3A_484 : memref<128xf32, #tpu.memory_space<hbm>>) target_semaphore(%dma_start3A_482 : memref<!tpu.dma_semaphore, #tpu.memory_space<semaphore_mem>>)
      %dma_start3A_494 = arith.constant 0 : i32
      %dma_start3A_495 = arith.constant 15 : i32
      %dma_start3A_496 = arith.constant 0 : i32
      %dma_start3A_497 = arith.constant 0 : i32
      %dma_start3A_498 = arith.constant 0 : i32
      %dma_start3A_499 = tpu.memref_slice %arg6[%dma_start3A_494, %dma_start3A_497, %dma_start3A_498] : memref<2x16x3968xf32, #tpu.memory_space<vmem>> -> memref<1x16x3968xf32, #tpu.memory_space<vmem>>
      %dma_start3A_500 = tpu.memref_squeeze %dma_start3A_499 : memref<1x16x3968xf32, #tpu.memory_space<vmem>> -> memref<16x3968xf32, #tpu.memory_space<vmem>>
      %dma_start3A_501 = arith.constant 0 : i32
      %dma_start3A_502 = tpu.memref_slice %dma_start3A_500[%dma_start3A_495, %dma_start3A_501] : memref<16x3968xf32, #tpu.memory_space<vmem>> -> memref<1x3968xf32, #tpu.memory_space<vmem>>
      %dma_start3A_503 = tpu.memref_squeeze %dma_start3A_502 : memref<1x3968xf32, #tpu.memory_space<vmem>> -> memref<3968xf32, #tpu.memory_space<vmem>>
      %dma_start3A_504 = arith.constant 0 : i32
      %dma_start3A_505 = tpu.memref_slice %dma_start3A_503[%dma_start3A_504] : memref<3968xf32, #tpu.memory_space<vmem>> -> memref<128xf32, #tpu.memory_space<vmem>>
      %dma_start3A_506 = arith.constant 16000896 : i32
      %dma_start3A_507 = tpu.memref_slice %arg5[%dma_start3A_506] : memref<16001024xf32, #tpu.memory_space<hbm>> -> memref<128xf32, #tpu.memory_space<hbm>>
      %dma_start3A_508 = tpu.memref_slice %arg8[%dma_start3A_496] : memref<2x!tpu.dma_semaphore, #tpu.memory_space<semaphore_mem>> -> memref<1x!tpu.dma_semaphore, #tpu.memory_space<semaphore_mem>>
      %dma_start3A_509 = tpu.memref_squeeze %dma_start3A_508 : memref<1x!tpu.dma_semaphore, #tpu.memory_space<semaphore_mem>> -> memref<!tpu.dma_semaphore, #tpu.memory_space<semaphore_mem>>
      %dma_start3A_510 = arith.constant 16000896 : i32
      %dma_start3A_511 = tpu.memref_slice %arg5[%dma_start3A_510] : memref<16001024xf32, #tpu.memory_space<hbm>> -> memref<128xf32, #tpu.memory_space<hbm>>
      %dma_start3A_512 = arith.constant 0 : i32
      %dma_start3A_513 = arith.constant 0 : i32
      %dma_start3A_514 = tpu.memref_slice %arg6[%dma_start3A_494, %dma_start3A_512, %dma_start3A_513] : memref<2x16x3968xf32, #tpu.memory_space<vmem>> -> memref<1x16x3968xf32, #tpu.memory_space<vmem>>
      %dma_start3A_515 = tpu.memref_squeeze %dma_start3A_514 : memref<1x16x3968xf32, #tpu.memory_space<vmem>> -> memref<16x3968xf32, #tpu.memory_space<vmem>>
      %dma_start3A_516 = arith.constant 0 : i32
      %dma_start3A_517 = tpu.memref_slice %dma_start3A_515[%dma_start3A_495, %dma_start3A_516] : memref<16x3968xf32, #tpu.memory_space<vmem>> -> memref<1x3968xf32, #tpu.memory_space<vmem>>
      %dma_start3A_518 = tpu.memref_squeeze %dma_start3A_517 : memref<1x3968xf32, #tpu.memory_space<vmem>> -> memref<3968xf32, #tpu.memory_space<vmem>>
      %dma_start3A_519 = arith.constant 0 : i32
      %dma_start3A_520 = tpu.memref_slice %dma_start3A_518[%dma_start3A_519] : memref<3968xf32, #tpu.memory_space<vmem>> -> memref<128xf32, #tpu.memory_space<vmem>>
      tpu.enqueue_dma source(%dma_start3A_520 : memref<128xf32, #tpu.memory_space<vmem>>) target(%dma_start3A_511 : memref<128xf32, #tpu.memory_space<hbm>>) target_semaphore(%dma_start3A_509 : memref<!tpu.dma_semaphore, #tpu.memory_space<semaphore_mem>>)
      %dma_wait3A_521 = arith.constant 0 : i32
      %dma_wait3A_522 = arith.constant 0 : i32
      %dma_wait3A_523 = arith.constant 0 : i32
      %dma_wait3A_524 = arith.constant 0 : i32
      %dma_wait3A_525 = tpu.memref_slice %arg6[%dma_wait3A_521, %dma_wait3A_523, %dma_wait3A_524] : memref<2x16x3968xf32, #tpu.memory_space<vmem>> -> memref<1x16x3968xf32, #tpu.memory_space<vmem>>
      %dma_wait3A_526 = tpu.memref_squeeze %dma_wait3A_525 : memref<1x16x3968xf32, #tpu.memory_space<vmem>> -> memref<16x3968xf32, #tpu.memory_space<vmem>>
      %dma_wait3A_527 = arith.constant 0 : i32
      %dma_wait3A_528 = arith.constant 0 : i32
      %dma_wait3A_529 = tpu.memref_slice %dma_wait3A_526[%dma_wait3A_527, %dma_wait3A_528] : memref<16x3968xf32, #tpu.memory_space<vmem>> -> memref<16x128xf32, #tpu.memory_space<vmem>>
      %dma_wait3A_530 = arith.constant 0 : i32
      %dma_wait3A_531 = tpu.memref_slice %arg3[%dma_wait3A_530, %multiple_of3A_46] : memref<16x1000000xf32, #tpu.memory_space<hbm>> -> memref<16x128xf32, #tpu.memory_space<hbm>>
      %dma_wait3A_532 = tpu.memref_slice %arg8[%dma_wait3A_522] : memref<2x!tpu.dma_semaphore, #tpu.memory_space<semaphore_mem>> -> memref<1x!tpu.dma_semaphore, #tpu.memory_space<semaphore_mem>>
      %dma_wait3A_533 = tpu.memref_squeeze %dma_wait3A_532 : memref<1x!tpu.dma_semaphore, #tpu.memory_space<semaphore_mem>> -> memref<!tpu.dma_semaphore, #tpu.memory_space<semaphore_mem>>
      %dma_wait3A_534 = arith.constant 0 : i32
      %dma_wait3A_535 = arith.constant 0 : i32
      %dma_wait3A_536 = tpu.memref_slice %arg6[%dma_wait3A_521, %dma_wait3A_534, %dma_wait3A_535] : memref<2x16x3968xf32, #tpu.memory_space<vmem>> -> memref<1x16x3968xf32, #tpu.memory_space<vmem>>
      %dma_wait3A_537 = tpu.memref_squeeze %dma_wait3A_536 : memref<1x16x3968xf32, #tpu.memory_space<vmem>> -> memref<16x3968xf32, #tpu.memory_space<vmem>>
      %dma_wait3A_538 = arith.constant 0 : i32
      %dma_wait3A_539 = arith.constant 0 : i32
      %dma_wait3A_540 = tpu.memref_slice %dma_wait3A_537[%dma_wait3A_538, %dma_wait3A_539] : memref<16x3968xf32, #tpu.memory_space<vmem>> -> memref<16x128xf32, #tpu.memory_space<vmem>>
      %dma_wait3A_541 = arith.constant 0 : i32
      %dma_wait3A_542 = tpu.memref_slice %arg3[%dma_wait3A_541, %multiple_of3A_46] : memref<16x1000000xf32, #tpu.memory_space<hbm>> -> memref<16x128xf32, #tpu.memory_space<hbm>>
      tpu.wait_dma2 semaphore(%dma_wait3A_533 : memref<!tpu.dma_semaphore, #tpu.memory_space<semaphore_mem>>) src(%dma_wait3A_542 : memref<16x128xf32, #tpu.memory_space<hbm>>) dst(%dma_wait3A_540 : memref<16x128xf32, #tpu.memory_space<vmem>>)
    } else {
    }
    return
  }
}

#map = affine_map<(d0, d1) -> (0)>
module attributes {stable_mosaic.version = 14 : i64} {
  func.func @_body(%arg0: i32, %arg1: i32, %arg2: memref<16384xi32, #tpu.memory_space<hbm>>, %arg3: memref<16384xi32, #tpu.memory_space<hbm>>, %arg4: memref<16001024xf32, #tpu.memory_space<hbm>>, %arg5: memref<16001024xf32, #tpu.memory_space<hbm>>, %arg6: memref<1000000xf32, #tpu.memory_space<hbm>>, %arg7: memref<16384xf32, #tpu.memory_space<hbm>>, %arg8: memref<512xi32, #tpu.memory_space<vmem>>, %arg9: memref<512xi32, #tpu.memory_space<vmem>>, %arg10: memref<8192xi32, #tpu.memory_space<vmem>>, %arg11: memref<8192xi32, #tpu.memory_space<vmem>>, %arg12: memref<8192xf32, #tpu.memory_space<vmem>>, %arg13: memref<8192xf32, #tpu.memory_space<vmem>>, %arg14: memref<512xf32, #tpu.memory_space<vmem>>, %arg15: memref<!tpu.dma_semaphore, #tpu.memory_space<semaphore_mem>>, %arg16: memref<!tpu.dma_semaphore, #tpu.memory_space<semaphore_mem>>, %arg17: memref<!tpu.dma_semaphore, #tpu.memory_space<semaphore_mem>>) attributes {dimension_semantics = [#tpu.dimension_semantics<core_parallel>, #tpu.dimension_semantics<subcore_parallel>], iteration_bounds = array<i64: 2, 16>, scalar_prefetch = 0 : i64, scratch_operands = 10 : i64, tpu.core_type = #tpu.core_type<sc_vector_subcore>, window_params = [{transform_indices = #map}, {transform_indices = #map}, {transform_indices = #map}, {transform_indices = #map}, {transform_indices = #map}, {transform_indices = #map}]} {
    %mul3A = arith.constant 2 : i32
    %mul3A_0 = arith.muli %arg1, %mul3A : i32
    %add3A = arith.addi %mul3A_0, %arg0 : i32
    %mul3A_1 = arith.constant 512 : i32
    %mul3A_2 = arith.muli %add3A, %mul3A_1 : i32
    "tpu.region"() ({
      %run_scoped3A = tpu.sem_alloc : memref<!tpu.dma_semaphore, #tpu.memory_space<semaphore_mem>>
      %dma_start3A_836 = tpu.memref_slice %arg2[%mul3A_2] : memref<16384xi32, #tpu.memory_space<hbm>> -> memref<512xi32, #tpu.memory_space<hbm>>
      %dma_start3A_837 = tpu.memref_slice %arg2[%mul3A_2] : memref<16384xi32, #tpu.memory_space<hbm>> -> memref<512xi32, #tpu.memory_space<hbm>>
      tpu.enqueue_dma source(%dma_start3A_837 : memref<512xi32, #tpu.memory_space<hbm>>) target(%arg8 : memref<512xi32, #tpu.memory_space<vmem>>) target_semaphore(%run_scoped3A : memref<!tpu.dma_semaphore, #tpu.memory_space<semaphore_mem>>)
      %dma_wait3A_838 = tpu.memref_slice %arg2[%mul3A_2] : memref<16384xi32, #tpu.memory_space<hbm>> -> memref<512xi32, #tpu.memory_space<hbm>>
      %dma_wait3A_839 = tpu.memref_slice %arg2[%mul3A_2] : memref<16384xi32, #tpu.memory_space<hbm>> -> memref<512xi32, #tpu.memory_space<hbm>>
      tpu.wait_dma2 semaphore(%run_scoped3A : memref<!tpu.dma_semaphore, #tpu.memory_space<semaphore_mem>>) src(%dma_wait3A_839 : memref<512xi32, #tpu.memory_space<hbm>>) dst(%arg8 : memref<512xi32, #tpu.memory_space<vmem>>)
      tpu.yield
    }) : () -> ()
    "tpu.region"() ({
      %run_scoped3A = tpu.sem_alloc : memref<!tpu.dma_semaphore, #tpu.memory_space<semaphore_mem>>
      %dma_start3A_836 = tpu.memref_slice %arg3[%mul3A_2] : memref<16384xi32, #tpu.memory_space<hbm>> -> memref<512xi32, #tpu.memory_space<hbm>>
      %dma_start3A_837 = tpu.memref_slice %arg3[%mul3A_2] : memref<16384xi32, #tpu.memory_space<hbm>> -> memref<512xi32, #tpu.memory_space<hbm>>
      tpu.enqueue_dma source(%dma_start3A_837 : memref<512xi32, #tpu.memory_space<hbm>>) target(%arg9 : memref<512xi32, #tpu.memory_space<vmem>>) target_semaphore(%run_scoped3A : memref<!tpu.dma_semaphore, #tpu.memory_space<semaphore_mem>>)
      %dma_wait3A_838 = tpu.memref_slice %arg3[%mul3A_2] : memref<16384xi32, #tpu.memory_space<hbm>> -> memref<512xi32, #tpu.memory_space<hbm>>
      %dma_wait3A_839 = tpu.memref_slice %arg3[%mul3A_2] : memref<16384xi32, #tpu.memory_space<hbm>> -> memref<512xi32, #tpu.memory_space<hbm>>
      tpu.wait_dma2 semaphore(%run_scoped3A : memref<!tpu.dma_semaphore, #tpu.memory_space<semaphore_mem>>) src(%dma_wait3A_839 : memref<512xi32, #tpu.memory_space<hbm>>) dst(%arg9 : memref<512xi32, #tpu.memory_space<vmem>>)
      tpu.yield
    }) : () -> ()
    %dma_start3A = arith.constant 0 : i32
    %dma_start3A_3 = tpu.memref_slice %arg14[%dma_start3A] : memref<512xf32, #tpu.memory_space<vmem>> -> memref<128xf32, #tpu.memory_space<vmem>>
    %dma_start3A_4 = arith.constant 0 : i32
    %dma_start3A_5 = tpu.memref_slice %arg9[%dma_start3A_4] : memref<512xi32, #tpu.memory_space<vmem>> -> memref<128xi32, #tpu.memory_space<vmem>>
    %dma_start3A_6 = arith.constant 0 : i32
    %dma_start3A_7 = tpu.memref_slice %arg6[%dma_start3A_6] : memref<1000000xf32, #tpu.memory_space<hbm>> -> memref<1000000xf32, #tpu.memory_space<hbm>>
    tpu.enqueue_indirect_dma source(%dma_start3A_7 : memref<1000000xf32, #tpu.memory_space<hbm>>) target(%dma_start3A_3 : memref<128xf32, #tpu.memory_space<vmem>>) offsets(%dma_start3A_5 : memref<128xi32, #tpu.memory_space<vmem>>) semaphore(%arg17 : memref<!tpu.dma_semaphore, #tpu.memory_space<semaphore_mem>>)
    %dma_start3A_8 = arith.constant 128 : i32
    %dma_start3A_9 = tpu.memref_slice %arg14[%dma_start3A_8] : memref<512xf32, #tpu.memory_space<vmem>> -> memref<128xf32, #tpu.memory_space<vmem>>
    %dma_start3A_10 = arith.constant 128 : i32
    %dma_start3A_11 = tpu.memref_slice %arg9[%dma_start3A_10] : memref<512xi32, #tpu.memory_space<vmem>> -> memref<128xi32, #tpu.memory_space<vmem>>
    %dma_start3A_12 = arith.constant 0 : i32
    %dma_start3A_13 = tpu.memref_slice %arg6[%dma_start3A_12] : memref<1000000xf32, #tpu.memory_space<hbm>> -> memref<1000000xf32, #tpu.memory_space<hbm>>
    tpu.enqueue_indirect_dma source(%dma_start3A_13 : memref<1000000xf32, #tpu.memory_space<hbm>>) target(%dma_start3A_9 : memref<128xf32, #tpu.memory_space<vmem>>) offsets(%dma_start3A_11 : memref<128xi32, #tpu.memory_space<vmem>>) semaphore(%arg17 : memref<!tpu.dma_semaphore, #tpu.memory_space<semaphore_mem>>)
    %dma_start3A_14 = arith.constant 256 : i32
    %dma_start3A_15 = tpu.memref_slice %arg14[%dma_start3A_14] : memref<512xf32, #tpu.memory_space<vmem>> -> memref<128xf32, #tpu.memory_space<vmem>>
    %dma_start3A_16 = arith.constant 256 : i32
    %dma_start3A_17 = tpu.memref_slice %arg9[%dma_start3A_16] : memref<512xi32, #tpu.memory_space<vmem>> -> memref<128xi32, #tpu.memory_space<vmem>>
    %dma_start3A_18 = arith.constant 0 : i32
    %dma_start3A_19 = tpu.memref_slice %arg6[%dma_start3A_18] : memref<1000000xf32, #tpu.memory_space<hbm>> -> memref<1000000xf32, #tpu.memory_space<hbm>>
    tpu.enqueue_indirect_dma source(%dma_start3A_19 : memref<1000000xf32, #tpu.memory_space<hbm>>) target(%dma_start3A_15 : memref<128xf32, #tpu.memory_space<vmem>>) offsets(%dma_start3A_17 : memref<128xi32, #tpu.memory_space<vmem>>) semaphore(%arg17 : memref<!tpu.dma_semaphore, #tpu.memory_space<semaphore_mem>>)
    %dma_start3A_20 = arith.constant 384 : i32
    %dma_start3A_21 = tpu.memref_slice %arg14[%dma_start3A_20] : memref<512xf32, #tpu.memory_space<vmem>> -> memref<128xf32, #tpu.memory_space<vmem>>
    %dma_start3A_22 = arith.constant 384 : i32
    %dma_start3A_23 = tpu.memref_slice %arg9[%dma_start3A_22] : memref<512xi32, #tpu.memory_space<vmem>> -> memref<128xi32, #tpu.memory_space<vmem>>
    %dma_start3A_24 = arith.constant 0 : i32
    %dma_start3A_25 = tpu.memref_slice %arg6[%dma_start3A_24] : memref<1000000xf32, #tpu.memory_space<hbm>> -> memref<1000000xf32, #tpu.memory_space<hbm>>
    tpu.enqueue_indirect_dma source(%dma_start3A_25 : memref<1000000xf32, #tpu.memory_space<hbm>>) target(%dma_start3A_21 : memref<128xf32, #tpu.memory_space<vmem>>) offsets(%dma_start3A_23 : memref<128xi32, #tpu.memory_space<vmem>>) semaphore(%arg17 : memref<!tpu.dma_semaphore, #tpu.memory_space<semaphore_mem>>)
    %scan3A = arith.constant 0 : i32
    %scan3A_26 = arith.constant 0 : i32
    %scan3A_27 = arith.constant 32 : i32
    %scan3A_28 = arith.addi %scan3A_26, %scan3A_27 : i32
    %scan3A_29 = arith.constant 1 : i32
    scf.for %scan3A_836 = %scan3A_26 to %scan3A_28 step %scan3A_29  : i32 {
      %mul3A_837 = arith.constant 16 : i32
      %mul3A_838 = arith.muli %scan3A_836, %mul3A_837 : i32
      %get3A = arith.index_cast %mul3A_838 : i32 to index
      %get3A_839 = tpu.vector_load %arg8[%get3A] {strides = array<i32>} : memref<512xi32, #tpu.memory_space<vmem>>, vector<16xi32>,
      %get3A_840 = arith.index_cast %mul3A_838 : i32 to index
      %get3A_841 = tpu.vector_load %arg9[%get3A_840] {strides = array<i32>} : memref<512xi32, #tpu.memory_space<vmem>>, vector<16xi32>,
      %mul3A_842 = arith.constant 16 : i32
      %mul3A_843 = arith.muli %scan3A_836, %mul3A_842 : i32
      %add3A_844 = arith.constant 0 : i32
      %add3A_845 = arith.addi %add3A_844, %mul3A_843 : i32
      %add3A_846 = arith.constant 0 : i32
      %add3A_847 = vector.broadcast %add3A_846 : i32 to vector<16xi32>
      %add3A_848 = arith.addi %get3A_839, %add3A_847 : vector<16xi32>
      %swap3A = arith.index_cast %add3A_845 : i32 to index
      %swap3A_849 = tpu.vector_load %arg10[%swap3A] {strides = array<i32>} : memref<8192xi32, #tpu.memory_space<vmem>>, vector<16xi32>,
      tpu.vector_store %arg10[%swap3A], %add3A_848 {strides = array<i32>} : memref<8192xi32, #tpu.memory_space<vmem>>, vector<16xi32>,
      %add3A_850 = arith.constant 0 : i32
      %add3A_851 = vector.broadcast %add3A_850 : i32 to vector<16xi32>
      %add3A_852 = arith.addi %get3A_841, %add3A_851 : vector<16xi32>
      %swap3A_853 = arith.index_cast %add3A_845 : i32 to index
      %swap3A_854 = tpu.vector_load %arg11[%swap3A_853] {strides = array<i32>} : memref<8192xi32, #tpu.memory_space<vmem>>, vector<16xi32>,
      tpu.vector_store %arg11[%swap3A_853], %add3A_852 {strides = array<i32>} : memref<8192xi32, #tpu.memory_space<vmem>>, vector<16xi32>,
      %mul3A_855 = arith.constant 16 : i32
      %mul3A_856 = arith.muli %scan3A_836, %mul3A_855 : i32
      %add3A_857 = arith.constant 512 : i32
      %add3A_858 = arith.addi %add3A_857, %mul3A_856 : i32
      %add3A_859 = arith.constant 1000064 : i32
      %add3A_860 = vector.broadcast %add3A_859 : i32 to vector<16xi32>
      %add3A_861 = arith.addi %get3A_839, %add3A_860 : vector<16xi32>
      %swap3A_862 = arith.index_cast %add3A_858 : i32 to index
      %swap3A_863 = tpu.vector_load %arg10[%swap3A_862] {strides = array<i32>} : memref<8192xi32, #tpu.memory_space<vmem>>, vector<16xi32>,
      tpu.vector_store %arg10[%swap3A_862], %add3A_861 {strides = array<i32>} : memref<8192xi32, #tpu.memory_space<vmem>>, vector<16xi32>,
      %add3A_864 = arith.constant 1000064 : i32
      %add3A_865 = vector.broadcast %add3A_864 : i32 to vector<16xi32>
      %add3A_866 = arith.addi %get3A_841, %add3A_865 : vector<16xi32>
      %swap3A_867 = arith.index_cast %add3A_858 : i32 to index
      %swap3A_868 = tpu.vector_load %arg11[%swap3A_867] {strides = array<i32>} : memref<8192xi32, #tpu.memory_space<vmem>>, vector<16xi32>,
      tpu.vector_store %arg11[%swap3A_867], %add3A_866 {strides = array<i32>} : memref<8192xi32, #tpu.memory_space<vmem>>, vector<16xi32>,
      %mul3A_869 = arith.constant 16 : i32
      %mul3A_870 = arith.muli %scan3A_836, %mul3A_869 : i32
      %add3A_871 = arith.constant 1024 : i32
      %add3A_872 = arith.addi %add3A_871, %mul3A_870 : i32
      %add3A_873 = arith.constant 2000128 : i32
      %add3A_874 = vector.broadcast %add3A_873 : i32 to vector<16xi32>
      %add3A_875 = arith.addi %get3A_839, %add3A_874 : vector<16xi32>
      %swap3A_876 = arith.index_cast %add3A_872 : i32 to index
      %swap3A_877 = tpu.vector_load %arg10[%swap3A_876] {strides = array<i32>} : memref<8192xi32, #tpu.memory_space<vmem>>, vector<16xi32>,
      tpu.vector_store %arg10[%swap3A_876], %add3A_875 {strides = array<i32>} : memref<8192xi32, #tpu.memory_space<vmem>>, vector<16xi32>,
      %add3A_878 = arith.constant 2000128 : i32
      %add3A_879 = vector.broadcast %add3A_878 : i32 to vector<16xi32>
      %add3A_880 = arith.addi %get3A_841, %add3A_879 : vector<16xi32>
      %swap3A_881 = arith.index_cast %add3A_872 : i32 to index
      %swap3A_882 = tpu.vector_load %arg11[%swap3A_881] {strides = array<i32>} : memref<8192xi32, #tpu.memory_space<vmem>>, vector<16xi32>,
      tpu.vector_store %arg11[%swap3A_881], %add3A_880 {strides = array<i32>} : memref<8192xi32, #tpu.memory_space<vmem>>, vector<16xi32>,
      %mul3A_883 = arith.constant 16 : i32
      %mul3A_884 = arith.muli %scan3A_836, %mul3A_883 : i32
      %add3A_885 = arith.constant 1536 : i32
      %add3A_886 = arith.addi %add3A_885, %mul3A_884 : i32
      %add3A_887 = arith.constant 3000192 : i32
      %add3A_888 = vector.broadcast %add3A_887 : i32 to vector<16xi32>
      %add3A_889 = arith.addi %get3A_839, %add3A_888 : vector<16xi32>
      %swap3A_890 = arith.index_cast %add3A_886 : i32 to index
      %swap3A_891 = tpu.vector_load %arg10[%swap3A_890] {strides = array<i32>} : memref<8192xi32, #tpu.memory_space<vmem>>, vector<16xi32>,
      tpu.vector_store %arg10[%swap3A_890], %add3A_889 {strides = array<i32>} : memref<8192xi32, #tpu.memory_space<vmem>>, vector<16xi32>,
      %add3A_892 = arith.constant 3000192 : i32
      %add3A_893 = vector.broadcast %add3A_892 : i32 to vector<16xi32>
      %add3A_894 = arith.addi %get3A_841, %add3A_893 : vector<16xi32>
      %swap3A_895 = arith.index_cast %add3A_886 : i32 to index
      %swap3A_896 = tpu.vector_load %arg11[%swap3A_895] {strides = array<i32>} : memref<8192xi32, #tpu.memory_space<vmem>>, vector<16xi32>,
      tpu.vector_store %arg11[%swap3A_895], %add3A_894 {strides = array<i32>} : memref<8192xi32, #tpu.memory_space<vmem>>, vector<16xi32>,
      %mul3A_897 = arith.constant 16 : i32
      %mul3A_898 = arith.muli %scan3A_836, %mul3A_897 : i32
      %add3A_899 = arith.constant 2048 : i32
      %add3A_900 = arith.addi %add3A_899, %mul3A_898 : i32
      %add3A_901 = arith.constant 4000256 : i32
      %add3A_902 = vector.broadcast %add3A_901 : i32 to vector<16xi32>
      %add3A_903 = arith.addi %get3A_839, %add3A_902 : vector<16xi32>
      %swap3A_904 = arith.index_cast %add3A_900 : i32 to index
      %swap3A_905 = tpu.vector_load %arg10[%swap3A_904] {strides = array<i32>} : memref<8192xi32, #tpu.memory_space<vmem>>, vector<16xi32>,
      tpu.vector_store %arg10[%swap3A_904], %add3A_903 {strides = array<i32>} : memref<8192xi32, #tpu.memory_space<vmem>>, vector<16xi32>,
      %add3A_906 = arith.constant 4000256 : i32
      %add3A_907 = vector.broadcast %add3A_906 : i32 to vector<16xi32>
      %add3A_908 = arith.addi %get3A_841, %add3A_907 : vector<16xi32>
      %swap3A_909 = arith.index_cast %add3A_900 : i32 to index
      %swap3A_910 = tpu.vector_load %arg11[%swap3A_909] {strides = array<i32>} : memref<8192xi32, #tpu.memory_space<vmem>>, vector<16xi32>,
      tpu.vector_store %arg11[%swap3A_909], %add3A_908 {strides = array<i32>} : memref<8192xi32, #tpu.memory_space<vmem>>, vector<16xi32>,
      %mul3A_911 = arith.constant 16 : i32
      %mul3A_912 = arith.muli %scan3A_836, %mul3A_911 : i32
      %add3A_913 = arith.constant 2560 : i32
      %add3A_914 = arith.addi %add3A_913, %mul3A_912 : i32
      %add3A_915 = arith.constant 5000320 : i32
      %add3A_916 = vector.broadcast %add3A_915 : i32 to vector<16xi32>
      %add3A_917 = arith.addi %get3A_839, %add3A_916 : vector<16xi32>
      %swap3A_918 = arith.index_cast %add3A_914 : i32 to index
      %swap3A_919 = tpu.vector_load %arg10[%swap3A_918] {strides = array<i32>} : memref<8192xi32, #tpu.memory_space<vmem>>, vector<16xi32>,
      tpu.vector_store %arg10[%swap3A_918], %add3A_917 {strides = array<i32>} : memref<8192xi32, #tpu.memory_space<vmem>>, vector<16xi32>,
      %add3A_920 = arith.constant 5000320 : i32
      %add3A_921 = vector.broadcast %add3A_920 : i32 to vector<16xi32>
      %add3A_922 = arith.addi %get3A_841, %add3A_921 : vector<16xi32>
      %swap3A_923 = arith.index_cast %add3A_914 : i32 to index
      %swap3A_924 = tpu.vector_load %arg11[%swap3A_923] {strides = array<i32>} : memref<8192xi32, #tpu.memory_space<vmem>>, vector<16xi32>,
      tpu.vector_store %arg11[%swap3A_923], %add3A_922 {strides = array<i32>} : memref<8192xi32, #tpu.memory_space<vmem>>, vector<16xi32>,
      %mul3A_925 = arith.constant 16 : i32
      %mul3A_926 = arith.muli %scan3A_836, %mul3A_925 : i32
      %add3A_927 = arith.constant 3072 : i32
      %add3A_928 = arith.addi %add3A_927, %mul3A_926 : i32
      %add3A_929 = arith.constant 6000384 : i32
      %add3A_930 = vector.broadcast %add3A_929 : i32 to vector<16xi32>
      %add3A_931 = arith.addi %get3A_839, %add3A_930 : vector<16xi32>
      %swap3A_932 = arith.index_cast %add3A_928 : i32 to index
      %swap3A_933 = tpu.vector_load %arg10[%swap3A_932] {strides = array<i32>} : memref<8192xi32, #tpu.memory_space<vmem>>, vector<16xi32>,
      tpu.vector_store %arg10[%swap3A_932], %add3A_931 {strides = array<i32>} : memref<8192xi32, #tpu.memory_space<vmem>>, vector<16xi32>,
      %add3A_934 = arith.constant 6000384 : i32
      %add3A_935 = vector.broadcast %add3A_934 : i32 to vector<16xi32>
      %add3A_936 = arith.addi %get3A_841, %add3A_935 : vector<16xi32>
      %swap3A_937 = arith.index_cast %add3A_928 : i32 to index
      %swap3A_938 = tpu.vector_load %arg11[%swap3A_937] {strides = array<i32>} : memref<8192xi32, #tpu.memory_space<vmem>>, vector<16xi32>,
      tpu.vector_store %arg11[%swap3A_937], %add3A_936 {strides = array<i32>} : memref<8192xi32, #tpu.memory_space<vmem>>, vector<16xi32>,
      %mul3A_939 = arith.constant 16 : i32
      %mul3A_940 = arith.muli %scan3A_836, %mul3A_939 : i32
      %add3A_941 = arith.constant 3584 : i32
      %add3A_942 = arith.addi %add3A_941, %mul3A_940 : i32
      %add3A_943 = arith.constant 7000448 : i32
      %add3A_944 = vector.broadcast %add3A_943 : i32 to vector<16xi32>
      %add3A_945 = arith.addi %get3A_839, %add3A_944 : vector<16xi32>
      %swap3A_946 = arith.index_cast %add3A_942 : i32 to index
      %swap3A_947 = tpu.vector_load %arg10[%swap3A_946] {strides = array<i32>} : memref<8192xi32, #tpu.memory_space<vmem>>, vector<16xi32>,
      tpu.vector_store %arg10[%swap3A_946], %add3A_945 {strides = array<i32>} : memref<8192xi32, #tpu.memory_space<vmem>>, vector<16xi32>,
      %add3A_948 = arith.constant 7000448 : i32
      %add3A_949 = vector.broadcast %add3A_948 : i32 to vector<16xi32>
      %add3A_950 = arith.addi %get3A_841, %add3A_949 : vector<16xi32>
      %swap3A_951 = arith.index_cast %add3A_942 : i32 to index
      %swap3A_952 = tpu.vector_load %arg11[%swap3A_951] {strides = array<i32>} : memref<8192xi32, #tpu.memory_space<vmem>>, vector<16xi32>,
      tpu.vector_store %arg11[%swap3A_951], %add3A_950 {strides = array<i32>} : memref<8192xi32, #tpu.memory_space<vmem>>, vector<16xi32>,
      %mul3A_953 = arith.constant 16 : i32
      %mul3A_954 = arith.muli %scan3A_836, %mul3A_953 : i32
      %add3A_955 = arith.constant 4096 : i32
      %add3A_956 = arith.addi %add3A_955, %mul3A_954 : i32
      %add3A_957 = arith.constant 8000512 : i32
      %add3A_958 = vector.broadcast %add3A_957 : i32 to vector<16xi32>
      %add3A_959 = arith.addi %get3A_839, %add3A_958 : vector<16xi32>
      %swap3A_960 = arith.index_cast %add3A_956 : i32 to index
      %swap3A_961 = tpu.vector_load %arg10[%swap3A_960] {strides = array<i32>} : memref<8192xi32, #tpu.memory_space<vmem>>, vector<16xi32>,
      tpu.vector_store %arg10[%swap3A_960], %add3A_959 {strides = array<i32>} : memref<8192xi32, #tpu.memory_space<vmem>>, vector<16xi32>,
      %add3A_962 = arith.constant 8000512 : i32
      %add3A_963 = vector.broadcast %add3A_962 : i32 to vector<16xi32>
      %add3A_964 = arith.addi %get3A_841, %add3A_963 : vector<16xi32>
      %swap3A_965 = arith.index_cast %add3A_956 : i32 to index
      %swap3A_966 = tpu.vector_load %arg11[%swap3A_965] {strides = array<i32>} : memref<8192xi32, #tpu.memory_space<vmem>>, vector<16xi32>,
      tpu.vector_store %arg11[%swap3A_965], %add3A_964 {strides = array<i32>} : memref<8192xi32, #tpu.memory_space<vmem>>, vector<16xi32>,
      %mul3A_967 = arith.constant 16 : i32
      %mul3A_968 = arith.muli %scan3A_836, %mul3A_967 : i32
      %add3A_969 = arith.constant 4608 : i32
      %add3A_970 = arith.addi %add3A_969, %mul3A_968 : i32
      %add3A_971 = arith.constant 9000576 : i32
      %add3A_972 = vector.broadcast %add3A_971 : i32 to vector<16xi32>
      %add3A_973 = arith.addi %get3A_839, %add3A_972 : vector<16xi32>
      %swap3A_974 = arith.index_cast %add3A_970 : i32 to index
      %swap3A_975 = tpu.vector_load %arg10[%swap3A_974] {strides = array<i32>} : memref<8192xi32, #tpu.memory_space<vmem>>, vector<16xi32>,
      tpu.vector_store %arg10[%swap3A_974], %add3A_973 {strides = array<i32>} : memref<8192xi32, #tpu.memory_space<vmem>>, vector<16xi32>,
      %add3A_976 = arith.constant 9000576 : i32
      %add3A_977 = vector.broadcast %add3A_976 : i32 to vector<16xi32>
      %add3A_978 = arith.addi %get3A_841, %add3A_977 : vector<16xi32>
      %swap3A_979 = arith.index_cast %add3A_970 : i32 to index
      %swap3A_980 = tpu.vector_load %arg11[%swap3A_979] {strides = array<i32>} : memref<8192xi32, #tpu.memory_space<vmem>>, vector<16xi32>,
      tpu.vector_store %arg11[%swap3A_979], %add3A_978 {strides = array<i32>} : memref<8192xi32, #tpu.memory_space<vmem>>, vector<16xi32>,
      %mul3A_981 = arith.constant 16 : i32
      %mul3A_982 = arith.muli %scan3A_836, %mul3A_981 : i32
      %add3A_983 = arith.constant 5120 : i32
      %add3A_984 = arith.addi %add3A_983, %mul3A_982 : i32
      %add3A_985 = arith.constant 10000640 : i32
      %add3A_986 = vector.broadcast %add3A_985 : i32 to vector<16xi32>
      %add3A_987 = arith.addi %get3A_839, %add3A_986 : vector<16xi32>
      %swap3A_988 = arith.index_cast %add3A_984 : i32 to index
      %swap3A_989 = tpu.vector_load %arg10[%swap3A_988] {strides = array<i32>} : memref<8192xi32, #tpu.memory_space<vmem>>, vector<16xi32>,
      tpu.vector_store %arg10[%swap3A_988], %add3A_987 {strides = array<i32>} : memref<8192xi32, #tpu.memory_space<vmem>>, vector<16xi32>,
      %add3A_990 = arith.constant 10000640 : i32
      %add3A_991 = vector.broadcast %add3A_990 : i32 to vector<16xi32>
      %add3A_992 = arith.addi %get3A_841, %add3A_991 : vector<16xi32>
      %swap3A_993 = arith.index_cast %add3A_984 : i32 to index
      %swap3A_994 = tpu.vector_load %arg11[%swap3A_993] {strides = array<i32>} : memref<8192xi32, #tpu.memory_space<vmem>>, vector<16xi32>,
      tpu.vector_store %arg11[%swap3A_993], %add3A_992 {strides = array<i32>} : memref<8192xi32, #tpu.memory_space<vmem>>, vector<16xi32>,
      %mul3A_995 = arith.constant 16 : i32
      %mul3A_996 = arith.muli %scan3A_836, %mul3A_995 : i32
      %add3A_997 = arith.constant 5632 : i32
      %add3A_998 = arith.addi %add3A_997, %mul3A_996 : i32
      %add3A_999 = arith.constant 11000704 : i32
      %add3A_1000 = vector.broadcast %add3A_999 : i32 to vector<16xi32>
      %add3A_1001 = arith.addi %get3A_839, %add3A_1000 : vector<16xi32>
      %swap3A_1002 = arith.index_cast %add3A_998 : i32 to index
      %swap3A_1003 = tpu.vector_load %arg10[%swap3A_1002] {strides = array<i32>} : memref<8192xi32, #tpu.memory_space<vmem>>, vector<16xi32>,
      tpu.vector_store %arg10[%swap3A_1002], %add3A_1001 {strides = array<i32>} : memref<8192xi32, #tpu.memory_space<vmem>>, vector<16xi32>,
      %add3A_1004 = arith.constant 11000704 : i32
      %add3A_1005 = vector.broadcast %add3A_1004 : i32 to vector<16xi32>
      %add3A_1006 = arith.addi %get3A_841, %add3A_1005 : vector<16xi32>
      %swap3A_1007 = arith.index_cast %add3A_998 : i32 to index
      %swap3A_1008 = tpu.vector_load %arg11[%swap3A_1007] {strides = array<i32>} : memref<8192xi32, #tpu.memory_space<vmem>>, vector<16xi32>,
      tpu.vector_store %arg11[%swap3A_1007], %add3A_1006 {strides = array<i32>} : memref<8192xi32, #tpu.memory_space<vmem>>, vector<16xi32>,
      %mul3A_1009 = arith.constant 16 : i32
      %mul3A_1010 = arith.muli %scan3A_836, %mul3A_1009 : i32
      %add3A_1011 = arith.constant 6144 : i32
      %add3A_1012 = arith.addi %add3A_1011, %mul3A_1010 : i32
      %add3A_1013 = arith.constant 12000768 : i32
      %add3A_1014 = vector.broadcast %add3A_1013 : i32 to vector<16xi32>
      %add3A_1015 = arith.addi %get3A_839, %add3A_1014 : vector<16xi32>
      %swap3A_1016 = arith.index_cast %add3A_1012 : i32 to index
      %swap3A_1017 = tpu.vector_load %arg10[%swap3A_1016] {strides = array<i32>} : memref<8192xi32, #tpu.memory_space<vmem>>, vector<16xi32>,
      tpu.vector_store %arg10[%swap3A_1016], %add3A_1015 {strides = array<i32>} : memref<8192xi32, #tpu.memory_space<vmem>>, vector<16xi32>,
      %add3A_1018 = arith.constant 12000768 : i32
      %add3A_1019 = vector.broadcast %add3A_1018 : i32 to vector<16xi32>
      %add3A_1020 = arith.addi %get3A_841, %add3A_1019 : vector<16xi32>
      %swap3A_1021 = arith.index_cast %add3A_1012 : i32 to index
      %swap3A_1022 = tpu.vector_load %arg11[%swap3A_1021] {strides = array<i32>} : memref<8192xi32, #tpu.memory_space<vmem>>, vector<16xi32>,
      tpu.vector_store %arg11[%swap3A_1021], %add3A_1020 {strides = array<i32>} : memref<8192xi32, #tpu.memory_space<vmem>>, vector<16xi32>,
      %mul3A_1023 = arith.constant 16 : i32
      %mul3A_1024 = arith.muli %scan3A_836, %mul3A_1023 : i32
      %add3A_1025 = arith.constant 6656 : i32
      %add3A_1026 = arith.addi %add3A_1025, %mul3A_1024 : i32
      %add3A_1027 = arith.constant 13000832 : i32
      %add3A_1028 = vector.broadcast %add3A_1027 : i32 to vector<16xi32>
      %add3A_1029 = arith.addi %get3A_839, %add3A_1028 : vector<16xi32>
      %swap3A_1030 = arith.index_cast %add3A_1026 : i32 to index
      %swap3A_1031 = tpu.vector_load %arg10[%swap3A_1030] {strides = array<i32>} : memref<8192xi32, #tpu.memory_space<vmem>>, vector<16xi32>,
      tpu.vector_store %arg10[%swap3A_1030], %add3A_1029 {strides = array<i32>} : memref<8192xi32, #tpu.memory_space<vmem>>, vector<16xi32>,
      %add3A_1032 = arith.constant 13000832 : i32
      %add3A_1033 = vector.broadcast %add3A_1032 : i32 to vector<16xi32>
      %add3A_1034 = arith.addi %get3A_841, %add3A_1033 : vector<16xi32>
      %swap3A_1035 = arith.index_cast %add3A_1026 : i32 to index
      %swap3A_1036 = tpu.vector_load %arg11[%swap3A_1035] {strides = array<i32>} : memref<8192xi32, #tpu.memory_space<vmem>>, vector<16xi32>,
      tpu.vector_store %arg11[%swap3A_1035], %add3A_1034 {strides = array<i32>} : memref<8192xi32, #tpu.memory_space<vmem>>, vector<16xi32>,
      %mul3A_1037 = arith.constant 16 : i32
      %mul3A_1038 = arith.muli %scan3A_836, %mul3A_1037 : i32
      %add3A_1039 = arith.constant 7168 : i32
      %add3A_1040 = arith.addi %add3A_1039, %mul3A_1038 : i32
      %add3A_1041 = arith.constant 14000896 : i32
      %add3A_1042 = vector.broadcast %add3A_1041 : i32 to vector<16xi32>
      %add3A_1043 = arith.addi %get3A_839, %add3A_1042 : vector<16xi32>
      %swap3A_1044 = arith.index_cast %add3A_1040 : i32 to index
      %swap3A_1045 = tpu.vector_load %arg10[%swap3A_1044] {strides = array<i32>} : memref<8192xi32, #tpu.memory_space<vmem>>, vector<16xi32>,
      tpu.vector_store %arg10[%swap3A_1044], %add3A_1043 {strides = array<i32>} : memref<8192xi32, #tpu.memory_space<vmem>>, vector<16xi32>,
      %add3A_1046 = arith.constant 14000896 : i32
      %add3A_1047 = vector.broadcast %add3A_1046 : i32 to vector<16xi32>
      %add3A_1048 = arith.addi %get3A_841, %add3A_1047 : vector<16xi32>
      %swap3A_1049 = arith.index_cast %add3A_1040 : i32 to index
      %swap3A_1050 = tpu.vector_load %arg11[%swap3A_1049] {strides = array<i32>} : memref<8192xi32, #tpu.memory_space<vmem>>, vector<16xi32>,
      tpu.vector_store %arg11[%swap3A_1049], %add3A_1048 {strides = array<i32>} : memref<8192xi32, #tpu.memory_space<vmem>>, vector<16xi32>,
      %mul3A_1051 = arith.constant 16 : i32
      %mul3A_1052 = arith.muli %scan3A_836, %mul3A_1051 : i32
      %add3A_1053 = arith.constant 7680 : i32
      %add3A_1054 = arith.addi %add3A_1053, %mul3A_1052 : i32
      %add3A_1055 = arith.constant 15000960 : i32
      %add3A_1056 = vector.broadcast %add3A_1055 : i32 to vector<16xi32>
      %add3A_1057 = arith.addi %get3A_839, %add3A_1056 : vector<16xi32>
      %swap3A_1058 = arith.index_cast %add3A_1054 : i32 to index
      %swap3A_1059 = tpu.vector_load %arg10[%swap3A_1058] {strides = array<i32>} : memref<8192xi32, #tpu.memory_space<vmem>>, vector<16xi32>,
      tpu.vector_store %arg10[%swap3A_1058], %add3A_1057 {strides = array<i32>} : memref<8192xi32, #tpu.memory_space<vmem>>, vector<16xi32>,
      %add3A_1060 = arith.constant 15000960 : i32
      %add3A_1061 = vector.broadcast %add3A_1060 : i32 to vector<16xi32>
      %add3A_1062 = arith.addi %get3A_841, %add3A_1061 : vector<16xi32>
      %swap3A_1063 = arith.index_cast %add3A_1054 : i32 to index
      %swap3A_1064 = tpu.vector_load %arg11[%swap3A_1063] {strides = array<i32>} : memref<8192xi32, #tpu.memory_space<vmem>>, vector<16xi32>,
      tpu.vector_store %arg11[%swap3A_1063], %add3A_1062 {strides = array<i32>} : memref<8192xi32, #tpu.memory_space<vmem>>, vector<16xi32>,
    }
    %scan3A_30 = arith.constant 32 : i32
    %dma_start3A_31 = arith.constant 0 : i32
    %dma_start3A_32 = tpu.memref_slice %arg12[%dma_start3A_31] : memref<8192xf32, #tpu.memory_space<vmem>> -> memref<128xf32, #tpu.memory_space<vmem>>
    %dma_start3A_33 = arith.constant 0 : i32
    %dma_start3A_34 = tpu.memref_slice %arg10[%dma_start3A_33] : memref<8192xi32, #tpu.memory_space<vmem>> -> memref<128xi32, #tpu.memory_space<vmem>>
    %dma_start3A_35 = arith.constant 0 : i32
    %dma_start3A_36 = tpu.memref_slice %arg4[%dma_start3A_35] : memref<16001024xf32, #tpu.memory_space<hbm>> -> memref<16001024xf32, #tpu.memory_space<hbm>>
    tpu.enqueue_indirect_dma source(%dma_start3A_36 : memref<16001024xf32, #tpu.memory_space<hbm>>) target(%dma_start3A_32 : memref<128xf32, #tpu.memory_space<vmem>>) offsets(%dma_start3A_34 : memref<128xi32, #tpu.memory_space<vmem>>) semaphore(%arg15 : memref<!tpu.dma_semaphore, #tpu.memory_space<semaphore_mem>>)
    %dma_start3A_37 = arith.constant 0 : i32
    %dma_start3A_38 = tpu.memref_slice %arg13[%dma_start3A_37] : memref<8192xf32, #tpu.memory_space<vmem>> -> memref<128xf32, #tpu.memory_space<vmem>>
    %dma_start3A_39 = arith.constant 0 : i32
    %dma_start3A_40 = tpu.memref_slice %arg11[%dma_start3A_39] : memref<8192xi32, #tpu.memory_space<vmem>> -> memref<128xi32, #tpu.memory_space<vmem>>
    %dma_start3A_41 = arith.constant 0 : i32
    %dma_start3A_42 = tpu.memref_slice %arg5[%dma_start3A_41] : memref<16001024xf32, #tpu.memory_space<hbm>> -> memref<16001024xf32, #tpu.memory_space<hbm>>
    tpu.enqueue_indirect_dma source(%dma_start3A_42 : memref<16001024xf32, #tpu.memory_space<hbm>>) target(%dma_start3A_38 : memref<128xf32, #tpu.memory_space<vmem>>) offsets(%dma_start3A_40 : memref<128xi32, #tpu.memory_space<vmem>>) semaphore(%arg16 : memref<!tpu.dma_semaphore, #tpu.memory_space<semaphore_mem>>)
    %dma_start3A_43 = arith.constant 128 : i32
    %dma_start3A_44 = tpu.memref_slice %arg12[%dma_start3A_43] : memref<8192xf32, #tpu.memory_space<vmem>> -> memref<128xf32, #tpu.memory_space<vmem>>
    %dma_start3A_45 = arith.constant 128 : i32
    %dma_start3A_46 = tpu.memref_slice %arg10[%dma_start3A_45] : memref<8192xi32, #tpu.memory_space<vmem>> -> memref<128xi32, #tpu.memory_space<vmem>>
    %dma_start3A_47 = arith.constant 0 : i32
    %dma_start3A_48 = tpu.memref_slice %arg4[%dma_start3A_47] : memref<16001024xf32, #tpu.memory_space<hbm>> -> memref<16001024xf32, #tpu.memory_space<hbm>>
    tpu.enqueue_indirect_dma source(%dma_start3A_48 : memref<16001024xf32, #tpu.memory_space<hbm>>) target(%dma_start3A_44 : memref<128xf32, #tpu.memory_space<vmem>>) offsets(%dma_start3A_46 : memref<128xi32, #tpu.memory_space<vmem>>) semaphore(%arg15 : memref<!tpu.dma_semaphore, #tpu.memory_space<semaphore_mem>>)
    %dma_start3A_49 = arith.constant 128 : i32
    %dma_start3A_50 = tpu.memref_slice %arg13[%dma_start3A_49] : memref<8192xf32, #tpu.memory_space<vmem>> -> memref<128xf32, #tpu.memory_space<vmem>>
    %dma_start3A_51 = arith.constant 128 : i32
    %dma_start3A_52 = tpu.memref_slice %arg11[%dma_start3A_51] : memref<8192xi32, #tpu.memory_space<vmem>> -> memref<128xi32, #tpu.memory_space<vmem>>
    %dma_start3A_53 = arith.constant 0 : i32
    %dma_start3A_54 = tpu.memref_slice %arg5[%dma_start3A_53] : memref<16001024xf32, #tpu.memory_space<hbm>> -> memref<16001024xf32, #tpu.memory_space<hbm>>
    tpu.enqueue_indirect_dma source(%dma_start3A_54 : memref<16001024xf32, #tpu.memory_space<hbm>>) target(%dma_start3A_50 : memref<128xf32, #tpu.memory_space<vmem>>) offsets(%dma_start3A_52 : memref<128xi32, #tpu.memory_space<vmem>>) semaphore(%arg16 : memref<!tpu.dma_semaphore, #tpu.memory_space<semaphore_mem>>)
    %dma_start3A_55 = arith.constant 256 : i32
    %dma_start3A_56 = tpu.memref_slice %arg12[%dma_start3A_55] : memref<8192xf32, #tpu.memory_space<vmem>> -> memref<128xf32, #tpu.memory_space<vmem>>
    %dma_start3A_57 = arith.constant 256 : i32
    %dma_start3A_58 = tpu.memref_slice %arg10[%dma_start3A_57] : memref<8192xi32, #tpu.memory_space<vmem>> -> memref<128xi32, #tpu.memory_space<vmem>>
    %dma_start3A_59 = arith.constant 0 : i32
    %dma_start3A_60 = tpu.memref_slice %arg4[%dma_start3A_59] : memref<16001024xf32, #tpu.memory_space<hbm>> -> memref<16001024xf32, #tpu.memory_space<hbm>>
    tpu.enqueue_indirect_dma source(%dma_start3A_60 : memref<16001024xf32, #tpu.memory_space<hbm>>) target(%dma_start3A_56 : memref<128xf32, #tpu.memory_space<vmem>>) offsets(%dma_start3A_58 : memref<128xi32, #tpu.memory_space<vmem>>) semaphore(%arg15 : memref<!tpu.dma_semaphore, #tpu.memory_space<semaphore_mem>>)
    %dma_start3A_61 = arith.constant 256 : i32
    %dma_start3A_62 = tpu.memref_slice %arg13[%dma_start3A_61] : memref<8192xf32, #tpu.memory_space<vmem>> -> memref<128xf32, #tpu.memory_space<vmem>>
    %dma_start3A_63 = arith.constant 256 : i32
    %dma_start3A_64 = tpu.memref_slice %arg11[%dma_start3A_63] : memref<8192xi32, #tpu.memory_space<vmem>> -> memref<128xi32, #tpu.memory_space<vmem>>
    %dma_start3A_65 = arith.constant 0 : i32
    %dma_start3A_66 = tpu.memref_slice %arg5[%dma_start3A_65] : memref<16001024xf32, #tpu.memory_space<hbm>> -> memref<16001024xf32, #tpu.memory_space<hbm>>
    tpu.enqueue_indirect_dma source(%dma_start3A_66 : memref<16001024xf32, #tpu.memory_space<hbm>>) target(%dma_start3A_62 : memref<128xf32, #tpu.memory_space<vmem>>) offsets(%dma_start3A_64 : memref<128xi32, #tpu.memory_space<vmem>>) semaphore(%arg16 : memref<!tpu.dma_semaphore, #tpu.memory_space<semaphore_mem>>)
    %dma_start3A_67 = arith.constant 384 : i32
    %dma_start3A_68 = tpu.memref_slice %arg12[%dma_start3A_67] : memref<8192xf32, #tpu.memory_space<vmem>> -> memref<128xf32, #tpu.memory_space<vmem>>
    %dma_start3A_69 = arith.constant 384 : i32
    %dma_start3A_70 = tpu.memref_slice %arg10[%dma_start3A_69] : memref<8192xi32, #tpu.memory_space<vmem>> -> memref<128xi32, #tpu.memory_space<vmem>>
    %dma_start3A_71 = arith.constant 0 : i32
    %dma_start3A_72 = tpu.memref_slice %arg4[%dma_start3A_71] : memref<16001024xf32, #tpu.memory_space<hbm>> -> memref<16001024xf32, #tpu.memory_space<hbm>>
    tpu.enqueue_indirect_dma source(%dma_start3A_72 : memref<16001024xf32, #tpu.memory_space<hbm>>) target(%dma_start3A_68 : memref<128xf32, #tpu.memory_space<vmem>>) offsets(%dma_start3A_70 : memref<128xi32, #tpu.memory_space<vmem>>) semaphore(%arg15 : memref<!tpu.dma_semaphore, #tpu.memory_space<semaphore_mem>>)
    %dma_start3A_73 = arith.constant 384 : i32
    %dma_start3A_74 = tpu.memref_slice %arg13[%dma_start3A_73] : memref<8192xf32, #tpu.memory_space<vmem>> -> memref<128xf32, #tpu.memory_space<vmem>>
    %dma_start3A_75 = arith.constant 384 : i32
    %dma_start3A_76 = tpu.memref_slice %arg11[%dma_start3A_75] : memref<8192xi32, #tpu.memory_space<vmem>> -> memref<128xi32, #tpu.memory_space<vmem>>
    %dma_start3A_77 = arith.constant 0 : i32
    %dma_start3A_78 = tpu.memref_slice %arg5[%dma_start3A_77] : memref<16001024xf32, #tpu.memory_space<hbm>> -> memref<16001024xf32, #tpu.memory_space<hbm>>
    tpu.enqueue_indirect_dma source(%dma_start3A_78 : memref<16001024xf32, #tpu.memory_space<hbm>>) target(%dma_start3A_74 : memref<128xf32, #tpu.memory_space<vmem>>) offsets(%dma_start3A_76 : memref<128xi32, #tpu.memory_space<vmem>>) semaphore(%arg16 : memref<!tpu.dma_semaphore, #tpu.memory_space<semaphore_mem>>)
    %dma_start3A_79 = arith.constant 512 : i32
    %dma_start3A_80 = tpu.memref_slice %arg12[%dma_start3A_79] : memref<8192xf32, #tpu.memory_space<vmem>> -> memref<128xf32, #tpu.memory_space<vmem>>
    %dma_start3A_81 = arith.constant 512 : i32
    %dma_start3A_82 = tpu.memref_slice %arg10[%dma_start3A_81] : memref<8192xi32, #tpu.memory_space<vmem>> -> memref<128xi32, #tpu.memory_space<vmem>>
    %dma_start3A_83 = arith.constant 0 : i32
    %dma_start3A_84 = tpu.memref_slice %arg4[%dma_start3A_83] : memref<16001024xf32, #tpu.memory_space<hbm>> -> memref<16001024xf32, #tpu.memory_space<hbm>>
    tpu.enqueue_indirect_dma source(%dma_start3A_84 : memref<16001024xf32, #tpu.memory_space<hbm>>) target(%dma_start3A_80 : memref<128xf32, #tpu.memory_space<vmem>>) offsets(%dma_start3A_82 : memref<128xi32, #tpu.memory_space<vmem>>) semaphore(%arg15 : memref<!tpu.dma_semaphore, #tpu.memory_space<semaphore_mem>>)
    %dma_start3A_85 = arith.constant 512 : i32
    %dma_start3A_86 = tpu.memref_slice %arg13[%dma_start3A_85] : memref<8192xf32, #tpu.memory_space<vmem>> -> memref<128xf32, #tpu.memory_space<vmem>>
    %dma_start3A_87 = arith.constant 512 : i32
    %dma_start3A_88 = tpu.memref_slice %arg11[%dma_start3A_87] : memref<8192xi32, #tpu.memory_space<vmem>> -> memref<128xi32, #tpu.memory_space<vmem>>
    %dma_start3A_89 = arith.constant 0 : i32
    %dma_start3A_90 = tpu.memref_slice %arg5[%dma_start3A_89] : memref<16001024xf32, #tpu.memory_space<hbm>> -> memref<16001024xf32, #tpu.memory_space<hbm>>
    tpu.enqueue_indirect_dma source(%dma_start3A_90 : memref<16001024xf32, #tpu.memory_space<hbm>>) target(%dma_start3A_86 : memref<128xf32, #tpu.memory_space<vmem>>) offsets(%dma_start3A_88 : memref<128xi32, #tpu.memory_space<vmem>>) semaphore(%arg16 : memref<!tpu.dma_semaphore, #tpu.memory_space<semaphore_mem>>)
    %dma_start3A_91 = arith.constant 640 : i32
    %dma_start3A_92 = tpu.memref_slice %arg12[%dma_start3A_91] : memref<8192xf32, #tpu.memory_space<vmem>> -> memref<128xf32, #tpu.memory_space<vmem>>
    %dma_start3A_93 = arith.constant 640 : i32
    %dma_start3A_94 = tpu.memref_slice %arg10[%dma_start3A_93] : memref<8192xi32, #tpu.memory_space<vmem>> -> memref<128xi32, #tpu.memory_space<vmem>>
    %dma_start3A_95 = arith.constant 0 : i32
    %dma_start3A_96 = tpu.memref_slice %arg4[%dma_start3A_95] : memref<16001024xf32, #tpu.memory_space<hbm>> -> memref<16001024xf32, #tpu.memory_space<hbm>>
    tpu.enqueue_indirect_dma source(%dma_start3A_96 : memref<16001024xf32, #tpu.memory_space<hbm>>) target(%dma_start3A_92 : memref<128xf32, #tpu.memory_space<vmem>>) offsets(%dma_start3A_94 : memref<128xi32, #tpu.memory_space<vmem>>) semaphore(%arg15 : memref<!tpu.dma_semaphore, #tpu.memory_space<semaphore_mem>>)
    %dma_start3A_97 = arith.constant 640 : i32
    %dma_start3A_98 = tpu.memref_slice %arg13[%dma_start3A_97] : memref<8192xf32, #tpu.memory_space<vmem>> -> memref<128xf32, #tpu.memory_space<vmem>>
    %dma_start3A_99 = arith.constant 640 : i32
    %dma_start3A_100 = tpu.memref_slice %arg11[%dma_start3A_99] : memref<8192xi32, #tpu.memory_space<vmem>> -> memref<128xi32, #tpu.memory_space<vmem>>
    %dma_start3A_101 = arith.constant 0 : i32
    %dma_start3A_102 = tpu.memref_slice %arg5[%dma_start3A_101] : memref<16001024xf32, #tpu.memory_space<hbm>> -> memref<16001024xf32, #tpu.memory_space<hbm>>
    tpu.enqueue_indirect_dma source(%dma_start3A_102 : memref<16001024xf32, #tpu.memory_space<hbm>>) target(%dma_start3A_98 : memref<128xf32, #tpu.memory_space<vmem>>) offsets(%dma_start3A_100 : memref<128xi32, #tpu.memory_space<vmem>>) semaphore(%arg16 : memref<!tpu.dma_semaphore, #tpu.memory_space<semaphore_mem>>)
    %dma_start3A_103 = arith.constant 768 : i32
    %dma_start3A_104 = tpu.memref_slice %arg12[%dma_start3A_103] : memref<8192xf32, #tpu.memory_space<vmem>> -> memref<128xf32, #tpu.memory_space<vmem>>
    %dma_start3A_105 = arith.constant 768 : i32
    %dma_start3A_106 = tpu.memref_slice %arg10[%dma_start3A_105] : memref<8192xi32, #tpu.memory_space<vmem>> -> memref<128xi32, #tpu.memory_space<vmem>>
    %dma_start3A_107 = arith.constant 0 : i32
    %dma_start3A_108 = tpu.memref_slice %arg4[%dma_start3A_107] : memref<16001024xf32, #tpu.memory_space<hbm>> -> memref<16001024xf32, #tpu.memory_space<hbm>>
    tpu.enqueue_indirect_dma source(%dma_start3A_108 : memref<16001024xf32, #tpu.memory_space<hbm>>) target(%dma_start3A_104 : memref<128xf32, #tpu.memory_space<vmem>>) offsets(%dma_start3A_106 : memref<128xi32, #tpu.memory_space<vmem>>) semaphore(%arg15 : memref<!tpu.dma_semaphore, #tpu.memory_space<semaphore_mem>>)
    %dma_start3A_109 = arith.constant 768 : i32
    %dma_start3A_110 = tpu.memref_slice %arg13[%dma_start3A_109] : memref<8192xf32, #tpu.memory_space<vmem>> -> memref<128xf32, #tpu.memory_space<vmem>>
    %dma_start3A_111 = arith.constant 768 : i32
    %dma_start3A_112 = tpu.memref_slice %arg11[%dma_start3A_111] : memref<8192xi32, #tpu.memory_space<vmem>> -> memref<128xi32, #tpu.memory_space<vmem>>
    %dma_start3A_113 = arith.constant 0 : i32
    %dma_start3A_114 = tpu.memref_slice %arg5[%dma_start3A_113] : memref<16001024xf32, #tpu.memory_space<hbm>> -> memref<16001024xf32, #tpu.memory_space<hbm>>
    tpu.enqueue_indirect_dma source(%dma_start3A_114 : memref<16001024xf32, #tpu.memory_space<hbm>>) target(%dma_start3A_110 : memref<128xf32, #tpu.memory_space<vmem>>) offsets(%dma_start3A_112 : memref<128xi32, #tpu.memory_space<vmem>>) semaphore(%arg16 : memref<!tpu.dma_semaphore, #tpu.memory_space<semaphore_mem>>)
    %dma_start3A_115 = arith.constant 896 : i32
    %dma_start3A_116 = tpu.memref_slice %arg12[%dma_start3A_115] : memref<8192xf32, #tpu.memory_space<vmem>> -> memref<128xf32, #tpu.memory_space<vmem>>
    %dma_start3A_117 = arith.constant 896 : i32
    %dma_start3A_118 = tpu.memref_slice %arg10[%dma_start3A_117] : memref<8192xi32, #tpu.memory_space<vmem>> -> memref<128xi32, #tpu.memory_space<vmem>>
    %dma_start3A_119 = arith.constant 0 : i32
    %dma_start3A_120 = tpu.memref_slice %arg4[%dma_start3A_119] : memref<16001024xf32, #tpu.memory_space<hbm>> -> memref<16001024xf32, #tpu.memory_space<hbm>>
    tpu.enqueue_indirect_dma source(%dma_start3A_120 : memref<16001024xf32, #tpu.memory_space<hbm>>) target(%dma_start3A_116 : memref<128xf32, #tpu.memory_space<vmem>>) offsets(%dma_start3A_118 : memref<128xi32, #tpu.memory_space<vmem>>) semaphore(%arg15 : memref<!tpu.dma_semaphore, #tpu.memory_space<semaphore_mem>>)
    %dma_start3A_121 = arith.constant 896 : i32
    %dma_start3A_122 = tpu.memref_slice %arg13[%dma_start3A_121] : memref<8192xf32, #tpu.memory_space<vmem>> -> memref<128xf32, #tpu.memory_space<vmem>>
    %dma_start3A_123 = arith.constant 896 : i32
    %dma_start3A_124 = tpu.memref_slice %arg11[%dma_start3A_123] : memref<8192xi32, #tpu.memory_space<vmem>> -> memref<128xi32, #tpu.memory_space<vmem>>
    %dma_start3A_125 = arith.constant 0 : i32
    %dma_start3A_126 = tpu.memref_slice %arg5[%dma_start3A_125] : memref<16001024xf32, #tpu.memory_space<hbm>> -> memref<16001024xf32, #tpu.memory_space<hbm>>
    tpu.enqueue_indirect_dma source(%dma_start3A_126 : memref<16001024xf32, #tpu.memory_space<hbm>>) target(%dma_start3A_122 : memref<128xf32, #tpu.memory_space<vmem>>) offsets(%dma_start3A_124 : memref<128xi32, #tpu.memory_space<vmem>>) semaphore(%arg16 : memref<!tpu.dma_semaphore, #tpu.memory_space<semaphore_mem>>)
    %dma_start3A_127 = arith.constant 1024 : i32
    %dma_start3A_128 = tpu.memref_slice %arg12[%dma_start3A_127] : memref<8192xf32, #tpu.memory_space<vmem>> -> memref<128xf32, #tpu.memory_space<vmem>>
    %dma_start3A_129 = arith.constant 1024 : i32
    %dma_start3A_130 = tpu.memref_slice %arg10[%dma_start3A_129] : memref<8192xi32, #tpu.memory_space<vmem>> -> memref<128xi32, #tpu.memory_space<vmem>>
    %dma_start3A_131 = arith.constant 0 : i32
    %dma_start3A_132 = tpu.memref_slice %arg4[%dma_start3A_131] : memref<16001024xf32, #tpu.memory_space<hbm>> -> memref<16001024xf32, #tpu.memory_space<hbm>>
    tpu.enqueue_indirect_dma source(%dma_start3A_132 : memref<16001024xf32, #tpu.memory_space<hbm>>) target(%dma_start3A_128 : memref<128xf32, #tpu.memory_space<vmem>>) offsets(%dma_start3A_130 : memref<128xi32, #tpu.memory_space<vmem>>) semaphore(%arg15 : memref<!tpu.dma_semaphore, #tpu.memory_space<semaphore_mem>>)
    %dma_start3A_133 = arith.constant 1024 : i32
    %dma_start3A_134 = tpu.memref_slice %arg13[%dma_start3A_133] : memref<8192xf32, #tpu.memory_space<vmem>> -> memref<128xf32, #tpu.memory_space<vmem>>
    %dma_start3A_135 = arith.constant 1024 : i32
    %dma_start3A_136 = tpu.memref_slice %arg11[%dma_start3A_135] : memref<8192xi32, #tpu.memory_space<vmem>> -> memref<128xi32, #tpu.memory_space<vmem>>
    %dma_start3A_137 = arith.constant 0 : i32
    %dma_start3A_138 = tpu.memref_slice %arg5[%dma_start3A_137] : memref<16001024xf32, #tpu.memory_space<hbm>> -> memref<16001024xf32, #tpu.memory_space<hbm>>
    tpu.enqueue_indirect_dma source(%dma_start3A_138 : memref<16001024xf32, #tpu.memory_space<hbm>>) target(%dma_start3A_134 : memref<128xf32, #tpu.memory_space<vmem>>) offsets(%dma_start3A_136 : memref<128xi32, #tpu.memory_space<vmem>>) semaphore(%arg16 : memref<!tpu.dma_semaphore, #tpu.memory_space<semaphore_mem>>)
    %dma_start3A_139 = arith.constant 1152 : i32
    %dma_start3A_140 = tpu.memref_slice %arg12[%dma_start3A_139] : memref<8192xf32, #tpu.memory_space<vmem>> -> memref<128xf32, #tpu.memory_space<vmem>>
    %dma_start3A_141 = arith.constant 1152 : i32
    %dma_start3A_142 = tpu.memref_slice %arg10[%dma_start3A_141] : memref<8192xi32, #tpu.memory_space<vmem>> -> memref<128xi32, #tpu.memory_space<vmem>>
    %dma_start3A_143 = arith.constant 0 : i32
    %dma_start3A_144 = tpu.memref_slice %arg4[%dma_start3A_143] : memref<16001024xf32, #tpu.memory_space<hbm>> -> memref<16001024xf32, #tpu.memory_space<hbm>>
    tpu.enqueue_indirect_dma source(%dma_start3A_144 : memref<16001024xf32, #tpu.memory_space<hbm>>) target(%dma_start3A_140 : memref<128xf32, #tpu.memory_space<vmem>>) offsets(%dma_start3A_142 : memref<128xi32, #tpu.memory_space<vmem>>) semaphore(%arg15 : memref<!tpu.dma_semaphore, #tpu.memory_space<semaphore_mem>>)
    %dma_start3A_145 = arith.constant 1152 : i32
    %dma_start3A_146 = tpu.memref_slice %arg13[%dma_start3A_145] : memref<8192xf32, #tpu.memory_space<vmem>> -> memref<128xf32, #tpu.memory_space<vmem>>
    %dma_start3A_147 = arith.constant 1152 : i32
    %dma_start3A_148 = tpu.memref_slice %arg11[%dma_start3A_147] : memref<8192xi32, #tpu.memory_space<vmem>> -> memref<128xi32, #tpu.memory_space<vmem>>
    %dma_start3A_149 = arith.constant 0 : i32
    %dma_start3A_150 = tpu.memref_slice %arg5[%dma_start3A_149] : memref<16001024xf32, #tpu.memory_space<hbm>> -> memref<16001024xf32, #tpu.memory_space<hbm>>
    tpu.enqueue_indirect_dma source(%dma_start3A_150 : memref<16001024xf32, #tpu.memory_space<hbm>>) target(%dma_start3A_146 : memref<128xf32, #tpu.memory_space<vmem>>) offsets(%dma_start3A_148 : memref<128xi32, #tpu.memory_space<vmem>>) semaphore(%arg16 : memref<!tpu.dma_semaphore, #tpu.memory_space<semaphore_mem>>)
    %dma_start3A_151 = arith.constant 1280 : i32
    %dma_start3A_152 = tpu.memref_slice %arg12[%dma_start3A_151] : memref<8192xf32, #tpu.memory_space<vmem>> -> memref<128xf32, #tpu.memory_space<vmem>>
    %dma_start3A_153 = arith.constant 1280 : i32
    %dma_start3A_154 = tpu.memref_slice %arg10[%dma_start3A_153] : memref<8192xi32, #tpu.memory_space<vmem>> -> memref<128xi32, #tpu.memory_space<vmem>>
    %dma_start3A_155 = arith.constant 0 : i32
    %dma_start3A_156 = tpu.memref_slice %arg4[%dma_start3A_155] : memref<16001024xf32, #tpu.memory_space<hbm>> -> memref<16001024xf32, #tpu.memory_space<hbm>>
    tpu.enqueue_indirect_dma source(%dma_start3A_156 : memref<16001024xf32, #tpu.memory_space<hbm>>) target(%dma_start3A_152 : memref<128xf32, #tpu.memory_space<vmem>>) offsets(%dma_start3A_154 : memref<128xi32, #tpu.memory_space<vmem>>) semaphore(%arg15 : memref<!tpu.dma_semaphore, #tpu.memory_space<semaphore_mem>>)
    %dma_start3A_157 = arith.constant 1280 : i32
    %dma_start3A_158 = tpu.memref_slice %arg13[%dma_start3A_157] : memref<8192xf32, #tpu.memory_space<vmem>> -> memref<128xf32, #tpu.memory_space<vmem>>
    %dma_start3A_159 = arith.constant 1280 : i32
    %dma_start3A_160 = tpu.memref_slice %arg11[%dma_start3A_159] : memref<8192xi32, #tpu.memory_space<vmem>> -> memref<128xi32, #tpu.memory_space<vmem>>
    %dma_start3A_161 = arith.constant 0 : i32
    %dma_start3A_162 = tpu.memref_slice %arg5[%dma_start3A_161] : memref<16001024xf32, #tpu.memory_space<hbm>> -> memref<16001024xf32, #tpu.memory_space<hbm>>
    tpu.enqueue_indirect_dma source(%dma_start3A_162 : memref<16001024xf32, #tpu.memory_space<hbm>>) target(%dma_start3A_158 : memref<128xf32, #tpu.memory_space<vmem>>) offsets(%dma_start3A_160 : memref<128xi32, #tpu.memory_space<vmem>>) semaphore(%arg16 : memref<!tpu.dma_semaphore, #tpu.memory_space<semaphore_mem>>)
    %dma_start3A_163 = arith.constant 1408 : i32
    %dma_start3A_164 = tpu.memref_slice %arg12[%dma_start3A_163] : memref<8192xf32, #tpu.memory_space<vmem>> -> memref<128xf32, #tpu.memory_space<vmem>>
    %dma_start3A_165 = arith.constant 1408 : i32
    %dma_start3A_166 = tpu.memref_slice %arg10[%dma_start3A_165] : memref<8192xi32, #tpu.memory_space<vmem>> -> memref<128xi32, #tpu.memory_space<vmem>>
    %dma_start3A_167 = arith.constant 0 : i32
    %dma_start3A_168 = tpu.memref_slice %arg4[%dma_start3A_167] : memref<16001024xf32, #tpu.memory_space<hbm>> -> memref<16001024xf32, #tpu.memory_space<hbm>>
    tpu.enqueue_indirect_dma source(%dma_start3A_168 : memref<16001024xf32, #tpu.memory_space<hbm>>) target(%dma_start3A_164 : memref<128xf32, #tpu.memory_space<vmem>>) offsets(%dma_start3A_166 : memref<128xi32, #tpu.memory_space<vmem>>) semaphore(%arg15 : memref<!tpu.dma_semaphore, #tpu.memory_space<semaphore_mem>>)
    %dma_start3A_169 = arith.constant 1408 : i32
    %dma_start3A_170 = tpu.memref_slice %arg13[%dma_start3A_169] : memref<8192xf32, #tpu.memory_space<vmem>> -> memref<128xf32, #tpu.memory_space<vmem>>
    %dma_start3A_171 = arith.constant 1408 : i32
    %dma_start3A_172 = tpu.memref_slice %arg11[%dma_start3A_171] : memref<8192xi32, #tpu.memory_space<vmem>> -> memref<128xi32, #tpu.memory_space<vmem>>
    %dma_start3A_173 = arith.constant 0 : i32
    %dma_start3A_174 = tpu.memref_slice %arg5[%dma_start3A_173] : memref<16001024xf32, #tpu.memory_space<hbm>> -> memref<16001024xf32, #tpu.memory_space<hbm>>
    tpu.enqueue_indirect_dma source(%dma_start3A_174 : memref<16001024xf32, #tpu.memory_space<hbm>>) target(%dma_start3A_170 : memref<128xf32, #tpu.memory_space<vmem>>) offsets(%dma_start3A_172 : memref<128xi32, #tpu.memory_space<vmem>>) semaphore(%arg16 : memref<!tpu.dma_semaphore, #tpu.memory_space<semaphore_mem>>)
    %dma_start3A_175 = arith.constant 1536 : i32
    %dma_start3A_176 = tpu.memref_slice %arg12[%dma_start3A_175] : memref<8192xf32, #tpu.memory_space<vmem>> -> memref<128xf32, #tpu.memory_space<vmem>>
    %dma_start3A_177 = arith.constant 1536 : i32
    %dma_start3A_178 = tpu.memref_slice %arg10[%dma_start3A_177] : memref<8192xi32, #tpu.memory_space<vmem>> -> memref<128xi32, #tpu.memory_space<vmem>>
    %dma_start3A_179 = arith.constant 0 : i32
    %dma_start3A_180 = tpu.memref_slice %arg4[%dma_start3A_179] : memref<16001024xf32, #tpu.memory_space<hbm>> -> memref<16001024xf32, #tpu.memory_space<hbm>>
    tpu.enqueue_indirect_dma source(%dma_start3A_180 : memref<16001024xf32, #tpu.memory_space<hbm>>) target(%dma_start3A_176 : memref<128xf32, #tpu.memory_space<vmem>>) offsets(%dma_start3A_178 : memref<128xi32, #tpu.memory_space<vmem>>) semaphore(%arg15 : memref<!tpu.dma_semaphore, #tpu.memory_space<semaphore_mem>>)
    %dma_start3A_181 = arith.constant 1536 : i32
    %dma_start3A_182 = tpu.memref_slice %arg13[%dma_start3A_181] : memref<8192xf32, #tpu.memory_space<vmem>> -> memref<128xf32, #tpu.memory_space<vmem>>
    %dma_start3A_183 = arith.constant 1536 : i32
    %dma_start3A_184 = tpu.memref_slice %arg11[%dma_start3A_183] : memref<8192xi32, #tpu.memory_space<vmem>> -> memref<128xi32, #tpu.memory_space<vmem>>
    %dma_start3A_185 = arith.constant 0 : i32
    %dma_start3A_186 = tpu.memref_slice %arg5[%dma_start3A_185] : memref<16001024xf32, #tpu.memory_space<hbm>> -> memref<16001024xf32, #tpu.memory_space<hbm>>
    tpu.enqueue_indirect_dma source(%dma_start3A_186 : memref<16001024xf32, #tpu.memory_space<hbm>>) target(%dma_start3A_182 : memref<128xf32, #tpu.memory_space<vmem>>) offsets(%dma_start3A_184 : memref<128xi32, #tpu.memory_space<vmem>>) semaphore(%arg16 : memref<!tpu.dma_semaphore, #tpu.memory_space<semaphore_mem>>)
    %dma_start3A_187 = arith.constant 1664 : i32
    %dma_start3A_188 = tpu.memref_slice %arg12[%dma_start3A_187] : memref<8192xf32, #tpu.memory_space<vmem>> -> memref<128xf32, #tpu.memory_space<vmem>>
    %dma_start3A_189 = arith.constant 1664 : i32
    %dma_start3A_190 = tpu.memref_slice %arg10[%dma_start3A_189] : memref<8192xi32, #tpu.memory_space<vmem>> -> memref<128xi32, #tpu.memory_space<vmem>>
    %dma_start3A_191 = arith.constant 0 : i32
    %dma_start3A_192 = tpu.memref_slice %arg4[%dma_start3A_191] : memref<16001024xf32, #tpu.memory_space<hbm>> -> memref<16001024xf32, #tpu.memory_space<hbm>>
    tpu.enqueue_indirect_dma source(%dma_start3A_192 : memref<16001024xf32, #tpu.memory_space<hbm>>) target(%dma_start3A_188 : memref<128xf32, #tpu.memory_space<vmem>>) offsets(%dma_start3A_190 : memref<128xi32, #tpu.memory_space<vmem>>) semaphore(%arg15 : memref<!tpu.dma_semaphore, #tpu.memory_space<semaphore_mem>>)
    %dma_start3A_193 = arith.constant 1664 : i32
    %dma_start3A_194 = tpu.memref_slice %arg13[%dma_start3A_193] : memref<8192xf32, #tpu.memory_space<vmem>> -> memref<128xf32, #tpu.memory_space<vmem>>
    %dma_start3A_195 = arith.constant 1664 : i32
    %dma_start3A_196 = tpu.memref_slice %arg11[%dma_start3A_195] : memref<8192xi32, #tpu.memory_space<vmem>> -> memref<128xi32, #tpu.memory_space<vmem>>
    %dma_start3A_197 = arith.constant 0 : i32
    %dma_start3A_198 = tpu.memref_slice %arg5[%dma_start3A_197] : memref<16001024xf32, #tpu.memory_space<hbm>> -> memref<16001024xf32, #tpu.memory_space<hbm>>
    tpu.enqueue_indirect_dma source(%dma_start3A_198 : memref<16001024xf32, #tpu.memory_space<hbm>>) target(%dma_start3A_194 : memref<128xf32, #tpu.memory_space<vmem>>) offsets(%dma_start3A_196 : memref<128xi32, #tpu.memory_space<vmem>>) semaphore(%arg16 : memref<!tpu.dma_semaphore, #tpu.memory_space<semaphore_mem>>)
    %dma_start3A_199 = arith.constant 1792 : i32
    %dma_start3A_200 = tpu.memref_slice %arg12[%dma_start3A_199] : memref<8192xf32, #tpu.memory_space<vmem>> -> memref<128xf32, #tpu.memory_space<vmem>>
    %dma_start3A_201 = arith.constant 1792 : i32
    %dma_start3A_202 = tpu.memref_slice %arg10[%dma_start3A_201] : memref<8192xi32, #tpu.memory_space<vmem>> -> memref<128xi32, #tpu.memory_space<vmem>>
    %dma_start3A_203 = arith.constant 0 : i32
    %dma_start3A_204 = tpu.memref_slice %arg4[%dma_start3A_203] : memref<16001024xf32, #tpu.memory_space<hbm>> -> memref<16001024xf32, #tpu.memory_space<hbm>>
    tpu.enqueue_indirect_dma source(%dma_start3A_204 : memref<16001024xf32, #tpu.memory_space<hbm>>) target(%dma_start3A_200 : memref<128xf32, #tpu.memory_space<vmem>>) offsets(%dma_start3A_202 : memref<128xi32, #tpu.memory_space<vmem>>) semaphore(%arg15 : memref<!tpu.dma_semaphore, #tpu.memory_space<semaphore_mem>>)
    %dma_start3A_205 = arith.constant 1792 : i32
    %dma_start3A_206 = tpu.memref_slice %arg13[%dma_start3A_205] : memref<8192xf32, #tpu.memory_space<vmem>> -> memref<128xf32, #tpu.memory_space<vmem>>
    %dma_start3A_207 = arith.constant 1792 : i32
    %dma_start3A_208 = tpu.memref_slice %arg11[%dma_start3A_207] : memref<8192xi32, #tpu.memory_space<vmem>> -> memref<128xi32, #tpu.memory_space<vmem>>
    %dma_start3A_209 = arith.constant 0 : i32
    %dma_start3A_210 = tpu.memref_slice %arg5[%dma_start3A_209] : memref<16001024xf32, #tpu.memory_space<hbm>> -> memref<16001024xf32, #tpu.memory_space<hbm>>
    tpu.enqueue_indirect_dma source(%dma_start3A_210 : memref<16001024xf32, #tpu.memory_space<hbm>>) target(%dma_start3A_206 : memref<128xf32, #tpu.memory_space<vmem>>) offsets(%dma_start3A_208 : memref<128xi32, #tpu.memory_space<vmem>>) semaphore(%arg16 : memref<!tpu.dma_semaphore, #tpu.memory_space<semaphore_mem>>)
    %dma_start3A_211 = arith.constant 1920 : i32
    %dma_start3A_212 = tpu.memref_slice %arg12[%dma_start3A_211] : memref<8192xf32, #tpu.memory_space<vmem>> -> memref<128xf32, #tpu.memory_space<vmem>>
    %dma_start3A_213 = arith.constant 1920 : i32
    %dma_start3A_214 = tpu.memref_slice %arg10[%dma_start3A_213] : memref<8192xi32, #tpu.memory_space<vmem>> -> memref<128xi32, #tpu.memory_space<vmem>>
    %dma_start3A_215 = arith.constant 0 : i32
    %dma_start3A_216 = tpu.memref_slice %arg4[%dma_start3A_215] : memref<16001024xf32, #tpu.memory_space<hbm>> -> memref<16001024xf32, #tpu.memory_space<hbm>>
    tpu.enqueue_indirect_dma source(%dma_start3A_216 : memref<16001024xf32, #tpu.memory_space<hbm>>) target(%dma_start3A_212 : memref<128xf32, #tpu.memory_space<vmem>>) offsets(%dma_start3A_214 : memref<128xi32, #tpu.memory_space<vmem>>) semaphore(%arg15 : memref<!tpu.dma_semaphore, #tpu.memory_space<semaphore_mem>>)
    %dma_start3A_217 = arith.constant 1920 : i32
    %dma_start3A_218 = tpu.memref_slice %arg13[%dma_start3A_217] : memref<8192xf32, #tpu.memory_space<vmem>> -> memref<128xf32, #tpu.memory_space<vmem>>
    %dma_start3A_219 = arith.constant 1920 : i32
    %dma_start3A_220 = tpu.memref_slice %arg11[%dma_start3A_219] : memref<8192xi32, #tpu.memory_space<vmem>> -> memref<128xi32, #tpu.memory_space<vmem>>
    %dma_start3A_221 = arith.constant 0 : i32
    %dma_start3A_222 = tpu.memref_slice %arg5[%dma_start3A_221] : memref<16001024xf32, #tpu.memory_space<hbm>> -> memref<16001024xf32, #tpu.memory_space<hbm>>
    tpu.enqueue_indirect_dma source(%dma_start3A_222 : memref<16001024xf32, #tpu.memory_space<hbm>>) target(%dma_start3A_218 : memref<128xf32, #tpu.memory_space<vmem>>) offsets(%dma_start3A_220 : memref<128xi32, #tpu.memory_space<vmem>>) semaphore(%arg16 : memref<!tpu.dma_semaphore, #tpu.memory_space<semaphore_mem>>)
    %dma_start3A_223 = arith.constant 2048 : i32
    %dma_start3A_224 = tpu.memref_slice %arg12[%dma_start3A_223] : memref<8192xf32, #tpu.memory_space<vmem>> -> memref<128xf32, #tpu.memory_space<vmem>>
    %dma_start3A_225 = arith.constant 2048 : i32
    %dma_start3A_226 = tpu.memref_slice %arg10[%dma_start3A_225] : memref<8192xi32, #tpu.memory_space<vmem>> -> memref<128xi32, #tpu.memory_space<vmem>>
    %dma_start3A_227 = arith.constant 0 : i32
    %dma_start3A_228 = tpu.memref_slice %arg4[%dma_start3A_227] : memref<16001024xf32, #tpu.memory_space<hbm>> -> memref<16001024xf32, #tpu.memory_space<hbm>>
    tpu.enqueue_indirect_dma source(%dma_start3A_228 : memref<16001024xf32, #tpu.memory_space<hbm>>) target(%dma_start3A_224 : memref<128xf32, #tpu.memory_space<vmem>>) offsets(%dma_start3A_226 : memref<128xi32, #tpu.memory_space<vmem>>) semaphore(%arg15 : memref<!tpu.dma_semaphore, #tpu.memory_space<semaphore_mem>>)
    %dma_start3A_229 = arith.constant 2048 : i32
    %dma_start3A_230 = tpu.memref_slice %arg13[%dma_start3A_229] : memref<8192xf32, #tpu.memory_space<vmem>> -> memref<128xf32, #tpu.memory_space<vmem>>
    %dma_start3A_231 = arith.constant 2048 : i32
    %dma_start3A_232 = tpu.memref_slice %arg11[%dma_start3A_231] : memref<8192xi32, #tpu.memory_space<vmem>> -> memref<128xi32, #tpu.memory_space<vmem>>
    %dma_start3A_233 = arith.constant 0 : i32
    %dma_start3A_234 = tpu.memref_slice %arg5[%dma_start3A_233] : memref<16001024xf32, #tpu.memory_space<hbm>> -> memref<16001024xf32, #tpu.memory_space<hbm>>
    tpu.enqueue_indirect_dma source(%dma_start3A_234 : memref<16001024xf32, #tpu.memory_space<hbm>>) target(%dma_start3A_230 : memref<128xf32, #tpu.memory_space<vmem>>) offsets(%dma_start3A_232 : memref<128xi32, #tpu.memory_space<vmem>>) semaphore(%arg16 : memref<!tpu.dma_semaphore, #tpu.memory_space<semaphore_mem>>)
    %dma_start3A_235 = arith.constant 2176 : i32
    %dma_start3A_236 = tpu.memref_slice %arg12[%dma_start3A_235] : memref<8192xf32, #tpu.memory_space<vmem>> -> memref<128xf32, #tpu.memory_space<vmem>>
    %dma_start3A_237 = arith.constant 2176 : i32
    %dma_start3A_238 = tpu.memref_slice %arg10[%dma_start3A_237] : memref<8192xi32, #tpu.memory_space<vmem>> -> memref<128xi32, #tpu.memory_space<vmem>>
    %dma_start3A_239 = arith.constant 0 : i32
    %dma_start3A_240 = tpu.memref_slice %arg4[%dma_start3A_239] : memref<16001024xf32, #tpu.memory_space<hbm>> -> memref<16001024xf32, #tpu.memory_space<hbm>>
    tpu.enqueue_indirect_dma source(%dma_start3A_240 : memref<16001024xf32, #tpu.memory_space<hbm>>) target(%dma_start3A_236 : memref<128xf32, #tpu.memory_space<vmem>>) offsets(%dma_start3A_238 : memref<128xi32, #tpu.memory_space<vmem>>) semaphore(%arg15 : memref<!tpu.dma_semaphore, #tpu.memory_space<semaphore_mem>>)
    %dma_start3A_241 = arith.constant 2176 : i32
    %dma_start3A_242 = tpu.memref_slice %arg13[%dma_start3A_241] : memref<8192xf32, #tpu.memory_space<vmem>> -> memref<128xf32, #tpu.memory_space<vmem>>
    %dma_start3A_243 = arith.constant 2176 : i32
    %dma_start3A_244 = tpu.memref_slice %arg11[%dma_start3A_243] : memref<8192xi32, #tpu.memory_space<vmem>> -> memref<128xi32, #tpu.memory_space<vmem>>
    %dma_start3A_245 = arith.constant 0 : i32
    %dma_start3A_246 = tpu.memref_slice %arg5[%dma_start3A_245] : memref<16001024xf32, #tpu.memory_space<hbm>> -> memref<16001024xf32, #tpu.memory_space<hbm>>
    tpu.enqueue_indirect_dma source(%dma_start3A_246 : memref<16001024xf32, #tpu.memory_space<hbm>>) target(%dma_start3A_242 : memref<128xf32, #tpu.memory_space<vmem>>) offsets(%dma_start3A_244 : memref<128xi32, #tpu.memory_space<vmem>>) semaphore(%arg16 : memref<!tpu.dma_semaphore, #tpu.memory_space<semaphore_mem>>)
    %dma_start3A_247 = arith.constant 2304 : i32
    %dma_start3A_248 = tpu.memref_slice %arg12[%dma_start3A_247] : memref<8192xf32, #tpu.memory_space<vmem>> -> memref<128xf32, #tpu.memory_space<vmem>>
    %dma_start3A_249 = arith.constant 2304 : i32
    %dma_start3A_250 = tpu.memref_slice %arg10[%dma_start3A_249] : memref<8192xi32, #tpu.memory_space<vmem>> -> memref<128xi32, #tpu.memory_space<vmem>>
    %dma_start3A_251 = arith.constant 0 : i32
    %dma_start3A_252 = tpu.memref_slice %arg4[%dma_start3A_251] : memref<16001024xf32, #tpu.memory_space<hbm>> -> memref<16001024xf32, #tpu.memory_space<hbm>>
    tpu.enqueue_indirect_dma source(%dma_start3A_252 : memref<16001024xf32, #tpu.memory_space<hbm>>) target(%dma_start3A_248 : memref<128xf32, #tpu.memory_space<vmem>>) offsets(%dma_start3A_250 : memref<128xi32, #tpu.memory_space<vmem>>) semaphore(%arg15 : memref<!tpu.dma_semaphore, #tpu.memory_space<semaphore_mem>>)
    %dma_start3A_253 = arith.constant 2304 : i32
    %dma_start3A_254 = tpu.memref_slice %arg13[%dma_start3A_253] : memref<8192xf32, #tpu.memory_space<vmem>> -> memref<128xf32, #tpu.memory_space<vmem>>
    %dma_start3A_255 = arith.constant 2304 : i32
    %dma_start3A_256 = tpu.memref_slice %arg11[%dma_start3A_255] : memref<8192xi32, #tpu.memory_space<vmem>> -> memref<128xi32, #tpu.memory_space<vmem>>
    %dma_start3A_257 = arith.constant 0 : i32
    %dma_start3A_258 = tpu.memref_slice %arg5[%dma_start3A_257] : memref<16001024xf32, #tpu.memory_space<hbm>> -> memref<16001024xf32, #tpu.memory_space<hbm>>
    tpu.enqueue_indirect_dma source(%dma_start3A_258 : memref<16001024xf32, #tpu.memory_space<hbm>>) target(%dma_start3A_254 : memref<128xf32, #tpu.memory_space<vmem>>) offsets(%dma_start3A_256 : memref<128xi32, #tpu.memory_space<vmem>>) semaphore(%arg16 : memref<!tpu.dma_semaphore, #tpu.memory_space<semaphore_mem>>)
    %dma_start3A_259 = arith.constant 2432 : i32
    %dma_start3A_260 = tpu.memref_slice %arg12[%dma_start3A_259] : memref<8192xf32, #tpu.memory_space<vmem>> -> memref<128xf32, #tpu.memory_space<vmem>>
    %dma_start3A_261 = arith.constant 2432 : i32
    %dma_start3A_262 = tpu.memref_slice %arg10[%dma_start3A_261] : memref<8192xi32, #tpu.memory_space<vmem>> -> memref<128xi32, #tpu.memory_space<vmem>>
    %dma_start3A_263 = arith.constant 0 : i32
    %dma_start3A_264 = tpu.memref_slice %arg4[%dma_start3A_263] : memref<16001024xf32, #tpu.memory_space<hbm>> -> memref<16001024xf32, #tpu.memory_space<hbm>>
    tpu.enqueue_indirect_dma source(%dma_start3A_264 : memref<16001024xf32, #tpu.memory_space<hbm>>) target(%dma_start3A_260 : memref<128xf32, #tpu.memory_space<vmem>>) offsets(%dma_start3A_262 : memref<128xi32, #tpu.memory_space<vmem>>) semaphore(%arg15 : memref<!tpu.dma_semaphore, #tpu.memory_space<semaphore_mem>>)
    %dma_start3A_265 = arith.constant 2432 : i32
    %dma_start3A_266 = tpu.memref_slice %arg13[%dma_start3A_265] : memref<8192xf32, #tpu.memory_space<vmem>> -> memref<128xf32, #tpu.memory_space<vmem>>
    %dma_start3A_267 = arith.constant 2432 : i32
    %dma_start3A_268 = tpu.memref_slice %arg11[%dma_start3A_267] : memref<8192xi32, #tpu.memory_space<vmem>> -> memref<128xi32, #tpu.memory_space<vmem>>
    %dma_start3A_269 = arith.constant 0 : i32
    %dma_start3A_270 = tpu.memref_slice %arg5[%dma_start3A_269] : memref<16001024xf32, #tpu.memory_space<hbm>> -> memref<16001024xf32, #tpu.memory_space<hbm>>
    tpu.enqueue_indirect_dma source(%dma_start3A_270 : memref<16001024xf32, #tpu.memory_space<hbm>>) target(%dma_start3A_266 : memref<128xf32, #tpu.memory_space<vmem>>) offsets(%dma_start3A_268 : memref<128xi32, #tpu.memory_space<vmem>>) semaphore(%arg16 : memref<!tpu.dma_semaphore, #tpu.memory_space<semaphore_mem>>)
    %dma_start3A_271 = arith.constant 2560 : i32
    %dma_start3A_272 = tpu.memref_slice %arg12[%dma_start3A_271] : memref<8192xf32, #tpu.memory_space<vmem>> -> memref<128xf32, #tpu.memory_space<vmem>>
    %dma_start3A_273 = arith.constant 2560 : i32
    %dma_start3A_274 = tpu.memref_slice %arg10[%dma_start3A_273] : memref<8192xi32, #tpu.memory_space<vmem>> -> memref<128xi32, #tpu.memory_space<vmem>>
    %dma_start3A_275 = arith.constant 0 : i32
    %dma_start3A_276 = tpu.memref_slice %arg4[%dma_start3A_275] : memref<16001024xf32, #tpu.memory_space<hbm>> -> memref<16001024xf32, #tpu.memory_space<hbm>>
    tpu.enqueue_indirect_dma source(%dma_start3A_276 : memref<16001024xf32, #tpu.memory_space<hbm>>) target(%dma_start3A_272 : memref<128xf32, #tpu.memory_space<vmem>>) offsets(%dma_start3A_274 : memref<128xi32, #tpu.memory_space<vmem>>) semaphore(%arg15 : memref<!tpu.dma_semaphore, #tpu.memory_space<semaphore_mem>>)
    %dma_start3A_277 = arith.constant 2560 : i32
    %dma_start3A_278 = tpu.memref_slice %arg13[%dma_start3A_277] : memref<8192xf32, #tpu.memory_space<vmem>> -> memref<128xf32, #tpu.memory_space<vmem>>
    %dma_start3A_279 = arith.constant 2560 : i32
    %dma_start3A_280 = tpu.memref_slice %arg11[%dma_start3A_279] : memref<8192xi32, #tpu.memory_space<vmem>> -> memref<128xi32, #tpu.memory_space<vmem>>
    %dma_start3A_281 = arith.constant 0 : i32
    %dma_start3A_282 = tpu.memref_slice %arg5[%dma_start3A_281] : memref<16001024xf32, #tpu.memory_space<hbm>> -> memref<16001024xf32, #tpu.memory_space<hbm>>
    tpu.enqueue_indirect_dma source(%dma_start3A_282 : memref<16001024xf32, #tpu.memory_space<hbm>>) target(%dma_start3A_278 : memref<128xf32, #tpu.memory_space<vmem>>) offsets(%dma_start3A_280 : memref<128xi32, #tpu.memory_space<vmem>>) semaphore(%arg16 : memref<!tpu.dma_semaphore, #tpu.memory_space<semaphore_mem>>)
    %dma_start3A_283 = arith.constant 2688 : i32
    %dma_start3A_284 = tpu.memref_slice %arg12[%dma_start3A_283] : memref<8192xf32, #tpu.memory_space<vmem>> -> memref<128xf32, #tpu.memory_space<vmem>>
    %dma_start3A_285 = arith.constant 2688 : i32
    %dma_start3A_286 = tpu.memref_slice %arg10[%dma_start3A_285] : memref<8192xi32, #tpu.memory_space<vmem>> -> memref<128xi32, #tpu.memory_space<vmem>>
    %dma_start3A_287 = arith.constant 0 : i32
    %dma_start3A_288 = tpu.memref_slice %arg4[%dma_start3A_287] : memref<16001024xf32, #tpu.memory_space<hbm>> -> memref<16001024xf32, #tpu.memory_space<hbm>>
    tpu.enqueue_indirect_dma source(%dma_start3A_288 : memref<16001024xf32, #tpu.memory_space<hbm>>) target(%dma_start3A_284 : memref<128xf32, #tpu.memory_space<vmem>>) offsets(%dma_start3A_286 : memref<128xi32, #tpu.memory_space<vmem>>) semaphore(%arg15 : memref<!tpu.dma_semaphore, #tpu.memory_space<semaphore_mem>>)
    %dma_start3A_289 = arith.constant 2688 : i32
    %dma_start3A_290 = tpu.memref_slice %arg13[%dma_start3A_289] : memref<8192xf32, #tpu.memory_space<vmem>> -> memref<128xf32, #tpu.memory_space<vmem>>
    %dma_start3A_291 = arith.constant 2688 : i32
    %dma_start3A_292 = tpu.memref_slice %arg11[%dma_start3A_291] : memref<8192xi32, #tpu.memory_space<vmem>> -> memref<128xi32, #tpu.memory_space<vmem>>
    %dma_start3A_293 = arith.constant 0 : i32
    %dma_start3A_294 = tpu.memref_slice %arg5[%dma_start3A_293] : memref<16001024xf32, #tpu.memory_space<hbm>> -> memref<16001024xf32, #tpu.memory_space<hbm>>
    tpu.enqueue_indirect_dma source(%dma_start3A_294 : memref<16001024xf32, #tpu.memory_space<hbm>>) target(%dma_start3A_290 : memref<128xf32, #tpu.memory_space<vmem>>) offsets(%dma_start3A_292 : memref<128xi32, #tpu.memory_space<vmem>>) semaphore(%arg16 : memref<!tpu.dma_semaphore, #tpu.memory_space<semaphore_mem>>)
    %dma_start3A_295 = arith.constant 2816 : i32
    %dma_start3A_296 = tpu.memref_slice %arg12[%dma_start3A_295] : memref<8192xf32, #tpu.memory_space<vmem>> -> memref<128xf32, #tpu.memory_space<vmem>>
    %dma_start3A_297 = arith.constant 2816 : i32
    %dma_start3A_298 = tpu.memref_slice %arg10[%dma_start3A_297] : memref<8192xi32, #tpu.memory_space<vmem>> -> memref<128xi32, #tpu.memory_space<vmem>>
    %dma_start3A_299 = arith.constant 0 : i32
    %dma_start3A_300 = tpu.memref_slice %arg4[%dma_start3A_299] : memref<16001024xf32, #tpu.memory_space<hbm>> -> memref<16001024xf32, #tpu.memory_space<hbm>>
    tpu.enqueue_indirect_dma source(%dma_start3A_300 : memref<16001024xf32, #tpu.memory_space<hbm>>) target(%dma_start3A_296 : memref<128xf32, #tpu.memory_space<vmem>>) offsets(%dma_start3A_298 : memref<128xi32, #tpu.memory_space<vmem>>) semaphore(%arg15 : memref<!tpu.dma_semaphore, #tpu.memory_space<semaphore_mem>>)
    %dma_start3A_301 = arith.constant 2816 : i32
    %dma_start3A_302 = tpu.memref_slice %arg13[%dma_start3A_301] : memref<8192xf32, #tpu.memory_space<vmem>> -> memref<128xf32, #tpu.memory_space<vmem>>
    %dma_start3A_303 = arith.constant 2816 : i32
    %dma_start3A_304 = tpu.memref_slice %arg11[%dma_start3A_303] : memref<8192xi32, #tpu.memory_space<vmem>> -> memref<128xi32, #tpu.memory_space<vmem>>
    %dma_start3A_305 = arith.constant 0 : i32
    %dma_start3A_306 = tpu.memref_slice %arg5[%dma_start3A_305] : memref<16001024xf32, #tpu.memory_space<hbm>> -> memref<16001024xf32, #tpu.memory_space<hbm>>
    tpu.enqueue_indirect_dma source(%dma_start3A_306 : memref<16001024xf32, #tpu.memory_space<hbm>>) target(%dma_start3A_302 : memref<128xf32, #tpu.memory_space<vmem>>) offsets(%dma_start3A_304 : memref<128xi32, #tpu.memory_space<vmem>>) semaphore(%arg16 : memref<!tpu.dma_semaphore, #tpu.memory_space<semaphore_mem>>)
    %dma_start3A_307 = arith.constant 2944 : i32
    %dma_start3A_308 = tpu.memref_slice %arg12[%dma_start3A_307] : memref<8192xf32, #tpu.memory_space<vmem>> -> memref<128xf32, #tpu.memory_space<vmem>>
    %dma_start3A_309 = arith.constant 2944 : i32
    %dma_start3A_310 = tpu.memref_slice %arg10[%dma_start3A_309] : memref<8192xi32, #tpu.memory_space<vmem>> -> memref<128xi32, #tpu.memory_space<vmem>>
    %dma_start3A_311 = arith.constant 0 : i32
    %dma_start3A_312 = tpu.memref_slice %arg4[%dma_start3A_311] : memref<16001024xf32, #tpu.memory_space<hbm>> -> memref<16001024xf32, #tpu.memory_space<hbm>>
    tpu.enqueue_indirect_dma source(%dma_start3A_312 : memref<16001024xf32, #tpu.memory_space<hbm>>) target(%dma_start3A_308 : memref<128xf32, #tpu.memory_space<vmem>>) offsets(%dma_start3A_310 : memref<128xi32, #tpu.memory_space<vmem>>) semaphore(%arg15 : memref<!tpu.dma_semaphore, #tpu.memory_space<semaphore_mem>>)
    %dma_start3A_313 = arith.constant 2944 : i32
    %dma_start3A_314 = tpu.memref_slice %arg13[%dma_start3A_313] : memref<8192xf32, #tpu.memory_space<vmem>> -> memref<128xf32, #tpu.memory_space<vmem>>
    %dma_start3A_315 = arith.constant 2944 : i32
    %dma_start3A_316 = tpu.memref_slice %arg11[%dma_start3A_315] : memref<8192xi32, #tpu.memory_space<vmem>> -> memref<128xi32, #tpu.memory_space<vmem>>
    %dma_start3A_317 = arith.constant 0 : i32
    %dma_start3A_318 = tpu.memref_slice %arg5[%dma_start3A_317] : memref<16001024xf32, #tpu.memory_space<hbm>> -> memref<16001024xf32, #tpu.memory_space<hbm>>
    tpu.enqueue_indirect_dma source(%dma_start3A_318 : memref<16001024xf32, #tpu.memory_space<hbm>>) target(%dma_start3A_314 : memref<128xf32, #tpu.memory_space<vmem>>) offsets(%dma_start3A_316 : memref<128xi32, #tpu.memory_space<vmem>>) semaphore(%arg16 : memref<!tpu.dma_semaphore, #tpu.memory_space<semaphore_mem>>)
    %dma_start3A_319 = arith.constant 3072 : i32
    %dma_start3A_320 = tpu.memref_slice %arg12[%dma_start3A_319] : memref<8192xf32, #tpu.memory_space<vmem>> -> memref<128xf32, #tpu.memory_space<vmem>>
    %dma_start3A_321 = arith.constant 3072 : i32
    %dma_start3A_322 = tpu.memref_slice %arg10[%dma_start3A_321] : memref<8192xi32, #tpu.memory_space<vmem>> -> memref<128xi32, #tpu.memory_space<vmem>>
    %dma_start3A_323 = arith.constant 0 : i32
    %dma_start3A_324 = tpu.memref_slice %arg4[%dma_start3A_323] : memref<16001024xf32, #tpu.memory_space<hbm>> -> memref<16001024xf32, #tpu.memory_space<hbm>>
    tpu.enqueue_indirect_dma source(%dma_start3A_324 : memref<16001024xf32, #tpu.memory_space<hbm>>) target(%dma_start3A_320 : memref<128xf32, #tpu.memory_space<vmem>>) offsets(%dma_start3A_322 : memref<128xi32, #tpu.memory_space<vmem>>) semaphore(%arg15 : memref<!tpu.dma_semaphore, #tpu.memory_space<semaphore_mem>>)
    %dma_start3A_325 = arith.constant 3072 : i32
    %dma_start3A_326 = tpu.memref_slice %arg13[%dma_start3A_325] : memref<8192xf32, #tpu.memory_space<vmem>> -> memref<128xf32, #tpu.memory_space<vmem>>
    %dma_start3A_327 = arith.constant 3072 : i32
    %dma_start3A_328 = tpu.memref_slice %arg11[%dma_start3A_327] : memref<8192xi32, #tpu.memory_space<vmem>> -> memref<128xi32, #tpu.memory_space<vmem>>
    %dma_start3A_329 = arith.constant 0 : i32
    %dma_start3A_330 = tpu.memref_slice %arg5[%dma_start3A_329] : memref<16001024xf32, #tpu.memory_space<hbm>> -> memref<16001024xf32, #tpu.memory_space<hbm>>
    tpu.enqueue_indirect_dma source(%dma_start3A_330 : memref<16001024xf32, #tpu.memory_space<hbm>>) target(%dma_start3A_326 : memref<128xf32, #tpu.memory_space<vmem>>) offsets(%dma_start3A_328 : memref<128xi32, #tpu.memory_space<vmem>>) semaphore(%arg16 : memref<!tpu.dma_semaphore, #tpu.memory_space<semaphore_mem>>)
    %dma_start3A_331 = arith.constant 3200 : i32
    %dma_start3A_332 = tpu.memref_slice %arg12[%dma_start3A_331] : memref<8192xf32, #tpu.memory_space<vmem>> -> memref<128xf32, #tpu.memory_space<vmem>>
    %dma_start3A_333 = arith.constant 3200 : i32
    %dma_start3A_334 = tpu.memref_slice %arg10[%dma_start3A_333] : memref<8192xi32, #tpu.memory_space<vmem>> -> memref<128xi32, #tpu.memory_space<vmem>>
    %dma_start3A_335 = arith.constant 0 : i32
    %dma_start3A_336 = tpu.memref_slice %arg4[%dma_start3A_335] : memref<16001024xf32, #tpu.memory_space<hbm>> -> memref<16001024xf32, #tpu.memory_space<hbm>>
    tpu.enqueue_indirect_dma source(%dma_start3A_336 : memref<16001024xf32, #tpu.memory_space<hbm>>) target(%dma_start3A_332 : memref<128xf32, #tpu.memory_space<vmem>>) offsets(%dma_start3A_334 : memref<128xi32, #tpu.memory_space<vmem>>) semaphore(%arg15 : memref<!tpu.dma_semaphore, #tpu.memory_space<semaphore_mem>>)
    %dma_start3A_337 = arith.constant 3200 : i32
    %dma_start3A_338 = tpu.memref_slice %arg13[%dma_start3A_337] : memref<8192xf32, #tpu.memory_space<vmem>> -> memref<128xf32, #tpu.memory_space<vmem>>
    %dma_start3A_339 = arith.constant 3200 : i32
    %dma_start3A_340 = tpu.memref_slice %arg11[%dma_start3A_339] : memref<8192xi32, #tpu.memory_space<vmem>> -> memref<128xi32, #tpu.memory_space<vmem>>
    %dma_start3A_341 = arith.constant 0 : i32
    %dma_start3A_342 = tpu.memref_slice %arg5[%dma_start3A_341] : memref<16001024xf32, #tpu.memory_space<hbm>> -> memref<16001024xf32, #tpu.memory_space<hbm>>
    tpu.enqueue_indirect_dma source(%dma_start3A_342 : memref<16001024xf32, #tpu.memory_space<hbm>>) target(%dma_start3A_338 : memref<128xf32, #tpu.memory_space<vmem>>) offsets(%dma_start3A_340 : memref<128xi32, #tpu.memory_space<vmem>>) semaphore(%arg16 : memref<!tpu.dma_semaphore, #tpu.memory_space<semaphore_mem>>)
    %dma_start3A_343 = arith.constant 3328 : i32
    %dma_start3A_344 = tpu.memref_slice %arg12[%dma_start3A_343] : memref<8192xf32, #tpu.memory_space<vmem>> -> memref<128xf32, #tpu.memory_space<vmem>>
    %dma_start3A_345 = arith.constant 3328 : i32
    %dma_start3A_346 = tpu.memref_slice %arg10[%dma_start3A_345] : memref<8192xi32, #tpu.memory_space<vmem>> -> memref<128xi32, #tpu.memory_space<vmem>>
    %dma_start3A_347 = arith.constant 0 : i32
    %dma_start3A_348 = tpu.memref_slice %arg4[%dma_start3A_347] : memref<16001024xf32, #tpu.memory_space<hbm>> -> memref<16001024xf32, #tpu.memory_space<hbm>>
    tpu.enqueue_indirect_dma source(%dma_start3A_348 : memref<16001024xf32, #tpu.memory_space<hbm>>) target(%dma_start3A_344 : memref<128xf32, #tpu.memory_space<vmem>>) offsets(%dma_start3A_346 : memref<128xi32, #tpu.memory_space<vmem>>) semaphore(%arg15 : memref<!tpu.dma_semaphore, #tpu.memory_space<semaphore_mem>>)
    %dma_start3A_349 = arith.constant 3328 : i32
    %dma_start3A_350 = tpu.memref_slice %arg13[%dma_start3A_349] : memref<8192xf32, #tpu.memory_space<vmem>> -> memref<128xf32, #tpu.memory_space<vmem>>
    %dma_start3A_351 = arith.constant 3328 : i32
    %dma_start3A_352 = tpu.memref_slice %arg11[%dma_start3A_351] : memref<8192xi32, #tpu.memory_space<vmem>> -> memref<128xi32, #tpu.memory_space<vmem>>
    %dma_start3A_353 = arith.constant 0 : i32
    %dma_start3A_354 = tpu.memref_slice %arg5[%dma_start3A_353] : memref<16001024xf32, #tpu.memory_space<hbm>> -> memref<16001024xf32, #tpu.memory_space<hbm>>
    tpu.enqueue_indirect_dma source(%dma_start3A_354 : memref<16001024xf32, #tpu.memory_space<hbm>>) target(%dma_start3A_350 : memref<128xf32, #tpu.memory_space<vmem>>) offsets(%dma_start3A_352 : memref<128xi32, #tpu.memory_space<vmem>>) semaphore(%arg16 : memref<!tpu.dma_semaphore, #tpu.memory_space<semaphore_mem>>)
    %dma_start3A_355 = arith.constant 3456 : i32
    %dma_start3A_356 = tpu.memref_slice %arg12[%dma_start3A_355] : memref<8192xf32, #tpu.memory_space<vmem>> -> memref<128xf32, #tpu.memory_space<vmem>>
    %dma_start3A_357 = arith.constant 3456 : i32
    %dma_start3A_358 = tpu.memref_slice %arg10[%dma_start3A_357] : memref<8192xi32, #tpu.memory_space<vmem>> -> memref<128xi32, #tpu.memory_space<vmem>>
    %dma_start3A_359 = arith.constant 0 : i32
    %dma_start3A_360 = tpu.memref_slice %arg4[%dma_start3A_359] : memref<16001024xf32, #tpu.memory_space<hbm>> -> memref<16001024xf32, #tpu.memory_space<hbm>>
    tpu.enqueue_indirect_dma source(%dma_start3A_360 : memref<16001024xf32, #tpu.memory_space<hbm>>) target(%dma_start3A_356 : memref<128xf32, #tpu.memory_space<vmem>>) offsets(%dma_start3A_358 : memref<128xi32, #tpu.memory_space<vmem>>) semaphore(%arg15 : memref<!tpu.dma_semaphore, #tpu.memory_space<semaphore_mem>>)
    %dma_start3A_361 = arith.constant 3456 : i32
    %dma_start3A_362 = tpu.memref_slice %arg13[%dma_start3A_361] : memref<8192xf32, #tpu.memory_space<vmem>> -> memref<128xf32, #tpu.memory_space<vmem>>
    %dma_start3A_363 = arith.constant 3456 : i32
    %dma_start3A_364 = tpu.memref_slice %arg11[%dma_start3A_363] : memref<8192xi32, #tpu.memory_space<vmem>> -> memref<128xi32, #tpu.memory_space<vmem>>
    %dma_start3A_365 = arith.constant 0 : i32
    %dma_start3A_366 = tpu.memref_slice %arg5[%dma_start3A_365] : memref<16001024xf32, #tpu.memory_space<hbm>> -> memref<16001024xf32, #tpu.memory_space<hbm>>
    tpu.enqueue_indirect_dma source(%dma_start3A_366 : memref<16001024xf32, #tpu.memory_space<hbm>>) target(%dma_start3A_362 : memref<128xf32, #tpu.memory_space<vmem>>) offsets(%dma_start3A_364 : memref<128xi32, #tpu.memory_space<vmem>>) semaphore(%arg16 : memref<!tpu.dma_semaphore, #tpu.memory_space<semaphore_mem>>)
    %dma_start3A_367 = arith.constant 3584 : i32
    %dma_start3A_368 = tpu.memref_slice %arg12[%dma_start3A_367] : memref<8192xf32, #tpu.memory_space<vmem>> -> memref<128xf32, #tpu.memory_space<vmem>>
    %dma_start3A_369 = arith.constant 3584 : i32
    %dma_start3A_370 = tpu.memref_slice %arg10[%dma_start3A_369] : memref<8192xi32, #tpu.memory_space<vmem>> -> memref<128xi32, #tpu.memory_space<vmem>>
    %dma_start3A_371 = arith.constant 0 : i32
    %dma_start3A_372 = tpu.memref_slice %arg4[%dma_start3A_371] : memref<16001024xf32, #tpu.memory_space<hbm>> -> memref<16001024xf32, #tpu.memory_space<hbm>>
    tpu.enqueue_indirect_dma source(%dma_start3A_372 : memref<16001024xf32, #tpu.memory_space<hbm>>) target(%dma_start3A_368 : memref<128xf32, #tpu.memory_space<vmem>>) offsets(%dma_start3A_370 : memref<128xi32, #tpu.memory_space<vmem>>) semaphore(%arg15 : memref<!tpu.dma_semaphore, #tpu.memory_space<semaphore_mem>>)
    %dma_start3A_373 = arith.constant 3584 : i32
    %dma_start3A_374 = tpu.memref_slice %arg13[%dma_start3A_373] : memref<8192xf32, #tpu.memory_space<vmem>> -> memref<128xf32, #tpu.memory_space<vmem>>
    %dma_start3A_375 = arith.constant 3584 : i32
    %dma_start3A_376 = tpu.memref_slice %arg11[%dma_start3A_375] : memref<8192xi32, #tpu.memory_space<vmem>> -> memref<128xi32, #tpu.memory_space<vmem>>
    %dma_start3A_377 = arith.constant 0 : i32
    %dma_start3A_378 = tpu.memref_slice %arg5[%dma_start3A_377] : memref<16001024xf32, #tpu.memory_space<hbm>> -> memref<16001024xf32, #tpu.memory_space<hbm>>
    tpu.enqueue_indirect_dma source(%dma_start3A_378 : memref<16001024xf32, #tpu.memory_space<hbm>>) target(%dma_start3A_374 : memref<128xf32, #tpu.memory_space<vmem>>) offsets(%dma_start3A_376 : memref<128xi32, #tpu.memory_space<vmem>>) semaphore(%arg16 : memref<!tpu.dma_semaphore, #tpu.memory_space<semaphore_mem>>)
    %dma_start3A_379 = arith.constant 3712 : i32
    %dma_start3A_380 = tpu.memref_slice %arg12[%dma_start3A_379] : memref<8192xf32, #tpu.memory_space<vmem>> -> memref<128xf32, #tpu.memory_space<vmem>>
    %dma_start3A_381 = arith.constant 3712 : i32
    %dma_start3A_382 = tpu.memref_slice %arg10[%dma_start3A_381] : memref<8192xi32, #tpu.memory_space<vmem>> -> memref<128xi32, #tpu.memory_space<vmem>>
    %dma_start3A_383 = arith.constant 0 : i32
    %dma_start3A_384 = tpu.memref_slice %arg4[%dma_start3A_383] : memref<16001024xf32, #tpu.memory_space<hbm>> -> memref<16001024xf32, #tpu.memory_space<hbm>>
    tpu.enqueue_indirect_dma source(%dma_start3A_384 : memref<16001024xf32, #tpu.memory_space<hbm>>) target(%dma_start3A_380 : memref<128xf32, #tpu.memory_space<vmem>>) offsets(%dma_start3A_382 : memref<128xi32, #tpu.memory_space<vmem>>) semaphore(%arg15 : memref<!tpu.dma_semaphore, #tpu.memory_space<semaphore_mem>>)
    %dma_start3A_385 = arith.constant 3712 : i32
    %dma_start3A_386 = tpu.memref_slice %arg13[%dma_start3A_385] : memref<8192xf32, #tpu.memory_space<vmem>> -> memref<128xf32, #tpu.memory_space<vmem>>
    %dma_start3A_387 = arith.constant 3712 : i32
    %dma_start3A_388 = tpu.memref_slice %arg11[%dma_start3A_387] : memref<8192xi32, #tpu.memory_space<vmem>> -> memref<128xi32, #tpu.memory_space<vmem>>
    %dma_start3A_389 = arith.constant 0 : i32
    %dma_start3A_390 = tpu.memref_slice %arg5[%dma_start3A_389] : memref<16001024xf32, #tpu.memory_space<hbm>> -> memref<16001024xf32, #tpu.memory_space<hbm>>
    tpu.enqueue_indirect_dma source(%dma_start3A_390 : memref<16001024xf32, #tpu.memory_space<hbm>>) target(%dma_start3A_386 : memref<128xf32, #tpu.memory_space<vmem>>) offsets(%dma_start3A_388 : memref<128xi32, #tpu.memory_space<vmem>>) semaphore(%arg16 : memref<!tpu.dma_semaphore, #tpu.memory_space<semaphore_mem>>)
    %dma_start3A_391 = arith.constant 3840 : i32
    %dma_start3A_392 = tpu.memref_slice %arg12[%dma_start3A_391] : memref<8192xf32, #tpu.memory_space<vmem>> -> memref<128xf32, #tpu.memory_space<vmem>>
    %dma_start3A_393 = arith.constant 3840 : i32
    %dma_start3A_394 = tpu.memref_slice %arg10[%dma_start3A_393] : memref<8192xi32, #tpu.memory_space<vmem>> -> memref<128xi32, #tpu.memory_space<vmem>>
    %dma_start3A_395 = arith.constant 0 : i32
    %dma_start3A_396 = tpu.memref_slice %arg4[%dma_start3A_395] : memref<16001024xf32, #tpu.memory_space<hbm>> -> memref<16001024xf32, #tpu.memory_space<hbm>>
    tpu.enqueue_indirect_dma source(%dma_start3A_396 : memref<16001024xf32, #tpu.memory_space<hbm>>) target(%dma_start3A_392 : memref<128xf32, #tpu.memory_space<vmem>>) offsets(%dma_start3A_394 : memref<128xi32, #tpu.memory_space<vmem>>) semaphore(%arg15 : memref<!tpu.dma_semaphore, #tpu.memory_space<semaphore_mem>>)
    %dma_start3A_397 = arith.constant 3840 : i32
    %dma_start3A_398 = tpu.memref_slice %arg13[%dma_start3A_397] : memref<8192xf32, #tpu.memory_space<vmem>> -> memref<128xf32, #tpu.memory_space<vmem>>
    %dma_start3A_399 = arith.constant 3840 : i32
    %dma_start3A_400 = tpu.memref_slice %arg11[%dma_start3A_399] : memref<8192xi32, #tpu.memory_space<vmem>> -> memref<128xi32, #tpu.memory_space<vmem>>
    %dma_start3A_401 = arith.constant 0 : i32
    %dma_start3A_402 = tpu.memref_slice %arg5[%dma_start3A_401] : memref<16001024xf32, #tpu.memory_space<hbm>> -> memref<16001024xf32, #tpu.memory_space<hbm>>
    tpu.enqueue_indirect_dma source(%dma_start3A_402 : memref<16001024xf32, #tpu.memory_space<hbm>>) target(%dma_start3A_398 : memref<128xf32, #tpu.memory_space<vmem>>) offsets(%dma_start3A_400 : memref<128xi32, #tpu.memory_space<vmem>>) semaphore(%arg16 : memref<!tpu.dma_semaphore, #tpu.memory_space<semaphore_mem>>)
    %dma_start3A_403 = arith.constant 3968 : i32
    %dma_start3A_404 = tpu.memref_slice %arg12[%dma_start3A_403] : memref<8192xf32, #tpu.memory_space<vmem>> -> memref<128xf32, #tpu.memory_space<vmem>>
    %dma_start3A_405 = arith.constant 3968 : i32
    %dma_start3A_406 = tpu.memref_slice %arg10[%dma_start3A_405] : memref<8192xi32, #tpu.memory_space<vmem>> -> memref<128xi32, #tpu.memory_space<vmem>>
    %dma_start3A_407 = arith.constant 0 : i32
    %dma_start3A_408 = tpu.memref_slice %arg4[%dma_start3A_407] : memref<16001024xf32, #tpu.memory_space<hbm>> -> memref<16001024xf32, #tpu.memory_space<hbm>>
    tpu.enqueue_indirect_dma source(%dma_start3A_408 : memref<16001024xf32, #tpu.memory_space<hbm>>) target(%dma_start3A_404 : memref<128xf32, #tpu.memory_space<vmem>>) offsets(%dma_start3A_406 : memref<128xi32, #tpu.memory_space<vmem>>) semaphore(%arg15 : memref<!tpu.dma_semaphore, #tpu.memory_space<semaphore_mem>>)
    %dma_start3A_409 = arith.constant 3968 : i32
    %dma_start3A_410 = tpu.memref_slice %arg13[%dma_start3A_409] : memref<8192xf32, #tpu.memory_space<vmem>> -> memref<128xf32, #tpu.memory_space<vmem>>
    %dma_start3A_411 = arith.constant 3968 : i32
    %dma_start3A_412 = tpu.memref_slice %arg11[%dma_start3A_411] : memref<8192xi32, #tpu.memory_space<vmem>> -> memref<128xi32, #tpu.memory_space<vmem>>
    %dma_start3A_413 = arith.constant 0 : i32
    %dma_start3A_414 = tpu.memref_slice %arg5[%dma_start3A_413] : memref<16001024xf32, #tpu.memory_space<hbm>> -> memref<16001024xf32, #tpu.memory_space<hbm>>
    tpu.enqueue_indirect_dma source(%dma_start3A_414 : memref<16001024xf32, #tpu.memory_space<hbm>>) target(%dma_start3A_410 : memref<128xf32, #tpu.memory_space<vmem>>) offsets(%dma_start3A_412 : memref<128xi32, #tpu.memory_space<vmem>>) semaphore(%arg16 : memref<!tpu.dma_semaphore, #tpu.memory_space<semaphore_mem>>)
    %dma_start3A_415 = arith.constant 4096 : i32
    %dma_start3A_416 = tpu.memref_slice %arg12[%dma_start3A_415] : memref<8192xf32, #tpu.memory_space<vmem>> -> memref<128xf32, #tpu.memory_space<vmem>>
    %dma_start3A_417 = arith.constant 4096 : i32
    %dma_start3A_418 = tpu.memref_slice %arg10[%dma_start3A_417] : memref<8192xi32, #tpu.memory_space<vmem>> -> memref<128xi32, #tpu.memory_space<vmem>>
    %dma_start3A_419 = arith.constant 0 : i32
    %dma_start3A_420 = tpu.memref_slice %arg4[%dma_start3A_419] : memref<16001024xf32, #tpu.memory_space<hbm>> -> memref<16001024xf32, #tpu.memory_space<hbm>>
    tpu.enqueue_indirect_dma source(%dma_start3A_420 : memref<16001024xf32, #tpu.memory_space<hbm>>) target(%dma_start3A_416 : memref<128xf32, #tpu.memory_space<vmem>>) offsets(%dma_start3A_418 : memref<128xi32, #tpu.memory_space<vmem>>) semaphore(%arg15 : memref<!tpu.dma_semaphore, #tpu.memory_space<semaphore_mem>>)
    %dma_start3A_421 = arith.constant 4096 : i32
    %dma_start3A_422 = tpu.memref_slice %arg13[%dma_start3A_421] : memref<8192xf32, #tpu.memory_space<vmem>> -> memref<128xf32, #tpu.memory_space<vmem>>
    %dma_start3A_423 = arith.constant 4096 : i32
    %dma_start3A_424 = tpu.memref_slice %arg11[%dma_start3A_423] : memref<8192xi32, #tpu.memory_space<vmem>> -> memref<128xi32, #tpu.memory_space<vmem>>
    %dma_start3A_425 = arith.constant 0 : i32
    %dma_start3A_426 = tpu.memref_slice %arg5[%dma_start3A_425] : memref<16001024xf32, #tpu.memory_space<hbm>> -> memref<16001024xf32, #tpu.memory_space<hbm>>
    tpu.enqueue_indirect_dma source(%dma_start3A_426 : memref<16001024xf32, #tpu.memory_space<hbm>>) target(%dma_start3A_422 : memref<128xf32, #tpu.memory_space<vmem>>) offsets(%dma_start3A_424 : memref<128xi32, #tpu.memory_space<vmem>>) semaphore(%arg16 : memref<!tpu.dma_semaphore, #tpu.memory_space<semaphore_mem>>)
    %dma_start3A_427 = arith.constant 4224 : i32
    %dma_start3A_428 = tpu.memref_slice %arg12[%dma_start3A_427] : memref<8192xf32, #tpu.memory_space<vmem>> -> memref<128xf32, #tpu.memory_space<vmem>>
    %dma_start3A_429 = arith.constant 4224 : i32
    %dma_start3A_430 = tpu.memref_slice %arg10[%dma_start3A_429] : memref<8192xi32, #tpu.memory_space<vmem>> -> memref<128xi32, #tpu.memory_space<vmem>>
    %dma_start3A_431 = arith.constant 0 : i32
    %dma_start3A_432 = tpu.memref_slice %arg4[%dma_start3A_431] : memref<16001024xf32, #tpu.memory_space<hbm>> -> memref<16001024xf32, #tpu.memory_space<hbm>>
    tpu.enqueue_indirect_dma source(%dma_start3A_432 : memref<16001024xf32, #tpu.memory_space<hbm>>) target(%dma_start3A_428 : memref<128xf32, #tpu.memory_space<vmem>>) offsets(%dma_start3A_430 : memref<128xi32, #tpu.memory_space<vmem>>) semaphore(%arg15 : memref<!tpu.dma_semaphore, #tpu.memory_space<semaphore_mem>>)
    %dma_start3A_433 = arith.constant 4224 : i32
    %dma_start3A_434 = tpu.memref_slice %arg13[%dma_start3A_433] : memref<8192xf32, #tpu.memory_space<vmem>> -> memref<128xf32, #tpu.memory_space<vmem>>
    %dma_start3A_435 = arith.constant 4224 : i32
    %dma_start3A_436 = tpu.memref_slice %arg11[%dma_start3A_435] : memref<8192xi32, #tpu.memory_space<vmem>> -> memref<128xi32, #tpu.memory_space<vmem>>
    %dma_start3A_437 = arith.constant 0 : i32
    %dma_start3A_438 = tpu.memref_slice %arg5[%dma_start3A_437] : memref<16001024xf32, #tpu.memory_space<hbm>> -> memref<16001024xf32, #tpu.memory_space<hbm>>
    tpu.enqueue_indirect_dma source(%dma_start3A_438 : memref<16001024xf32, #tpu.memory_space<hbm>>) target(%dma_start3A_434 : memref<128xf32, #tpu.memory_space<vmem>>) offsets(%dma_start3A_436 : memref<128xi32, #tpu.memory_space<vmem>>) semaphore(%arg16 : memref<!tpu.dma_semaphore, #tpu.memory_space<semaphore_mem>>)
    %dma_start3A_439 = arith.constant 4352 : i32
    %dma_start3A_440 = tpu.memref_slice %arg12[%dma_start3A_439] : memref<8192xf32, #tpu.memory_space<vmem>> -> memref<128xf32, #tpu.memory_space<vmem>>
    %dma_start3A_441 = arith.constant 4352 : i32
    %dma_start3A_442 = tpu.memref_slice %arg10[%dma_start3A_441] : memref<8192xi32, #tpu.memory_space<vmem>> -> memref<128xi32, #tpu.memory_space<vmem>>
    %dma_start3A_443 = arith.constant 0 : i32
    %dma_start3A_444 = tpu.memref_slice %arg4[%dma_start3A_443] : memref<16001024xf32, #tpu.memory_space<hbm>> -> memref<16001024xf32, #tpu.memory_space<hbm>>
    tpu.enqueue_indirect_dma source(%dma_start3A_444 : memref<16001024xf32, #tpu.memory_space<hbm>>) target(%dma_start3A_440 : memref<128xf32, #tpu.memory_space<vmem>>) offsets(%dma_start3A_442 : memref<128xi32, #tpu.memory_space<vmem>>) semaphore(%arg15 : memref<!tpu.dma_semaphore, #tpu.memory_space<semaphore_mem>>)
    %dma_start3A_445 = arith.constant 4352 : i32
    %dma_start3A_446 = tpu.memref_slice %arg13[%dma_start3A_445] : memref<8192xf32, #tpu.memory_space<vmem>> -> memref<128xf32, #tpu.memory_space<vmem>>
    %dma_start3A_447 = arith.constant 4352 : i32
    %dma_start3A_448 = tpu.memref_slice %arg11[%dma_start3A_447] : memref<8192xi32, #tpu.memory_space<vmem>> -> memref<128xi32, #tpu.memory_space<vmem>>
    %dma_start3A_449 = arith.constant 0 : i32
    %dma_start3A_450 = tpu.memref_slice %arg5[%dma_start3A_449] : memref<16001024xf32, #tpu.memory_space<hbm>> -> memref<16001024xf32, #tpu.memory_space<hbm>>
    tpu.enqueue_indirect_dma source(%dma_start3A_450 : memref<16001024xf32, #tpu.memory_space<hbm>>) target(%dma_start3A_446 : memref<128xf32, #tpu.memory_space<vmem>>) offsets(%dma_start3A_448 : memref<128xi32, #tpu.memory_space<vmem>>) semaphore(%arg16 : memref<!tpu.dma_semaphore, #tpu.memory_space<semaphore_mem>>)
    %dma_start3A_451 = arith.constant 4480 : i32
    %dma_start3A_452 = tpu.memref_slice %arg12[%dma_start3A_451] : memref<8192xf32, #tpu.memory_space<vmem>> -> memref<128xf32, #tpu.memory_space<vmem>>
    %dma_start3A_453 = arith.constant 4480 : i32
    %dma_start3A_454 = tpu.memref_slice %arg10[%dma_start3A_453] : memref<8192xi32, #tpu.memory_space<vmem>> -> memref<128xi32, #tpu.memory_space<vmem>>
    %dma_start3A_455 = arith.constant 0 : i32
    %dma_start3A_456 = tpu.memref_slice %arg4[%dma_start3A_455] : memref<16001024xf32, #tpu.memory_space<hbm>> -> memref<16001024xf32, #tpu.memory_space<hbm>>
    tpu.enqueue_indirect_dma source(%dma_start3A_456 : memref<16001024xf32, #tpu.memory_space<hbm>>) target(%dma_start3A_452 : memref<128xf32, #tpu.memory_space<vmem>>) offsets(%dma_start3A_454 : memref<128xi32, #tpu.memory_space<vmem>>) semaphore(%arg15 : memref<!tpu.dma_semaphore, #tpu.memory_space<semaphore_mem>>)
    %dma_start3A_457 = arith.constant 4480 : i32
    %dma_start3A_458 = tpu.memref_slice %arg13[%dma_start3A_457] : memref<8192xf32, #tpu.memory_space<vmem>> -> memref<128xf32, #tpu.memory_space<vmem>>
    %dma_start3A_459 = arith.constant 4480 : i32
    %dma_start3A_460 = tpu.memref_slice %arg11[%dma_start3A_459] : memref<8192xi32, #tpu.memory_space<vmem>> -> memref<128xi32, #tpu.memory_space<vmem>>
    %dma_start3A_461 = arith.constant 0 : i32
    %dma_start3A_462 = tpu.memref_slice %arg5[%dma_start3A_461] : memref<16001024xf32, #tpu.memory_space<hbm>> -> memref<16001024xf32, #tpu.memory_space<hbm>>
    tpu.enqueue_indirect_dma source(%dma_start3A_462 : memref<16001024xf32, #tpu.memory_space<hbm>>) target(%dma_start3A_458 : memref<128xf32, #tpu.memory_space<vmem>>) offsets(%dma_start3A_460 : memref<128xi32, #tpu.memory_space<vmem>>) semaphore(%arg16 : memref<!tpu.dma_semaphore, #tpu.memory_space<semaphore_mem>>)
    %dma_start3A_463 = arith.constant 4608 : i32
    %dma_start3A_464 = tpu.memref_slice %arg12[%dma_start3A_463] : memref<8192xf32, #tpu.memory_space<vmem>> -> memref<128xf32, #tpu.memory_space<vmem>>
    %dma_start3A_465 = arith.constant 4608 : i32
    %dma_start3A_466 = tpu.memref_slice %arg10[%dma_start3A_465] : memref<8192xi32, #tpu.memory_space<vmem>> -> memref<128xi32, #tpu.memory_space<vmem>>
    %dma_start3A_467 = arith.constant 0 : i32
    %dma_start3A_468 = tpu.memref_slice %arg4[%dma_start3A_467] : memref<16001024xf32, #tpu.memory_space<hbm>> -> memref<16001024xf32, #tpu.memory_space<hbm>>
    tpu.enqueue_indirect_dma source(%dma_start3A_468 : memref<16001024xf32, #tpu.memory_space<hbm>>) target(%dma_start3A_464 : memref<128xf32, #tpu.memory_space<vmem>>) offsets(%dma_start3A_466 : memref<128xi32, #tpu.memory_space<vmem>>) semaphore(%arg15 : memref<!tpu.dma_semaphore, #tpu.memory_space<semaphore_mem>>)
    %dma_start3A_469 = arith.constant 4608 : i32
    %dma_start3A_470 = tpu.memref_slice %arg13[%dma_start3A_469] : memref<8192xf32, #tpu.memory_space<vmem>> -> memref<128xf32, #tpu.memory_space<vmem>>
    %dma_start3A_471 = arith.constant 4608 : i32
    %dma_start3A_472 = tpu.memref_slice %arg11[%dma_start3A_471] : memref<8192xi32, #tpu.memory_space<vmem>> -> memref<128xi32, #tpu.memory_space<vmem>>
    %dma_start3A_473 = arith.constant 0 : i32
    %dma_start3A_474 = tpu.memref_slice %arg5[%dma_start3A_473] : memref<16001024xf32, #tpu.memory_space<hbm>> -> memref<16001024xf32, #tpu.memory_space<hbm>>
    tpu.enqueue_indirect_dma source(%dma_start3A_474 : memref<16001024xf32, #tpu.memory_space<hbm>>) target(%dma_start3A_470 : memref<128xf32, #tpu.memory_space<vmem>>) offsets(%dma_start3A_472 : memref<128xi32, #tpu.memory_space<vmem>>) semaphore(%arg16 : memref<!tpu.dma_semaphore, #tpu.memory_space<semaphore_mem>>)
    %dma_start3A_475 = arith.constant 4736 : i32
    %dma_start3A_476 = tpu.memref_slice %arg12[%dma_start3A_475] : memref<8192xf32, #tpu.memory_space<vmem>> -> memref<128xf32, #tpu.memory_space<vmem>>
    %dma_start3A_477 = arith.constant 4736 : i32
    %dma_start3A_478 = tpu.memref_slice %arg10[%dma_start3A_477] : memref<8192xi32, #tpu.memory_space<vmem>> -> memref<128xi32, #tpu.memory_space<vmem>>
    %dma_start3A_479 = arith.constant 0 : i32
    %dma_start3A_480 = tpu.memref_slice %arg4[%dma_start3A_479] : memref<16001024xf32, #tpu.memory_space<hbm>> -> memref<16001024xf32, #tpu.memory_space<hbm>>
    tpu.enqueue_indirect_dma source(%dma_start3A_480 : memref<16001024xf32, #tpu.memory_space<hbm>>) target(%dma_start3A_476 : memref<128xf32, #tpu.memory_space<vmem>>) offsets(%dma_start3A_478 : memref<128xi32, #tpu.memory_space<vmem>>) semaphore(%arg15 : memref<!tpu.dma_semaphore, #tpu.memory_space<semaphore_mem>>)
    %dma_start3A_481 = arith.constant 4736 : i32
    %dma_start3A_482 = tpu.memref_slice %arg13[%dma_start3A_481] : memref<8192xf32, #tpu.memory_space<vmem>> -> memref<128xf32, #tpu.memory_space<vmem>>
    %dma_start3A_483 = arith.constant 4736 : i32
    %dma_start3A_484 = tpu.memref_slice %arg11[%dma_start3A_483] : memref<8192xi32, #tpu.memory_space<vmem>> -> memref<128xi32, #tpu.memory_space<vmem>>
    %dma_start3A_485 = arith.constant 0 : i32
    %dma_start3A_486 = tpu.memref_slice %arg5[%dma_start3A_485] : memref<16001024xf32, #tpu.memory_space<hbm>> -> memref<16001024xf32, #tpu.memory_space<hbm>>
    tpu.enqueue_indirect_dma source(%dma_start3A_486 : memref<16001024xf32, #tpu.memory_space<hbm>>) target(%dma_start3A_482 : memref<128xf32, #tpu.memory_space<vmem>>) offsets(%dma_start3A_484 : memref<128xi32, #tpu.memory_space<vmem>>) semaphore(%arg16 : memref<!tpu.dma_semaphore, #tpu.memory_space<semaphore_mem>>)
    %dma_start3A_487 = arith.constant 4864 : i32
    %dma_start3A_488 = tpu.memref_slice %arg12[%dma_start3A_487] : memref<8192xf32, #tpu.memory_space<vmem>> -> memref<128xf32, #tpu.memory_space<vmem>>
    %dma_start3A_489 = arith.constant 4864 : i32
    %dma_start3A_490 = tpu.memref_slice %arg10[%dma_start3A_489] : memref<8192xi32, #tpu.memory_space<vmem>> -> memref<128xi32, #tpu.memory_space<vmem>>
    %dma_start3A_491 = arith.constant 0 : i32
    %dma_start3A_492 = tpu.memref_slice %arg4[%dma_start3A_491] : memref<16001024xf32, #tpu.memory_space<hbm>> -> memref<16001024xf32, #tpu.memory_space<hbm>>
    tpu.enqueue_indirect_dma source(%dma_start3A_492 : memref<16001024xf32, #tpu.memory_space<hbm>>) target(%dma_start3A_488 : memref<128xf32, #tpu.memory_space<vmem>>) offsets(%dma_start3A_490 : memref<128xi32, #tpu.memory_space<vmem>>) semaphore(%arg15 : memref<!tpu.dma_semaphore, #tpu.memory_space<semaphore_mem>>)
    %dma_start3A_493 = arith.constant 4864 : i32
    %dma_start3A_494 = tpu.memref_slice %arg13[%dma_start3A_493] : memref<8192xf32, #tpu.memory_space<vmem>> -> memref<128xf32, #tpu.memory_space<vmem>>
    %dma_start3A_495 = arith.constant 4864 : i32
    %dma_start3A_496 = tpu.memref_slice %arg11[%dma_start3A_495] : memref<8192xi32, #tpu.memory_space<vmem>> -> memref<128xi32, #tpu.memory_space<vmem>>
    %dma_start3A_497 = arith.constant 0 : i32
    %dma_start3A_498 = tpu.memref_slice %arg5[%dma_start3A_497] : memref<16001024xf32, #tpu.memory_space<hbm>> -> memref<16001024xf32, #tpu.memory_space<hbm>>
    tpu.enqueue_indirect_dma source(%dma_start3A_498 : memref<16001024xf32, #tpu.memory_space<hbm>>) target(%dma_start3A_494 : memref<128xf32, #tpu.memory_space<vmem>>) offsets(%dma_start3A_496 : memref<128xi32, #tpu.memory_space<vmem>>) semaphore(%arg16 : memref<!tpu.dma_semaphore, #tpu.memory_space<semaphore_mem>>)
    %dma_start3A_499 = arith.constant 4992 : i32
    %dma_start3A_500 = tpu.memref_slice %arg12[%dma_start3A_499] : memref<8192xf32, #tpu.memory_space<vmem>> -> memref<128xf32, #tpu.memory_space<vmem>>
    %dma_start3A_501 = arith.constant 4992 : i32
    %dma_start3A_502 = tpu.memref_slice %arg10[%dma_start3A_501] : memref<8192xi32, #tpu.memory_space<vmem>> -> memref<128xi32, #tpu.memory_space<vmem>>
    %dma_start3A_503 = arith.constant 0 : i32
    %dma_start3A_504 = tpu.memref_slice %arg4[%dma_start3A_503] : memref<16001024xf32, #tpu.memory_space<hbm>> -> memref<16001024xf32, #tpu.memory_space<hbm>>
    tpu.enqueue_indirect_dma source(%dma_start3A_504 : memref<16001024xf32, #tpu.memory_space<hbm>>) target(%dma_start3A_500 : memref<128xf32, #tpu.memory_space<vmem>>) offsets(%dma_start3A_502 : memref<128xi32, #tpu.memory_space<vmem>>) semaphore(%arg15 : memref<!tpu.dma_semaphore, #tpu.memory_space<semaphore_mem>>)
    %dma_start3A_505 = arith.constant 4992 : i32
    %dma_start3A_506 = tpu.memref_slice %arg13[%dma_start3A_505] : memref<8192xf32, #tpu.memory_space<vmem>> -> memref<128xf32, #tpu.memory_space<vmem>>
    %dma_start3A_507 = arith.constant 4992 : i32
    %dma_start3A_508 = tpu.memref_slice %arg11[%dma_start3A_507] : memref<8192xi32, #tpu.memory_space<vmem>> -> memref<128xi32, #tpu.memory_space<vmem>>
    %dma_start3A_509 = arith.constant 0 : i32
    %dma_start3A_510 = tpu.memref_slice %arg5[%dma_start3A_509] : memref<16001024xf32, #tpu.memory_space<hbm>> -> memref<16001024xf32, #tpu.memory_space<hbm>>
    tpu.enqueue_indirect_dma source(%dma_start3A_510 : memref<16001024xf32, #tpu.memory_space<hbm>>) target(%dma_start3A_506 : memref<128xf32, #tpu.memory_space<vmem>>) offsets(%dma_start3A_508 : memref<128xi32, #tpu.memory_space<vmem>>) semaphore(%arg16 : memref<!tpu.dma_semaphore, #tpu.memory_space<semaphore_mem>>)
    %dma_start3A_511 = arith.constant 5120 : i32
    %dma_start3A_512 = tpu.memref_slice %arg12[%dma_start3A_511] : memref<8192xf32, #tpu.memory_space<vmem>> -> memref<128xf32, #tpu.memory_space<vmem>>
    %dma_start3A_513 = arith.constant 5120 : i32
    %dma_start3A_514 = tpu.memref_slice %arg10[%dma_start3A_513] : memref<8192xi32, #tpu.memory_space<vmem>> -> memref<128xi32, #tpu.memory_space<vmem>>
    %dma_start3A_515 = arith.constant 0 : i32
    %dma_start3A_516 = tpu.memref_slice %arg4[%dma_start3A_515] : memref<16001024xf32, #tpu.memory_space<hbm>> -> memref<16001024xf32, #tpu.memory_space<hbm>>
    tpu.enqueue_indirect_dma source(%dma_start3A_516 : memref<16001024xf32, #tpu.memory_space<hbm>>) target(%dma_start3A_512 : memref<128xf32, #tpu.memory_space<vmem>>) offsets(%dma_start3A_514 : memref<128xi32, #tpu.memory_space<vmem>>) semaphore(%arg15 : memref<!tpu.dma_semaphore, #tpu.memory_space<semaphore_mem>>)
    %dma_start3A_517 = arith.constant 5120 : i32
    %dma_start3A_518 = tpu.memref_slice %arg13[%dma_start3A_517] : memref<8192xf32, #tpu.memory_space<vmem>> -> memref<128xf32, #tpu.memory_space<vmem>>
    %dma_start3A_519 = arith.constant 5120 : i32
    %dma_start3A_520 = tpu.memref_slice %arg11[%dma_start3A_519] : memref<8192xi32, #tpu.memory_space<vmem>> -> memref<128xi32, #tpu.memory_space<vmem>>
    %dma_start3A_521 = arith.constant 0 : i32
    %dma_start3A_522 = tpu.memref_slice %arg5[%dma_start3A_521] : memref<16001024xf32, #tpu.memory_space<hbm>> -> memref<16001024xf32, #tpu.memory_space<hbm>>
    tpu.enqueue_indirect_dma source(%dma_start3A_522 : memref<16001024xf32, #tpu.memory_space<hbm>>) target(%dma_start3A_518 : memref<128xf32, #tpu.memory_space<vmem>>) offsets(%dma_start3A_520 : memref<128xi32, #tpu.memory_space<vmem>>) semaphore(%arg16 : memref<!tpu.dma_semaphore, #tpu.memory_space<semaphore_mem>>)
    %dma_start3A_523 = arith.constant 5248 : i32
    %dma_start3A_524 = tpu.memref_slice %arg12[%dma_start3A_523] : memref<8192xf32, #tpu.memory_space<vmem>> -> memref<128xf32, #tpu.memory_space<vmem>>
    %dma_start3A_525 = arith.constant 5248 : i32
    %dma_start3A_526 = tpu.memref_slice %arg10[%dma_start3A_525] : memref<8192xi32, #tpu.memory_space<vmem>> -> memref<128xi32, #tpu.memory_space<vmem>>
    %dma_start3A_527 = arith.constant 0 : i32
    %dma_start3A_528 = tpu.memref_slice %arg4[%dma_start3A_527] : memref<16001024xf32, #tpu.memory_space<hbm>> -> memref<16001024xf32, #tpu.memory_space<hbm>>
    tpu.enqueue_indirect_dma source(%dma_start3A_528 : memref<16001024xf32, #tpu.memory_space<hbm>>) target(%dma_start3A_524 : memref<128xf32, #tpu.memory_space<vmem>>) offsets(%dma_start3A_526 : memref<128xi32, #tpu.memory_space<vmem>>) semaphore(%arg15 : memref<!tpu.dma_semaphore, #tpu.memory_space<semaphore_mem>>)
    %dma_start3A_529 = arith.constant 5248 : i32
    %dma_start3A_530 = tpu.memref_slice %arg13[%dma_start3A_529] : memref<8192xf32, #tpu.memory_space<vmem>> -> memref<128xf32, #tpu.memory_space<vmem>>
    %dma_start3A_531 = arith.constant 5248 : i32
    %dma_start3A_532 = tpu.memref_slice %arg11[%dma_start3A_531] : memref<8192xi32, #tpu.memory_space<vmem>> -> memref<128xi32, #tpu.memory_space<vmem>>
    %dma_start3A_533 = arith.constant 0 : i32
    %dma_start3A_534 = tpu.memref_slice %arg5[%dma_start3A_533] : memref<16001024xf32, #tpu.memory_space<hbm>> -> memref<16001024xf32, #tpu.memory_space<hbm>>
    tpu.enqueue_indirect_dma source(%dma_start3A_534 : memref<16001024xf32, #tpu.memory_space<hbm>>) target(%dma_start3A_530 : memref<128xf32, #tpu.memory_space<vmem>>) offsets(%dma_start3A_532 : memref<128xi32, #tpu.memory_space<vmem>>) semaphore(%arg16 : memref<!tpu.dma_semaphore, #tpu.memory_space<semaphore_mem>>)
    %dma_start3A_535 = arith.constant 5376 : i32
    %dma_start3A_536 = tpu.memref_slice %arg12[%dma_start3A_535] : memref<8192xf32, #tpu.memory_space<vmem>> -> memref<128xf32, #tpu.memory_space<vmem>>
    %dma_start3A_537 = arith.constant 5376 : i32
    %dma_start3A_538 = tpu.memref_slice %arg10[%dma_start3A_537] : memref<8192xi32, #tpu.memory_space<vmem>> -> memref<128xi32, #tpu.memory_space<vmem>>
    %dma_start3A_539 = arith.constant 0 : i32
    %dma_start3A_540 = tpu.memref_slice %arg4[%dma_start3A_539] : memref<16001024xf32, #tpu.memory_space<hbm>> -> memref<16001024xf32, #tpu.memory_space<hbm>>
    tpu.enqueue_indirect_dma source(%dma_start3A_540 : memref<16001024xf32, #tpu.memory_space<hbm>>) target(%dma_start3A_536 : memref<128xf32, #tpu.memory_space<vmem>>) offsets(%dma_start3A_538 : memref<128xi32, #tpu.memory_space<vmem>>) semaphore(%arg15 : memref<!tpu.dma_semaphore, #tpu.memory_space<semaphore_mem>>)
    %dma_start3A_541 = arith.constant 5376 : i32
    %dma_start3A_542 = tpu.memref_slice %arg13[%dma_start3A_541] : memref<8192xf32, #tpu.memory_space<vmem>> -> memref<128xf32, #tpu.memory_space<vmem>>
    %dma_start3A_543 = arith.constant 5376 : i32
    %dma_start3A_544 = tpu.memref_slice %arg11[%dma_start3A_543] : memref<8192xi32, #tpu.memory_space<vmem>> -> memref<128xi32, #tpu.memory_space<vmem>>
    %dma_start3A_545 = arith.constant 0 : i32
    %dma_start3A_546 = tpu.memref_slice %arg5[%dma_start3A_545] : memref<16001024xf32, #tpu.memory_space<hbm>> -> memref<16001024xf32, #tpu.memory_space<hbm>>
    tpu.enqueue_indirect_dma source(%dma_start3A_546 : memref<16001024xf32, #tpu.memory_space<hbm>>) target(%dma_start3A_542 : memref<128xf32, #tpu.memory_space<vmem>>) offsets(%dma_start3A_544 : memref<128xi32, #tpu.memory_space<vmem>>) semaphore(%arg16 : memref<!tpu.dma_semaphore, #tpu.memory_space<semaphore_mem>>)
    %dma_start3A_547 = arith.constant 5504 : i32
    %dma_start3A_548 = tpu.memref_slice %arg12[%dma_start3A_547] : memref<8192xf32, #tpu.memory_space<vmem>> -> memref<128xf32, #tpu.memory_space<vmem>>
    %dma_start3A_549 = arith.constant 5504 : i32
    %dma_start3A_550 = tpu.memref_slice %arg10[%dma_start3A_549] : memref<8192xi32, #tpu.memory_space<vmem>> -> memref<128xi32, #tpu.memory_space<vmem>>
    %dma_start3A_551 = arith.constant 0 : i32
    %dma_start3A_552 = tpu.memref_slice %arg4[%dma_start3A_551] : memref<16001024xf32, #tpu.memory_space<hbm>> -> memref<16001024xf32, #tpu.memory_space<hbm>>
    tpu.enqueue_indirect_dma source(%dma_start3A_552 : memref<16001024xf32, #tpu.memory_space<hbm>>) target(%dma_start3A_548 : memref<128xf32, #tpu.memory_space<vmem>>) offsets(%dma_start3A_550 : memref<128xi32, #tpu.memory_space<vmem>>) semaphore(%arg15 : memref<!tpu.dma_semaphore, #tpu.memory_space<semaphore_mem>>)
    %dma_start3A_553 = arith.constant 5504 : i32
    %dma_start3A_554 = tpu.memref_slice %arg13[%dma_start3A_553] : memref<8192xf32, #tpu.memory_space<vmem>> -> memref<128xf32, #tpu.memory_space<vmem>>
    %dma_start3A_555 = arith.constant 5504 : i32
    %dma_start3A_556 = tpu.memref_slice %arg11[%dma_start3A_555] : memref<8192xi32, #tpu.memory_space<vmem>> -> memref<128xi32, #tpu.memory_space<vmem>>
    %dma_start3A_557 = arith.constant 0 : i32
    %dma_start3A_558 = tpu.memref_slice %arg5[%dma_start3A_557] : memref<16001024xf32, #tpu.memory_space<hbm>> -> memref<16001024xf32, #tpu.memory_space<hbm>>
    tpu.enqueue_indirect_dma source(%dma_start3A_558 : memref<16001024xf32, #tpu.memory_space<hbm>>) target(%dma_start3A_554 : memref<128xf32, #tpu.memory_space<vmem>>) offsets(%dma_start3A_556 : memref<128xi32, #tpu.memory_space<vmem>>) semaphore(%arg16 : memref<!tpu.dma_semaphore, #tpu.memory_space<semaphore_mem>>)
    %dma_start3A_559 = arith.constant 5632 : i32
    %dma_start3A_560 = tpu.memref_slice %arg12[%dma_start3A_559] : memref<8192xf32, #tpu.memory_space<vmem>> -> memref<128xf32, #tpu.memory_space<vmem>>
    %dma_start3A_561 = arith.constant 5632 : i32
    %dma_start3A_562 = tpu.memref_slice %arg10[%dma_start3A_561] : memref<8192xi32, #tpu.memory_space<vmem>> -> memref<128xi32, #tpu.memory_space<vmem>>
    %dma_start3A_563 = arith.constant 0 : i32
    %dma_start3A_564 = tpu.memref_slice %arg4[%dma_start3A_563] : memref<16001024xf32, #tpu.memory_space<hbm>> -> memref<16001024xf32, #tpu.memory_space<hbm>>
    tpu.enqueue_indirect_dma source(%dma_start3A_564 : memref<16001024xf32, #tpu.memory_space<hbm>>) target(%dma_start3A_560 : memref<128xf32, #tpu.memory_space<vmem>>) offsets(%dma_start3A_562 : memref<128xi32, #tpu.memory_space<vmem>>) semaphore(%arg15 : memref<!tpu.dma_semaphore, #tpu.memory_space<semaphore_mem>>)
    %dma_start3A_565 = arith.constant 5632 : i32
    %dma_start3A_566 = tpu.memref_slice %arg13[%dma_start3A_565] : memref<8192xf32, #tpu.memory_space<vmem>> -> memref<128xf32, #tpu.memory_space<vmem>>
    %dma_start3A_567 = arith.constant 5632 : i32
    %dma_start3A_568 = tpu.memref_slice %arg11[%dma_start3A_567] : memref<8192xi32, #tpu.memory_space<vmem>> -> memref<128xi32, #tpu.memory_space<vmem>>
    %dma_start3A_569 = arith.constant 0 : i32
    %dma_start3A_570 = tpu.memref_slice %arg5[%dma_start3A_569] : memref<16001024xf32, #tpu.memory_space<hbm>> -> memref<16001024xf32, #tpu.memory_space<hbm>>
    tpu.enqueue_indirect_dma source(%dma_start3A_570 : memref<16001024xf32, #tpu.memory_space<hbm>>) target(%dma_start3A_566 : memref<128xf32, #tpu.memory_space<vmem>>) offsets(%dma_start3A_568 : memref<128xi32, #tpu.memory_space<vmem>>) semaphore(%arg16 : memref<!tpu.dma_semaphore, #tpu.memory_space<semaphore_mem>>)
    %dma_start3A_571 = arith.constant 5760 : i32
    %dma_start3A_572 = tpu.memref_slice %arg12[%dma_start3A_571] : memref<8192xf32, #tpu.memory_space<vmem>> -> memref<128xf32, #tpu.memory_space<vmem>>
    %dma_start3A_573 = arith.constant 5760 : i32
    %dma_start3A_574 = tpu.memref_slice %arg10[%dma_start3A_573] : memref<8192xi32, #tpu.memory_space<vmem>> -> memref<128xi32, #tpu.memory_space<vmem>>
    %dma_start3A_575 = arith.constant 0 : i32
    %dma_start3A_576 = tpu.memref_slice %arg4[%dma_start3A_575] : memref<16001024xf32, #tpu.memory_space<hbm>> -> memref<16001024xf32, #tpu.memory_space<hbm>>
    tpu.enqueue_indirect_dma source(%dma_start3A_576 : memref<16001024xf32, #tpu.memory_space<hbm>>) target(%dma_start3A_572 : memref<128xf32, #tpu.memory_space<vmem>>) offsets(%dma_start3A_574 : memref<128xi32, #tpu.memory_space<vmem>>) semaphore(%arg15 : memref<!tpu.dma_semaphore, #tpu.memory_space<semaphore_mem>>)
    %dma_start3A_577 = arith.constant 5760 : i32
    %dma_start3A_578 = tpu.memref_slice %arg13[%dma_start3A_577] : memref<8192xf32, #tpu.memory_space<vmem>> -> memref<128xf32, #tpu.memory_space<vmem>>
    %dma_start3A_579 = arith.constant 5760 : i32
    %dma_start3A_580 = tpu.memref_slice %arg11[%dma_start3A_579] : memref<8192xi32, #tpu.memory_space<vmem>> -> memref<128xi32, #tpu.memory_space<vmem>>
    %dma_start3A_581 = arith.constant 0 : i32
    %dma_start3A_582 = tpu.memref_slice %arg5[%dma_start3A_581] : memref<16001024xf32, #tpu.memory_space<hbm>> -> memref<16001024xf32, #tpu.memory_space<hbm>>
    tpu.enqueue_indirect_dma source(%dma_start3A_582 : memref<16001024xf32, #tpu.memory_space<hbm>>) target(%dma_start3A_578 : memref<128xf32, #tpu.memory_space<vmem>>) offsets(%dma_start3A_580 : memref<128xi32, #tpu.memory_space<vmem>>) semaphore(%arg16 : memref<!tpu.dma_semaphore, #tpu.memory_space<semaphore_mem>>)
    %dma_start3A_583 = arith.constant 5888 : i32
    %dma_start3A_584 = tpu.memref_slice %arg12[%dma_start3A_583] : memref<8192xf32, #tpu.memory_space<vmem>> -> memref<128xf32, #tpu.memory_space<vmem>>
    %dma_start3A_585 = arith.constant 5888 : i32
    %dma_start3A_586 = tpu.memref_slice %arg10[%dma_start3A_585] : memref<8192xi32, #tpu.memory_space<vmem>> -> memref<128xi32, #tpu.memory_space<vmem>>
    %dma_start3A_587 = arith.constant 0 : i32
    %dma_start3A_588 = tpu.memref_slice %arg4[%dma_start3A_587] : memref<16001024xf32, #tpu.memory_space<hbm>> -> memref<16001024xf32, #tpu.memory_space<hbm>>
    tpu.enqueue_indirect_dma source(%dma_start3A_588 : memref<16001024xf32, #tpu.memory_space<hbm>>) target(%dma_start3A_584 : memref<128xf32, #tpu.memory_space<vmem>>) offsets(%dma_start3A_586 : memref<128xi32, #tpu.memory_space<vmem>>) semaphore(%arg15 : memref<!tpu.dma_semaphore, #tpu.memory_space<semaphore_mem>>)
    %dma_start3A_589 = arith.constant 5888 : i32
    %dma_start3A_590 = tpu.memref_slice %arg13[%dma_start3A_589] : memref<8192xf32, #tpu.memory_space<vmem>> -> memref<128xf32, #tpu.memory_space<vmem>>
    %dma_start3A_591 = arith.constant 5888 : i32
    %dma_start3A_592 = tpu.memref_slice %arg11[%dma_start3A_591] : memref<8192xi32, #tpu.memory_space<vmem>> -> memref<128xi32, #tpu.memory_space<vmem>>
    %dma_start3A_593 = arith.constant 0 : i32
    %dma_start3A_594 = tpu.memref_slice %arg5[%dma_start3A_593] : memref<16001024xf32, #tpu.memory_space<hbm>> -> memref<16001024xf32, #tpu.memory_space<hbm>>
    tpu.enqueue_indirect_dma source(%dma_start3A_594 : memref<16001024xf32, #tpu.memory_space<hbm>>) target(%dma_start3A_590 : memref<128xf32, #tpu.memory_space<vmem>>) offsets(%dma_start3A_592 : memref<128xi32, #tpu.memory_space<vmem>>) semaphore(%arg16 : memref<!tpu.dma_semaphore, #tpu.memory_space<semaphore_mem>>)
    %dma_start3A_595 = arith.constant 6016 : i32
    %dma_start3A_596 = tpu.memref_slice %arg12[%dma_start3A_595] : memref<8192xf32, #tpu.memory_space<vmem>> -> memref<128xf32, #tpu.memory_space<vmem>>
    %dma_start3A_597 = arith.constant 6016 : i32
    %dma_start3A_598 = tpu.memref_slice %arg10[%dma_start3A_597] : memref<8192xi32, #tpu.memory_space<vmem>> -> memref<128xi32, #tpu.memory_space<vmem>>
    %dma_start3A_599 = arith.constant 0 : i32
    %dma_start3A_600 = tpu.memref_slice %arg4[%dma_start3A_599] : memref<16001024xf32, #tpu.memory_space<hbm>> -> memref<16001024xf32, #tpu.memory_space<hbm>>
    tpu.enqueue_indirect_dma source(%dma_start3A_600 : memref<16001024xf32, #tpu.memory_space<hbm>>) target(%dma_start3A_596 : memref<128xf32, #tpu.memory_space<vmem>>) offsets(%dma_start3A_598 : memref<128xi32, #tpu.memory_space<vmem>>) semaphore(%arg15 : memref<!tpu.dma_semaphore, #tpu.memory_space<semaphore_mem>>)
    %dma_start3A_601 = arith.constant 6016 : i32
    %dma_start3A_602 = tpu.memref_slice %arg13[%dma_start3A_601] : memref<8192xf32, #tpu.memory_space<vmem>> -> memref<128xf32, #tpu.memory_space<vmem>>
    %dma_start3A_603 = arith.constant 6016 : i32
    %dma_start3A_604 = tpu.memref_slice %arg11[%dma_start3A_603] : memref<8192xi32, #tpu.memory_space<vmem>> -> memref<128xi32, #tpu.memory_space<vmem>>
    %dma_start3A_605 = arith.constant 0 : i32
    %dma_start3A_606 = tpu.memref_slice %arg5[%dma_start3A_605] : memref<16001024xf32, #tpu.memory_space<hbm>> -> memref<16001024xf32, #tpu.memory_space<hbm>>
    tpu.enqueue_indirect_dma source(%dma_start3A_606 : memref<16001024xf32, #tpu.memory_space<hbm>>) target(%dma_start3A_602 : memref<128xf32, #tpu.memory_space<vmem>>) offsets(%dma_start3A_604 : memref<128xi32, #tpu.memory_space<vmem>>) semaphore(%arg16 : memref<!tpu.dma_semaphore, #tpu.memory_space<semaphore_mem>>)
    %dma_start3A_607 = arith.constant 6144 : i32
    %dma_start3A_608 = tpu.memref_slice %arg12[%dma_start3A_607] : memref<8192xf32, #tpu.memory_space<vmem>> -> memref<128xf32, #tpu.memory_space<vmem>>
    %dma_start3A_609 = arith.constant 6144 : i32
    %dma_start3A_610 = tpu.memref_slice %arg10[%dma_start3A_609] : memref<8192xi32, #tpu.memory_space<vmem>> -> memref<128xi32, #tpu.memory_space<vmem>>
    %dma_start3A_611 = arith.constant 0 : i32
    %dma_start3A_612 = tpu.memref_slice %arg4[%dma_start3A_611] : memref<16001024xf32, #tpu.memory_space<hbm>> -> memref<16001024xf32, #tpu.memory_space<hbm>>
    tpu.enqueue_indirect_dma source(%dma_start3A_612 : memref<16001024xf32, #tpu.memory_space<hbm>>) target(%dma_start3A_608 : memref<128xf32, #tpu.memory_space<vmem>>) offsets(%dma_start3A_610 : memref<128xi32, #tpu.memory_space<vmem>>) semaphore(%arg15 : memref<!tpu.dma_semaphore, #tpu.memory_space<semaphore_mem>>)
    %dma_start3A_613 = arith.constant 6144 : i32
    %dma_start3A_614 = tpu.memref_slice %arg13[%dma_start3A_613] : memref<8192xf32, #tpu.memory_space<vmem>> -> memref<128xf32, #tpu.memory_space<vmem>>
    %dma_start3A_615 = arith.constant 6144 : i32
    %dma_start3A_616 = tpu.memref_slice %arg11[%dma_start3A_615] : memref<8192xi32, #tpu.memory_space<vmem>> -> memref<128xi32, #tpu.memory_space<vmem>>
    %dma_start3A_617 = arith.constant 0 : i32
    %dma_start3A_618 = tpu.memref_slice %arg5[%dma_start3A_617] : memref<16001024xf32, #tpu.memory_space<hbm>> -> memref<16001024xf32, #tpu.memory_space<hbm>>
    tpu.enqueue_indirect_dma source(%dma_start3A_618 : memref<16001024xf32, #tpu.memory_space<hbm>>) target(%dma_start3A_614 : memref<128xf32, #tpu.memory_space<vmem>>) offsets(%dma_start3A_616 : memref<128xi32, #tpu.memory_space<vmem>>) semaphore(%arg16 : memref<!tpu.dma_semaphore, #tpu.memory_space<semaphore_mem>>)
    %dma_start3A_619 = arith.constant 6272 : i32
    %dma_start3A_620 = tpu.memref_slice %arg12[%dma_start3A_619] : memref<8192xf32, #tpu.memory_space<vmem>> -> memref<128xf32, #tpu.memory_space<vmem>>
    %dma_start3A_621 = arith.constant 6272 : i32
    %dma_start3A_622 = tpu.memref_slice %arg10[%dma_start3A_621] : memref<8192xi32, #tpu.memory_space<vmem>> -> memref<128xi32, #tpu.memory_space<vmem>>
    %dma_start3A_623 = arith.constant 0 : i32
    %dma_start3A_624 = tpu.memref_slice %arg4[%dma_start3A_623] : memref<16001024xf32, #tpu.memory_space<hbm>> -> memref<16001024xf32, #tpu.memory_space<hbm>>
    tpu.enqueue_indirect_dma source(%dma_start3A_624 : memref<16001024xf32, #tpu.memory_space<hbm>>) target(%dma_start3A_620 : memref<128xf32, #tpu.memory_space<vmem>>) offsets(%dma_start3A_622 : memref<128xi32, #tpu.memory_space<vmem>>) semaphore(%arg15 : memref<!tpu.dma_semaphore, #tpu.memory_space<semaphore_mem>>)
    %dma_start3A_625 = arith.constant 6272 : i32
    %dma_start3A_626 = tpu.memref_slice %arg13[%dma_start3A_625] : memref<8192xf32, #tpu.memory_space<vmem>> -> memref<128xf32, #tpu.memory_space<vmem>>
    %dma_start3A_627 = arith.constant 6272 : i32
    %dma_start3A_628 = tpu.memref_slice %arg11[%dma_start3A_627] : memref<8192xi32, #tpu.memory_space<vmem>> -> memref<128xi32, #tpu.memory_space<vmem>>
    %dma_start3A_629 = arith.constant 0 : i32
    %dma_start3A_630 = tpu.memref_slice %arg5[%dma_start3A_629] : memref<16001024xf32, #tpu.memory_space<hbm>> -> memref<16001024xf32, #tpu.memory_space<hbm>>
    tpu.enqueue_indirect_dma source(%dma_start3A_630 : memref<16001024xf32, #tpu.memory_space<hbm>>) target(%dma_start3A_626 : memref<128xf32, #tpu.memory_space<vmem>>) offsets(%dma_start3A_628 : memref<128xi32, #tpu.memory_space<vmem>>) semaphore(%arg16 : memref<!tpu.dma_semaphore, #tpu.memory_space<semaphore_mem>>)
    %dma_start3A_631 = arith.constant 6400 : i32
    %dma_start3A_632 = tpu.memref_slice %arg12[%dma_start3A_631] : memref<8192xf32, #tpu.memory_space<vmem>> -> memref<128xf32, #tpu.memory_space<vmem>>
    %dma_start3A_633 = arith.constant 6400 : i32
    %dma_start3A_634 = tpu.memref_slice %arg10[%dma_start3A_633] : memref<8192xi32, #tpu.memory_space<vmem>> -> memref<128xi32, #tpu.memory_space<vmem>>
    %dma_start3A_635 = arith.constant 0 : i32
    %dma_start3A_636 = tpu.memref_slice %arg4[%dma_start3A_635] : memref<16001024xf32, #tpu.memory_space<hbm>> -> memref<16001024xf32, #tpu.memory_space<hbm>>
    tpu.enqueue_indirect_dma source(%dma_start3A_636 : memref<16001024xf32, #tpu.memory_space<hbm>>) target(%dma_start3A_632 : memref<128xf32, #tpu.memory_space<vmem>>) offsets(%dma_start3A_634 : memref<128xi32, #tpu.memory_space<vmem>>) semaphore(%arg15 : memref<!tpu.dma_semaphore, #tpu.memory_space<semaphore_mem>>)
    %dma_start3A_637 = arith.constant 6400 : i32
    %dma_start3A_638 = tpu.memref_slice %arg13[%dma_start3A_637] : memref<8192xf32, #tpu.memory_space<vmem>> -> memref<128xf32, #tpu.memory_space<vmem>>
    %dma_start3A_639 = arith.constant 6400 : i32
    %dma_start3A_640 = tpu.memref_slice %arg11[%dma_start3A_639] : memref<8192xi32, #tpu.memory_space<vmem>> -> memref<128xi32, #tpu.memory_space<vmem>>
    %dma_start3A_641 = arith.constant 0 : i32
    %dma_start3A_642 = tpu.memref_slice %arg5[%dma_start3A_641] : memref<16001024xf32, #tpu.memory_space<hbm>> -> memref<16001024xf32, #tpu.memory_space<hbm>>
    tpu.enqueue_indirect_dma source(%dma_start3A_642 : memref<16001024xf32, #tpu.memory_space<hbm>>) target(%dma_start3A_638 : memref<128xf32, #tpu.memory_space<vmem>>) offsets(%dma_start3A_640 : memref<128xi32, #tpu.memory_space<vmem>>) semaphore(%arg16 : memref<!tpu.dma_semaphore, #tpu.memory_space<semaphore_mem>>)
    %dma_start3A_643 = arith.constant 6528 : i32
    %dma_start3A_644 = tpu.memref_slice %arg12[%dma_start3A_643] : memref<8192xf32, #tpu.memory_space<vmem>> -> memref<128xf32, #tpu.memory_space<vmem>>
    %dma_start3A_645 = arith.constant 6528 : i32
    %dma_start3A_646 = tpu.memref_slice %arg10[%dma_start3A_645] : memref<8192xi32, #tpu.memory_space<vmem>> -> memref<128xi32, #tpu.memory_space<vmem>>
    %dma_start3A_647 = arith.constant 0 : i32
    %dma_start3A_648 = tpu.memref_slice %arg4[%dma_start3A_647] : memref<16001024xf32, #tpu.memory_space<hbm>> -> memref<16001024xf32, #tpu.memory_space<hbm>>
    tpu.enqueue_indirect_dma source(%dma_start3A_648 : memref<16001024xf32, #tpu.memory_space<hbm>>) target(%dma_start3A_644 : memref<128xf32, #tpu.memory_space<vmem>>) offsets(%dma_start3A_646 : memref<128xi32, #tpu.memory_space<vmem>>) semaphore(%arg15 : memref<!tpu.dma_semaphore, #tpu.memory_space<semaphore_mem>>)
    %dma_start3A_649 = arith.constant 6528 : i32
    %dma_start3A_650 = tpu.memref_slice %arg13[%dma_start3A_649] : memref<8192xf32, #tpu.memory_space<vmem>> -> memref<128xf32, #tpu.memory_space<vmem>>
    %dma_start3A_651 = arith.constant 6528 : i32
    %dma_start3A_652 = tpu.memref_slice %arg11[%dma_start3A_651] : memref<8192xi32, #tpu.memory_space<vmem>> -> memref<128xi32, #tpu.memory_space<vmem>>
    %dma_start3A_653 = arith.constant 0 : i32
    %dma_start3A_654 = tpu.memref_slice %arg5[%dma_start3A_653] : memref<16001024xf32, #tpu.memory_space<hbm>> -> memref<16001024xf32, #tpu.memory_space<hbm>>
    tpu.enqueue_indirect_dma source(%dma_start3A_654 : memref<16001024xf32, #tpu.memory_space<hbm>>) target(%dma_start3A_650 : memref<128xf32, #tpu.memory_space<vmem>>) offsets(%dma_start3A_652 : memref<128xi32, #tpu.memory_space<vmem>>) semaphore(%arg16 : memref<!tpu.dma_semaphore, #tpu.memory_space<semaphore_mem>>)
    %dma_start3A_655 = arith.constant 6656 : i32
    %dma_start3A_656 = tpu.memref_slice %arg12[%dma_start3A_655] : memref<8192xf32, #tpu.memory_space<vmem>> -> memref<128xf32, #tpu.memory_space<vmem>>
    %dma_start3A_657 = arith.constant 6656 : i32
    %dma_start3A_658 = tpu.memref_slice %arg10[%dma_start3A_657] : memref<8192xi32, #tpu.memory_space<vmem>> -> memref<128xi32, #tpu.memory_space<vmem>>
    %dma_start3A_659 = arith.constant 0 : i32
    %dma_start3A_660 = tpu.memref_slice %arg4[%dma_start3A_659] : memref<16001024xf32, #tpu.memory_space<hbm>> -> memref<16001024xf32, #tpu.memory_space<hbm>>
    tpu.enqueue_indirect_dma source(%dma_start3A_660 : memref<16001024xf32, #tpu.memory_space<hbm>>) target(%dma_start3A_656 : memref<128xf32, #tpu.memory_space<vmem>>) offsets(%dma_start3A_658 : memref<128xi32, #tpu.memory_space<vmem>>) semaphore(%arg15 : memref<!tpu.dma_semaphore, #tpu.memory_space<semaphore_mem>>)
    %dma_start3A_661 = arith.constant 6656 : i32
    %dma_start3A_662 = tpu.memref_slice %arg13[%dma_start3A_661] : memref<8192xf32, #tpu.memory_space<vmem>> -> memref<128xf32, #tpu.memory_space<vmem>>
    %dma_start3A_663 = arith.constant 6656 : i32
    %dma_start3A_664 = tpu.memref_slice %arg11[%dma_start3A_663] : memref<8192xi32, #tpu.memory_space<vmem>> -> memref<128xi32, #tpu.memory_space<vmem>>
    %dma_start3A_665 = arith.constant 0 : i32
    %dma_start3A_666 = tpu.memref_slice %arg5[%dma_start3A_665] : memref<16001024xf32, #tpu.memory_space<hbm>> -> memref<16001024xf32, #tpu.memory_space<hbm>>
    tpu.enqueue_indirect_dma source(%dma_start3A_666 : memref<16001024xf32, #tpu.memory_space<hbm>>) target(%dma_start3A_662 : memref<128xf32, #tpu.memory_space<vmem>>) offsets(%dma_start3A_664 : memref<128xi32, #tpu.memory_space<vmem>>) semaphore(%arg16 : memref<!tpu.dma_semaphore, #tpu.memory_space<semaphore_mem>>)
    %dma_start3A_667 = arith.constant 6784 : i32
    %dma_start3A_668 = tpu.memref_slice %arg12[%dma_start3A_667] : memref<8192xf32, #tpu.memory_space<vmem>> -> memref<128xf32, #tpu.memory_space<vmem>>
    %dma_start3A_669 = arith.constant 6784 : i32
    %dma_start3A_670 = tpu.memref_slice %arg10[%dma_start3A_669] : memref<8192xi32, #tpu.memory_space<vmem>> -> memref<128xi32, #tpu.memory_space<vmem>>
    %dma_start3A_671 = arith.constant 0 : i32
    %dma_start3A_672 = tpu.memref_slice %arg4[%dma_start3A_671] : memref<16001024xf32, #tpu.memory_space<hbm>> -> memref<16001024xf32, #tpu.memory_space<hbm>>
    tpu.enqueue_indirect_dma source(%dma_start3A_672 : memref<16001024xf32, #tpu.memory_space<hbm>>) target(%dma_start3A_668 : memref<128xf32, #tpu.memory_space<vmem>>) offsets(%dma_start3A_670 : memref<128xi32, #tpu.memory_space<vmem>>) semaphore(%arg15 : memref<!tpu.dma_semaphore, #tpu.memory_space<semaphore_mem>>)
    %dma_start3A_673 = arith.constant 6784 : i32
    %dma_start3A_674 = tpu.memref_slice %arg13[%dma_start3A_673] : memref<8192xf32, #tpu.memory_space<vmem>> -> memref<128xf32, #tpu.memory_space<vmem>>
    %dma_start3A_675 = arith.constant 6784 : i32
    %dma_start3A_676 = tpu.memref_slice %arg11[%dma_start3A_675] : memref<8192xi32, #tpu.memory_space<vmem>> -> memref<128xi32, #tpu.memory_space<vmem>>
    %dma_start3A_677 = arith.constant 0 : i32
    %dma_start3A_678 = tpu.memref_slice %arg5[%dma_start3A_677] : memref<16001024xf32, #tpu.memory_space<hbm>> -> memref<16001024xf32, #tpu.memory_space<hbm>>
    tpu.enqueue_indirect_dma source(%dma_start3A_678 : memref<16001024xf32, #tpu.memory_space<hbm>>) target(%dma_start3A_674 : memref<128xf32, #tpu.memory_space<vmem>>) offsets(%dma_start3A_676 : memref<128xi32, #tpu.memory_space<vmem>>) semaphore(%arg16 : memref<!tpu.dma_semaphore, #tpu.memory_space<semaphore_mem>>)
    %dma_start3A_679 = arith.constant 6912 : i32
    %dma_start3A_680 = tpu.memref_slice %arg12[%dma_start3A_679] : memref<8192xf32, #tpu.memory_space<vmem>> -> memref<128xf32, #tpu.memory_space<vmem>>
    %dma_start3A_681 = arith.constant 6912 : i32
    %dma_start3A_682 = tpu.memref_slice %arg10[%dma_start3A_681] : memref<8192xi32, #tpu.memory_space<vmem>> -> memref<128xi32, #tpu.memory_space<vmem>>
    %dma_start3A_683 = arith.constant 0 : i32
    %dma_start3A_684 = tpu.memref_slice %arg4[%dma_start3A_683] : memref<16001024xf32, #tpu.memory_space<hbm>> -> memref<16001024xf32, #tpu.memory_space<hbm>>
    tpu.enqueue_indirect_dma source(%dma_start3A_684 : memref<16001024xf32, #tpu.memory_space<hbm>>) target(%dma_start3A_680 : memref<128xf32, #tpu.memory_space<vmem>>) offsets(%dma_start3A_682 : memref<128xi32, #tpu.memory_space<vmem>>) semaphore(%arg15 : memref<!tpu.dma_semaphore, #tpu.memory_space<semaphore_mem>>)
    %dma_start3A_685 = arith.constant 6912 : i32
    %dma_start3A_686 = tpu.memref_slice %arg13[%dma_start3A_685] : memref<8192xf32, #tpu.memory_space<vmem>> -> memref<128xf32, #tpu.memory_space<vmem>>
    %dma_start3A_687 = arith.constant 6912 : i32
    %dma_start3A_688 = tpu.memref_slice %arg11[%dma_start3A_687] : memref<8192xi32, #tpu.memory_space<vmem>> -> memref<128xi32, #tpu.memory_space<vmem>>
    %dma_start3A_689 = arith.constant 0 : i32
    %dma_start3A_690 = tpu.memref_slice %arg5[%dma_start3A_689] : memref<16001024xf32, #tpu.memory_space<hbm>> -> memref<16001024xf32, #tpu.memory_space<hbm>>
    tpu.enqueue_indirect_dma source(%dma_start3A_690 : memref<16001024xf32, #tpu.memory_space<hbm>>) target(%dma_start3A_686 : memref<128xf32, #tpu.memory_space<vmem>>) offsets(%dma_start3A_688 : memref<128xi32, #tpu.memory_space<vmem>>) semaphore(%arg16 : memref<!tpu.dma_semaphore, #tpu.memory_space<semaphore_mem>>)
    %dma_start3A_691 = arith.constant 7040 : i32
    %dma_start3A_692 = tpu.memref_slice %arg12[%dma_start3A_691] : memref<8192xf32, #tpu.memory_space<vmem>> -> memref<128xf32, #tpu.memory_space<vmem>>
    %dma_start3A_693 = arith.constant 7040 : i32
    %dma_start3A_694 = tpu.memref_slice %arg10[%dma_start3A_693] : memref<8192xi32, #tpu.memory_space<vmem>> -> memref<128xi32, #tpu.memory_space<vmem>>
    %dma_start3A_695 = arith.constant 0 : i32
    %dma_start3A_696 = tpu.memref_slice %arg4[%dma_start3A_695] : memref<16001024xf32, #tpu.memory_space<hbm>> -> memref<16001024xf32, #tpu.memory_space<hbm>>
    tpu.enqueue_indirect_dma source(%dma_start3A_696 : memref<16001024xf32, #tpu.memory_space<hbm>>) target(%dma_start3A_692 : memref<128xf32, #tpu.memory_space<vmem>>) offsets(%dma_start3A_694 : memref<128xi32, #tpu.memory_space<vmem>>) semaphore(%arg15 : memref<!tpu.dma_semaphore, #tpu.memory_space<semaphore_mem>>)
    %dma_start3A_697 = arith.constant 7040 : i32
    %dma_start3A_698 = tpu.memref_slice %arg13[%dma_start3A_697] : memref<8192xf32, #tpu.memory_space<vmem>> -> memref<128xf32, #tpu.memory_space<vmem>>
    %dma_start3A_699 = arith.constant 7040 : i32
    %dma_start3A_700 = tpu.memref_slice %arg11[%dma_start3A_699] : memref<8192xi32, #tpu.memory_space<vmem>> -> memref<128xi32, #tpu.memory_space<vmem>>
    %dma_start3A_701 = arith.constant 0 : i32
    %dma_start3A_702 = tpu.memref_slice %arg5[%dma_start3A_701] : memref<16001024xf32, #tpu.memory_space<hbm>> -> memref<16001024xf32, #tpu.memory_space<hbm>>
    tpu.enqueue_indirect_dma source(%dma_start3A_702 : memref<16001024xf32, #tpu.memory_space<hbm>>) target(%dma_start3A_698 : memref<128xf32, #tpu.memory_space<vmem>>) offsets(%dma_start3A_700 : memref<128xi32, #tpu.memory_space<vmem>>) semaphore(%arg16 : memref<!tpu.dma_semaphore, #tpu.memory_space<semaphore_mem>>)
    %dma_start3A_703 = arith.constant 7168 : i32
    %dma_start3A_704 = tpu.memref_slice %arg12[%dma_start3A_703] : memref<8192xf32, #tpu.memory_space<vmem>> -> memref<128xf32, #tpu.memory_space<vmem>>
    %dma_start3A_705 = arith.constant 7168 : i32
    %dma_start3A_706 = tpu.memref_slice %arg10[%dma_start3A_705] : memref<8192xi32, #tpu.memory_space<vmem>> -> memref<128xi32, #tpu.memory_space<vmem>>
    %dma_start3A_707 = arith.constant 0 : i32
    %dma_start3A_708 = tpu.memref_slice %arg4[%dma_start3A_707] : memref<16001024xf32, #tpu.memory_space<hbm>> -> memref<16001024xf32, #tpu.memory_space<hbm>>
    tpu.enqueue_indirect_dma source(%dma_start3A_708 : memref<16001024xf32, #tpu.memory_space<hbm>>) target(%dma_start3A_704 : memref<128xf32, #tpu.memory_space<vmem>>) offsets(%dma_start3A_706 : memref<128xi32, #tpu.memory_space<vmem>>) semaphore(%arg15 : memref<!tpu.dma_semaphore, #tpu.memory_space<semaphore_mem>>)
    %dma_start3A_709 = arith.constant 7168 : i32
    %dma_start3A_710 = tpu.memref_slice %arg13[%dma_start3A_709] : memref<8192xf32, #tpu.memory_space<vmem>> -> memref<128xf32, #tpu.memory_space<vmem>>
    %dma_start3A_711 = arith.constant 7168 : i32
    %dma_start3A_712 = tpu.memref_slice %arg11[%dma_start3A_711] : memref<8192xi32, #tpu.memory_space<vmem>> -> memref<128xi32, #tpu.memory_space<vmem>>
    %dma_start3A_713 = arith.constant 0 : i32
    %dma_start3A_714 = tpu.memref_slice %arg5[%dma_start3A_713] : memref<16001024xf32, #tpu.memory_space<hbm>> -> memref<16001024xf32, #tpu.memory_space<hbm>>
    tpu.enqueue_indirect_dma source(%dma_start3A_714 : memref<16001024xf32, #tpu.memory_space<hbm>>) target(%dma_start3A_710 : memref<128xf32, #tpu.memory_space<vmem>>) offsets(%dma_start3A_712 : memref<128xi32, #tpu.memory_space<vmem>>) semaphore(%arg16 : memref<!tpu.dma_semaphore, #tpu.memory_space<semaphore_mem>>)
    %dma_start3A_715 = arith.constant 7296 : i32
    %dma_start3A_716 = tpu.memref_slice %arg12[%dma_start3A_715] : memref<8192xf32, #tpu.memory_space<vmem>> -> memref<128xf32, #tpu.memory_space<vmem>>
    %dma_start3A_717 = arith.constant 7296 : i32
    %dma_start3A_718 = tpu.memref_slice %arg10[%dma_start3A_717] : memref<8192xi32, #tpu.memory_space<vmem>> -> memref<128xi32, #tpu.memory_space<vmem>>
    %dma_start3A_719 = arith.constant 0 : i32
    %dma_start3A_720 = tpu.memref_slice %arg4[%dma_start3A_719] : memref<16001024xf32, #tpu.memory_space<hbm>> -> memref<16001024xf32, #tpu.memory_space<hbm>>
    tpu.enqueue_indirect_dma source(%dma_start3A_720 : memref<16001024xf32, #tpu.memory_space<hbm>>) target(%dma_start3A_716 : memref<128xf32, #tpu.memory_space<vmem>>) offsets(%dma_start3A_718 : memref<128xi32, #tpu.memory_space<vmem>>) semaphore(%arg15 : memref<!tpu.dma_semaphore, #tpu.memory_space<semaphore_mem>>)
    %dma_start3A_721 = arith.constant 7296 : i32
    %dma_start3A_722 = tpu.memref_slice %arg13[%dma_start3A_721] : memref<8192xf32, #tpu.memory_space<vmem>> -> memref<128xf32, #tpu.memory_space<vmem>>
    %dma_start3A_723 = arith.constant 7296 : i32
    %dma_start3A_724 = tpu.memref_slice %arg11[%dma_start3A_723] : memref<8192xi32, #tpu.memory_space<vmem>> -> memref<128xi32, #tpu.memory_space<vmem>>
    %dma_start3A_725 = arith.constant 0 : i32
    %dma_start3A_726 = tpu.memref_slice %arg5[%dma_start3A_725] : memref<16001024xf32, #tpu.memory_space<hbm>> -> memref<16001024xf32, #tpu.memory_space<hbm>>
    tpu.enqueue_indirect_dma source(%dma_start3A_726 : memref<16001024xf32, #tpu.memory_space<hbm>>) target(%dma_start3A_722 : memref<128xf32, #tpu.memory_space<vmem>>) offsets(%dma_start3A_724 : memref<128xi32, #tpu.memory_space<vmem>>) semaphore(%arg16 : memref<!tpu.dma_semaphore, #tpu.memory_space<semaphore_mem>>)
    %dma_start3A_727 = arith.constant 7424 : i32
    %dma_start3A_728 = tpu.memref_slice %arg12[%dma_start3A_727] : memref<8192xf32, #tpu.memory_space<vmem>> -> memref<128xf32, #tpu.memory_space<vmem>>
    %dma_start3A_729 = arith.constant 7424 : i32
    %dma_start3A_730 = tpu.memref_slice %arg10[%dma_start3A_729] : memref<8192xi32, #tpu.memory_space<vmem>> -> memref<128xi32, #tpu.memory_space<vmem>>
    %dma_start3A_731 = arith.constant 0 : i32
    %dma_start3A_732 = tpu.memref_slice %arg4[%dma_start3A_731] : memref<16001024xf32, #tpu.memory_space<hbm>> -> memref<16001024xf32, #tpu.memory_space<hbm>>
    tpu.enqueue_indirect_dma source(%dma_start3A_732 : memref<16001024xf32, #tpu.memory_space<hbm>>) target(%dma_start3A_728 : memref<128xf32, #tpu.memory_space<vmem>>) offsets(%dma_start3A_730 : memref<128xi32, #tpu.memory_space<vmem>>) semaphore(%arg15 : memref<!tpu.dma_semaphore, #tpu.memory_space<semaphore_mem>>)
    %dma_start3A_733 = arith.constant 7424 : i32
    %dma_start3A_734 = tpu.memref_slice %arg13[%dma_start3A_733] : memref<8192xf32, #tpu.memory_space<vmem>> -> memref<128xf32, #tpu.memory_space<vmem>>
    %dma_start3A_735 = arith.constant 7424 : i32
    %dma_start3A_736 = tpu.memref_slice %arg11[%dma_start3A_735] : memref<8192xi32, #tpu.memory_space<vmem>> -> memref<128xi32, #tpu.memory_space<vmem>>
    %dma_start3A_737 = arith.constant 0 : i32
    %dma_start3A_738 = tpu.memref_slice %arg5[%dma_start3A_737] : memref<16001024xf32, #tpu.memory_space<hbm>> -> memref<16001024xf32, #tpu.memory_space<hbm>>
    tpu.enqueue_indirect_dma source(%dma_start3A_738 : memref<16001024xf32, #tpu.memory_space<hbm>>) target(%dma_start3A_734 : memref<128xf32, #tpu.memory_space<vmem>>) offsets(%dma_start3A_736 : memref<128xi32, #tpu.memory_space<vmem>>) semaphore(%arg16 : memref<!tpu.dma_semaphore, #tpu.memory_space<semaphore_mem>>)
    %dma_start3A_739 = arith.constant 7552 : i32
    %dma_start3A_740 = tpu.memref_slice %arg12[%dma_start3A_739] : memref<8192xf32, #tpu.memory_space<vmem>> -> memref<128xf32, #tpu.memory_space<vmem>>
    %dma_start3A_741 = arith.constant 7552 : i32
    %dma_start3A_742 = tpu.memref_slice %arg10[%dma_start3A_741] : memref<8192xi32, #tpu.memory_space<vmem>> -> memref<128xi32, #tpu.memory_space<vmem>>
    %dma_start3A_743 = arith.constant 0 : i32
    %dma_start3A_744 = tpu.memref_slice %arg4[%dma_start3A_743] : memref<16001024xf32, #tpu.memory_space<hbm>> -> memref<16001024xf32, #tpu.memory_space<hbm>>
    tpu.enqueue_indirect_dma source(%dma_start3A_744 : memref<16001024xf32, #tpu.memory_space<hbm>>) target(%dma_start3A_740 : memref<128xf32, #tpu.memory_space<vmem>>) offsets(%dma_start3A_742 : memref<128xi32, #tpu.memory_space<vmem>>) semaphore(%arg15 : memref<!tpu.dma_semaphore, #tpu.memory_space<semaphore_mem>>)
    %dma_start3A_745 = arith.constant 7552 : i32
    %dma_start3A_746 = tpu.memref_slice %arg13[%dma_start3A_745] : memref<8192xf32, #tpu.memory_space<vmem>> -> memref<128xf32, #tpu.memory_space<vmem>>
    %dma_start3A_747 = arith.constant 7552 : i32
    %dma_start3A_748 = tpu.memref_slice %arg11[%dma_start3A_747] : memref<8192xi32, #tpu.memory_space<vmem>> -> memref<128xi32, #tpu.memory_space<vmem>>
    %dma_start3A_749 = arith.constant 0 : i32
    %dma_start3A_750 = tpu.memref_slice %arg5[%dma_start3A_749] : memref<16001024xf32, #tpu.memory_space<hbm>> -> memref<16001024xf32, #tpu.memory_space<hbm>>
    tpu.enqueue_indirect_dma source(%dma_start3A_750 : memref<16001024xf32, #tpu.memory_space<hbm>>) target(%dma_start3A_746 : memref<128xf32, #tpu.memory_space<vmem>>) offsets(%dma_start3A_748 : memref<128xi32, #tpu.memory_space<vmem>>) semaphore(%arg16 : memref<!tpu.dma_semaphore, #tpu.memory_space<semaphore_mem>>)
    %dma_start3A_751 = arith.constant 7680 : i32
    %dma_start3A_752 = tpu.memref_slice %arg12[%dma_start3A_751] : memref<8192xf32, #tpu.memory_space<vmem>> -> memref<128xf32, #tpu.memory_space<vmem>>
    %dma_start3A_753 = arith.constant 7680 : i32
    %dma_start3A_754 = tpu.memref_slice %arg10[%dma_start3A_753] : memref<8192xi32, #tpu.memory_space<vmem>> -> memref<128xi32, #tpu.memory_space<vmem>>
    %dma_start3A_755 = arith.constant 0 : i32
    %dma_start3A_756 = tpu.memref_slice %arg4[%dma_start3A_755] : memref<16001024xf32, #tpu.memory_space<hbm>> -> memref<16001024xf32, #tpu.memory_space<hbm>>
    tpu.enqueue_indirect_dma source(%dma_start3A_756 : memref<16001024xf32, #tpu.memory_space<hbm>>) target(%dma_start3A_752 : memref<128xf32, #tpu.memory_space<vmem>>) offsets(%dma_start3A_754 : memref<128xi32, #tpu.memory_space<vmem>>) semaphore(%arg15 : memref<!tpu.dma_semaphore, #tpu.memory_space<semaphore_mem>>)
    %dma_start3A_757 = arith.constant 7680 : i32
    %dma_start3A_758 = tpu.memref_slice %arg13[%dma_start3A_757] : memref<8192xf32, #tpu.memory_space<vmem>> -> memref<128xf32, #tpu.memory_space<vmem>>
    %dma_start3A_759 = arith.constant 7680 : i32
    %dma_start3A_760 = tpu.memref_slice %arg11[%dma_start3A_759] : memref<8192xi32, #tpu.memory_space<vmem>> -> memref<128xi32, #tpu.memory_space<vmem>>
    %dma_start3A_761 = arith.constant 0 : i32
    %dma_start3A_762 = tpu.memref_slice %arg5[%dma_start3A_761] : memref<16001024xf32, #tpu.memory_space<hbm>> -> memref<16001024xf32, #tpu.memory_space<hbm>>
    tpu.enqueue_indirect_dma source(%dma_start3A_762 : memref<16001024xf32, #tpu.memory_space<hbm>>) target(%dma_start3A_758 : memref<128xf32, #tpu.memory_space<vmem>>) offsets(%dma_start3A_760 : memref<128xi32, #tpu.memory_space<vmem>>) semaphore(%arg16 : memref<!tpu.dma_semaphore, #tpu.memory_space<semaphore_mem>>)
    %dma_start3A_763 = arith.constant 7808 : i32
    %dma_start3A_764 = tpu.memref_slice %arg12[%dma_start3A_763] : memref<8192xf32, #tpu.memory_space<vmem>> -> memref<128xf32, #tpu.memory_space<vmem>>
    %dma_start3A_765 = arith.constant 7808 : i32
    %dma_start3A_766 = tpu.memref_slice %arg10[%dma_start3A_765] : memref<8192xi32, #tpu.memory_space<vmem>> -> memref<128xi32, #tpu.memory_space<vmem>>
    %dma_start3A_767 = arith.constant 0 : i32
    %dma_start3A_768 = tpu.memref_slice %arg4[%dma_start3A_767] : memref<16001024xf32, #tpu.memory_space<hbm>> -> memref<16001024xf32, #tpu.memory_space<hbm>>
    tpu.enqueue_indirect_dma source(%dma_start3A_768 : memref<16001024xf32, #tpu.memory_space<hbm>>) target(%dma_start3A_764 : memref<128xf32, #tpu.memory_space<vmem>>) offsets(%dma_start3A_766 : memref<128xi32, #tpu.memory_space<vmem>>) semaphore(%arg15 : memref<!tpu.dma_semaphore, #tpu.memory_space<semaphore_mem>>)
    %dma_start3A_769 = arith.constant 7808 : i32
    %dma_start3A_770 = tpu.memref_slice %arg13[%dma_start3A_769] : memref<8192xf32, #tpu.memory_space<vmem>> -> memref<128xf32, #tpu.memory_space<vmem>>
    %dma_start3A_771 = arith.constant 7808 : i32
    %dma_start3A_772 = tpu.memref_slice %arg11[%dma_start3A_771] : memref<8192xi32, #tpu.memory_space<vmem>> -> memref<128xi32, #tpu.memory_space<vmem>>
    %dma_start3A_773 = arith.constant 0 : i32
    %dma_start3A_774 = tpu.memref_slice %arg5[%dma_start3A_773] : memref<16001024xf32, #tpu.memory_space<hbm>> -> memref<16001024xf32, #tpu.memory_space<hbm>>
    tpu.enqueue_indirect_dma source(%dma_start3A_774 : memref<16001024xf32, #tpu.memory_space<hbm>>) target(%dma_start3A_770 : memref<128xf32, #tpu.memory_space<vmem>>) offsets(%dma_start3A_772 : memref<128xi32, #tpu.memory_space<vmem>>) semaphore(%arg16 : memref<!tpu.dma_semaphore, #tpu.memory_space<semaphore_mem>>)
    %dma_start3A_775 = arith.constant 7936 : i32
    %dma_start3A_776 = tpu.memref_slice %arg12[%dma_start3A_775] : memref<8192xf32, #tpu.memory_space<vmem>> -> memref<128xf32, #tpu.memory_space<vmem>>
    %dma_start3A_777 = arith.constant 7936 : i32
    %dma_start3A_778 = tpu.memref_slice %arg10[%dma_start3A_777] : memref<8192xi32, #tpu.memory_space<vmem>> -> memref<128xi32, #tpu.memory_space<vmem>>
    %dma_start3A_779 = arith.constant 0 : i32
    %dma_start3A_780 = tpu.memref_slice %arg4[%dma_start3A_779] : memref<16001024xf32, #tpu.memory_space<hbm>> -> memref<16001024xf32, #tpu.memory_space<hbm>>
    tpu.enqueue_indirect_dma source(%dma_start3A_780 : memref<16001024xf32, #tpu.memory_space<hbm>>) target(%dma_start3A_776 : memref<128xf32, #tpu.memory_space<vmem>>) offsets(%dma_start3A_778 : memref<128xi32, #tpu.memory_space<vmem>>) semaphore(%arg15 : memref<!tpu.dma_semaphore, #tpu.memory_space<semaphore_mem>>)
    %dma_start3A_781 = arith.constant 7936 : i32
    %dma_start3A_782 = tpu.memref_slice %arg13[%dma_start3A_781] : memref<8192xf32, #tpu.memory_space<vmem>> -> memref<128xf32, #tpu.memory_space<vmem>>
    %dma_start3A_783 = arith.constant 7936 : i32
    %dma_start3A_784 = tpu.memref_slice %arg11[%dma_start3A_783] : memref<8192xi32, #tpu.memory_space<vmem>> -> memref<128xi32, #tpu.memory_space<vmem>>
    %dma_start3A_785 = arith.constant 0 : i32
    %dma_start3A_786 = tpu.memref_slice %arg5[%dma_start3A_785] : memref<16001024xf32, #tpu.memory_space<hbm>> -> memref<16001024xf32, #tpu.memory_space<hbm>>
    tpu.enqueue_indirect_dma source(%dma_start3A_786 : memref<16001024xf32, #tpu.memory_space<hbm>>) target(%dma_start3A_782 : memref<128xf32, #tpu.memory_space<vmem>>) offsets(%dma_start3A_784 : memref<128xi32, #tpu.memory_space<vmem>>) semaphore(%arg16 : memref<!tpu.dma_semaphore, #tpu.memory_space<semaphore_mem>>)
    %dma_start3A_787 = arith.constant 8064 : i32
    %dma_start3A_788 = tpu.memref_slice %arg12[%dma_start3A_787] : memref<8192xf32, #tpu.memory_space<vmem>> -> memref<128xf32, #tpu.memory_space<vmem>>
    %dma_start3A_789 = arith.constant 8064 : i32
    %dma_start3A_790 = tpu.memref_slice %arg10[%dma_start3A_789] : memref<8192xi32, #tpu.memory_space<vmem>> -> memref<128xi32, #tpu.memory_space<vmem>>
    %dma_start3A_791 = arith.constant 0 : i32
    %dma_start3A_792 = tpu.memref_slice %arg4[%dma_start3A_791] : memref<16001024xf32, #tpu.memory_space<hbm>> -> memref<16001024xf32, #tpu.memory_space<hbm>>
    tpu.enqueue_indirect_dma source(%dma_start3A_792 : memref<16001024xf32, #tpu.memory_space<hbm>>) target(%dma_start3A_788 : memref<128xf32, #tpu.memory_space<vmem>>) offsets(%dma_start3A_790 : memref<128xi32, #tpu.memory_space<vmem>>) semaphore(%arg15 : memref<!tpu.dma_semaphore, #tpu.memory_space<semaphore_mem>>)
    %dma_start3A_793 = arith.constant 8064 : i32
    %dma_start3A_794 = tpu.memref_slice %arg13[%dma_start3A_793] : memref<8192xf32, #tpu.memory_space<vmem>> -> memref<128xf32, #tpu.memory_space<vmem>>
    %dma_start3A_795 = arith.constant 8064 : i32
    %dma_start3A_796 = tpu.memref_slice %arg11[%dma_start3A_795] : memref<8192xi32, #tpu.memory_space<vmem>> -> memref<128xi32, #tpu.memory_space<vmem>>
    %dma_start3A_797 = arith.constant 0 : i32
    %dma_start3A_798 = tpu.memref_slice %arg5[%dma_start3A_797] : memref<16001024xf32, #tpu.memory_space<hbm>> -> memref<16001024xf32, #tpu.memory_space<hbm>>
    tpu.enqueue_indirect_dma source(%dma_start3A_798 : memref<16001024xf32, #tpu.memory_space<hbm>>) target(%dma_start3A_794 : memref<128xf32, #tpu.memory_space<vmem>>) offsets(%dma_start3A_796 : memref<128xi32, #tpu.memory_space<vmem>>) semaphore(%arg16 : memref<!tpu.dma_semaphore, #tpu.memory_space<semaphore_mem>>)
    %dma_wait3A = arith.constant 0 : i32
    %dma_wait3A_799 = tpu.memref_slice %arg4[%dma_wait3A] : memref<16001024xf32, #tpu.memory_space<hbm>> -> memref<8192xf32, #tpu.memory_space<hbm>>
    %dma_wait3A_800 = arith.constant 0 : i32
    %dma_wait3A_801 = tpu.memref_slice %arg4[%dma_wait3A_800] : memref<16001024xf32, #tpu.memory_space<hbm>> -> memref<8192xf32, #tpu.memory_space<hbm>>
    tpu.wait_dma2 semaphore(%arg15 : memref<!tpu.dma_semaphore, #tpu.memory_space<semaphore_mem>>) src(%dma_wait3A_801 : memref<8192xf32, #tpu.memory_space<hbm>>) dst(%arg12 : memref<8192xf32, #tpu.memory_space<vmem>>)
    %dma_wait3A_802 = arith.constant 0 : i32
    %dma_wait3A_803 = tpu.memref_slice %arg5[%dma_wait3A_802] : memref<16001024xf32, #tpu.memory_space<hbm>> -> memref<8192xf32, #tpu.memory_space<hbm>>
    %dma_wait3A_804 = arith.constant 0 : i32
    %dma_wait3A_805 = tpu.memref_slice %arg5[%dma_wait3A_804] : memref<16001024xf32, #tpu.memory_space<hbm>> -> memref<8192xf32, #tpu.memory_space<hbm>>
    tpu.wait_dma2 semaphore(%arg16 : memref<!tpu.dma_semaphore, #tpu.memory_space<semaphore_mem>>) src(%dma_wait3A_805 : memref<8192xf32, #tpu.memory_space<hbm>>) dst(%arg13 : memref<8192xf32, #tpu.memory_space<vmem>>)
    %dma_wait3A_806 = arith.constant 0 : i32
    %dma_wait3A_807 = tpu.memref_slice %arg14[%dma_wait3A_806] : memref<512xf32, #tpu.memory_space<vmem>> -> memref<128xf32, #tpu.memory_space<vmem>>
    %dma_wait3A_808 = arith.constant 0 : i32
    %dma_wait3A_809 = tpu.memref_slice %arg9[%dma_wait3A_808] : memref<512xi32, #tpu.memory_space<vmem>> -> memref<128xi32, #tpu.memory_space<vmem>>
    %dma_wait3A_810 = arith.constant 0 : i32
    %dma_wait3A_811 = tpu.memref_slice %arg6[%dma_wait3A_810] : memref<1000000xf32, #tpu.memory_space<hbm>> -> memref<1000000xf32, #tpu.memory_space<hbm>>
    tpu.wait_indirect_dma semaphore(%arg17 : memref<!tpu.dma_semaphore, #tpu.memory_space<semaphore_mem>>) src(%dma_wait3A_811 : memref<1000000xf32, #tpu.memory_space<hbm>>) dst(%dma_wait3A_807 : memref<128xf32, #tpu.memory_space<vmem>>)
    %dma_wait3A_812 = arith.constant 128 : i32
    %dma_wait3A_813 = tpu.memref_slice %arg14[%dma_wait3A_812] : memref<512xf32, #tpu.memory_space<vmem>> -> memref<128xf32, #tpu.memory_space<vmem>>
    %dma_wait3A_814 = arith.constant 128 : i32
    %dma_wait3A_815 = tpu.memref_slice %arg9[%dma_wait3A_814] : memref<512xi32, #tpu.memory_space<vmem>> -> memref<128xi32, #tpu.memory_space<vmem>>
    %dma_wait3A_816 = arith.constant 0 : i32
    %dma_wait3A_817 = tpu.memref_slice %arg6[%dma_wait3A_816] : memref<1000000xf32, #tpu.memory_space<hbm>> -> memref<1000000xf32, #tpu.memory_space<hbm>>
    tpu.wait_indirect_dma semaphore(%arg17 : memref<!tpu.dma_semaphore, #tpu.memory_space<semaphore_mem>>) src(%dma_wait3A_817 : memref<1000000xf32, #tpu.memory_space<hbm>>) dst(%dma_wait3A_813 : memref<128xf32, #tpu.memory_space<vmem>>)
    %dma_wait3A_818 = arith.constant 256 : i32
    %dma_wait3A_819 = tpu.memref_slice %arg14[%dma_wait3A_818] : memref<512xf32, #tpu.memory_space<vmem>> -> memref<128xf32, #tpu.memory_space<vmem>>
    %dma_wait3A_820 = arith.constant 256 : i32
    %dma_wait3A_821 = tpu.memref_slice %arg9[%dma_wait3A_820] : memref<512xi32, #tpu.memory_space<vmem>> -> memref<128xi32, #tpu.memory_space<vmem>>
    %dma_wait3A_822 = arith.constant 0 : i32
    %dma_wait3A_823 = tpu.memref_slice %arg6[%dma_wait3A_822] : memref<1000000xf32, #tpu.memory_space<hbm>> -> memref<1000000xf32, #tpu.memory_space<hbm>>
    tpu.wait_indirect_dma semaphore(%arg17 : memref<!tpu.dma_semaphore, #tpu.memory_space<semaphore_mem>>) src(%dma_wait3A_823 : memref<1000000xf32, #tpu.memory_space<hbm>>) dst(%dma_wait3A_819 : memref<128xf32, #tpu.memory_space<vmem>>)
    %dma_wait3A_824 = arith.constant 384 : i32
    %dma_wait3A_825 = tpu.memref_slice %arg14[%dma_wait3A_824] : memref<512xf32, #tpu.memory_space<vmem>> -> memref<128xf32, #tpu.memory_space<vmem>>
    %dma_wait3A_826 = arith.constant 384 : i32
    %dma_wait3A_827 = tpu.memref_slice %arg9[%dma_wait3A_826] : memref<512xi32, #tpu.memory_space<vmem>> -> memref<128xi32, #tpu.memory_space<vmem>>
    %dma_wait3A_828 = arith.constant 0 : i32
    %dma_wait3A_829 = tpu.memref_slice %arg6[%dma_wait3A_828] : memref<1000000xf32, #tpu.memory_space<hbm>> -> memref<1000000xf32, #tpu.memory_space<hbm>>
    tpu.wait_indirect_dma semaphore(%arg17 : memref<!tpu.dma_semaphore, #tpu.memory_space<semaphore_mem>>) src(%dma_wait3A_829 : memref<1000000xf32, #tpu.memory_space<hbm>>) dst(%dma_wait3A_825 : memref<128xf32, #tpu.memory_space<vmem>>)
    %scan3A_830 = arith.constant 0 : i32
    %scan3A_831 = arith.constant 0 : i32
    %scan3A_832 = arith.constant 32 : i32
    %scan3A_833 = arith.addi %scan3A_831, %scan3A_832 : i32
    %scan3A_834 = arith.constant 1 : i32
    scf.for %scan3A_836 = %scan3A_831 to %scan3A_833 step %scan3A_834  : i32 {
      %mul3A_837 = arith.constant 16 : i32
      %mul3A_838 = arith.muli %scan3A_836, %mul3A_837 : i32
      %get3A = arith.index_cast %mul3A_838 : i32 to index
      %get3A_839 = tpu.vector_load %arg14[%get3A] {strides = array<i32>} : memref<512xf32, #tpu.memory_space<vmem>>, vector<16xf32>,
      %mul3A_840 = arith.constant 16 : i32
      %mul3A_841 = arith.muli %scan3A_836, %mul3A_840 : i32
      %add3A_842 = arith.constant 0 : i32
      %add3A_843 = arith.addi %add3A_842, %mul3A_841 : i32
      %get3A_844 = arith.index_cast %add3A_843 : i32 to index
      %get3A_845 = tpu.vector_load %arg12[%get3A_844] {strides = array<i32>} : memref<8192xf32, #tpu.memory_space<vmem>>, vector<16xf32>,
      %get3A_846 = arith.index_cast %add3A_843 : i32 to index
      %get3A_847 = tpu.vector_load %arg13[%get3A_846] {strides = array<i32>} : memref<8192xf32, #tpu.memory_space<vmem>>, vector<16xf32>,
      %mul3A_848 = arith.mulf %get3A_845, %get3A_847 : vector<16xf32>
      %add3A_849 = arith.addf %get3A_839, %mul3A_848 : vector<16xf32>
      %mul3A_850 = arith.constant 16 : i32
      %mul3A_851 = arith.muli %scan3A_836, %mul3A_850 : i32
      %add3A_852 = arith.constant 512 : i32
      %add3A_853 = arith.addi %add3A_852, %mul3A_851 : i32
      %get3A_854 = arith.index_cast %add3A_853 : i32 to index
      %get3A_855 = tpu.vector_load %arg12[%get3A_854] {strides = array<i32>} : memref<8192xf32, #tpu.memory_space<vmem>>, vector<16xf32>,
      %get3A_856 = arith.index_cast %add3A_853 : i32 to index
      %get3A_857 = tpu.vector_load %arg13[%get3A_856] {strides = array<i32>} : memref<8192xf32, #tpu.memory_space<vmem>>, vector<16xf32>,
      %mul3A_858 = arith.mulf %get3A_855, %get3A_857 : vector<16xf32>
      %add3A_859 = arith.addf %add3A_849, %mul3A_858 : vector<16xf32>
      %mul3A_860 = arith.constant 16 : i32
      %mul3A_861 = arith.muli %scan3A_836, %mul3A_860 : i32
      %add3A_862 = arith.constant 1024 : i32
      %add3A_863 = arith.addi %add3A_862, %mul3A_861 : i32
      %get3A_864 = arith.index_cast %add3A_863 : i32 to index
      %get3A_865 = tpu.vector_load %arg12[%get3A_864] {strides = array<i32>} : memref<8192xf32, #tpu.memory_space<vmem>>, vector<16xf32>,
      %get3A_866 = arith.index_cast %add3A_863 : i32 to index
      %get3A_867 = tpu.vector_load %arg13[%get3A_866] {strides = array<i32>} : memref<8192xf32, #tpu.memory_space<vmem>>, vector<16xf32>,
      %mul3A_868 = arith.mulf %get3A_865, %get3A_867 : vector<16xf32>
      %add3A_869 = arith.addf %add3A_859, %mul3A_868 : vector<16xf32>
      %mul3A_870 = arith.constant 16 : i32
      %mul3A_871 = arith.muli %scan3A_836, %mul3A_870 : i32
      %add3A_872 = arith.constant 1536 : i32
      %add3A_873 = arith.addi %add3A_872, %mul3A_871 : i32
      %get3A_874 = arith.index_cast %add3A_873 : i32 to index
      %get3A_875 = tpu.vector_load %arg12[%get3A_874] {strides = array<i32>} : memref<8192xf32, #tpu.memory_space<vmem>>, vector<16xf32>,
      %get3A_876 = arith.index_cast %add3A_873 : i32 to index
      %get3A_877 = tpu.vector_load %arg13[%get3A_876] {strides = array<i32>} : memref<8192xf32, #tpu.memory_space<vmem>>, vector<16xf32>,
      %mul3A_878 = arith.mulf %get3A_875, %get3A_877 : vector<16xf32>
      %add3A_879 = arith.addf %add3A_869, %mul3A_878 : vector<16xf32>
      %mul3A_880 = arith.constant 16 : i32
      %mul3A_881 = arith.muli %scan3A_836, %mul3A_880 : i32
      %add3A_882 = arith.constant 2048 : i32
      %add3A_883 = arith.addi %add3A_882, %mul3A_881 : i32
      %get3A_884 = arith.index_cast %add3A_883 : i32 to index
      %get3A_885 = tpu.vector_load %arg12[%get3A_884] {strides = array<i32>} : memref<8192xf32, #tpu.memory_space<vmem>>, vector<16xf32>,
      %get3A_886 = arith.index_cast %add3A_883 : i32 to index
      %get3A_887 = tpu.vector_load %arg13[%get3A_886] {strides = array<i32>} : memref<8192xf32, #tpu.memory_space<vmem>>, vector<16xf32>,
      %mul3A_888 = arith.mulf %get3A_885, %get3A_887 : vector<16xf32>
      %add3A_889 = arith.addf %add3A_879, %mul3A_888 : vector<16xf32>
      %mul3A_890 = arith.constant 16 : i32
      %mul3A_891 = arith.muli %scan3A_836, %mul3A_890 : i32
      %add3A_892 = arith.constant 2560 : i32
      %add3A_893 = arith.addi %add3A_892, %mul3A_891 : i32
      %get3A_894 = arith.index_cast %add3A_893 : i32 to index
      %get3A_895 = tpu.vector_load %arg12[%get3A_894] {strides = array<i32>} : memref<8192xf32, #tpu.memory_space<vmem>>, vector<16xf32>,
      %get3A_896 = arith.index_cast %add3A_893 : i32 to index
      %get3A_897 = tpu.vector_load %arg13[%get3A_896] {strides = array<i32>} : memref<8192xf32, #tpu.memory_space<vmem>>, vector<16xf32>,
      %mul3A_898 = arith.mulf %get3A_895, %get3A_897 : vector<16xf32>
      %add3A_899 = arith.addf %add3A_889, %mul3A_898 : vector<16xf32>
      %mul3A_900 = arith.constant 16 : i32
      %mul3A_901 = arith.muli %scan3A_836, %mul3A_900 : i32
      %add3A_902 = arith.constant 3072 : i32
      %add3A_903 = arith.addi %add3A_902, %mul3A_901 : i32
      %get3A_904 = arith.index_cast %add3A_903 : i32 to index
      %get3A_905 = tpu.vector_load %arg12[%get3A_904] {strides = array<i32>} : memref<8192xf32, #tpu.memory_space<vmem>>, vector<16xf32>,
      %get3A_906 = arith.index_cast %add3A_903 : i32 to index
      %get3A_907 = tpu.vector_load %arg13[%get3A_906] {strides = array<i32>} : memref<8192xf32, #tpu.memory_space<vmem>>, vector<16xf32>,
      %mul3A_908 = arith.mulf %get3A_905, %get3A_907 : vector<16xf32>
      %add3A_909 = arith.addf %add3A_899, %mul3A_908 : vector<16xf32>
      %mul3A_910 = arith.constant 16 : i32
      %mul3A_911 = arith.muli %scan3A_836, %mul3A_910 : i32
      %add3A_912 = arith.constant 3584 : i32
      %add3A_913 = arith.addi %add3A_912, %mul3A_911 : i32
      %get3A_914 = arith.index_cast %add3A_913 : i32 to index
      %get3A_915 = tpu.vector_load %arg12[%get3A_914] {strides = array<i32>} : memref<8192xf32, #tpu.memory_space<vmem>>, vector<16xf32>,
      %get3A_916 = arith.index_cast %add3A_913 : i32 to index
      %get3A_917 = tpu.vector_load %arg13[%get3A_916] {strides = array<i32>} : memref<8192xf32, #tpu.memory_space<vmem>>, vector<16xf32>,
      %mul3A_918 = arith.mulf %get3A_915, %get3A_917 : vector<16xf32>
      %add3A_919 = arith.addf %add3A_909, %mul3A_918 : vector<16xf32>
      %mul3A_920 = arith.constant 16 : i32
      %mul3A_921 = arith.muli %scan3A_836, %mul3A_920 : i32
      %add3A_922 = arith.constant 4096 : i32
      %add3A_923 = arith.addi %add3A_922, %mul3A_921 : i32
      %get3A_924 = arith.index_cast %add3A_923 : i32 to index
      %get3A_925 = tpu.vector_load %arg12[%get3A_924] {strides = array<i32>} : memref<8192xf32, #tpu.memory_space<vmem>>, vector<16xf32>,
      %get3A_926 = arith.index_cast %add3A_923 : i32 to index
      %get3A_927 = tpu.vector_load %arg13[%get3A_926] {strides = array<i32>} : memref<8192xf32, #tpu.memory_space<vmem>>, vector<16xf32>,
      %mul3A_928 = arith.mulf %get3A_925, %get3A_927 : vector<16xf32>
      %add3A_929 = arith.addf %add3A_919, %mul3A_928 : vector<16xf32>
      %mul3A_930 = arith.constant 16 : i32
      %mul3A_931 = arith.muli %scan3A_836, %mul3A_930 : i32
      %add3A_932 = arith.constant 4608 : i32
      %add3A_933 = arith.addi %add3A_932, %mul3A_931 : i32
      %get3A_934 = arith.index_cast %add3A_933 : i32 to index
      %get3A_935 = tpu.vector_load %arg12[%get3A_934] {strides = array<i32>} : memref<8192xf32, #tpu.memory_space<vmem>>, vector<16xf32>,
      %get3A_936 = arith.index_cast %add3A_933 : i32 to index
      %get3A_937 = tpu.vector_load %arg13[%get3A_936] {strides = array<i32>} : memref<8192xf32, #tpu.memory_space<vmem>>, vector<16xf32>,
      %mul3A_938 = arith.mulf %get3A_935, %get3A_937 : vector<16xf32>
      %add3A_939 = arith.addf %add3A_929, %mul3A_938 : vector<16xf32>
      %mul3A_940 = arith.constant 16 : i32
      %mul3A_941 = arith.muli %scan3A_836, %mul3A_940 : i32
      %add3A_942 = arith.constant 5120 : i32
      %add3A_943 = arith.addi %add3A_942, %mul3A_941 : i32
      %get3A_944 = arith.index_cast %add3A_943 : i32 to index
      %get3A_945 = tpu.vector_load %arg12[%get3A_944] {strides = array<i32>} : memref<8192xf32, #tpu.memory_space<vmem>>, vector<16xf32>,
      %get3A_946 = arith.index_cast %add3A_943 : i32 to index
      %get3A_947 = tpu.vector_load %arg13[%get3A_946] {strides = array<i32>} : memref<8192xf32, #tpu.memory_space<vmem>>, vector<16xf32>,
      %mul3A_948 = arith.mulf %get3A_945, %get3A_947 : vector<16xf32>
      %add3A_949 = arith.addf %add3A_939, %mul3A_948 : vector<16xf32>
      %mul3A_950 = arith.constant 16 : i32
      %mul3A_951 = arith.muli %scan3A_836, %mul3A_950 : i32
      %add3A_952 = arith.constant 5632 : i32
      %add3A_953 = arith.addi %add3A_952, %mul3A_951 : i32
      %get3A_954 = arith.index_cast %add3A_953 : i32 to index
      %get3A_955 = tpu.vector_load %arg12[%get3A_954] {strides = array<i32>} : memref<8192xf32, #tpu.memory_space<vmem>>, vector<16xf32>,
      %get3A_956 = arith.index_cast %add3A_953 : i32 to index
      %get3A_957 = tpu.vector_load %arg13[%get3A_956] {strides = array<i32>} : memref<8192xf32, #tpu.memory_space<vmem>>, vector<16xf32>,
      %mul3A_958 = arith.mulf %get3A_955, %get3A_957 : vector<16xf32>
      %add3A_959 = arith.addf %add3A_949, %mul3A_958 : vector<16xf32>
      %mul3A_960 = arith.constant 16 : i32
      %mul3A_961 = arith.muli %scan3A_836, %mul3A_960 : i32
      %add3A_962 = arith.constant 6144 : i32
      %add3A_963 = arith.addi %add3A_962, %mul3A_961 : i32
      %get3A_964 = arith.index_cast %add3A_963 : i32 to index
      %get3A_965 = tpu.vector_load %arg12[%get3A_964] {strides = array<i32>} : memref<8192xf32, #tpu.memory_space<vmem>>, vector<16xf32>,
      %get3A_966 = arith.index_cast %add3A_963 : i32 to index
      %get3A_967 = tpu.vector_load %arg13[%get3A_966] {strides = array<i32>} : memref<8192xf32, #tpu.memory_space<vmem>>, vector<16xf32>,
      %mul3A_968 = arith.mulf %get3A_965, %get3A_967 : vector<16xf32>
      %add3A_969 = arith.addf %add3A_959, %mul3A_968 : vector<16xf32>
      %mul3A_970 = arith.constant 16 : i32
      %mul3A_971 = arith.muli %scan3A_836, %mul3A_970 : i32
      %add3A_972 = arith.constant 6656 : i32
      %add3A_973 = arith.addi %add3A_972, %mul3A_971 : i32
      %get3A_974 = arith.index_cast %add3A_973 : i32 to index
      %get3A_975 = tpu.vector_load %arg12[%get3A_974] {strides = array<i32>} : memref<8192xf32, #tpu.memory_space<vmem>>, vector<16xf32>,
      %get3A_976 = arith.index_cast %add3A_973 : i32 to index
      %get3A_977 = tpu.vector_load %arg13[%get3A_976] {strides = array<i32>} : memref<8192xf32, #tpu.memory_space<vmem>>, vector<16xf32>,
      %mul3A_978 = arith.mulf %get3A_975, %get3A_977 : vector<16xf32>
      %add3A_979 = arith.addf %add3A_969, %mul3A_978 : vector<16xf32>
      %mul3A_980 = arith.constant 16 : i32
      %mul3A_981 = arith.muli %scan3A_836, %mul3A_980 : i32
      %add3A_982 = arith.constant 7168 : i32
      %add3A_983 = arith.addi %add3A_982, %mul3A_981 : i32
      %get3A_984 = arith.index_cast %add3A_983 : i32 to index
      %get3A_985 = tpu.vector_load %arg12[%get3A_984] {strides = array<i32>} : memref<8192xf32, #tpu.memory_space<vmem>>, vector<16xf32>,
      %get3A_986 = arith.index_cast %add3A_983 : i32 to index
      %get3A_987 = tpu.vector_load %arg13[%get3A_986] {strides = array<i32>} : memref<8192xf32, #tpu.memory_space<vmem>>, vector<16xf32>,
      %mul3A_988 = arith.mulf %get3A_985, %get3A_987 : vector<16xf32>
      %add3A_989 = arith.addf %add3A_979, %mul3A_988 : vector<16xf32>
      %mul3A_990 = arith.constant 16 : i32
      %mul3A_991 = arith.muli %scan3A_836, %mul3A_990 : i32
      %add3A_992 = arith.constant 7680 : i32
      %add3A_993 = arith.addi %add3A_992, %mul3A_991 : i32
      %get3A_994 = arith.index_cast %add3A_993 : i32 to index
      %get3A_995 = tpu.vector_load %arg12[%get3A_994] {strides = array<i32>} : memref<8192xf32, #tpu.memory_space<vmem>>, vector<16xf32>,
      %get3A_996 = arith.index_cast %add3A_993 : i32 to index
      %get3A_997 = tpu.vector_load %arg13[%get3A_996] {strides = array<i32>} : memref<8192xf32, #tpu.memory_space<vmem>>, vector<16xf32>,
      %mul3A_998 = arith.mulf %get3A_995, %get3A_997 : vector<16xf32>
      %add3A_999 = arith.addf %add3A_989, %mul3A_998 : vector<16xf32>
      %swap3A = arith.index_cast %mul3A_838 : i32 to index
      %swap3A_1000 = tpu.vector_load %arg14[%swap3A] {strides = array<i32>} : memref<512xf32, #tpu.memory_space<vmem>>, vector<16xf32>,
      tpu.vector_store %arg14[%swap3A], %add3A_999 {strides = array<i32>} : memref<512xf32, #tpu.memory_space<vmem>>, vector<16xf32>,
    }
    %scan3A_835 = arith.constant 32 : i32
    "tpu.region"() ({
      %run_scoped3A = tpu.sem_alloc : memref<!tpu.dma_semaphore, #tpu.memory_space<semaphore_mem>>
      %dma_start3A_836 = tpu.memref_slice %arg7[%mul3A_2] : memref<16384xf32, #tpu.memory_space<hbm>> -> memref<512xf32, #tpu.memory_space<hbm>>
      %dma_start3A_837 = tpu.memref_slice %arg7[%mul3A_2] : memref<16384xf32, #tpu.memory_space<hbm>> -> memref<512xf32, #tpu.memory_space<hbm>>
      tpu.enqueue_dma source(%arg14 : memref<512xf32, #tpu.memory_space<vmem>>) target(%dma_start3A_837 : memref<512xf32, #tpu.memory_space<hbm>>) target_semaphore(%run_scoped3A : memref<!tpu.dma_semaphore, #tpu.memory_space<semaphore_mem>>)
      %dma_wait3A_838 = tpu.memref_slice %arg7[%mul3A_2] : memref<16384xf32, #tpu.memory_space<hbm>> -> memref<512xf32, #tpu.memory_space<hbm>>
      %dma_wait3A_839 = tpu.memref_slice %arg7[%mul3A_2] : memref<16384xf32, #tpu.memory_space<hbm>> -> memref<512xf32, #tpu.memory_space<hbm>>
      tpu.wait_dma2 semaphore(%run_scoped3A : memref<!tpu.dma_semaphore, #tpu.memory_space<semaphore_mem>>) src(%arg14 : memref<512xf32, #tpu.memory_space<vmem>>) dst(%dma_wait3A_839 : memref<512xf32, #tpu.memory_space<hbm>>)
      tpu.yield
    }) : () -> ()
    return
  }
}

</mosaic_0001>

<sc_bundles>
// kernel: _run.4.cloned.1.call-start
scs
__scs_entry_jumppad:
0x0: {  	(pc) =	sbr.rel $0x88, $3  }
0x1: {  	(tag) =	ssettag $0x0;
	lr =	simm.s32 $0x1  }
0x2: {  	[smem:$0x3F9C] =	sst lr;
	_ =	strace $0xD0000000  }
0x3: {  	_ = 	snop  }
0x4: {  	_ = 	snop  }
0x5: {  	_ = 	snop  }
0x6: {  	_ = 	snop  }
0x7: {  	_ = 	snop  }
__scs_overlays_trampoline_lowered:
0x8: {  	[smem:$0x3FAB] =	sst s0  }
0x9: {  	[smem:$0x3FAC] =	sst s1  }
0xa: {  	[smem:$0x3FAD] =	sst s2  }
0xb: {  	[smem:$0x3FAE] =	sst s3  }
0xc: {  	[smem:$0x3FAF] =	sst s4  }
0xd: {  	[smem:$0x3FB0] =	sst s5  }
0xe: {  	[smem:$0x3FB1] =	sst s6  }
0xf: {  	[smem:$0x3FB2] =	sst s7  }
0x10: {  	[smem:$0x3FB3] =	sst s8  }
0x11: {  	[smem:$0x3FB4] =	sst s9;
	s0 =	simm.s32 @!p0 $0x0  }
0x12: {  	s1 =	sld [smem:$0x3F9A];
	s0 =	simm.s32 @p0 $0x1  }
0x13: {  	[smem:$0x3FB5] =	sst s0;
	s0 =	simm.s32 @!p1 $0x0  }
0x14: {  	s2 =	sld [smem:$0x3F99];
	s0 =	simm.s32 @p1 $0x1  }
0x15: {  	[smem:$0x3FB6] =	sst s0;
	s0 =	simm.s32 @!p2 $0x0  }
0x16: {  	s3 =	sld [smem:$0x3FDB];
	s0 =	simm.s32 @p2 $0x1  }
0x17: {  	s4 =	simm.s32 $0x1BF5;
	[smem:$0x3FB8] =	sst s0  }
0x18: {  	s0 =	sld [smem:$0x3F9B];
	_ =	swait.ge [sflag:s4], $0x0  }
0x19: {  	s7 =	sld [smem:$0x3F9C]  }
0x1a: {  	s8 =	sadd.s32 $0xFFFFE003, lr  }
0x1b: {  	s9 =	sadd.s32 $0xFFFFFEF7, lr;
	s5 =	simm.s32 $0xFFFFFFFF;
	p2 =	slt.u32 s8, $0xFFFFF086  }
0x1c: {  	p1 =	slt.u32 s9, $0xF7A;
	s5 =	simm.s32 @!p2 $0x0  }
0x1d: {  	s5 =	simm.s32 @p1 $0x1;
	p0 =	seq.s32 s7, s2  }
0x1e: {  	s7 =	smul.u32 @!p0 $0xF7A, s2;
	p2 =	seq.s32 @!p0 s5, $0x0  }
0x1f: {  	s9 =	smul.u32 $0xF7A, s1;
	s8 =	simm.s32 @!p0 $0x1BF5;
	p2 =	por !p2, p0  }
0x20: {  	[sflag:s8] =	ssyncset.s32 @!p0 $0xFFFFF086;
	s6 =	sadd.s32 @!p0 s3, s7;
	s7 =	simm.s32 @!p0 $0x108  }
0x21: {  	s3 =	sadd.s32 s3, s9;
	s6 =	sadd.s32 @!p0 $0x88, s6;
	s7 =	simm.s32 @p2 $0x1082  }
0x22: {  	[simem:s7], [sflag:s8] =	dma.local @!p0 [hbm:s6], $0xF7A  }
0x23: {  	s9 =	sor.u32 $0xD0000000, s2;
	s6 =	simm.s32 $0x108;
	_ =	swait.ge @!p0 [sflag:s8], $0x0  }
0x24: {  	s3 =	sadd.s32 $0x88, s3;
	s6 =	simm.s32 @!p1 $0x1082;
	[sflag:s4] =	ssyncset.s32 $0xFFFFF086  }
0x25: {  	[simem:s6], [sflag:s4] =	dma.local [hbm:s3], $0xF7A  }
0x26: {  	[smem:$0x3F9C] =	sst s1;
	(tag) =	ssettag s2;
	_ =	strace s9  }
0x27: {  	s1 =	sld [smem:$0x3FAC]  }
0x28: {  	s2 =	sld [smem:$0x3FAD]  }
0x29: {  	s4 =	sld [smem:$0x3FAF]  }
0x2a: {  	p0 =	seq.s32 s5, $0x0;
	s5 =	sld [smem:$0x3FB0]  }
0x2b: {  	s6 =	sld [smem:$0x3FB1]  }
0x2c: {  	s7 =	sld [smem:$0x3FB2]  }
0x2d: {  	s3 =	simm.s32 $0x108;
	s8 =	sld [smem:$0x3FB3]  }
0x2e: {  	s3 =	simm.s32 @!p0 $0x1082;
	s9 =	sld [smem:$0x3FB4]  }
0x2f: {  	lr =	sadd.s32 s0, s3;
	s0 =	sld [smem:$0x3FAB]  }
0x30: {  	s3 =	sld [smem:$0x3FAE]  }
0x31: {  	[smem:$0x3FB7] =	sst s10  }
0x32: {  	s10 =	sld [smem:$0x3FB5];
	_ =	sdelay $0x3  }
0x33: {  	p0 =	seq.s32 s10, $0x1;
	s10 =	sld [smem:$0x3FB7];
	_ =	sdelay $0x3  }
0x34: {  	[smem:$0x3FB7] =	sst s10  }
0x35: {  	s10 =	sld [smem:$0x3FB6];
	_ =	sdelay $0x3  }
0x36: {  	p1 =	seq.s32 s10, $0x1;
	s10 =	sld [smem:$0x3FB7];
	_ =	sdelay $0x3  }
0x37: {  	[smem:$0x3FB7] =	sst s10  }
0x38: {  	s10 =	sld [smem:$0x3FB8]  }
0x39: {  	_ = 	snop;
	(pc) =	sbr.ind lr, $3  }
0x3a: {  	_ = 	snop  }
0x3b: {  	_ = 	snop  }
0x3c: {  	p2 =	seq.s32 s10, $0x1;
	s10 =	sld [smem:$0x3FB7]  }
0x3d: {  	_ =	shalt  }
0x3e: {  	_ =	shalt  }
0x3f: {  	_ =	shalt  }
0x40: {  	_ =	shalt  }
0x41: {  	_ =	shalt  }
0x42: {  	_ =	shalt  }
0x43: {  	_ =	shalt  }
0x44: {  	_ =	shalt  }
0x45: {  	_ =	shalt  }
0x46: {  	_ =	shalt  }
0x47: {  	_ =	shalt  }
0x48: {  	_ =	shalt  }
0x49: {  	_ =	shalt  }
0x4a: {  	_ =	shalt  }
0x4b: {  	_ =	shalt  }
0x4c: {  	_ =	shalt  }
0x4d: {  	_ =	shalt  }
0x4e: {  	_ =	shalt  }
0x4f: {  	_ =	shalt  }
0x50: {  	_ =	shalt  }
0x51: {  	_ =	shalt  }
0x52: {  	_ =	shalt  }
0x53: {  	_ =	shalt  }
0x54: {  	_ =	shalt  }
0x55: {  	_ =	shalt  }
0x56: {  	_ =	shalt  }
0x57: {  	_ =	shalt  }
0x58: {  	_ =	shalt  }
0x59: {  	_ =	shalt  }
0x5a: {  	_ =	shalt  }
0x5b: {  	_ =	shalt  }
0x5c: {  	_ =	shalt  }
0x5d: {  	_ =	shalt  }
0x5e: {  	_ =	shalt  }
0x5f: {  	_ =	shalt  }
0x60: {  	_ =	shalt  }
0x61: {  	_ =	shalt  }
0x62: {  	_ =	shalt  }
0x63: {  	_ =	shalt  }
0x64: {  	_ =	shalt  }
0x65: {  	_ =	shalt  }
0x66: {  	_ =	shalt  }
0x67: {  	_ =	shalt  }
0x68: {  	_ =	shalt  }
0x69: {  	_ =	shalt  }
0x6a: {  	_ =	shalt  }
0x6b: {  	_ =	shalt  }
0x6c: {  	_ =	shalt  }
0x6d: {  	_ =	shalt  }
0x6e: {  	_ =	shalt  }
0x6f: {  	_ =	shalt  }
0x70: {  	_ =	shalt  }
0x71: {  	_ =	shalt  }
0x72: {  	_ =	shalt  }
0x73: {  	_ =	shalt  }
0x74: {  	_ =	shalt  }
0x75: {  	_ =	shalt  }
0x76: {  	_ =	shalt  }
0x77: {  	_ =	shalt  }
0x78: {  	_ =	shalt  }
0x79: {  	_ =	shalt  }
0x7a: {  	_ =	shalt  }
0x7b: {  	_ =	shalt  }
0x7c: {  	_ =	shalt  }
0x7d: {  	_ =	shalt  }
0x7e: {  	_ =	shalt  }
0x7f: {  	_ =	shalt  }
0x80: {  	_ =	shalt  }
0x81: {  	_ =	shalt  }
0x82: {  	_ =	shalt  }
0x83: {  	_ =	shalt  }
0x84: {  	_ =	shalt  }
0x85: {  	_ =	shalt  }
0x86: {  	_ =	shalt  }
0x87: {  	_ =	shalt  }
.Lfunc_end0:
.L_simem_size_0:
called_computation_lowered:
.L_overlay_start_0:
0x88: {  	s2 =	sld [smem:$0x3FD9]  }
0x89: {  	s3 =	sld [smem:$0x3FFE];
	_ =	sdelay $0x1  }
0x8a: {  	s1 =	srdreg.scid  }
0x8b: {  	s0 =	sand.u32 $0x1, s1  }
0x8c: {  	s17 =	sshll.u32 s0, $0xA;
	s2 =	sadd.s32 s3, s2  }
0x8d: {  	s2 =	sadd.s32 s2, s17  }
0x8e: {  	[smem:$0x3FC3] =	sst s2  }
0x8f: {  	_ = 	snop  }
0x90: {  	s2 =	sld [smem:$0x3FC7]  }
0x91: {  	s18 =	sld [smem:$0x3FC6];
	(tm) =	ssettm $0x1  }
0x92: {  	s4 =	sld [smem:$0x3FFB];
	_ =	sdelay $0x3  }
0x93: {  	_ =	strace s4  }
0x94: {  	s4 =	sld [smem:$0x3FFC];
	_ =	sdelay $0x3  }
0x95: {  	_ =	strace s4  }
0x96: {  	s4 =	sld [smem:$0x3FFD];
	_ =	sdelay $0x3  }
0x97: {  	_ =	strace s4  }
0x98: {  	_ =	strace $0x8FFFFFFF  }
0x99: {  	s19 =	sld [smem:$0x3FDB];
	_ =	sdelay $0x1  }
0x9a: {  	s5 =	simm.s32 $_scs_section_size  }
0x9b: {  	s6 =	simm.s32 $_size__tile_overlayer_lowered;
	s7 =	simm.s32 $_tile_overlayer_lowered  }
0x9c: {  	s22 =	simm.s32 $0x1BFF;
	s21 =	sshll.u32 s7, $0x1;
	s4 =	sadd.s32 s5, s19  }
0x9d: {  	s8 =	simm.s32 $0x0;
	s20 =	sshll.u32 s6, $0x1;
	s6 =	sadd.s32 s21, s4  }
0x9e: {  	[timem:s8], [sflag:s22] =	dma.local [hbm:s6], s20  }
0x9f: {  	_ =	swait.ge [sflag:s22], s20  }
0xa0: {  	s5 =	ssub.s32 $0x0, s20;
	[sflag:s22] =	ssyncset.done $0x0  }
0xa1: {  	[sflag:s22] =	ssyncadd.s32 s5;
	_ =	sdelay $0x1  }
0xa2: {  	s23 =	simm.s32 $0x1B8B  }
0xa3: {  	_ =	swait.ge [sflag:s23], $0x1  }
0xa4: {  	[sflag:s23] =	ssyncset.done $0x0  }
0xa5: {  	s25 =	simm.s32 $0x1B8E;
	s24 =	sld [smem:$0x3FFE];
	[sflag:s23] =	ssyncadd.s32 $0xFFFFFFFF  }
0xa6: {  	s26 =	simm.s32 $execute0_lowered;
	[smem:$0x3FD2] =	sst s25  }
0xa7: {  	s6 =	sshll.u32 s26, $0x1;
	_ =	strace $0x80000046;
	[dreg:$0x1] =	wrdreg $0xFFFFFFFF  }
0xa8: {  	s28 =	simm.s32 $_size_execute0_lowered;
	s4 =	sadd.s32 s4, s6;
	[dreg:$0x0] =	wrdreg $0x0  }
0xa9: {  	s6 =	sshll.u32 s28, $0x1;
	[dreg:$0x2] =	wrdreg s4  }
0xaa: {  	[dreg:$0x3] =	wrdreg s6  }
0xab: {  	[dreg:$0x4] =	wrdreg $0xC0  }
0xac: {  	_ =	task [dreg:s8], $0x5FFFF  }
0xad: {  	[dreg:$0x1] =	wrdreg $0xFFFFFFFF  }
0xae: {  	[dreg:$0x0] =	wrdreg $0x60  }
0xaf: {  	[dreg:$0x2] =	wrdreg s2  }
0xb0: {  	[dreg:$0x3] =	wrdreg s18  }
0xb1: {  	[dreg:$0x4] =	wrdreg s24  }
0xb2: {  	[dreg:$0x5] =	wrdreg $0x9  }
0xb3: {  	_ =	task.clear_ibuf [dreg:s8], $0x6FFFF;
	_ =	strace $0x90000046  }
0xb4: {  	s29 =	simm.s32 $0x9;
	_ =	strace $0x80000048  }
0xb5: {  	_ =	swait.ge [sflag:s29], $0x1  }
0xb6: {  	[sflag:s29] =	ssyncadd.s32 $0xFFFFFFFF  }
0xb7: {  	_ =	strace $0x90000048  }
0xb8: {  	_ =	sfence  }
0xb9: {  	s30 =	sld [smem:$0x0];
	_ =	sdelay $0x2  }
0xba: {  	s31 =	sshll.u32 s1, $0xD;
	s1 =	sshrl.u32 s1, $0x2  }
0xbb: {  	s3 =	sand.u32 $0x4000, s31;
	s1 =	sadd.s32 s1, s30  }
0xbc: {  	s0 =	sor.u32 s3, s0;
	s1 =	sshll.u32 s1, $0x11  }
0xbd: {  	s0 =	sor.u32 s1, s0  }
0xbe: {  	s0 =	sadd.s32 $0x8F2B, s0  }
0xbf: {  	[sflag:s0] =	ssyncadd.remote.s32 $0x1  }
0xc0: {  	_ =	sfence.sel $0xFFFF  }
0xc1: {  	[dreg:$0x0] =	wrdreg $0xFFFFFFFF;
	(pc) =	sbr.abs _section_cstart, $3  }
0xc2: {  	[dreg:$0x1] =	wrdreg $0xFFFFFFFF  }
0xc3: {  	_ =	task.clear_ibuf [dreg:s8], $0x2FFFF;
	_ =	strace $0x9FFFFFFF  }
0xc4: {  	(tm) =	ssettm $0x7FFFFFFF  }
0xc5: {  	_ =	shalt  }
tec
execute0_lowered:
.L_overlay_start_1:
0x0: {  	(tag) =	ssettag $0x1  }
0x1: {  	s1 =	rddreg [dreg:$0x0]  }
0x2: {  	s3 =	rddreg [dreg:$0x1];
	s4 =	stileid.u32  }
0x3: {  	s2 =	rddreg [dreg:$0x2];
	s5 =	sshll.u32 s4, $0x1;
	s4 =	simm.s32 $0x0  }
0x4: {  	s10 =	sadd.s32 $0x1F440, s2;
	[smem:$0x7FF] =	sst s4  }
0x5: {  	s16 =	sadd.s32 $0x3DC90, s2;
	_ =	strace $0x80000047;
	[dreg:$0x4] =	wrdreg s10  }
0x6: {  	s17 =	sadd.s32 $0x5C4E0, s2;
	[dreg:$0x5] =	wrdreg s16  }
0x7: {  	s18 =	sadd.s32 $0x7AD30, s2;
	[dreg:$0x6] =	wrdreg s17  }
0x8: {  	s19 =	sadd.s32 $0x99580, s2;
	[dreg:$0x7] =	wrdreg s18  }
0x9: {  	s20 =	sadd.s32 $0xB7DD0, s2;
	[dreg:$0x8] =	wrdreg s19  }
0xa: {  	s21 =	sadd.s32 $0xD6620, s2;
	[dreg:$0x9] =	wrdreg s20  }
0xb: {  	s22 =	sadd.s32 $0xF4E70, s2;
	[dreg:$0xa] =	wrdreg s21  }
0xc: {  	s23 =	sadd.s32 $0x1136C0, s2;
	[dreg:$0xb] =	wrdreg s22  }
0xd: {  	s24 =	sadd.s32 $0x131F10, s2;
	[dreg:$0xc] =	wrdreg s23  }
0xe: {  	s25 =	sadd.s32 $0x150760, s2;
	[dreg:$0xd] =	wrdreg s24  }
0xf: {  	s26 =	sadd.s32 $0x16EFB0, s2;
	[dreg:$0xe] =	wrdreg s25  }
0x10: {  	s28 =	sadd.s32 $0x18D800, s2;
	[dreg:$0xf] =	wrdreg s26  }
0x11: {  	s29 =	sadd.s32 $0x1AC050, s2;
	[dreg:$0x10] =	wrdreg s28  }
0x12: {  	s30 =	sadd.s32 $0x1CA8A0, s2;
	[dreg:$0x11] =	wrdreg s29  }
0x13: {  	s31 =	sadd.s32 $0x1E90F0, s2;
	[dreg:$0x12] =	wrdreg s30  }
0x14: {  	s11 =	sadd.s32 $0x207A40, s2;
	[dreg:$0x13] =	wrdreg s31  }
0x15: {  	s12 =	sadd.s32 $0x226290, s2;
	[dreg:$0x14] =	wrdreg s11  }
0x16: {  	s13 =	sadd.s32 $0x244AE0, s2;
	[dreg:$0x15] =	wrdreg s12  }
0x17: {  	s15 =	sadd.s32 $0x281B80, s2;
	[dreg:$0x16] =	wrdreg s13  }
0x18: {  	s11 =	sadd.s32 $0x263330, s2;
	[dreg:$0x18] =	wrdreg s15  }
0x19: {  	s16 =	sadd.s32 $0x2A03D0, s2;
	[dreg:$0x17] =	wrdreg s11  }
0x1a: {  	s17 =	sadd.s32 $0x2BEC20, s2;
	[dreg:$0x19] =	wrdreg s16  }
0x1b: {  	s19 =	sadd.s32 $0x2DD470, s2;
	[dreg:$0x1a] =	wrdreg s17  }
0x1c: {  	s20 =	sadd.s32 $0x2FBCC0, s2;
	[dreg:$0x1c] =	wrdreg s19  }
0x1d: {  	s0 =	srdreg.scid;
	s21 =	sadd.s32 $0x31A510, s2;
	[dreg:$0x1d] =	wrdreg s20  }
0x1e: {  	s7 =	sadd.s32 $0x1E9200, s2;
	s22 =	sadd.s32 $0x338D60, s2;
	[dreg:$0x1f] =	wrdreg s21  }
0x1f: {  	s0 =	sand.u32 $0x1, s0;
	s24 =	sadd.s32 $0x3575B0, s2;
	[smem:$0x7F3] =	sst s22  }
0x20: {  	s6 =	sadd.s32 $0xC00, s2;
	s25 =	sadd.s32 $0x375E00, s2;
	[smem:$0x7F5] =	sst s24  }
0x21: {  	s5 =	sor.u32 s0, s5;
	s28 =	sadd.s32 $0x394650, s2;
	[smem:$0x7F6] =	sst s25  }
0x22: {  	s0 =	ssub.s32 $0x2, s0;
	s29 =	sadd.s32 $0x3B2EA0, s2;
	[smem:$0x7F8] =	sst s28  }
0x23: {  	s8 =	smul.u32 $0xF80, s5;
	s2 =	sadd.s32 $0x3D16F0, s2;
	[smem:$0x7F9] =	sst s29  }
0x24: {  	s14 =	sshrl.u32 s0, $0x1;
	s30 =	sadd.s32 $0xF4200, s1;
	[smem:$0x7FA] =	sst s2  }
0x25: {  	s31 =	sadd.s32 $0xF4200, s3;
	s0 =	ssub.s32 s0, s14;
	[smem:$0x7FC] =	sst s30  }
0x26: {  	[smem:$0x7FD] =	sst s31;
	s9 =	sadd.s32 $0x1F000, s8;
	s18 =	sadd.s32 s1, s8  }
.Ltmp0:
0x27: {  	s8 =	sadd.s32 s3, s8;
	[dreg:$0x1b] =	wrdreg s18;
	(pc) =	sbr.rel .LBB2_1-.Ltmp0, $4  }
0x28: {  	s0 =	smax.u32 s0, $0x1;
	[dreg:$0x1e] =	wrdreg s8  }
0x29: {  	s23 =	sadd.s32 s1, s9;
	[smem:$0x7FB] =	sst s0  }
0x2a: {  	s26 =	sadd.s32 s3, s9;
	[smem:$0x7F4] =	sst s23  }
0x2b: {  	p0 =	sne.s32 s5, $0x0;
	s8 =	simm.s32 $0x0;
	[smem:$0x7F7] =	sst s26  }
.LBB2_73:
0x2c: {  	s2 =	sld [smem:$0x7FD];
	_ =	sdelay $0x1  }
0x2d: {  	s0 =	simm.s32 @!p0 $0x0  }
0x2e: {  	[tilespmem:s0], [sflag:$0x1] =	stream.linear.gather @!p0 [hbm4b:s2+s0], $0x400, $0x38;
	[tilespmem:$0x1F000] =	vst v63  }
0x2f: {  	s8 =	simm.s32 @!p0 $0x7C00;
	s2 =	sadd.s32 @!p0 $0xF4280, s2  }
0x30: {  	[tilespmem:s8], [sflag:$0x1] =	stream.linear.gather @!p0 [hbm4b:s2+s0], $0x400, $0x38;
	[tilespmem:$0x1F000] =	vst v63  }
0x31: {  	s2 =	simm.s32 @!p0 $0x1  }
0x32: {  	_ =	swait.ge @!p0 [sflag:s2], $0x800  }
0x33: {  	[sflag:s2] =	ssyncset.done @!p0 $0x0  }
0x34: {  	[sflag:s2] =	ssyncadd.s32 @!p0 $0xFFFFF800;
	s2 =	rddreg [dreg:$0x14]  }
0x35: {  	[hbm4b:s2+s0] =	stream.linear.scatter @!p0 [tilespmem:s0], [sflag:$0x3], $0x80, $0x38;
	[tilespmem:$0x1F000] =	vst v63  }
0x36: {  	s9 =	rddreg [dreg:$0x15];
	s2 =	simm.s32 @!p0 $0x80  }
0x37: {  	[hbm4b:s9+s0] =	stream.linear.scatter @!p0 [tilespmem:s2], [sflag:$0x3], $0x80, $0x38;
	[tilespmem:$0x1F000] =	vst v63  }
0x38: {  	s2 =	simm.s32 @!p0 $0x100;
	s9 =	rddreg [dreg:$0x16]  }
0x39: {  	[hbm4b:s9+s0] =	stream.linear.scatter @!p0 [tilespmem:s2], [sflag:$0x3], $0x80, $0x38;
	[tilespmem:$0x1F000] =	vst v63  }
0x3a: {  	s2 =	simm.s32 @!p0 $0x180;
	s9 =	rddreg [dreg:$0x17]  }
0x3b: {  	[hbm4b:s9+s0] =	stream.linear.scatter @!p0 [tilespmem:s2], [sflag:$0x3], $0x80, $0x38;
	[tilespmem:$0x1F000] =	vst v63  }
0x3c: {  	s2 =	simm.s32 @!p0 $0x200;
	s9 =	rddreg [dreg:$0x18]  }
0x3d: {  	[hbm4b:s9+s0] =	stream.linear.scatter @!p0 [tilespmem:s2], [sflag:$0x3], $0x80, $0x38;
	[tilespmem:$0x1F000] =	vst v63  }
0x3e: {  	s2 =	simm.s32 @!p0 $0x280;
	s9 =	rddreg [dreg:$0x19]  }
0x3f: {  	[hbm4b:s9+s0] =	stream.linear.scatter @!p0 [tilespmem:s2], [sflag:$0x3], $0x80, $0x38;
	[tilespmem:$0x1F000] =	vst v63  }
0x40: {  	s2 =	simm.s32 @!p0 $0x300;
	s9 =	rddreg [dreg:$0x1a]  }
0x41: {  	[hbm4b:s9+s0] =	stream.linear.scatter @!p0 [tilespmem:s2], [sflag:$0x3], $0x80, $0x38;
	[tilespmem:$0x1F000] =	vst v63  }
0x42: {  	s2 =	simm.s32 @!p0 $0x380;
	s9 =	rddreg [dreg:$0x1c]  }
0x43: {  	[hbm4b:s9+s0] =	stream.linear.scatter @!p0 [tilespmem:s2], [sflag:$0x3], $0x80, $0x38;
	[tilespmem:$0x1F000] =	vst v63  }
0x44: {  	s2 =	rddreg [dreg:$0x1d]  }
0x45: {  	[hbm4b:s2+s0] =	stream.linear.scatter @!p0 [tilespmem:s8], [sflag:$0x3], $0x80, $0x38;
	[tilespmem:$0x1F000] =	vst v63  }
0x46: {  	s2 =	simm.s32 @!p0 $0x7C80;
	s8 =	rddreg [dreg:$0x1f]  }
0x47: {  	[hbm4b:s8+s0] =	stream.linear.scatter @!p0 [tilespmem:s2], [sflag:$0x3], $0x80, $0x38;
	[tilespmem:$0x1F000] =	vst v63  }
0x48: {  	s8 =	sld [smem:$0x7F3];
	_ =	sdelay $0x1  }
0x49: {  	s2 =	simm.s32 @!p0 $0x7D00  }
0x4a: {  	[hbm4b:s8+s0] =	stream.linear.scatter @!p0 [tilespmem:s2], [sflag:$0x3], $0x80, $0x38;
	[tilespmem:$0x1F000] =	vst v63  }
0x4b: {  	s8 =	sld [smem:$0x7F5];
	_ =	sdelay $0x1  }
0x4c: {  	s2 =	simm.s32 @!p0 $0x7D80  }
0x4d: {  	[hbm4b:s8+s0] =	stream.linear.scatter @!p0 [tilespmem:s2], [sflag:$0x3], $0x80, $0x38;
	[tilespmem:$0x1F000] =	vst v63  }
0x4e: {  	s8 =	sld [smem:$0x7F6];
	_ =	sdelay $0x1  }
0x4f: {  	s2 =	simm.s32 @!p0 $0x7E00  }
0x50: {  	[hbm4b:s8+s0] =	stream.linear.scatter @!p0 [tilespmem:s2], [sflag:$0x3], $0x80, $0x38;
	[tilespmem:$0x1F000] =	vst v63  }
0x51: {  	s8 =	sld [smem:$0x7F8];
	_ =	sdelay $0x1  }
0x52: {  	s2 =	simm.s32 @!p0 $0x7E80  }
0x53: {  	[hbm4b:s8+s0] =	stream.linear.scatter @!p0 [tilespmem:s2], [sflag:$0x3], $0x80, $0x38;
	[tilespmem:$0x1F000] =	vst v63  }
0x54: {  	s8 =	sld [smem:$0x7F9];
	_ =	sdelay $0x1  }
0x55: {  	s2 =	simm.s32 @!p0 $0x7F00  }
0x56: {  	[hbm4b:s8+s0] =	stream.linear.scatter @!p0 [tilespmem:s2], [sflag:$0x3], $0x80, $0x38;
	[tilespmem:$0x1F000] =	vst v63  }
0x57: {  	s8 =	sld [smem:$0x7FA];
	_ =	sdelay $0x1  }
0x58: {  	s2 =	simm.s32 @!p0 $0x7F80  }
0x59: {  	[hbm4b:s8+s0] =	stream.linear.scatter @!p0 [tilespmem:s2], [sflag:$0x3], $0x80, $0x38;
	[tilespmem:$0x1F000] =	vst v63  }
0x5a: {  	s0 =	simm.s32 @!p0 $0x3  }
0x5b: {  	_ =	swait.ge @!p0 [sflag:s0], $0x800  }
0x5c: {  	s30 =	sld [smem:$0x7F2]  }
0x5d: {  	s31 =	sld [smem:$0x7FB];
	_ =	sdelay $0x1  }
0x5e: {  	s8 =	sadd.s32 $0x1, s30  }
0x5f: {  	p1 =	sne.s32 s8, s31  }
.Ltmp1:
0x60: {  	_ = 	snop;
	(pc) =	sbr.rel @!p1 .LBB2_74-.Ltmp1, $3  }
0x61: {  	_ =	sdelay $0x1  }
0x62: {  	[sflag:s0] =	ssyncset.done @!p0 $0x0  }
0x63: {  	[sflag:s0] =	ssyncadd.s32 @!p0 $0xFFFFF800  }
.LBB2_1:
0x64: {  	[smem:$0x7F2] =	sst s8  }
.Ltmp2:
0x65: {  	s0 =	rddreg [dreg:$0x1b];
	(pc) =	sbr.rel .LBB2_2-.Ltmp2, $4  }
0x66: {  	s2 =	simm.s32 $0x7C00;
	s30 =	simm.s32 $0x7A1400;
	s31 =	sld [smem:$0x7F4]  }
0x67: {  	[tilespmem:s4], [sflag:$0x1] =	stream.strided.gather [hbm4b:s0+s2], $0xF800, s30, s2, $0x38;
	[tilespmem:$0x1F000] =	vst v63  }
0x68: {  	s9 =	simm.s32 $0xF800;
	p1 =	por $0x0, $0x0;
	s26 =	simm.s32 $0x0  }
0x69: {  	[tilespmem:s9], [sflag:$0x2] =	stream.strided.gather [hbm4b:s31+s2], $0xF800, s30, s2, $0x38;
	[tilespmem:$0x1F000] =	vst v63  }
.LBB2_36:
0x6a: {  	s26 =	sadd.s32 $0x1, s26  }
0x6b: {  	p2 =	sne.s32 s26, $0x8  }
.Ltmp3:
0x6c: {  	_ = 	snop;
	(pc) =	sbr.rel @!p2 .LBB2_37-.Ltmp3, $2  }
0x6d: {  	_ =	sdelay $0x2  }
0x6e: {  	p1 =	por !p1, !p1  }
.LBB2_2:
0x6f: {  	s0 =	sshll.u32 s26, $0x5  }
0x70: {  	s28 =	sor.u32 s5, s0  }
0x71: {  	p2 =	sgt.u32 s28, $0xFB  }
.Ltmp4:
0x72: {  	_ = 	snop;
	(pc) =	sbr.rel @p2 .LBB2_36-.Ltmp4, $1  }
0x73: {  	_ =	sdelay $0x3  }
0x74: {  	s0 =	simm.s32 $0x1;
	s2 =	sand.u32 $0x1, s26;
	s8 =	smul.u32 $0xF80, s28  }
0x75: {  	s0 =	simm.s32 @!p1 $0x0;
	s30 =	sadd.s32 $0x1, s2;
	s20 =	smul.u32 $0x3E000, s2  }
0x76: {  	s2 =	sadd.s32 $0x3, s2;
	s0 =	smul.u32 $0x3E000, s0;
	_ =	swait.ge [sflag:s30], $0xF800  }
0x77: {  	s8 =	sshrl.u32 s8, $0x3;
	s31 =	sshrl.u32 s20, $0x2;
	[sflag:s30] =	ssyncset.done $0x0  }
0x78: {  	s8 =	sadd.s32 s6, s8;
	s20 =	simm.s32 $0x10;
	s23 =	sshrl.u32 s0, $0x2  }
0x79: {  	[sflag:s30] =	ssyncadd.s32 $0xFFFF0800;
	s25 =	sadd.s32 $0x0, s8;
	s29 =	sadd.s32 $0x7F80, s23  }
0x7a: {  	s0 =	sadd.s32 $0x7F00, s23;
	s9 =	sadd.s32 $0x7E80, s23;
	s10 =	sadd.s32 $0x7E00, s23  }
0x7b: {  	s24 =	sadd.s32 $0x7D80, s23;
	s11 =	sadd.s32 $0x7D00, s23;
	s12 =	sadd.s32 $0x7C80, s23  }
0x7c: {  	s13 =	sadd.s32 $0x7C00, s23;
	s14 =	sor.u32 $0x380, s23;
	s15 =	sor.u32 $0x300, s23  }
0x7d: {  	s16 =	sor.u32 $0x280, s23;
	s17 =	sor.u32 $0x200, s23;
	s18 =	sor.u32 $0x180, s23  }
0x7e: {  	s19 =	sor.u32 $0x100, s23;
	s22 =	sor.u32 $0x80, s23;
	s21 =	sadd.s32 $0x400, s23  }
.LBB2_4:
0x7f: {  	[hbm4b:s25+s4] =	stream.linear.scatter [tilespmem:s23], [sflag:s2], $0x80, $0x38;
	[tilespmem:$0x1F000] =	vst v63  }
0x80: {  	s25 =	smov.u32 s20;
	s23 =	smov.u32 s21;
	p2 =	sne.s32 s20, $0x1E0  }
.Ltmp5:
0x81: {  	s20 =	sadd.s32 $0x10, s20;
	(pc) =	sbr.rel @p2 .LBB2_4-.Ltmp5, $2  }
0x82: {  	_ =	sdelay $0x2  }
0x83: {  	s21 =	sadd.s32 $0x400, s21;
	s25 =	sadd.s32 s25, s8  }
0x84: {  	[hbm4b:s25+s4] =	stream.linear.scatter [tilespmem:s23], [sflag:s2], $0x80, $0x38;
	[tilespmem:$0x1F000] =	vst v63  }
0x85: {  	s23 =	sadd.s32 $0x1E850, s8  }
0x86: {  	s20 =	simm.s32 $0x10;
	s21 =	sadd.s32 $0x400, s22;
	s25 =	sadd.s32 $0x0, s23  }
.LBB2_6:
0x87: {  	[hbm4b:s25+s4] =	stream.linear.scatter [tilespmem:s22], [sflag:s2], $0x80, $0x38;
	[tilespmem:$0x1F000] =	vst v63  }
0x88: {  	s25 =	smov.u32 s20;
	s22 =	smov.u32 s21;
	p2 =	sne.s32 s20, $0x1E0  }
.Ltmp6:
0x89: {  	s20 =	sadd.s32 $0x10, s20;
	(pc) =	sbr.rel @p2 .LBB2_6-.Ltmp6, $2  }
0x8a: {  	_ =	sdelay $0x2  }
0x8b: {  	s21 =	sadd.s32 $0x400, s21;
	s25 =	sadd.s32 s25, s23  }
0x8c: {  	[hbm4b:s25+s4] =	stream.linear.scatter [tilespmem:s22], [sflag:s2], $0x80, $0x38;
	[tilespmem:$0x1F000] =	vst v63  }
0x8d: {  	s22 =	sadd.s32 $0x3D0A0, s8  }
0x8e: {  	s20 =	simm.s32 $0x10;
	s21 =	sadd.s32 $0x400, s19;
	s23 =	sadd.s32 $0x0, s22  }
.LBB2_8:
0x8f: {  	[hbm4b:s23+s4] =	stream.linear.scatter [tilespmem:s19], [sflag:s2], $0x80, $0x38;
	[tilespmem:$0x1F000] =	vst v63  }
0x90: {  	s23 =	smov.u32 s20;
	s19 =	smov.u32 s21;
	p2 =	sne.s32 s20, $0x1E0  }
.Ltmp7:
0x91: {  	s20 =	sadd.s32 $0x10, s20;
	(pc) =	sbr.rel @p2 .LBB2_8-.Ltmp7, $2  }
0x92: {  	_ =	sdelay $0x2  }
0x93: {  	s21 =	sadd.s32 $0x400, s21;
	s23 =	sadd.s32 s23, s22  }
0x94: {  	[hbm4b:s23+s4] =	stream.linear.scatter [tilespmem:s19], [sflag:s2], $0x80, $0x38;
	[tilespmem:$0x1F000] =	vst v63  }
0x95: {  	s19 =	sadd.s32 $0x5B8F0, s8  }
0x96: {  	s20 =	simm.s32 $0x10;
	s21 =	sadd.s32 $0x400, s18;
	s22 =	sadd.s32 $0x0, s19  }
.LBB2_10:
0x97: {  	[hbm4b:s22+s4] =	stream.linear.scatter [tilespmem:s18], [sflag:s2], $0x80, $0x38;
	[tilespmem:$0x1F000] =	vst v63  }
0x98: {  	s22 =	smov.u32 s20;
	s18 =	smov.u32 s21;
	p2 =	sne.s32 s20, $0x1E0  }
.Ltmp8:
0x99: {  	s20 =	sadd.s32 $0x10, s20;
	(pc) =	sbr.rel @p2 .LBB2_10-.Ltmp8, $2  }
0x9a: {  	_ =	sdelay $0x2  }
0x9b: {  	s21 =	sadd.s32 $0x400, s21;
	s22 =	sadd.s32 s22, s19  }
0x9c: {  	[hbm4b:s22+s4] =	stream.linear.scatter [tilespmem:s18], [sflag:s2], $0x80, $0x38;
	[tilespmem:$0x1F000] =	vst v63  }
0x9d: {  	s18 =	sadd.s32 $0x7A140, s8  }
0x9e: {  	s19 =	simm.s32 $0x10;
	s20 =	sadd.s32 $0x400, s17;
	s21 =	sadd.s32 $0x0, s18  }
.LBB2_12:
0x9f: {  	[hbm4b:s21+s4] =	stream.linear.scatter [tilespmem:s17], [sflag:s2], $0x80, $0x38;
	[tilespmem:$0x1F000] =	vst v63  }
0xa0: {  	s21 =	smov.u32 s19;
	s17 =	smov.u32 s20;
	p2 =	sne.s32 s19, $0x1E0  }
.Ltmp9:
0xa1: {  	s19 =	sadd.s32 $0x10, s19;
	(pc) =	sbr.rel @p2 .LBB2_12-.Ltmp9, $2  }
0xa2: {  	_ =	sdelay $0x2  }
0xa3: {  	s20 =	sadd.s32 $0x400, s20;
	s21 =	sadd.s32 s21, s18  }
0xa4: {  	[hbm4b:s21+s4] =	stream.linear.scatter [tilespmem:s17], [sflag:s2], $0x80, $0x38;
	[tilespmem:$0x1F000] =	vst v63  }
0xa5: {  	s17 =	sadd.s32 $0x98990, s8  }
0xa6: {  	s18 =	simm.s32 $0x10;
	s19 =	sadd.s32 $0x400, s16;
	s20 =	sadd.s32 $0x0, s17  }
.LBB2_14:
0xa7: {  	[hbm4b:s20+s4] =	stream.linear.scatter [tilespmem:s16], [sflag:s2], $0x80, $0x38;
	[tilespmem:$0x1F000] =	vst v63  }
0xa8: {  	s20 =	smov.u32 s18;
	s16 =	smov.u32 s19;
	p2 =	sne.s32 s18, $0x1E0  }
.Ltmp10:
0xa9: {  	s18 =	sadd.s32 $0x10, s18;
	(pc) =	sbr.rel @p2 .LBB2_14-.Ltmp10, $2  }
0xaa: {  	_ =	sdelay $0x2  }
0xab: {  	s19 =	sadd.s32 $0x400, s19;
	s20 =	sadd.s32 s20, s17  }
0xac: {  	[hbm4b:s20+s4] =	stream.linear.scatter [tilespmem:s16], [sflag:s2], $0x80, $0x38;
	[tilespmem:$0x1F000] =	vst v63  }
0xad: {  	s16 =	sadd.s32 $0xB71E0, s8  }
0xae: {  	s17 =	simm.s32 $0x10;
	s18 =	sadd.s32 $0x400, s15;
	s19 =	sadd.s32 $0x0, s16  }
.LBB2_16:
0xaf: {  	[hbm4b:s19+s4] =	stream.linear.scatter [tilespmem:s15], [sflag:s2], $0x80, $0x38;
	[tilespmem:$0x1F000] =	vst v63  }
0xb0: {  	s19 =	smov.u32 s17;
	s15 =	smov.u32 s18;
	p2 =	sne.s32 s17, $0x1E0  }
.Ltmp11:
0xb1: {  	s17 =	sadd.s32 $0x10, s17;
	(pc) =	sbr.rel @p2 .LBB2_16-.Ltmp11, $2  }
0xb2: {  	_ =	sdelay $0x2  }
0xb3: {  	s18 =	sadd.s32 $0x400, s18;
	s19 =	sadd.s32 s19, s16  }
0xb4: {  	[hbm4b:s19+s4] =	stream.linear.scatter [tilespmem:s15], [sflag:s2], $0x80, $0x38;
	[tilespmem:$0x1F000] =	vst v63  }
0xb5: {  	s15 =	sadd.s32 $0xD5A30, s8  }
0xb6: {  	s16 =	simm.s32 $0x10;
	s17 =	sadd.s32 $0x400, s14;
	s18 =	sadd.s32 $0x0, s15  }
.LBB2_18:
0xb7: {  	[hbm4b:s18+s4] =	stream.linear.scatter [tilespmem:s14], [sflag:s2], $0x80, $0x38;
	[tilespmem:$0x1F000] =	vst v63  }
0xb8: {  	s18 =	smov.u32 s16;
	s14 =	smov.u32 s17;
	p2 =	sne.s32 s16, $0x1E0  }
.Ltmp12:
0xb9: {  	s16 =	sadd.s32 $0x10, s16;
	(pc) =	sbr.rel @p2 .LBB2_18-.Ltmp12, $2  }
0xba: {  	_ =	sdelay $0x2  }
0xbb: {  	s17 =	sadd.s32 $0x400, s17;
	s18 =	sadd.s32 s18, s15  }
0xbc: {  	[hbm4b:s18+s4] =	stream.linear.scatter [tilespmem:s14], [sflag:s2], $0x80, $0x38;
	[tilespmem:$0x1F000] =	vst v63  }
0xbd: {  	s14 =	sadd.s32 $0xF4280, s8  }
0xbe: {  	s15 =	simm.s32 $0x10;
	s16 =	sadd.s32 $0x400, s13;
	s17 =	sadd.s32 $0x0, s14  }
.LBB2_20:
0xbf: {  	[hbm4b:s17+s4] =	stream.linear.scatter [tilespmem:s13], [sflag:s2], $0x80, $0x38;
	[tilespmem:$0x1F000] =	vst v63  }
0xc0: {  	s17 =	smov.u32 s15;
	s13 =	smov.u32 s16;
	p2 =	sne.s32 s15, $0x1E0  }
.Ltmp13:
0xc1: {  	s15 =	sadd.s32 $0x10, s15;
	(pc) =	sbr.rel @p2 .LBB2_20-.Ltmp13, $2  }
0xc2: {  	_ =	sdelay $0x2  }
0xc3: {  	s16 =	sadd.s32 $0x400, s16;
	s17 =	sadd.s32 s17, s14  }
0xc4: {  	[hbm4b:s17+s4] =	stream.linear.scatter [tilespmem:s13], [sflag:s2], $0x80, $0x38;
	[tilespmem:$0x1F000] =	vst v63  }
0xc5: {  	s13 =	sadd.s32 $0x112AD0, s8  }
0xc6: {  	s14 =	simm.s32 $0x10;
	s15 =	sadd.s32 $0x400, s12;
	s16 =	sadd.s32 $0x0, s13  }
.LBB2_22:
0xc7: {  	[hbm4b:s16+s4] =	stream.linear.scatter [tilespmem:s12], [sflag:s2], $0x80, $0x38;
	[tilespmem:$0x1F000] =	vst v63  }
0xc8: {  	s16 =	smov.u32 s14;
	s12 =	smov.u32 s15;
	p2 =	sne.s32 s14, $0x1E0  }
.Ltmp14:
0xc9: {  	s14 =	sadd.s32 $0x10, s14;
	(pc) =	sbr.rel @p2 .LBB2_22-.Ltmp14, $2  }
0xca: {  	_ =	sdelay $0x2  }
0xcb: {  	s15 =	sadd.s32 $0x400, s15;
	s16 =	sadd.s32 s16, s13  }
0xcc: {  	[hbm4b:s16+s4] =	stream.linear.scatter [tilespmem:s12], [sflag:s2], $0x80, $0x38;
	[tilespmem:$0x1F000] =	vst v63  }
0xcd: {  	s12 =	sadd.s32 $0x131320, s8  }
0xce: {  	s13 =	simm.s32 $0x10;
	s14 =	sadd.s32 $0x400, s11;
	s15 =	sadd.s32 $0x0, s12  }
.LBB2_24:
0xcf: {  	[hbm4b:s15+s4] =	stream.linear.scatter [tilespmem:s11], [sflag:s2], $0x80, $0x38;
	[tilespmem:$0x1F000] =	vst v63  }
0xd0: {  	s15 =	smov.u32 s13;
	s11 =	smov.u32 s14;
	p2 =	sne.s32 s13, $0x1E0  }
.Ltmp15:
0xd1: {  	s13 =	sadd.s32 $0x10, s13;
	(pc) =	sbr.rel @p2 .LBB2_24-.Ltmp15, $2  }
0xd2: {  	_ =	sdelay $0x2  }
0xd3: {  	s14 =	sadd.s32 $0x400, s14;
	s15 =	sadd.s32 s15, s12  }
0xd4: {  	[hbm4b:s15+s4] =	stream.linear.scatter [tilespmem:s11], [sflag:s2], $0x80, $0x38;
	[tilespmem:$0x1F000] =	vst v63  }
0xd5: {  	s11 =	sadd.s32 $0x14FB70, s8  }
0xd6: {  	s12 =	simm.s32 $0x10;
	s13 =	sadd.s32 $0x400, s24;
	s14 =	sadd.s32 $0x0, s11  }
.LBB2_26:
0xd7: {  	[hbm4b:s14+s4] =	stream.linear.scatter [tilespmem:s24], [sflag:s2], $0x80, $0x38;
	[tilespmem:$0x1F000] =	vst v63  }
0xd8: {  	s14 =	smov.u32 s12;
	s24 =	smov.u32 s13;
	p2 =	sne.s32 s12, $0x1E0  }
.Ltmp16:
0xd9: {  	s12 =	sadd.s32 $0x10, s12;
	(pc) =	sbr.rel @p2 .LBB2_26-.Ltmp16, $2  }
0xda: {  	_ =	sdelay $0x2  }
0xdb: {  	s13 =	sadd.s32 $0x400, s13;
	s14 =	sadd.s32 s14, s11  }
0xdc: {  	[hbm4b:s14+s4] =	stream.linear.scatter [tilespmem:s24], [sflag:s2], $0x80, $0x38;
	[tilespmem:$0x1F000] =	vst v63  }
0xdd: {  	s11 =	sadd.s32 $0x16E3C0, s8  }
0xde: {  	s12 =	simm.s32 $0x10;
	s13 =	sadd.s32 $0x400, s10;
	s14 =	sadd.s32 $0x0, s11  }
.LBB2_28:
0xdf: {  	[hbm4b:s14+s4] =	stream.linear.scatter [tilespmem:s10], [sflag:s2], $0x80, $0x38;
	[tilespmem:$0x1F000] =	vst v63  }
0xe0: {  	s14 =	smov.u32 s12;
	s10 =	smov.u32 s13;
	p2 =	sne.s32 s12, $0x1E0  }
.Ltmp17:
0xe1: {  	s12 =	sadd.s32 $0x10, s12;
	(pc) =	sbr.rel @p2 .LBB2_28-.Ltmp17, $2  }
0xe2: {  	_ =	sdelay $0x2  }
0xe3: {  	s13 =	sadd.s32 $0x400, s13;
	s14 =	sadd.s32 s14, s11  }
0xe4: {  	[hbm4b:s14+s4] =	stream.linear.scatter [tilespmem:s10], [sflag:s2], $0x80, $0x38;
	[tilespmem:$0x1F000] =	vst v63  }
0xe5: {  	s10 =	sadd.s32 $0x18CC10, s8  }
0xe6: {  	s11 =	simm.s32 $0x10;
	s12 =	sadd.s32 $0x400, s9;
	s13 =	sadd.s32 $0x0, s10  }
.LBB2_30:
0xe7: {  	[hbm4b:s13+s4] =	stream.linear.scatter [tilespmem:s9], [sflag:s2], $0x80, $0x38;
	[tilespmem:$0x1F000] =	vst v63  }
0xe8: {  	s13 =	smov.u32 s11;
	s9 =	smov.u32 s12;
	p2 =	sne.s32 s11, $0x1E0  }
.Ltmp18:
0xe9: {  	s11 =	sadd.s32 $0x10, s11;
	(pc) =	sbr.rel @p2 .LBB2_30-.Ltmp18, $2  }
0xea: {  	_ =	sdelay $0x2  }
0xeb: {  	s12 =	sadd.s32 $0x400, s12;
	s13 =	sadd.s32 s13, s10  }
0xec: {  	[hbm4b:s13+s4] =	stream.linear.scatter [tilespmem:s9], [sflag:s2], $0x80, $0x38;
	[tilespmem:$0x1F000] =	vst v63  }
0xed: {  	s9 =	sadd.s32 $0x1AB460, s8  }
0xee: {  	s10 =	simm.s32 $0x10;
	s11 =	sadd.s32 $0x400, s0;
	s12 =	sadd.s32 $0x0, s9  }
.LBB2_32:
0xef: {  	[hbm4b:s12+s4] =	stream.linear.scatter [tilespmem:s0], [sflag:s2], $0x80, $0x38;
	[tilespmem:$0x1F000] =	vst v63  }
0xf0: {  	s12 =	smov.u32 s10;
	s0 =	smov.u32 s11;
	p2 =	sne.s32 s10, $0x1E0  }
.Ltmp19:
0xf1: {  	s10 =	sadd.s32 $0x10, s10;
	(pc) =	sbr.rel @p2 .LBB2_32-.Ltmp19, $2  }
0xf2: {  	_ =	sdelay $0x2  }
0xf3: {  	s11 =	sadd.s32 $0x400, s11;
	s12 =	sadd.s32 s12, s9  }
0xf4: {  	[hbm4b:s12+s4] =	stream.linear.scatter [tilespmem:s0], [sflag:s2], $0x80, $0x38;
	[tilespmem:$0x1F000] =	vst v63  }
0xf5: {  	s0 =	sadd.s32 $0x1C9CB0, s8  }
0xf6: {  	s8 =	simm.s32 $0x10;
	s9 =	sadd.s32 $0x400, s29;
	s10 =	sadd.s32 $0x0, s0  }
.LBB2_34:
0xf7: {  	[hbm4b:s10+s4] =	stream.linear.scatter [tilespmem:s29], [sflag:s2], $0x80, $0x38;
	[tilespmem:$0x1F000] =	vst v63  }
0xf8: {  	s10 =	smov.u32 s8;
	s29 =	smov.u32 s9;
	p2 =	sne.s32 s8, $0x1E0  }
.Ltmp20:
0xf9: {  	s8 =	sadd.s32 $0x10, s8;
	(pc) =	sbr.rel @p2 .LBB2_34-.Ltmp20, $2  }
0xfa: {  	_ =	sdelay $0x2  }
0xfb: {  	s9 =	sadd.s32 $0x400, s9;
	s10 =	sadd.s32 s10, s0  }
0xfc: {  	p2 =	sgt.u32 s28, $0xBB  }
0xfd: {  	s0 =	smul.u32 @!p2 $0x7C00, s28  }
0xfe: {  	[hbm4b:s10+s4] =	stream.linear.scatter [tilespmem:s29], [sflag:s2], $0x80, $0x38;
	[tilespmem:$0x1F000] =	vst v63  }
0xff: {  	s0 =	sshrl.u32 @!p2 s0, $0x3  }
0x100: {  	s8 =	simm.s32 @!p2 $0x7C00;
	s0 =	sadd.s32 @!p2 s1, s0  }
.Ltmp21:
0x101: {  	s9 =	simm.s32 @!p2 $0x7A1400;
	s0 =	sadd.s32 @!p2 $0x3E000, s0;
	(pc) =	sbr.rel .LBB2_36-.Ltmp21, $4  }
0x102: {  	[tilespmem:s31], [sflag:s30] =	stream.strided.gather @!p2 [hbm4b:s0+s8], $0xF800, s9, s8, $0x38;
	[tilespmem:$0x1F000] =	vst v63  }
0x103: {  	_ =	swait.ge [sflag:s2], $0xF800  }
0x104: {  	[sflag:s2] =	ssyncset.done $0x0  }
0x105: {  	[sflag:s2] =	ssyncadd.s32 $0xFFFF0800  }
.LBB2_37:
0x106: {  	s2 =	sld [smem:$0x7FC];
	_ =	sdelay $0x1  }
0x107: {  	s0 =	simm.s32 @!p0 $0x0  }
0x108: {  	[tilespmem:s0], [sflag:$0x1] =	stream.linear.gather @!p0 [hbm4b:s2+s0], $0x400, $0x38;
	[tilespmem:$0x1F000] =	vst v63  }
0x109: {  	s8 =	simm.s32 @!p0 $0x7C00;
	s2 =	sadd.s32 @!p0 $0xF4280, s2  }
0x10a: {  	[tilespmem:s8], [sflag:$0x1] =	stream.linear.gather @!p0 [hbm4b:s2+s0], $0x400, $0x38;
	[tilespmem:$0x1F000] =	vst v63  }
0x10b: {  	s2 =	simm.s32 @!p0 $0x1  }
0x10c: {  	_ =	swait.ge @!p0 [sflag:s2], $0x800  }
0x10d: {  	[sflag:s2] =	ssyncset.done @!p0 $0x0  }
0x10e: {  	[sflag:s2] =	ssyncadd.s32 @!p0 $0xFFFFF800;
	s2 =	rddreg [dreg:$0x4]  }
0x10f: {  	[hbm4b:s2+s0] =	stream.linear.scatter @!p0 [tilespmem:s0], [sflag:$0x3], $0x80, $0x38;
	[tilespmem:$0x1F000] =	vst v63  }
0x110: {  	s9 =	rddreg [dreg:$0x5];
	s2 =	simm.s32 @!p0 $0x80  }
0x111: {  	[hbm4b:s9+s0] =	stream.linear.scatter @!p0 [tilespmem:s2], [sflag:$0x3], $0x80, $0x38;
	[tilespmem:$0x1F000] =	vst v63  }
0x112: {  	s2 =	simm.s32 @!p0 $0x100;
	s9 =	rddreg [dreg:$0x6]  }
0x113: {  	[hbm4b:s9+s0] =	stream.linear.scatter @!p0 [tilespmem:s2], [sflag:$0x3], $0x80, $0x38;
	[tilespmem:$0x1F000] =	vst v63  }
0x114: {  	s2 =	simm.s32 @!p0 $0x180;
	s9 =	rddreg [dreg:$0x7]  }
0x115: {  	[hbm4b:s9+s0] =	stream.linear.scatter @!p0 [tilespmem:s2], [sflag:$0x3], $0x80, $0x38;
	[tilespmem:$0x1F000] =	vst v63  }
0x116: {  	s2 =	simm.s32 @!p0 $0x200;
	s9 =	rddreg [dreg:$0x8]  }
0x117: {  	[hbm4b:s9+s0] =	stream.linear.scatter @!p0 [tilespmem:s2], [sflag:$0x3], $0x80, $0x38;
	[tilespmem:$0x1F000] =	vst v63  }
0x118: {  	s2 =	simm.s32 @!p0 $0x280;
	s9 =	rddreg [dreg:$0x9]  }
0x119: {  	[hbm4b:s9+s0] =	stream.linear.scatter @!p0 [tilespmem:s2], [sflag:$0x3], $0x80, $0x38;
	[tilespmem:$0x1F000] =	vst v63  }
0x11a: {  	s2 =	simm.s32 @!p0 $0x300;
	s9 =	rddreg [dreg:$0xa]  }
0x11b: {  	[hbm4b:s9+s0] =	stream.linear.scatter @!p0 [tilespmem:s2], [sflag:$0x3], $0x80, $0x38;
	[tilespmem:$0x1F000] =	vst v63  }
0x11c: {  	s2 =	simm.s32 @!p0 $0x380;
	s9 =	rddreg [dreg:$0xb]  }
0x11d: {  	[hbm4b:s9+s0] =	stream.linear.scatter @!p0 [tilespmem:s2], [sflag:$0x3], $0x80, $0x38;
	[tilespmem:$0x1F000] =	vst v63  }
0x11e: {  	s2 =	rddreg [dreg:$0xc]  }
0x11f: {  	[hbm4b:s2+s0] =	stream.linear.scatter @!p0 [tilespmem:s8], [sflag:$0x3], $0x80, $0x38;
	[tilespmem:$0x1F000] =	vst v63  }
0x120: {  	s2 =	simm.s32 @!p0 $0x7C80;
	s8 =	rddreg [dreg:$0xd]  }
0x121: {  	[hbm4b:s8+s0] =	stream.linear.scatter @!p0 [tilespmem:s2], [sflag:$0x3], $0x80, $0x38;
	[tilespmem:$0x1F000] =	vst v63  }
0x122: {  	s2 =	simm.s32 @!p0 $0x7D00;
	s8 =	rddreg [dreg:$0xe]  }
0x123: {  	[hbm4b:s8+s0] =	stream.linear.scatter @!p0 [tilespmem:s2], [sflag:$0x3], $0x80, $0x38;
	[tilespmem:$0x1F000] =	vst v63  }
0x124: {  	s2 =	simm.s32 @!p0 $0x7D80;
	s8 =	rddreg [dreg:$0xf]  }
0x125: {  	[hbm4b:s8+s0] =	stream.linear.scatter @!p0 [tilespmem:s2], [sflag:$0x3], $0x80, $0x38;
	[tilespmem:$0x1F000] =	vst v63  }
0x126: {  	s2 =	simm.s32 @!p0 $0x7E00;
	s8 =	rddreg [dreg:$0x10]  }
0x127: {  	[hbm4b:s8+s0] =	stream.linear.scatter @!p0 [tilespmem:s2], [sflag:$0x3], $0x80, $0x38;
	[tilespmem:$0x1F000] =	vst v63  }
0x128: {  	s2 =	simm.s32 @!p0 $0x7E80;
	s8 =	rddreg [dreg:$0x11]  }
0x129: {  	[hbm4b:s8+s0] =	stream.linear.scatter @!p0 [tilespmem:s2], [sflag:$0x3], $0x80, $0x38;
	[tilespmem:$0x1F000] =	vst v63  }
0x12a: {  	s2 =	simm.s32 @!p0 $0x7F00;
	s8 =	rddreg [dreg:$0x12]  }
0x12b: {  	[hbm4b:s8+s0] =	stream.linear.scatter @!p0 [tilespmem:s2], [sflag:$0x3], $0x80, $0x38;
	[tilespmem:$0x1F000] =	vst v63  }
0x12c: {  	s2 =	simm.s32 @!p0 $0x7F80;
	s8 =	rddreg [dreg:$0x13]  }
0x12d: {  	[hbm4b:s8+s0] =	stream.linear.scatter @!p0 [tilespmem:s2], [sflag:$0x3], $0x80, $0x38;
	[tilespmem:$0x1F000] =	vst v63  }
0x12e: {  	s0 =	simm.s32 @!p0 $0x3  }
0x12f: {  	s26 =	simm.s32 $0x0;
	s28 =	simm.s32 $0x7C00;
	_ =	swait.ge @!p0 [sflag:s0], $0x800  }
.Ltmp22:
0x130: {  	[sflag:s0] =	ssyncset.done @!p0 $0x0;
	s25 =	rddreg [dreg:$0x1e];
	(pc) =	sbr.rel .LBB2_38-.Ltmp22, $4  }
0x131: {  	s29 =	simm.s32 $0x7A1400;
	s30 =	sld [smem:$0x7F7];
	[sflag:s0] =	ssyncadd.s32 @!p0 $0xFFFFF800  }
0x132: {  	[tilespmem:s26], [sflag:$0x1] =	stream.strided.gather [hbm4b:s25+s28], $0xF800, s29, s28, $0x38;
	[tilespmem:$0x1F000] =	vst v63  }
0x133: {  	s31 =	simm.s32 $0xF800;
	p1 =	por $0x0, $0x0  }
0x134: {  	[tilespmem:s31], [sflag:$0x2] =	stream.strided.gather [hbm4b:s30+s28], $0xF800, s29, s28, $0x38;
	[tilespmem:$0x1F000] =	vst v63  }
.LBB2_72:
0x135: {  	s26 =	sadd.s32 $0x1, s26  }
0x136: {  	p2 =	sne.s32 s26, $0x8  }
.Ltmp23:
0x137: {  	_ = 	snop;
	(pc) =	sbr.rel @!p2 .LBB2_73-.Ltmp23, $2  }
0x138: {  	_ =	sdelay $0x2  }
0x139: {  	p1 =	por !p1, !p1  }
.LBB2_38:
0x13a: {  	s0 =	sshll.u32 s26, $0x5  }
0x13b: {  	s28 =	sor.u32 s5, s0  }
0x13c: {  	p2 =	sgt.u32 s28, $0xFB  }
.Ltmp24:
0x13d: {  	_ = 	snop;
	(pc) =	sbr.rel @p2 .LBB2_72-.Ltmp24, $1  }
0x13e: {  	_ =	sdelay $0x3  }
0x13f: {  	s0 =	simm.s32 $0x1;
	s2 =	sand.u32 $0x1, s26;
	s8 =	smul.u32 $0xF80, s28  }
0x140: {  	s0 =	simm.s32 @!p1 $0x0;
	s30 =	sadd.s32 $0x1, s2;
	s20 =	smul.u32 $0x3E000, s2  }
0x141: {  	s2 =	sadd.s32 $0x3, s2;
	s0 =	smul.u32 $0x3E000, s0;
	_ =	swait.ge [sflag:s30], $0xF800  }
0x142: {  	s8 =	sshrl.u32 s8, $0x3;
	s31 =	sshrl.u32 s20, $0x2;
	[sflag:s30] =	ssyncset.done $0x0  }
0x143: {  	s8 =	sadd.s32 s7, s8;
	s20 =	simm.s32 $0x10;
	s23 =	sshrl.u32 s0, $0x2  }
0x144: {  	[sflag:s30] =	ssyncadd.s32 $0xFFFF0800;
	s25 =	sadd.s32 $0x0, s8;
	s29 =	sadd.s32 $0x7F80, s23  }
0x145: {  	s0 =	sadd.s32 $0x7F00, s23;
	s9 =	sadd.s32 $0x7E80, s23;
	s10 =	sadd.s32 $0x7E00, s23  }
0x146: {  	s24 =	sadd.s32 $0x7D80, s23;
	s11 =	sadd.s32 $0x7D00, s23;
	s12 =	sadd.s32 $0x7C80, s23  }
0x147: {  	s13 =	sadd.s32 $0x7C00, s23;
	s14 =	sor.u32 $0x380, s23;
	s15 =	sor.u32 $0x300, s23  }
0x148: {  	s16 =	sor.u32 $0x280, s23;
	s17 =	sor.u32 $0x200, s23;
	s18 =	sor.u32 $0x180, s23  }
0x149: {  	s19 =	sor.u32 $0x100, s23;
	s22 =	sor.u32 $0x80, s23;
	s21 =	sadd.s32 $0x400, s23  }
.LBB2_40:
0x14a: {  	[hbm4b:s25+s4] =	stream.linear.scatter [tilespmem:s23], [sflag:s2], $0x80, $0x38;
	[tilespmem:$0x1F000] =	vst v63  }
0x14b: {  	s25 =	smov.u32 s20;
	s23 =	smov.u32 s21;
	p2 =	sne.s32 s20, $0x1E0  }
.Ltmp25:
0x14c: {  	s20 =	sadd.s32 $0x10, s20;
	(pc) =	sbr.rel @p2 .LBB2_40-.Ltmp25, $2  }
0x14d: {  	_ =	sdelay $0x2  }
0x14e: {  	s21 =	sadd.s32 $0x400, s21;
	s25 =	sadd.s32 s25, s8  }
0x14f: {  	[hbm4b:s25+s4] =	stream.linear.scatter [tilespmem:s23], [sflag:s2], $0x80, $0x38;
	[tilespmem:$0x1F000] =	vst v63  }
0x150: {  	s23 =	sadd.s32 $0x1E850, s8  }
0x151: {  	s20 =	simm.s32 $0x10;
	s21 =	sadd.s32 $0x400, s22;
	s25 =	sadd.s32 $0x0, s23  }
.LBB2_42:
0x152: {  	[hbm4b:s25+s4] =	stream.linear.scatter [tilespmem:s22], [sflag:s2], $0x80, $0x38;
	[tilespmem:$0x1F000] =	vst v63  }
0x153: {  	s25 =	smov.u32 s20;
	s22 =	smov.u32 s21;
	p2 =	sne.s32 s20, $0x1E0  }
.Ltmp26:
0x154: {  	s20 =	sadd.s32 $0x10, s20;
	(pc) =	sbr.rel @p2 .LBB2_42-.Ltmp26, $2  }
0x155: {  	_ =	sdelay $0x2  }
0x156: {  	s21 =	sadd.s32 $0x400, s21;
	s25 =	sadd.s32 s25, s23  }
0x157: {  	[hbm4b:s25+s4] =	stream.linear.scatter [tilespmem:s22], [sflag:s2], $0x80, $0x38;
	[tilespmem:$0x1F000] =	vst v63  }
0x158: {  	s22 =	sadd.s32 $0x3D0A0, s8  }
0x159: {  	s20 =	simm.s32 $0x10;
	s21 =	sadd.s32 $0x400, s19;
	s23 =	sadd.s32 $0x0, s22  }
.LBB2_44:
0x15a: {  	[hbm4b:s23+s4] =	stream.linear.scatter [tilespmem:s19], [sflag:s2], $0x80, $0x38;
	[tilespmem:$0x1F000] =	vst v63  }
0x15b: {  	s23 =	smov.u32 s20;
	s19 =	smov.u32 s21;
	p2 =	sne.s32 s20, $0x1E0  }
.Ltmp27:
0x15c: {  	s20 =	sadd.s32 $0x10, s20;
	(pc) =	sbr.rel @p2 .LBB2_44-.Ltmp27, $2  }
0x15d: {  	_ =	sdelay $0x2  }
0x15e: {  	s21 =	sadd.s32 $0x400, s21;
	s23 =	sadd.s32 s23, s22  }
0x15f: {  	[hbm4b:s23+s4] =	stream.linear.scatter [tilespmem:s19], [sflag:s2], $0x80, $0x38;
	[tilespmem:$0x1F000] =	vst v63  }
0x160: {  	s19 =	sadd.s32 $0x5B8F0, s8  }
0x161: {  	s20 =	simm.s32 $0x10;
	s21 =	sadd.s32 $0x400, s18;
	s22 =	sadd.s32 $0x0, s19  }
.LBB2_46:
0x162: {  	[hbm4b:s22+s4] =	stream.linear.scatter [tilespmem:s18], [sflag:s2], $0x80, $0x38;
	[tilespmem:$0x1F000] =	vst v63  }
0x163: {  	s22 =	smov.u32 s20;
	s18 =	smov.u32 s21;
	p2 =	sne.s32 s20, $0x1E0  }
.Ltmp28:
0x164: {  	s20 =	sadd.s32 $0x10, s20;
	(pc) =	sbr.rel @p2 .LBB2_46-.Ltmp28, $2  }
0x165: {  	_ =	sdelay $0x2  }
0x166: {  	s21 =	sadd.s32 $0x400, s21;
	s22 =	sadd.s32 s22, s19  }
0x167: {  	[hbm4b:s22+s4] =	stream.linear.scatter [tilespmem:s18], [sflag:s2], $0x80, $0x38;
	[tilespmem:$0x1F000] =	vst v63  }
0x168: {  	s18 =	sadd.s32 $0x7A140, s8  }
0x169: {  	s19 =	simm.s32 $0x10;
	s20 =	sadd.s32 $0x400, s17;
	s21 =	sadd.s32 $0x0, s18  }
.LBB2_48:
0x16a: {  	[hbm4b:s21+s4] =	stream.linear.scatter [tilespmem:s17], [sflag:s2], $0x80, $0x38;
	[tilespmem:$0x1F000] =	vst v63  }
0x16b: {  	s21 =	smov.u32 s19;
	s17 =	smov.u32 s20;
	p2 =	sne.s32 s19, $0x1E0  }
.Ltmp29:
0x16c: {  	s19 =	sadd.s32 $0x10, s19;
	(pc) =	sbr.rel @p2 .LBB2_48-.Ltmp29, $2  }
0x16d: {  	_ =	sdelay $0x2  }
0x16e: {  	s20 =	sadd.s32 $0x400, s20;
	s21 =	sadd.s32 s21, s18  }
0x16f: {  	[hbm4b:s21+s4] =	stream.linear.scatter [tilespmem:s17], [sflag:s2], $0x80, $0x38;
	[tilespmem:$0x1F000] =	vst v63  }
0x170: {  	s17 =	sadd.s32 $0x98990, s8  }
0x171: {  	s18 =	simm.s32 $0x10;
	s19 =	sadd.s32 $0x400, s16;
	s20 =	sadd.s32 $0x0, s17  }
.LBB2_50:
0x172: {  	[hbm4b:s20+s4] =	stream.linear.scatter [tilespmem:s16], [sflag:s2], $0x80, $0x38;
	[tilespmem:$0x1F000] =	vst v63  }
0x173: {  	s20 =	smov.u32 s18;
	s16 =	smov.u32 s19;
	p2 =	sne.s32 s18, $0x1E0  }
.Ltmp30:
0x174: {  	s18 =	sadd.s32 $0x10, s18;
	(pc) =	sbr.rel @p2 .LBB2_50-.Ltmp30, $2  }
0x175: {  	_ =	sdelay $0x2  }
0x176: {  	s19 =	sadd.s32 $0x400, s19;
	s20 =	sadd.s32 s20, s17  }
0x177: {  	[hbm4b:s20+s4] =	stream.linear.scatter [tilespmem:s16], [sflag:s2], $0x80, $0x38;
	[tilespmem:$0x1F000] =	vst v63  }
0x178: {  	s16 =	sadd.s32 $0xB71E0, s8  }
0x179: {  	s17 =	simm.s32 $0x10;
	s18 =	sadd.s32 $0x400, s15;
	s19 =	sadd.s32 $0x0, s16  }
.LBB2_52:
0x17a: {  	[hbm4b:s19+s4] =	stream.linear.scatter [tilespmem:s15], [sflag:s2], $0x80, $0x38;
	[tilespmem:$0x1F000] =	vst v63  }
0x17b: {  	s19 =	smov.u32 s17;
	s15 =	smov.u32 s18;
	p2 =	sne.s32 s17, $0x1E0  }
.Ltmp31:
0x17c: {  	s17 =	sadd.s32 $0x10, s17;
	(pc) =	sbr.rel @p2 .LBB2_52-.Ltmp31, $2  }
0x17d: {  	_ =	sdelay $0x2  }
0x17e: {  	s18 =	sadd.s32 $0x400, s18;
	s19 =	sadd.s32 s19, s16  }
0x17f: {  	[hbm4b:s19+s4] =	stream.linear.scatter [tilespmem:s15], [sflag:s2], $0x80, $0x38;
	[tilespmem:$0x1F000] =	vst v63  }
0x180: {  	s15 =	sadd.s32 $0xD5A30, s8  }
0x181: {  	s16 =	simm.s32 $0x10;
	s17 =	sadd.s32 $0x400, s14;
	s18 =	sadd.s32 $0x0, s15  }
.LBB2_54:
0x182: {  	[hbm4b:s18+s4] =	stream.linear.scatter [tilespmem:s14], [sflag:s2], $0x80, $0x38;
	[tilespmem:$0x1F000] =	vst v63  }
0x183: {  	s18 =	smov.u32 s16;
	s14 =	smov.u32 s17;
	p2 =	sne.s32 s16, $0x1E0  }
.Ltmp32:
0x184: {  	s16 =	sadd.s32 $0x10, s16;
	(pc) =	sbr.rel @p2 .LBB2_54-.Ltmp32, $2  }
0x185: {  	_ =	sdelay $0x2  }
0x186: {  	s17 =	sadd.s32 $0x400, s17;
	s18 =	sadd.s32 s18, s15  }
0x187: {  	[hbm4b:s18+s4] =	stream.linear.scatter [tilespmem:s14], [sflag:s2], $0x80, $0x38;
	[tilespmem:$0x1F000] =	vst v63  }
0x188: {  	s14 =	sadd.s32 $0xF4280, s8  }
0x189: {  	s15 =	simm.s32 $0x10;
	s16 =	sadd.s32 $0x400, s13;
	s17 =	sadd.s32 $0x0, s14  }
.LBB2_56:
0x18a: {  	[hbm4b:s17+s4] =	stream.linear.scatter [tilespmem:s13], [sflag:s2], $0x80, $0x38;
	[tilespmem:$0x1F000] =	vst v63  }
0x18b: {  	s17 =	smov.u32 s15;
	s13 =	smov.u32 s16;
	p2 =	sne.s32 s15, $0x1E0  }
.Ltmp33:
0x18c: {  	s15 =	sadd.s32 $0x10, s15;
	(pc) =	sbr.rel @p2 .LBB2_56-.Ltmp33, $2  }
0x18d: {  	_ =	sdelay $0x2  }
0x18e: {  	s16 =	sadd.s32 $0x400, s16;
	s17 =	sadd.s32 s17, s14  }
0x18f: {  	[hbm4b:s17+s4] =	stream.linear.scatter [tilespmem:s13], [sflag:s2], $0x80, $0x38;
	[tilespmem:$0x1F000] =	vst v63  }
0x190: {  	s13 =	sadd.s32 $0x112AD0, s8  }
0x191: {  	s14 =	simm.s32 $0x10;
	s15 =	sadd.s32 $0x400, s12;
	s16 =	sadd.s32 $0x0, s13  }
.LBB2_58:
0x192: {  	[hbm4b:s16+s4] =	stream.linear.scatter [tilespmem:s12], [sflag:s2], $0x80, $0x38;
	[tilespmem:$0x1F000] =	vst v63  }
0x193: {  	s16 =	smov.u32 s14;
	s12 =	smov.u32 s15;
	p2 =	sne.s32 s14, $0x1E0  }
.Ltmp34:
0x194: {  	s14 =	sadd.s32 $0x10, s14;
	(pc) =	sbr.rel @p2 .LBB2_58-.Ltmp34, $2  }
0x195: {  	_ =	sdelay $0x2  }
0x196: {  	s15 =	sadd.s32 $0x400, s15;
	s16 =	sadd.s32 s16, s13  }
0x197: {  	[hbm4b:s16+s4] =	stream.linear.scatter [tilespmem:s12], [sflag:s2], $0x80, $0x38;
	[tilespmem:$0x1F000] =	vst v63  }
0x198: {  	s12 =	sadd.s32 $0x131320, s8  }
0x199: {  	s13 =	simm.s32 $0x10;
	s14 =	sadd.s32 $0x400, s11;
	s15 =	sadd.s32 $0x0, s12  }
.LBB2_60:
0x19a: {  	[hbm4b:s15+s4] =	stream.linear.scatter [tilespmem:s11], [sflag:s2], $0x80, $0x38;
	[tilespmem:$0x1F000] =	vst v63  }
0x19b: {  	s15 =	smov.u32 s13;
	s11 =	smov.u32 s14;
	p2 =	sne.s32 s13, $0x1E0  }
.Ltmp35:
0x19c: {  	s13 =	sadd.s32 $0x10, s13;
	(pc) =	sbr.rel @p2 .LBB2_60-.Ltmp35, $2  }
0x19d: {  	_ =	sdelay $0x2  }
0x19e: {  	s14 =	sadd.s32 $0x400, s14;
	s15 =	sadd.s32 s15, s12  }
0x19f: {  	[hbm4b:s15+s4] =	stream.linear.scatter [tilespmem:s11], [sflag:s2], $0x80, $0x38;
	[tilespmem:$0x1F000] =	vst v63  }
0x1a0: {  	s11 =	sadd.s32 $0x14FB70, s8  }
0x1a1: {  	s12 =	simm.s32 $0x10;
	s13 =	sadd.s32 $0x400, s24;
	s14 =	sadd.s32 $0x0, s11  }
.LBB2_62:
0x1a2: {  	[hbm4b:s14+s4] =	stream.linear.scatter [tilespmem:s24], [sflag:s2], $0x80, $0x38;
	[tilespmem:$0x1F000] =	vst v63  }
0x1a3: {  	s14 =	smov.u32 s12;
	s24 =	smov.u32 s13;
	p2 =	sne.s32 s12, $0x1E0  }
.Ltmp36:
0x1a4: {  	s12 =	sadd.s32 $0x10, s12;
	(pc) =	sbr.rel @p2 .LBB2_62-.Ltmp36, $2  }
0x1a5: {  	_ =	sdelay $0x2  }
0x1a6: {  	s13 =	sadd.s32 $0x400, s13;
	s14 =	sadd.s32 s14, s11  }
0x1a7: {  	[hbm4b:s14+s4] =	stream.linear.scatter [tilespmem:s24], [sflag:s2], $0x80, $0x38;
	[tilespmem:$0x1F000] =	vst v63  }
0x1a8: {  	s11 =	sadd.s32 $0x16E3C0, s8  }
0x1a9: {  	s12 =	simm.s32 $0x10;
	s13 =	sadd.s32 $0x400, s10;
	s14 =	sadd.s32 $0x0, s11  }
.LBB2_64:
0x1aa: {  	[hbm4b:s14+s4] =	stream.linear.scatter [tilespmem:s10], [sflag:s2], $0x80, $0x38;
	[tilespmem:$0x1F000] =	vst v63  }
0x1ab: {  	s14 =	smov.u32 s12;
	s10 =	smov.u32 s13;
	p2 =	sne.s32 s12, $0x1E0  }
.Ltmp37:
0x1ac: {  	s12 =	sadd.s32 $0x10, s12;
	(pc) =	sbr.rel @p2 .LBB2_64-.Ltmp37, $2  }
0x1ad: {  	_ =	sdelay $0x2  }
0x1ae: {  	s13 =	sadd.s32 $0x400, s13;
	s14 =	sadd.s32 s14, s11  }
0x1af: {  	[hbm4b:s14+s4] =	stream.linear.scatter [tilespmem:s10], [sflag:s2], $0x80, $0x38;
	[tilespmem:$0x1F000] =	vst v63  }
0x1b0: {  	s10 =	sadd.s32 $0x18CC10, s8  }
0x1b1: {  	s11 =	simm.s32 $0x10;
	s12 =	sadd.s32 $0x400, s9;
	s13 =	sadd.s32 $0x0, s10  }
.LBB2_66:
0x1b2: {  	[hbm4b:s13+s4] =	stream.linear.scatter [tilespmem:s9], [sflag:s2], $0x80, $0x38;
	[tilespmem:$0x1F000] =	vst v63  }
0x1b3: {  	s13 =	smov.u32 s11;
	s9 =	smov.u32 s12;
	p2 =	sne.s32 s11, $0x1E0  }
.Ltmp38:
0x1b4: {  	s11 =	sadd.s32 $0x10, s11;
	(pc) =	sbr.rel @p2 .LBB2_66-.Ltmp38, $2  }
0x1b5: {  	_ =	sdelay $0x2  }
0x1b6: {  	s12 =	sadd.s32 $0x400, s12;
	s13 =	sadd.s32 s13, s10  }
0x1b7: {  	[hbm4b:s13+s4] =	stream.linear.scatter [tilespmem:s9], [sflag:s2], $0x80, $0x38;
	[tilespmem:$0x1F000] =	vst v63  }
0x1b8: {  	s9 =	sadd.s32 $0x1AB460, s8  }
0x1b9: {  	s10 =	simm.s32 $0x10;
	s11 =	sadd.s32 $0x400, s0;
	s12 =	sadd.s32 $0x0, s9  }
.LBB2_68:
0x1ba: {  	[hbm4b:s12+s4] =	stream.linear.scatter [tilespmem:s0], [sflag:s2], $0x80, $0x38;
	[tilespmem:$0x1F000] =	vst v63  }
0x1bb: {  	s12 =	smov.u32 s10;
	s0 =	smov.u32 s11;
	p2 =	sne.s32 s10, $0x1E0  }
.Ltmp39:
0x1bc: {  	s10 =	sadd.s32 $0x10, s10;
	(pc) =	sbr.rel @p2 .LBB2_68-.Ltmp39, $2  }
0x1bd: {  	_ =	sdelay $0x2  }
0x1be: {  	s11 =	sadd.s32 $0x400, s11;
	s12 =	sadd.s32 s12, s9  }
0x1bf: {  	[hbm4b:s12+s4] =	stream.linear.scatter [tilespmem:s0], [sflag:s2], $0x80, $0x38;
	[tilespmem:$0x1F000] =	vst v63  }
0x1c0: {  	s0 =	sadd.s32 $0x1C9CB0, s8  }
0x1c1: {  	s8 =	simm.s32 $0x10;
	s9 =	sadd.s32 $0x400, s29;
	s10 =	sadd.s32 $0x0, s0  }
.LBB2_70:
0x1c2: {  	[hbm4b:s10+s4] =	stream.linear.scatter [tilespmem:s29], [sflag:s2], $0x80, $0x38;
	[tilespmem:$0x1F000] =	vst v63  }
0x1c3: {  	s10 =	smov.u32 s8;
	s29 =	smov.u32 s9;
	p2 =	sne.s32 s8, $0x1E0  }
.Ltmp40:
0x1c4: {  	s8 =	sadd.s32 $0x10, s8;
	(pc) =	sbr.rel @p2 .LBB2_70-.Ltmp40, $2  }
0x1c5: {  	_ =	sdelay $0x2  }
0x1c6: {  	s9 =	sadd.s32 $0x400, s9;
	s10 =	sadd.s32 s10, s0  }
0x1c7: {  	p2 =	sgt.u32 s28, $0xBB  }
0x1c8: {  	s0 =	smul.u32 @!p2 $0x7C00, s28  }
0x1c9: {  	[hbm4b:s10+s4] =	stream.linear.scatter [tilespmem:s29], [sflag:s2], $0x80, $0x38;
	[tilespmem:$0x1F000] =	vst v63  }
0x1ca: {  	s0 =	sshrl.u32 @!p2 s0, $0x3  }
0x1cb: {  	s8 =	simm.s32 @!p2 $0x7C00;
	s0 =	sadd.s32 @!p2 s3, s0  }
.Ltmp41:
0x1cc: {  	s9 =	simm.s32 @!p2 $0x7A1400;
	s0 =	sadd.s32 @!p2 $0x3E000, s0;
	(pc) =	sbr.rel .LBB2_72-.Ltmp41, $4  }
0x1cd: {  	[tilespmem:s31], [sflag:s30] =	stream.strided.gather @!p2 [hbm4b:s0+s8], $0xF800, s9, s8, $0x38;
	[tilespmem:$0x1F000] =	vst v63  }
0x1ce: {  	_ =	swait.ge [sflag:s2], $0xF800  }
0x1cf: {  	[sflag:s2] =	ssyncset.done $0x0  }
0x1d0: {  	[sflag:s2] =	ssyncadd.s32 $0xFFFF0800  }
.LBB2_74:
0x1d1: {  	_ =	sfence.sel $0x180000  }
0x1d2: {  	[bflag:$0x0] =	sbarrier.arrive $0xFFFF  }
0x1d3: {  	_ =	strace $0x90000047  }
0x1d4: {  	s0 =	stileid.u32;
	[bflag:$0x2] =	sbarrier.arrive $0xFFFF  }
0x1d5: {  	p0 =	sne.s32 s0, $0x0;
	s0 =	rddreg [dreg:$0x3]  }
0x1d6: {  	s0 =	sadd.s32 @!p0 $0x100000, s0  }
0x1d7: {  	[sflag:s0] =	ssyncadd.tile.s32 @!p0 $0x1;
	_ =	shalt  }
.Lfunc_end2:
_tile_overlayer_lowered:
.L_overlay_start_2:
0x1d8: {  	(tag) =	ssettag $0x2  }
0x1d9: {  	s0 =	rddreg [dreg:$0x0];
	s2 =	stileid.u32  }
0x1da: {  	s1 =	rddreg [dreg:$0x1];
	p0 =	sne.s32 s2, $0x0  }
0x1db: {  	s3 =	rddreg [dreg:$0x2];
	[bflag:$0x3] =	sbarrier.arrive $0xFFFF;
	s2 =	simm.s32 @!p0 $0x1C05  }
0x1dc: {  	[timem:s3], [sflag:s2] =	dma.local @!p0 [hbm:s0], s1  }
0x1dd: {  	s0 =	simm.s32 @!p0 $0x5  }
0x1de: {  	_ =	swait.ge @!p0 [sflag:s0], s1  }
0x1df: {  	s1 =	ssub.s32 @!p0 $0x0, s1;
	[sflag:s0] =	ssyncset.done @!p0 $0x0  }
0x1e0: {  	[sflag:s0] =	ssyncadd.s32 @!p0 s1  }
0x1e1: {  	[bflag:$0x3] =	sbarrier.arrive $0xFFFF  }
0x1e2: {  	_ =	shalt  }

// kernel: _run.7.cloned.1.call-start
scs
__scs_entry_jumppad:
0x0: {  	(pc) =	sbr.rel $0x88, $3  }
0x1: {  	(tag) =	ssettag $0x0;
	lr =	simm.s32 $0x1  }
0x2: {  	[smem:$0x3F9C] =	sst lr;
	_ =	strace $0xD0000000  }
0x3: {  	_ = 	snop  }
0x4: {  	_ = 	snop  }
0x5: {  	_ = 	snop  }
0x6: {  	_ = 	snop  }
0x7: {  	_ = 	snop  }
__scs_overlays_trampoline_lowered:
0x8: {  	[smem:$0x3FAB] =	sst s0  }
0x9: {  	[smem:$0x3FAC] =	sst s1  }
0xa: {  	[smem:$0x3FAD] =	sst s2  }
0xb: {  	[smem:$0x3FAE] =	sst s3  }
0xc: {  	[smem:$0x3FAF] =	sst s4  }
0xd: {  	[smem:$0x3FB0] =	sst s5  }
0xe: {  	[smem:$0x3FB1] =	sst s6  }
0xf: {  	[smem:$0x3FB2] =	sst s7  }
0x10: {  	[smem:$0x3FB3] =	sst s8  }
0x11: {  	[smem:$0x3FB4] =	sst s9;
	s0 =	simm.s32 @!p0 $0x0  }
0x12: {  	s1 =	sld [smem:$0x3F9A];
	s0 =	simm.s32 @p0 $0x1  }
0x13: {  	[smem:$0x3FB5] =	sst s0;
	s0 =	simm.s32 @!p1 $0x0  }
0x14: {  	s2 =	sld [smem:$0x3F99];
	s0 =	simm.s32 @p1 $0x1  }
0x15: {  	[smem:$0x3FB6] =	sst s0;
	s0 =	simm.s32 @!p2 $0x0  }
0x16: {  	s3 =	sld [smem:$0x3FDB];
	s0 =	simm.s32 @p2 $0x1  }
0x17: {  	s4 =	simm.s32 $0x1BF5;
	[smem:$0x3FB8] =	sst s0  }
0x18: {  	s0 =	sld [smem:$0x3F9B];
	_ =	swait.ge [sflag:s4], $0x0  }
0x19: {  	s7 =	sld [smem:$0x3F9C]  }
0x1a: {  	s8 =	sadd.s32 $0xFFFFE003, lr  }
0x1b: {  	s9 =	sadd.s32 $0xFFFFFEF7, lr;
	s5 =	simm.s32 $0xFFFFFFFF;
	p2 =	slt.u32 s8, $0xFFFFF086  }
0x1c: {  	p1 =	slt.u32 s9, $0xF7A;
	s5 =	simm.s32 @!p2 $0x0  }
0x1d: {  	s5 =	simm.s32 @p1 $0x1;
	p0 =	seq.s32 s7, s2  }
0x1e: {  	s7 =	smul.u32 @!p0 $0xF7A, s2;
	p2 =	seq.s32 @!p0 s5, $0x0  }
0x1f: {  	s9 =	smul.u32 $0xF7A, s1;
	s8 =	simm.s32 @!p0 $0x1BF5;
	p2 =	por !p2, p0  }
0x20: {  	[sflag:s8] =	ssyncset.s32 @!p0 $0xFFFFF086;
	s6 =	sadd.s32 @!p0 s3, s7;
	s7 =	simm.s32 @!p0 $0x108  }
0x21: {  	s3 =	sadd.s32 s3, s9;
	s6 =	sadd.s32 @!p0 $0x88, s6;
	s7 =	simm.s32 @p2 $0x1082  }
0x22: {  	[simem:s7], [sflag:s8] =	dma.local @!p0 [hbm:s6], $0xF7A  }
0x23: {  	s9 =	sor.u32 $0xD0000000, s2;
	s6 =	simm.s32 $0x108;
	_ =	swait.ge @!p0 [sflag:s8], $0x0  }
0x24: {  	s3 =	sadd.s32 $0x88, s3;
	s6 =	simm.s32 @!p1 $0x1082;
	[sflag:s4] =	ssyncset.s32 $0xFFFFF086  }
0x25: {  	[simem:s6], [sflag:s4] =	dma.local [hbm:s3], $0xF7A  }
0x26: {  	[smem:$0x3F9C] =	sst s1;
	(tag) =	ssettag s2;
	_ =	strace s9  }
0x27: {  	s1 =	sld [smem:$0x3FAC]  }
0x28: {  	s2 =	sld [smem:$0x3FAD]  }
0x29: {  	s4 =	sld [smem:$0x3FAF]  }
0x2a: {  	p0 =	seq.s32 s5, $0x0;
	s5 =	sld [smem:$0x3FB0]  }
0x2b: {  	s6 =	sld [smem:$0x3FB1]  }
0x2c: {  	s7 =	sld [smem:$0x3FB2]  }
0x2d: {  	s3 =	simm.s32 $0x108;
	s8 =	sld [smem:$0x3FB3]  }
0x2e: {  	s3 =	simm.s32 @!p0 $0x1082;
	s9 =	sld [smem:$0x3FB4]  }
0x2f: {  	lr =	sadd.s32 s0, s3;
	s0 =	sld [smem:$0x3FAB]  }
0x30: {  	s3 =	sld [smem:$0x3FAE]  }
0x31: {  	[smem:$0x3FB7] =	sst s10  }
0x32: {  	s10 =	sld [smem:$0x3FB5];
	_ =	sdelay $0x3  }
0x33: {  	p0 =	seq.s32 s10, $0x1;
	s10 =	sld [smem:$0x3FB7];
	_ =	sdelay $0x3  }
0x34: {  	[smem:$0x3FB7] =	sst s10  }
0x35: {  	s10 =	sld [smem:$0x3FB6];
	_ =	sdelay $0x3  }
0x36: {  	p1 =	seq.s32 s10, $0x1;
	s10 =	sld [smem:$0x3FB7];
	_ =	sdelay $0x3  }
0x37: {  	[smem:$0x3FB7] =	sst s10  }
0x38: {  	s10 =	sld [smem:$0x3FB8]  }
0x39: {  	_ = 	snop;
	(pc) =	sbr.ind lr, $3  }
0x3a: {  	_ = 	snop  }
0x3b: {  	_ = 	snop  }
0x3c: {  	p2 =	seq.s32 s10, $0x1;
	s10 =	sld [smem:$0x3FB7]  }
0x3d: {  	_ =	shalt  }
0x3e: {  	_ =	shalt  }
0x3f: {  	_ =	shalt  }
0x40: {  	_ =	shalt  }
0x41: {  	_ =	shalt  }
0x42: {  	_ =	shalt  }
0x43: {  	_ =	shalt  }
0x44: {  	_ =	shalt  }
0x45: {  	_ =	shalt  }
0x46: {  	_ =	shalt  }
0x47: {  	_ =	shalt  }
0x48: {  	_ =	shalt  }
0x49: {  	_ =	shalt  }
0x4a: {  	_ =	shalt  }
0x4b: {  	_ =	shalt  }
0x4c: {  	_ =	shalt  }
0x4d: {  	_ =	shalt  }
0x4e: {  	_ =	shalt  }
0x4f: {  	_ =	shalt  }
0x50: {  	_ =	shalt  }
0x51: {  	_ =	shalt  }
0x52: {  	_ =	shalt  }
0x53: {  	_ =	shalt  }
0x54: {  	_ =	shalt  }
0x55: {  	_ =	shalt  }
0x56: {  	_ =	shalt  }
0x57: {  	_ =	shalt  }
0x58: {  	_ =	shalt  }
0x59: {  	_ =	shalt  }
0x5a: {  	_ =	shalt  }
0x5b: {  	_ =	shalt  }
0x5c: {  	_ =	shalt  }
0x5d: {  	_ =	shalt  }
0x5e: {  	_ =	shalt  }
0x5f: {  	_ =	shalt  }
0x60: {  	_ =	shalt  }
0x61: {  	_ =	shalt  }
0x62: {  	_ =	shalt  }
0x63: {  	_ =	shalt  }
0x64: {  	_ =	shalt  }
0x65: {  	_ =	shalt  }
0x66: {  	_ =	shalt  }
0x67: {  	_ =	shalt  }
0x68: {  	_ =	shalt  }
0x69: {  	_ =	shalt  }
0x6a: {  	_ =	shalt  }
0x6b: {  	_ =	shalt  }
0x6c: {  	_ =	shalt  }
0x6d: {  	_ =	shalt  }
0x6e: {  	_ =	shalt  }
0x6f: {  	_ =	shalt  }
0x70: {  	_ =	shalt  }
0x71: {  	_ =	shalt  }
0x72: {  	_ =	shalt  }
0x73: {  	_ =	shalt  }
0x74: {  	_ =	shalt  }
0x75: {  	_ =	shalt  }
0x76: {  	_ =	shalt  }
0x77: {  	_ =	shalt  }
0x78: {  	_ =	shalt  }
0x79: {  	_ =	shalt  }
0x7a: {  	_ =	shalt  }
0x7b: {  	_ =	shalt  }
0x7c: {  	_ =	shalt  }
0x7d: {  	_ =	shalt  }
0x7e: {  	_ =	shalt  }
0x7f: {  	_ =	shalt  }
0x80: {  	_ =	shalt  }
0x81: {  	_ =	shalt  }
0x82: {  	_ =	shalt  }
0x83: {  	_ =	shalt  }
0x84: {  	_ =	shalt  }
0x85: {  	_ =	shalt  }
0x86: {  	_ =	shalt  }
0x87: {  	_ =	shalt  }
.Lfunc_end0:
.L_simem_size_0:
called_computation.1_lowered:
.L_overlay_start_0:
0x88: {  	s2 =	sld [smem:$0x3FD9]  }
0x89: {  	s3 =	sld [smem:$0x3FFE];
	_ =	sdelay $0x1  }
0x8a: {  	s1 =	srdreg.scid  }
0x8b: {  	s0 =	sand.u32 $0x1, s1  }
0x8c: {  	s17 =	sshll.u32 s0, $0xA;
	s2 =	sadd.s32 s3, s2  }
0x8d: {  	s2 =	sadd.s32 s2, s17  }
0x8e: {  	[smem:$0x3FC3] =	sst s2  }
0x8f: {  	_ = 	snop  }
0x90: {  	s2 =	sld [smem:$0x3FC9]  }
0x91: {  	s18 =	sld [smem:$0x3FC8]  }
0x92: {  	s4 =	sld [smem:$0x3FC5]  }
0x93: {  	s5 =	sld [smem:$0x3FD0];
	(tm) =	ssettm $0x1  }
0x94: {  	s6 =	sld [smem:$0x3FFB];
	_ =	sdelay $0x3  }
0x95: {  	_ =	strace s6  }
0x96: {  	s6 =	sld [smem:$0x3FFC];
	_ =	sdelay $0x3  }
0x97: {  	_ =	strace s6  }
0x98: {  	s6 =	sld [smem:$0x3FFD];
	_ =	sdelay $0x3  }
0x99: {  	_ =	strace s6  }
0x9a: {  	_ =	strace $0x8FFFFFFF  }
0x9b: {  	s19 =	sld [smem:$0x3FDB];
	_ =	sdelay $0x1  }
0x9c: {  	s7 =	simm.s32 $_scs_section_size  }
0x9d: {  	s8 =	simm.s32 $_size__tile_overlayer_lowered;
	s9 =	simm.s32 $_tile_overlayer_lowered  }
0x9e: {  	s22 =	simm.s32 $0x1BFF;
	s21 =	sshll.u32 s9, $0x1;
	s6 =	sadd.s32 s7, s19  }
0x9f: {  	s10 =	simm.s32 $0x0;
	s20 =	sshll.u32 s8, $0x1;
	s8 =	sadd.s32 s21, s6  }
0xa0: {  	[timem:s10], [sflag:s22] =	dma.local [hbm:s8], s20  }
0xa1: {  	_ =	swait.ge [sflag:s22], s20  }
0xa2: {  	s7 =	ssub.s32 $0x0, s20;
	[sflag:s22] =	ssyncset.done $0x0  }
0xa3: {  	[sflag:s22] =	ssyncadd.s32 s7;
	_ =	sdelay $0x1  }
0xa4: {  	s23 =	simm.s32 $0x1B8B  }
0xa5: {  	_ =	swait.ge [sflag:s23], $0x1  }
0xa6: {  	[sflag:s23] =	ssyncset.done $0x0  }
0xa7: {  	s25 =	simm.s32 $0x1B8E;
	s24 =	sld [smem:$0x3FFE];
	[sflag:s23] =	ssyncadd.s32 $0xFFFFFFFF  }
0xa8: {  	s26 =	simm.s32 $execute0_lowered;
	[smem:$0x3FD2] =	sst s25  }
0xa9: {  	s8 =	sshll.u32 s26, $0x1;
	_ =	strace $0x80000049;
	[dreg:$0x1] =	wrdreg $0xFFFFFFFF  }
0xaa: {  	s28 =	simm.s32 $_size_execute0_lowered;
	s6 =	sadd.s32 s6, s8;
	[dreg:$0x0] =	wrdreg $0x0  }
0xab: {  	s8 =	sshll.u32 s28, $0x1;
	[dreg:$0x2] =	wrdreg s6  }
0xac: {  	[dreg:$0x3] =	wrdreg s8  }
0xad: {  	[dreg:$0x4] =	wrdreg $0xC0  }
0xae: {  	_ =	task [dreg:s10], $0x5FFFF  }
0xaf: {  	[dreg:$0x1] =	wrdreg $0xFFFFFFFF  }
0xb0: {  	[dreg:$0x0] =	wrdreg $0x60  }
0xb1: {  	[dreg:$0x2] =	wrdreg s2  }
0xb2: {  	[dreg:$0x3] =	wrdreg s18  }
0xb3: {  	[dreg:$0x4] =	wrdreg s24  }
0xb4: {  	[dreg:$0x5] =	wrdreg s4  }
0xb5: {  	[dreg:$0x6] =	wrdreg s5  }
0xb6: {  	[dreg:$0x7] =	wrdreg $0x9  }
0xb7: {  	_ =	task.clear_ibuf [dreg:s10], $0x8FFFF;
	_ =	strace $0x90000049  }
0xb8: {  	s29 =	simm.s32 $0x9;
	_ =	strace $0x8000004B  }
0xb9: {  	_ =	swait.ge [sflag:s29], $0x1  }
0xba: {  	[sflag:s29] =	ssyncadd.s32 $0xFFFFFFFF  }
0xbb: {  	_ =	strace $0x9000004B  }
0xbc: {  	_ =	sfence  }
0xbd: {  	s30 =	sld [smem:$0x0];
	_ =	sdelay $0x2  }
0xbe: {  	s31 =	sshll.u32 s1, $0xD;
	s1 =	sshrl.u32 s1, $0x2  }
0xbf: {  	s3 =	sand.u32 $0x4000, s31;
	s1 =	sadd.s32 s1, s30  }
0xc0: {  	s0 =	sor.u32 s3, s0;
	s1 =	sshll.u32 s1, $0x11  }
0xc1: {  	s0 =	sor.u32 s1, s0  }
0xc2: {  	s0 =	sadd.s32 $0x8F2B, s0  }
0xc3: {  	[sflag:s0] =	ssyncadd.remote.s32 $0x1  }
0xc4: {  	_ =	sfence.sel $0xFFFF  }
0xc5: {  	[dreg:$0x0] =	wrdreg $0xFFFFFFFF;
	(pc) =	sbr.abs _section_cstart, $3  }
0xc6: {  	[dreg:$0x1] =	wrdreg $0xFFFFFFFF  }
0xc7: {  	_ =	task.clear_ibuf [dreg:s10], $0x2FFFF;
	_ =	strace $0x9FFFFFFF  }
0xc8: {  	(tm) =	ssettm $0x7FFFFFFF  }
0xc9: {  	_ =	shalt  }
tec
execute0_lowered:
.L_overlay_start_1:
0x0: {  	(tag) =	ssettag $0x1  }
0x1: {  	s0 =	rddreg [dreg:$0x0]  }
0x2: {  	s2 =	rddreg [dreg:$0x1]  }
0x3: {  	s5 =	rddreg [dreg:$0x2]  }
0x4: {  	s1 =	rddreg [dreg:$0x3]  }
0x5: {  	s8 =	rddreg [dreg:$0x4];
	s3 =	simm.s32 $0x0;
	s4 =	srdreg.scid  }
0x6: {  	s7 =	stileid.u32;
	s11 =	simm.s32 $0x200;
	s12 =	simm.s32 $0x80  }
0x7: {  	s13 =	simm.s32 $0x8400;
	s17 =	simm.s32 $0x2280;
	s18 =	simm.s32 $0x6280  }
0x8: {  	s19 =	simm.s32 $0x4280;
	s20 =	simm.s32 $0x8280;
	s21 =	simm.s32 $0x2300  }
0x9: {  	s22 =	simm.s32 $0x6300;
	s23 =	simm.s32 $0x4300;
	s24 =	simm.s32 $0x8300  }
0xa: {  	s25 =	simm.s32 $0x2380;
	s26 =	simm.s32 $0x6380;
	s28 =	simm.s32 $0x4380  }
0xb: {  	s29 =	simm.s32 $0x8380;
	s30 =	simm.s32 $0x1;
	s31 =	simm.s32 $0x2  }
0xc: {  	[smem:$0x7FF] =	sst s3;
	s4 =	sand.u32 $0x1, s4;
	s7 =	sshll.u32 s7, $0x7  }
0xd: {  	_ =	strace $0x8000004A;
	s6 =	ssub.s32 $0x2, s4;
	s9 =	sshll.u32 s4, $0x6  }
0xe: {  	s4 =	sadd.s32 $0xC00, s5;
	s10 =	sshrl.u32 s6, $0x1;
	s9 =	sor.u32 s9, s7  }
0xf: {  	s5 =	sadd.s32 $0x1E9200, s5;
	s10 =	ssub.s32 s6, s10;
	s6 =	sadd.s32 s0, s9  }
0x10: {  	s7 =	sadd.s32 s2, s9;
	s8 =	sadd.s32 s8, s9;
	s0 =	simm.s32 $0x3  }
0x11: {  	s2 =	simm.s32 $0x0;
	s9 =	smax.u32 s10, $0x1;
	s10 =	simm.s32 $0x4  }
.LBB2_1:
0x12: {  	[tilespmem:s3], [sflag:$0x4] =	stream.linear.gather [hbm4b:s6+s3], $0x200, $0x38;
	[tilespmem:$0x8600] =	vst v63  }
0x13: {  	_ =	swait.ge [sflag:s10], $0x200  }
0x14: {  	[sflag:s10] =	ssyncset.done $0x0  }
0x15: {  	[sflag:s10] =	ssyncadd.s32 $0xFFFFFE00  }
0x16: {  	[tilespmem:s11], [sflag:$0x4] =	stream.linear.gather [hbm4b:s7+s3], $0x200, $0x38;
	[tilespmem:$0x8600] =	vst v63  }
0x17: {  	_ =	swait.ge [sflag:s10], $0x200  }
0x18: {  	[sflag:s10] =	ssyncset.done $0x0  }
0x19: {  	[sflag:s10] =	ssyncadd.s32 $0xFFFFFE00  }
0x1a: {  	[tilespmem:s13], [sflag:$0x3] =	stream.indirect.gather [hbm4b:s1+s12], $0x1, s11, s12, $0xb8;
	[tilespmem:$0x8600] =	vst v63  }
0x1b: {  	s14 =	simm.s32 $0x280;
	s15 =	simm.s32 $0x8480  }
0x1c: {  	[tilespmem:s15], [sflag:$0x3] =	stream.indirect.gather [hbm4b:s1+s12], $0x1, s14, s12, $0xb8;
	[tilespmem:$0x8600] =	vst v63  }
0x1d: {  	s16 =	simm.s32 $0x8500;
	s15 =	simm.s32 $0x300  }
0x1e: {  	[tilespmem:s16], [sflag:$0x3] =	stream.indirect.gather [hbm4b:s1+s12], $0x1, s15, s12, $0xb8;
	[tilespmem:$0x8600] =	vst v63  }
0x1f: {  	s14 =	simm.s32 $0x0;
	s15 =	simm.s32 $0x380;
	s16 =	simm.s32 $0x8580  }
0x20: {  	[tilespmem:s16], [sflag:$0x3] =	stream.indirect.gather [hbm4b:s1+s12], $0x1, s15, s12, $0xb8;
	[tilespmem:$0x8600] =	vst v63  }
0x21: {  	v1 =	vld [tilespmem:s14+$0x200]  }
0x22: {  	v0 =	vld [tilespmem:s14+$0x0];
	_ =	sdelay $0x3  }
0x23: {  	[tilespmem:s14+$0x2400] =	vst v1;
	v2 =	vadd.s32 $0xE4E580, v1  }
0x24: {  	v3 =	vadd.s32 $0xF4280, v0;
	[tilespmem:s14+$0x4200] =	vst v2  }
0x25: {  	v5 =	vadd.s32 $0xC66080, v0;
	[tilespmem:s14+$0x600] =	vst v3  }
0x26: {  	v2 =	vadd.s32 $0xF4280, v1;
	[tilespmem:s14+$0x1E00] =	vst v5  }
0x27: {  	v3 =	vadd.s32 $0x1E8500, v0;
	[tilespmem:s14+$0x2600] =	vst v2  }
0x28: {  	v2 =	vadd.s32 $0x1E8500, v1;
	[tilespmem:s14+$0x800] =	vst v3  }
0x29: {  	v3 =	vadd.s32 $0x2DC780, v0;
	[tilespmem:s14+$0x2800] =	vst v2  }
0x2a: {  	v2 =	vadd.s32 $0x2DC780, v1;
	[tilespmem:s14+$0xA00] =	vst v3  }
0x2b: {  	v3 =	vadd.s32 $0x3D0A00, v0;
	[tilespmem:s14+$0x2A00] =	vst v2  }
0x2c: {  	v2 =	vadd.s32 $0x3D0A00, v1;
	[tilespmem:s14+$0xC00] =	vst v3  }
0x2d: {  	v3 =	vadd.s32 $0x4C4C80, v0;
	[tilespmem:s14+$0x2C00] =	vst v2  }
0x2e: {  	v2 =	vadd.s32 $0x4C4C80, v1;
	[tilespmem:s14+$0xE00] =	vst v3  }
0x2f: {  	v3 =	vadd.s32 $0x5B8F00, v0;
	[tilespmem:s14+$0x2E00] =	vst v2  }
0x30: {  	v2 =	vadd.s32 $0x5B8F00, v1;
	[tilespmem:s14+$0x1000] =	vst v3  }
0x31: {  	v3 =	vadd.s32 $0x6AD180, v0;
	[tilespmem:s14+$0x3000] =	vst v2  }
0x32: {  	v2 =	vadd.s32 $0x6AD180, v1;
	[tilespmem:s14+$0x1200] =	vst v3  }
0x33: {  	v3 =	vadd.s32 $0x7A1400, v0;
	[tilespmem:s14+$0x3200] =	vst v2  }
0x34: {  	v2 =	vadd.s32 $0x7A1400, v1;
	[tilespmem:s14+$0x1400] =	vst v3  }
0x35: {  	v3 =	vadd.s32 $0x895680, v0;
	[tilespmem:s14+$0x3400] =	vst v2  }
0x36: {  	v2 =	vadd.s32 $0x895680, v1;
	[tilespmem:s14+$0x1600] =	vst v3  }
0x37: {  	v3 =	vadd.s32 $0x989900, v0;
	[tilespmem:s14+$0x3600] =	vst v2  }
0x38: {  	v2 =	vadd.s32 $0x989900, v1;
	[tilespmem:s14+$0x1800] =	vst v3  }
0x39: {  	v3 =	vadd.s32 $0xA7DB80, v0;
	[tilespmem:s14+$0x3800] =	vst v2  }
0x3a: {  	v2 =	vadd.s32 $0xA7DB80, v1;
	[tilespmem:s14+$0x1A00] =	vst v3  }
0x3b: {  	v3 =	vadd.s32 $0xB71E00, v0;
	[tilespmem:s14+$0x3A00] =	vst v2  }
0x3c: {  	v2 =	vadd.s32 $0xB71E00, v1;
	[tilespmem:s14+$0x1C00] =	vst v3;
	v3 =	vadd.s32 $0xC66080, v1  }
0x3d: {  	s16 =	simm.s32 $0x10;
	s15 =	simm.s32 $0x80;
	v4 =	vadd.s32 $0xD5A300, v0;
	[tilespmem:s14+$0x3C00] =	vst v2;
	v2 =	vadd.s32 $0xD5A300, v1;
	v1 =	vadd.s32 $0xE4E580, v0  }
.LBB2_2:
0x3e: {  	p0 =	sne.s32 s15, $0x7C0;
	v5 =	vld [tilespmem:s16+$0x200];
	[tilespmem:s14+$0x3E00] =	vst v3  }
0x3f: {  	v3 =	vld [tilespmem:s16+$0x0];
	[tilespmem:s14+$0x2000] =	vst v4  }
0x40: {  	[tilespmem:s14+$0x4000] =	vst v2  }
0x41: {  	[tilespmem:s14+$0x2200] =	vst v1  }
0x42: {  	[tilespmem:s14+$0x400] =	vst v0;
	s14 =	smov.u32 s16  }
0x43: {  	[tilespmem:s14+$0x2400] =	vst v5;
	v1 =	vadd.s32 $0xF4280, v5;
	v2 =	vadd.s32 $0x1E8500, v5;
	v8 =	vadd.s32 $0xE4E580, v5  }
0x44: {  	v4 =	vadd.s32 $0xF4280, v3;
	v6 =	vadd.s32 $0x1E8500, v3;
	v7 =	vadd.s32 $0x2DC780, v3;
	[tilespmem:s14+$0x4200] =	vst v8;
	v0 =	vmovc v3  }
0x45: {  	v3 =	vadd.s32 $0x2DC780, v5;
	v8 =	vadd.s32 $0x3D0A00, v5;
	[tilespmem:s14+$0x600] =	vst v4;
	v4 =	vadd.s32 $0x3D0A00, v0  }
0x46: {  	v10 =	vadd.s32 $0x4C4C80, v5;
	v9 =	vadd.s32 $0x4C4C80, v0;
	v11 =	vadd.s32 $0x5B8F00, v0;
	[tilespmem:s14+$0x2600] =	vst v1  }
0x47: {  	v13 =	vadd.s32 $0x6AD180, v5;
	v12 =	vadd.s32 $0x6AD180, v0;
	[tilespmem:s14+$0x800] =	vst v6;
	v6 =	vadd.s32 $0x5B8F00, v5  }
0x48: {  	v15 =	vadd.s32 $0x7A1400, v5;
	v14 =	vadd.s32 $0x7A1400, v0;
	v16 =	vadd.s32 $0x895680, v0;
	[tilespmem:s14+$0x2800] =	vst v2  }
0x49: {  	v18 =	vadd.s32 $0x989900, v5;
	v17 =	vadd.s32 $0x989900, v0;
	[tilespmem:s14+$0xA00] =	vst v7;
	v7 =	vadd.s32 $0x895680, v5  }
0x4a: {  	v20 =	vadd.s32 $0xA7DB80, v5;
	v19 =	vadd.s32 $0xA7DB80, v0;
	v21 =	vadd.s32 $0xB71E00, v0;
	[tilespmem:s14+$0x2A00] =	vst v3  }
0x4b: {  	v22 =	vadd.s32 $0xB71E00, v5;
	v23 =	vadd.s32 $0xC66080, v0;
	v3 =	vadd.s32 $0xC66080, v5;
	[tilespmem:s14+$0xC00] =	vst v4  }
0x4c: {  	v1 =	vadd.s32 $0xE4E580, v0;
	v2 =	vadd.s32 $0xD5A300, v5;
	v4 =	vadd.s32 $0xD5A300, v0;
	[tilespmem:s14+$0x2C00] =	vst v8  }
0x4d: {  	[tilespmem:s14+$0xE00] =	vst v9  }
0x4e: {  	[tilespmem:s14+$0x2E00] =	vst v10  }
0x4f: {  	[tilespmem:s14+$0x1000] =	vst v11  }
0x50: {  	[tilespmem:s14+$0x3000] =	vst v6  }
0x51: {  	[tilespmem:s14+$0x1200] =	vst v12  }
0x52: {  	[tilespmem:s14+$0x3200] =	vst v13  }
0x53: {  	[tilespmem:s14+$0x1400] =	vst v14  }
0x54: {  	[tilespmem:s14+$0x3400] =	vst v15  }
0x55: {  	[tilespmem:s14+$0x1600] =	vst v16  }
0x56: {  	[tilespmem:s14+$0x3600] =	vst v7  }
0x57: {  	[tilespmem:s14+$0x1800] =	vst v17  }
0x58: {  	[tilespmem:s14+$0x3800] =	vst v18  }
.Ltmp0:
0x59: {  	[tilespmem:s14+$0x1A00] =	vst v19;
	(pc) =	sbr.rel @p0 .LBB2_2-.Ltmp0, $4  }
0x5a: {  	[tilespmem:s14+$0x3A00] =	vst v20  }
0x5b: {  	[tilespmem:s14+$0x1C00] =	vst v21  }
0x5c: {  	[tilespmem:s14+$0x3C00] =	vst v22  }
0x5d: {  	s16 =	sshra.s32 s15, $0x2;
	s15 =	sadd.s32 $0x40, s15;
	[tilespmem:s14+$0x1E00] =	vst v23  }
0x5e: {  	v5 =	vld [tilespmem:s16+$0x200];
	[tilespmem:s14+$0x3E00] =	vst v3  }
0x5f: {  	v3 =	vld [tilespmem:s16+$0x0];
	[tilespmem:s14+$0x2000] =	vst v4  }
0x60: {  	[tilespmem:s14+$0x4000] =	vst v2  }
0x61: {  	[tilespmem:s14+$0x2200] =	vst v1  }
0x62: {  	[tilespmem:s14+$0x400] =	vst v0  }
0x63: {  	[tilespmem:s16+$0x2400] =	vst v5;
	v0 =	vadd.s32 $0xE4E580, v5  }
0x64: {  	[tilespmem:s16+$0x4200] =	vst v0  }
0x65: {  	v1 =	vadd.s32 $0xF4280, v3;
	[tilespmem:s16+$0x400] =	vst v3  }
0x66: {  	v0 =	vadd.s32 $0xF4280, v5;
	[tilespmem:s16+$0x600] =	vst v1  }
0x67: {  	v1 =	vadd.s32 $0x1E8500, v3;
	[tilespmem:s16+$0x2600] =	vst v0  }
0x68: {  	v0 =	vadd.s32 $0x1E8500, v5;
	[tilespmem:s16+$0x800] =	vst v1  }
0x69: {  	v1 =	vadd.s32 $0x2DC780, v3;
	[tilespmem:s16+$0x2800] =	vst v0  }
0x6a: {  	v0 =	vadd.s32 $0x2DC780, v5;
	[tilespmem:s16+$0xA00] =	vst v1  }
0x6b: {  	v1 =	vadd.s32 $0x3D0A00, v3;
	[tilespmem:s16+$0x2A00] =	vst v0  }
0x6c: {  	v0 =	vadd.s32 $0x3D0A00, v5;
	[tilespmem:s16+$0xC00] =	vst v1  }
0x6d: {  	v1 =	vadd.s32 $0x4C4C80, v3;
	[tilespmem:s16+$0x2C00] =	vst v0  }
0x6e: {  	v0 =	vadd.s32 $0x4C4C80, v5;
	[tilespmem:s16+$0xE00] =	vst v1  }
0x6f: {  	v1 =	vadd.s32 $0x5B8F00, v3;
	[tilespmem:s16+$0x2E00] =	vst v0  }
0x70: {  	v0 =	vadd.s32 $0x5B8F00, v5;
	[tilespmem:s16+$0x1000] =	vst v1  }
0x71: {  	v1 =	vadd.s32 $0x6AD180, v3;
	[tilespmem:s16+$0x3000] =	vst v0  }
0x72: {  	v0 =	vadd.s32 $0x6AD180, v5;
	[tilespmem:s16+$0x1200] =	vst v1  }
0x73: {  	v1 =	vadd.s32 $0x7A1400, v3;
	[tilespmem:s16+$0x3200] =	vst v0  }
0x74: {  	v0 =	vadd.s32 $0x7A1400, v5;
	[tilespmem:s16+$0x1400] =	vst v1  }
0x75: {  	v1 =	vadd.s32 $0x895680, v3;
	[tilespmem:s16+$0x3400] =	vst v0  }
0x76: {  	v0 =	vadd.s32 $0x895680, v5;
	[tilespmem:s16+$0x1600] =	vst v1  }
0x77: {  	v1 =	vadd.s32 $0x989900, v3;
	[tilespmem:s16+$0x3600] =	vst v0  }
0x78: {  	v0 =	vadd.s32 $0x989900, v5;
	[tilespmem:s16+$0x1800] =	vst v1  }
0x79: {  	v1 =	vadd.s32 $0xA7DB80, v3;
	[tilespmem:s16+$0x3800] =	vst v0  }
0x7a: {  	v0 =	vadd.s32 $0xA7DB80, v5;
	[tilespmem:s16+$0x1A00] =	vst v1  }
0x7b: {  	v1 =	vadd.s32 $0xB71E00, v3;
	[tilespmem:s16+$0x3A00] =	vst v0  }
0x7c: {  	v0 =	vadd.s32 $0xB71E00, v5;
	[tilespmem:s16+$0x1C00] =	vst v1  }
0x7d: {  	v1 =	vadd.s32 $0xC66080, v3;
	[tilespmem:s16+$0x3C00] =	vst v0  }
0x7e: {  	v0 =	vadd.s32 $0xC66080, v5;
	[tilespmem:s16+$0x1E00] =	vst v1  }
0x7f: {  	v1 =	vadd.s32 $0xD5A300, v3;
	[tilespmem:s16+$0x3E00] =	vst v0  }
0x80: {  	v0 =	vadd.s32 $0xD5A300, v5;
	[tilespmem:s16+$0x2000] =	vst v1  }
0x81: {  	v1 =	vadd.s32 $0xE4E580, v3;
	[tilespmem:s16+$0x4000] =	vst v0  }
0x82: {  	s15 =	simm.s32 $0x4400;
	[tilespmem:s16+$0x2200] =	vst v1;
	s16 =	simm.s32 $0x400  }
0x83: {  	[tilespmem:s15], [sflag:$0x1] =	stream.indirect.gather [hbm4b:s4+s12], $0x1, s16, s12, $0xb8;
	[tilespmem:$0x8600] =	vst v63  }
0x84: {  	s15 =	simm.s32 $0x2400;
	s16 =	simm.s32 $0x6400  }
0x85: {  	[tilespmem:s16], [sflag:$0x2] =	stream.indirect.gather [hbm4b:s5+s12], $0x1, s15, s12, $0xb8;
	[tilespmem:$0x8600] =	vst v63  }
0x86: {  	s15 =	simm.s32 $0x480;
	s16 =	simm.s32 $0x4480  }
0x87: {  	[tilespmem:s16], [sflag:$0x1] =	stream.indirect.gather [hbm4b:s4+s12], $0x1, s15, s12, $0xb8;
	[tilespmem:$0x8600] =	vst v63  }
0x88: {  	s15 =	simm.s32 $0x2480;
	s16 =	simm.s32 $0x6480  }
0x89: {  	[tilespmem:s16], [sflag:$0x2] =	stream.indirect.gather [hbm4b:s5+s12], $0x1, s15, s12, $0xb8;
	[tilespmem:$0x8600] =	vst v63  }
0x8a: {  	s15 =	simm.s32 $0x500;
	s16 =	simm.s32 $0x4500  }
0x8b: {  	[tilespmem:s16], [sflag:$0x1] =	stream.indirect.gather [hbm4b:s4+s12], $0x1, s15, s12, $0xb8;
	[tilespmem:$0x8600] =	vst v63  }
0x8c: {  	s15 =	simm.s32 $0x2500;
	s16 =	simm.s32 $0x6500  }
0x8d: {  	[tilespmem:s16], [sflag:$0x2] =	stream.indirect.gather [hbm4b:s5+s12], $0x1, s15, s12, $0xb8;
	[tilespmem:$0x8600] =	vst v63  }
0x8e: {  	s15 =	simm.s32 $0x580;
	s16 =	simm.s32 $0x4580  }
0x8f: {  	[tilespmem:s16], [sflag:$0x1] =	stream.indirect.gather [hbm4b:s4+s12], $0x1, s15, s12, $0xb8;
	[tilespmem:$0x8600] =	vst v63  }
0x90: {  	s15 =	simm.s32 $0x2580;
	s16 =	simm.s32 $0x6580  }
0x91: {  	[tilespmem:s16], [sflag:$0x2] =	stream.indirect.gather [hbm4b:s5+s12], $0x1, s15, s12, $0xb8;
	[tilespmem:$0x8600] =	vst v63  }
0x92: {  	s15 =	simm.s32 $0x600;
	s16 =	simm.s32 $0x4600  }
0x93: {  	[tilespmem:s16], [sflag:$0x1] =	stream.indirect.gather [hbm4b:s4+s12], $0x1, s15, s12, $0xb8;
	[tilespmem:$0x8600] =	vst v63  }
0x94: {  	s15 =	simm.s32 $0x2600;
	s16 =	simm.s32 $0x6600  }
0x95: {  	[tilespmem:s16], [sflag:$0x2] =	stream.indirect.gather [hbm4b:s5+s12], $0x1, s15, s12, $0xb8;
	[tilespmem:$0x8600] =	vst v63  }
0x96: {  	s15 =	simm.s32 $0x680;
	s16 =	simm.s32 $0x4680  }
0x97: {  	[tilespmem:s16], [sflag:$0x1] =	stream.indirect.gather [hbm4b:s4+s12], $0x1, s15, s12, $0xb8;
	[tilespmem:$0x8600] =	vst v63  }
0x98: {  	s15 =	simm.s32 $0x2680;
	s16 =	simm.s32 $0x6680  }
0x99: {  	[tilespmem:s16], [sflag:$0x2] =	stream.indirect.gather [hbm4b:s5+s12], $0x1, s15, s12, $0xb8;
	[tilespmem:$0x8600] =	vst v63  }
0x9a: {  	s15 =	simm.s32 $0x700;
	s16 =	simm.s32 $0x4700  }
0x9b: {  	[tilespmem:s16], [sflag:$0x1] =	stream.indirect.gather [hbm4b:s4+s12], $0x1, s15, s12, $0xb8;
	[tilespmem:$0x8600] =	vst v63  }
0x9c: {  	s15 =	simm.s32 $0x2700;
	s16 =	simm.s32 $0x6700  }
0x9d: {  	[tilespmem:s16], [sflag:$0x2] =	stream.indirect.gather [hbm4b:s5+s12], $0x1, s15, s12, $0xb8;
	[tilespmem:$0x8600] =	vst v63  }
0x9e: {  	s15 =	simm.s32 $0x780;
	s16 =	simm.s32 $0x4780  }
0x9f: {  	[tilespmem:s16], [sflag:$0x1] =	stream.indirect.gather [hbm4b:s4+s12], $0x1, s15, s12, $0xb8;
	[tilespmem:$0x8600] =	vst v63  }
0xa0: {  	s15 =	simm.s32 $0x2780;
	s16 =	simm.s32 $0x6780  }
0xa1: {  	[tilespmem:s16], [sflag:$0x2] =	stream.indirect.gather [hbm4b:s5+s12], $0x1, s15, s12, $0xb8;
	[tilespmem:$0x8600] =	vst v63  }
0xa2: {  	s15 =	simm.s32 $0x800;
	s16 =	simm.s32 $0x4800  }
0xa3: {  	[tilespmem:s16], [sflag:$0x1] =	stream.indirect.gather [hbm4b:s4+s12], $0x1, s15, s12, $0xb8;
	[tilespmem:$0x8600] =	vst v63  }
0xa4: {  	s15 =	simm.s32 $0x2800;
	s16 =	simm.s32 $0x6800  }
0xa5: {  	[tilespmem:s16], [sflag:$0x2] =	stream.indirect.gather [hbm4b:s5+s12], $0x1, s15, s12, $0xb8;
	[tilespmem:$0x8600] =	vst v63  }
0xa6: {  	s15 =	simm.s32 $0x880;
	s16 =	simm.s32 $0x4880  }
0xa7: {  	[tilespmem:s16], [sflag:$0x1] =	stream.indirect.gather [hbm4b:s4+s12], $0x1, s15, s12, $0xb8;
	[tilespmem:$0x8600] =	vst v63  }
0xa8: {  	s15 =	simm.s32 $0x2880;
	s16 =	simm.s32 $0x6880  }
0xa9: {  	[tilespmem:s16], [sflag:$0x2] =	stream.indirect.gather [hbm4b:s5+s12], $0x1, s15, s12, $0xb8;
	[tilespmem:$0x8600] =	vst v63  }
0xaa: {  	s15 =	simm.s32 $0x900;
	s16 =	simm.s32 $0x4900  }
0xab: {  	[tilespmem:s16], [sflag:$0x1] =	stream.indirect.gather [hbm4b:s4+s12], $0x1, s15, s12, $0xb8;
	[tilespmem:$0x8600] =	vst v63  }
0xac: {  	s15 =	simm.s32 $0x2900;
	s16 =	simm.s32 $0x6900  }
0xad: {  	[tilespmem:s16], [sflag:$0x2] =	stream.indirect.gather [hbm4b:s5+s12], $0x1, s15, s12, $0xb8;
	[tilespmem:$0x8600] =	vst v63  }
0xae: {  	s15 =	simm.s32 $0x980;
	s16 =	simm.s32 $0x4980  }
0xaf: {  	[tilespmem:s16], [sflag:$0x1] =	stream.indirect.gather [hbm4b:s4+s12], $0x1, s15, s12, $0xb8;
	[tilespmem:$0x8600] =	vst v63  }
0xb0: {  	s15 =	simm.s32 $0x2980;
	s16 =	simm.s32 $0x6980  }
0xb1: {  	[tilespmem:s16], [sflag:$0x2] =	stream.indirect.gather [hbm4b:s5+s12], $0x1, s15, s12, $0xb8;
	[tilespmem:$0x8600] =	vst v63  }
0xb2: {  	s15 =	simm.s32 $0xA00;
	s16 =	simm.s32 $0x4A00  }
0xb3: {  	[tilespmem:s16], [sflag:$0x1] =	stream.indirect.gather [hbm4b:s4+s12], $0x1, s15, s12, $0xb8;
	[tilespmem:$0x8600] =	vst v63  }
0xb4: {  	s15 =	simm.s32 $0x2A00;
	s16 =	simm.s32 $0x6A00  }
0xb5: {  	[tilespmem:s16], [sflag:$0x2] =	stream.indirect.gather [hbm4b:s5+s12], $0x1, s15, s12, $0xb8;
	[tilespmem:$0x8600] =	vst v63  }
0xb6: {  	s15 =	simm.s32 $0xA80;
	s16 =	simm.s32 $0x4A80  }
0xb7: {  	[tilespmem:s16], [sflag:$0x1] =	stream.indirect.gather [hbm4b:s4+s12], $0x1, s15, s12, $0xb8;
	[tilespmem:$0x8600] =	vst v63  }
0xb8: {  	s15 =	simm.s32 $0x2A80;
	s16 =	simm.s32 $0x6A80  }
0xb9: {  	[tilespmem:s16], [sflag:$0x2] =	stream.indirect.gather [hbm4b:s5+s12], $0x1, s15, s12, $0xb8;
	[tilespmem:$0x8600] =	vst v63  }
0xba: {  	s15 =	simm.s32 $0xB00;
	s16 =	simm.s32 $0x4B00  }
0xbb: {  	[tilespmem:s16], [sflag:$0x1] =	stream.indirect.gather [hbm4b:s4+s12], $0x1, s15, s12, $0xb8;
	[tilespmem:$0x8600] =	vst v63  }
0xbc: {  	s15 =	simm.s32 $0x2B00;
	s16 =	simm.s32 $0x6B00  }
0xbd: {  	[tilespmem:s16], [sflag:$0x2] =	stream.indirect.gather [hbm4b:s5+s12], $0x1, s15, s12, $0xb8;
	[tilespmem:$0x8600] =	vst v63  }
0xbe: {  	s15 =	simm.s32 $0xB80;
	s16 =	simm.s32 $0x4B80  }
0xbf: {  	[tilespmem:s16], [sflag:$0x1] =	stream.indirect.gather [hbm4b:s4+s12], $0x1, s15, s12, $0xb8;
	[tilespmem:$0x8600] =	vst v63  }
0xc0: {  	s15 =	simm.s32 $0x2B80;
	s16 =	simm.s32 $0x6B80  }
0xc1: {  	[tilespmem:s16], [sflag:$0x2] =	stream.indirect.gather [hbm4b:s5+s12], $0x1, s15, s12, $0xb8;
	[tilespmem:$0x8600] =	vst v63  }
0xc2: {  	s15 =	simm.s32 $0xC00;
	s16 =	simm.s32 $0x4C00  }
0xc3: {  	[tilespmem:s16], [sflag:$0x1] =	stream.indirect.gather [hbm4b:s4+s12], $0x1, s15, s12, $0xb8;
	[tilespmem:$0x8600] =	vst v63  }
0xc4: {  	s15 =	simm.s32 $0x2C00;
	s16 =	simm.s32 $0x6C00  }
0xc5: {  	[tilespmem:s16], [sflag:$0x2] =	stream.indirect.gather [hbm4b:s5+s12], $0x1, s15, s12, $0xb8;
	[tilespmem:$0x8600] =	vst v63  }
0xc6: {  	s15 =	simm.s32 $0xC80;
	s16 =	simm.s32 $0x4C80  }
0xc7: {  	[tilespmem:s16], [sflag:$0x1] =	stream.indirect.gather [hbm4b:s4+s12], $0x1, s15, s12, $0xb8;
	[tilespmem:$0x8600] =	vst v63  }
0xc8: {  	s15 =	simm.s32 $0x2C80;
	s16 =	simm.s32 $0x6C80  }
0xc9: {  	[tilespmem:s16], [sflag:$0x2] =	stream.indirect.gather [hbm4b:s5+s12], $0x1, s15, s12, $0xb8;
	[tilespmem:$0x8600] =	vst v63  }
0xca: {  	s15 =	simm.s32 $0xD00;
	s16 =	simm.s32 $0x4D00  }
0xcb: {  	[tilespmem:s16], [sflag:$0x1] =	stream.indirect.gather [hbm4b:s4+s12], $0x1, s15, s12, $0xb8;
	[tilespmem:$0x8600] =	vst v63  }
0xcc: {  	s15 =	simm.s32 $0x2D00;
	s16 =	simm.s32 $0x6D00  }
0xcd: {  	[tilespmem:s16], [sflag:$0x2] =	stream.indirect.gather [hbm4b:s5+s12], $0x1, s15, s12, $0xb8;
	[tilespmem:$0x8600] =	vst v63  }
0xce: {  	s15 =	simm.s32 $0xD80;
	s16 =	simm.s32 $0x4D80  }
0xcf: {  	[tilespmem:s16], [sflag:$0x1] =	stream.indirect.gather [hbm4b:s4+s12], $0x1, s15, s12, $0xb8;
	[tilespmem:$0x8600] =	vst v63  }
0xd0: {  	s15 =	simm.s32 $0x2D80;
	s16 =	simm.s32 $0x6D80  }
0xd1: {  	[tilespmem:s16], [sflag:$0x2] =	stream.indirect.gather [hbm4b:s5+s12], $0x1, s15, s12, $0xb8;
	[tilespmem:$0x8600] =	vst v63  }
0xd2: {  	s15 =	simm.s32 $0xE00;
	s16 =	simm.s32 $0x4E00  }
0xd3: {  	[tilespmem:s16], [sflag:$0x1] =	stream.indirect.gather [hbm4b:s4+s12], $0x1, s15, s12, $0xb8;
	[tilespmem:$0x8600] =	vst v63  }
0xd4: {  	s15 =	simm.s32 $0x2E00;
	s16 =	simm.s32 $0x6E00  }
0xd5: {  	[tilespmem:s16], [sflag:$0x2] =	stream.indirect.gather [hbm4b:s5+s12], $0x1, s15, s12, $0xb8;
	[tilespmem:$0x8600] =	vst v63  }
0xd6: {  	s15 =	simm.s32 $0xE80;
	s16 =	simm.s32 $0x4E80  }
0xd7: {  	[tilespmem:s16], [sflag:$0x1] =	stream.indirect.gather [hbm4b:s4+s12], $0x1, s15, s12, $0xb8;
	[tilespmem:$0x8600] =	vst v63  }
0xd8: {  	s15 =	simm.s32 $0x2E80;
	s16 =	simm.s32 $0x6E80  }
0xd9: {  	[tilespmem:s16], [sflag:$0x2] =	stream.indirect.gather [hbm4b:s5+s12], $0x1, s15, s12, $0xb8;
	[tilespmem:$0x8600] =	vst v63  }
0xda: {  	s15 =	simm.s32 $0xF00;
	s16 =	simm.s32 $0x4F00  }
0xdb: {  	[tilespmem:s16], [sflag:$0x1] =	stream.indirect.gather [hbm4b:s4+s12], $0x1, s15, s12, $0xb8;
	[tilespmem:$0x8600] =	vst v63  }
0xdc: {  	s15 =	simm.s32 $0x2F00;
	s16 =	simm.s32 $0x6F00  }
0xdd: {  	[tilespmem:s16], [sflag:$0x2] =	stream.indirect.gather [hbm4b:s5+s12], $0x1, s15, s12, $0xb8;
	[tilespmem:$0x8600] =	vst v63  }
0xde: {  	s15 =	simm.s32 $0xF80;
	s16 =	simm.s32 $0x4F80  }
0xdf: {  	[tilespmem:s16], [sflag:$0x1] =	stream.indirect.gather [hbm4b:s4+s12], $0x1, s15, s12, $0xb8;
	[tilespmem:$0x8600] =	vst v63  }
0xe0: {  	s15 =	simm.s32 $0x2F80;
	s16 =	simm.s32 $0x6F80  }
0xe1: {  	[tilespmem:s16], [sflag:$0x2] =	stream.indirect.gather [hbm4b:s5+s12], $0x1, s15, s12, $0xb8;
	[tilespmem:$0x8600] =	vst v63  }
0xe2: {  	s15 =	simm.s32 $0x1000;
	s16 =	simm.s32 $0x5000  }
0xe3: {  	[tilespmem:s16], [sflag:$0x1] =	stream.indirect.gather [hbm4b:s4+s12], $0x1, s15, s12, $0xb8;
	[tilespmem:$0x8600] =	vst v63  }
0xe4: {  	s15 =	simm.s32 $0x3000;
	s16 =	simm.s32 $0x7000  }
0xe5: {  	[tilespmem:s16], [sflag:$0x2] =	stream.indirect.gather [hbm4b:s5+s12], $0x1, s15, s12, $0xb8;
	[tilespmem:$0x8600] =	vst v63  }
0xe6: {  	s15 =	simm.s32 $0x1080;
	s16 =	simm.s32 $0x5080  }
0xe7: {  	[tilespmem:s16], [sflag:$0x1] =	stream.indirect.gather [hbm4b:s4+s12], $0x1, s15, s12, $0xb8;
	[tilespmem:$0x8600] =	vst v63  }
0xe8: {  	s15 =	simm.s32 $0x3080;
	s16 =	simm.s32 $0x7080  }
0xe9: {  	[tilespmem:s16], [sflag:$0x2] =	stream.indirect.gather [hbm4b:s5+s12], $0x1, s15, s12, $0xb8;
	[tilespmem:$0x8600] =	vst v63  }
0xea: {  	s15 =	simm.s32 $0x1100;
	s16 =	simm.s32 $0x5100  }
0xeb: {  	[tilespmem:s16], [sflag:$0x1] =	stream.indirect.gather [hbm4b:s4+s12], $0x1, s15, s12, $0xb8;
	[tilespmem:$0x8600] =	vst v63  }
0xec: {  	s15 =	simm.s32 $0x3100;
	s16 =	simm.s32 $0x7100  }
0xed: {  	[tilespmem:s16], [sflag:$0x2] =	stream.indirect.gather [hbm4b:s5+s12], $0x1, s15, s12, $0xb8;
	[tilespmem:$0x8600] =	vst v63  }
0xee: {  	s15 =	simm.s32 $0x1180;
	s16 =	simm.s32 $0x5180  }
0xef: {  	[tilespmem:s16], [sflag:$0x1] =	stream.indirect.gather [hbm4b:s4+s12], $0x1, s15, s12, $0xb8;
	[tilespmem:$0x8600] =	vst v63  }
0xf0: {  	s15 =	simm.s32 $0x3180;
	s16 =	simm.s32 $0x7180  }
0xf1: {  	[tilespmem:s16], [sflag:$0x2] =	stream.indirect.gather [hbm4b:s5+s12], $0x1, s15, s12, $0xb8;
	[tilespmem:$0x8600] =	vst v63  }
0xf2: {  	s15 =	simm.s32 $0x1200;
	s16 =	simm.s32 $0x5200  }
0xf3: {  	[tilespmem:s16], [sflag:$0x1] =	stream.indirect.gather [hbm4b:s4+s12], $0x1, s15, s12, $0xb8;
	[tilespmem:$0x8600] =	vst v63  }
0xf4: {  	s15 =	simm.s32 $0x3200;
	s16 =	simm.s32 $0x7200  }
0xf5: {  	[tilespmem:s16], [sflag:$0x2] =	stream.indirect.gather [hbm4b:s5+s12], $0x1, s15, s12, $0xb8;
	[tilespmem:$0x8600] =	vst v63  }
0xf6: {  	s15 =	simm.s32 $0x1280;
	s16 =	simm.s32 $0x5280  }
0xf7: {  	[tilespmem:s16], [sflag:$0x1] =	stream.indirect.gather [hbm4b:s4+s12], $0x1, s15, s12, $0xb8;
	[tilespmem:$0x8600] =	vst v63  }
0xf8: {  	s15 =	simm.s32 $0x3280;
	s16 =	simm.s32 $0x7280  }
0xf9: {  	[tilespmem:s16], [sflag:$0x2] =	stream.indirect.gather [hbm4b:s5+s12], $0x1, s15, s12, $0xb8;
	[tilespmem:$0x8600] =	vst v63  }
0xfa: {  	s15 =	simm.s32 $0x1300;
	s16 =	simm.s32 $0x5300  }
0xfb: {  	[tilespmem:s16], [sflag:$0x1] =	stream.indirect.gather [hbm4b:s4+s12], $0x1, s15, s12, $0xb8;
	[tilespmem:$0x8600] =	vst v63  }
0xfc: {  	s15 =	simm.s32 $0x3300;
	s16 =	simm.s32 $0x7300  }
0xfd: {  	[tilespmem:s16], [sflag:$0x2] =	stream.indirect.gather [hbm4b:s5+s12], $0x1, s15, s12, $0xb8;
	[tilespmem:$0x8600] =	vst v63  }
0xfe: {  	s15 =	simm.s32 $0x1380;
	s16 =	simm.s32 $0x5380  }
0xff: {  	[tilespmem:s16], [sflag:$0x1] =	stream.indirect.gather [hbm4b:s4+s12], $0x1, s15, s12, $0xb8;
	[tilespmem:$0x8600] =	vst v63  }
0x100: {  	s15 =	simm.s32 $0x3380;
	s16 =	simm.s32 $0x7380  }
0x101: {  	[tilespmem:s16], [sflag:$0x2] =	stream.indirect.gather [hbm4b:s5+s12], $0x1, s15, s12, $0xb8;
	[tilespmem:$0x8600] =	vst v63  }
0x102: {  	s15 =	simm.s32 $0x1400;
	s16 =	simm.s32 $0x5400  }
0x103: {  	[tilespmem:s16], [sflag:$0x1] =	stream.indirect.gather [hbm4b:s4+s12], $0x1, s15, s12, $0xb8;
	[tilespmem:$0x8600] =	vst v63  }
0x104: {  	s15 =	simm.s32 $0x3400;
	s16 =	simm.s32 $0x7400  }
0x105: {  	[tilespmem:s16], [sflag:$0x2] =	stream.indirect.gather [hbm4b:s5+s12], $0x1, s15, s12, $0xb8;
	[tilespmem:$0x8600] =	vst v63  }
0x106: {  	s15 =	simm.s32 $0x1480;
	s16 =	simm.s32 $0x5480  }
0x107: {  	[tilespmem:s16], [sflag:$0x1] =	stream.indirect.gather [hbm4b:s4+s12], $0x1, s15, s12, $0xb8;
	[tilespmem:$0x8600] =	vst v63  }
0x108: {  	s15 =	simm.s32 $0x3480;
	s16 =	simm.s32 $0x7480  }
0x109: {  	[tilespmem:s16], [sflag:$0x2] =	stream.indirect.gather [hbm4b:s5+s12], $0x1, s15, s12, $0xb8;
	[tilespmem:$0x8600] =	vst v63  }
0x10a: {  	s15 =	simm.s32 $0x1500;
	s16 =	simm.s32 $0x5500  }
0x10b: {  	[tilespmem:s16], [sflag:$0x1] =	stream.indirect.gather [hbm4b:s4+s12], $0x1, s15, s12, $0xb8;
	[tilespmem:$0x8600] =	vst v63  }
0x10c: {  	s15 =	simm.s32 $0x3500;
	s16 =	simm.s32 $0x7500  }
0x10d: {  	[tilespmem:s16], [sflag:$0x2] =	stream.indirect.gather [hbm4b:s5+s12], $0x1, s15, s12, $0xb8;
	[tilespmem:$0x8600] =	vst v63  }
0x10e: {  	s15 =	simm.s32 $0x1580;
	s16 =	simm.s32 $0x5580  }
0x10f: {  	[tilespmem:s16], [sflag:$0x1] =	stream.indirect.gather [hbm4b:s4+s12], $0x1, s15, s12, $0xb8;
	[tilespmem:$0x8600] =	vst v63  }
0x110: {  	s15 =	simm.s32 $0x3580;
	s16 =	simm.s32 $0x7580  }
0x111: {  	[tilespmem:s16], [sflag:$0x2] =	stream.indirect.gather [hbm4b:s5+s12], $0x1, s15, s12, $0xb8;
	[tilespmem:$0x8600] =	vst v63  }
0x112: {  	s15 =	simm.s32 $0x1600;
	s16 =	simm.s32 $0x5600  }
0x113: {  	[tilespmem:s16], [sflag:$0x1] =	stream.indirect.gather [hbm4b:s4+s12], $0x1, s15, s12, $0xb8;
	[tilespmem:$0x8600] =	vst v63  }
0x114: {  	s15 =	simm.s32 $0x3600;
	s16 =	simm.s32 $0x7600  }
0x115: {  	[tilespmem:s16], [sflag:$0x2] =	stream.indirect.gather [hbm4b:s5+s12], $0x1, s15, s12, $0xb8;
	[tilespmem:$0x8600] =	vst v63  }
0x116: {  	s15 =	simm.s32 $0x1680;
	s16 =	simm.s32 $0x5680  }
0x117: {  	[tilespmem:s16], [sflag:$0x1] =	stream.indirect.gather [hbm4b:s4+s12], $0x1, s15, s12, $0xb8;
	[tilespmem:$0x8600] =	vst v63  }
0x118: {  	s15 =	simm.s32 $0x3680;
	s16 =	simm.s32 $0x7680  }
0x119: {  	[tilespmem:s16], [sflag:$0x2] =	stream.indirect.gather [hbm4b:s5+s12], $0x1, s15, s12, $0xb8;
	[tilespmem:$0x8600] =	vst v63  }
0x11a: {  	s15 =	simm.s32 $0x1700;
	s16 =	simm.s32 $0x5700  }
0x11b: {  	[tilespmem:s16], [sflag:$0x1] =	stream.indirect.gather [hbm4b:s4+s12], $0x1, s15, s12, $0xb8;
	[tilespmem:$0x8600] =	vst v63  }
0x11c: {  	s15 =	simm.s32 $0x3700;
	s16 =	simm.s32 $0x7700  }
0x11d: {  	[tilespmem:s16], [sflag:$0x2] =	stream.indirect.gather [hbm4b:s5+s12], $0x1, s15, s12, $0xb8;
	[tilespmem:$0x8600] =	vst v63  }
0x11e: {  	s15 =	simm.s32 $0x1780;
	s16 =	simm.s32 $0x5780  }
0x11f: {  	[tilespmem:s16], [sflag:$0x1] =	stream.indirect.gather [hbm4b:s4+s12], $0x1, s15, s12, $0xb8;
	[tilespmem:$0x8600] =	vst v63  }
0x120: {  	s15 =	simm.s32 $0x3780;
	s16 =	simm.s32 $0x7780  }
0x121: {  	[tilespmem:s16], [sflag:$0x2] =	stream.indirect.gather [hbm4b:s5+s12], $0x1, s15, s12, $0xb8;
	[tilespmem:$0x8600] =	vst v63  }
0x122: {  	s15 =	simm.s32 $0x1800;
	s16 =	simm.s32 $0x5800  }
0x123: {  	[tilespmem:s16], [sflag:$0x1] =	stream.indirect.gather [hbm4b:s4+s12], $0x1, s15, s12, $0xb8;
	[tilespmem:$0x8600] =	vst v63  }
0x124: {  	s15 =	simm.s32 $0x3800;
	s16 =	simm.s32 $0x7800  }
0x125: {  	[tilespmem:s16], [sflag:$0x2] =	stream.indirect.gather [hbm4b:s5+s12], $0x1, s15, s12, $0xb8;
	[tilespmem:$0x8600] =	vst v63  }
0x126: {  	s15 =	simm.s32 $0x1880;
	s16 =	simm.s32 $0x5880  }
0x127: {  	[tilespmem:s16], [sflag:$0x1] =	stream.indirect.gather [hbm4b:s4+s12], $0x1, s15, s12, $0xb8;
	[tilespmem:$0x8600] =	vst v63  }
0x128: {  	s15 =	simm.s32 $0x3880;
	s16 =	simm.s32 $0x7880  }
0x129: {  	[tilespmem:s16], [sflag:$0x2] =	stream.indirect.gather [hbm4b:s5+s12], $0x1, s15, s12, $0xb8;
	[tilespmem:$0x8600] =	vst v63  }
0x12a: {  	s15 =	simm.s32 $0x1900;
	s16 =	simm.s32 $0x5900  }
0x12b: {  	[tilespmem:s16], [sflag:$0x1] =	stream.indirect.gather [hbm4b:s4+s12], $0x1, s15, s12, $0xb8;
	[tilespmem:$0x8600] =	vst v63  }
0x12c: {  	s15 =	simm.s32 $0x3900;
	s16 =	simm.s32 $0x7900  }
0x12d: {  	[tilespmem:s16], [sflag:$0x2] =	stream.indirect.gather [hbm4b:s5+s12], $0x1, s15, s12, $0xb8;
	[tilespmem:$0x8600] =	vst v63  }
0x12e: {  	s15 =	simm.s32 $0x1980;
	s16 =	simm.s32 $0x5980  }
0x12f: {  	[tilespmem:s16], [sflag:$0x1] =	stream.indirect.gather [hbm4b:s4+s12], $0x1, s15, s12, $0xb8;
	[tilespmem:$0x8600] =	vst v63  }
0x130: {  	s15 =	simm.s32 $0x3980;
	s16 =	simm.s32 $0x7980  }
0x131: {  	[tilespmem:s16], [sflag:$0x2] =	stream.indirect.gather [hbm4b:s5+s12], $0x1, s15, s12, $0xb8;
	[tilespmem:$0x8600] =	vst v63  }
0x132: {  	s15 =	simm.s32 $0x1A00;
	s16 =	simm.s32 $0x5A00  }
0x133: {  	[tilespmem:s16], [sflag:$0x1] =	stream.indirect.gather [hbm4b:s4+s12], $0x1, s15, s12, $0xb8;
	[tilespmem:$0x8600] =	vst v63  }
0x134: {  	s15 =	simm.s32 $0x3A00;
	s16 =	simm.s32 $0x7A00  }
0x135: {  	[tilespmem:s16], [sflag:$0x2] =	stream.indirect.gather [hbm4b:s5+s12], $0x1, s15, s12, $0xb8;
	[tilespmem:$0x8600] =	vst v63  }
0x136: {  	s15 =	simm.s32 $0x1A80;
	s16 =	simm.s32 $0x5A80  }
0x137: {  	[tilespmem:s16], [sflag:$0x1] =	stream.indirect.gather [hbm4b:s4+s12], $0x1, s15, s12, $0xb8;
	[tilespmem:$0x8600] =	vst v63  }
0x138: {  	s15 =	simm.s32 $0x3A80;
	s16 =	simm.s32 $0x7A80  }
0x139: {  	[tilespmem:s16], [sflag:$0x2] =	stream.indirect.gather [hbm4b:s5+s12], $0x1, s15, s12, $0xb8;
	[tilespmem:$0x8600] =	vst v63  }
0x13a: {  	s15 =	simm.s32 $0x1B00;
	s16 =	simm.s32 $0x5B00  }
0x13b: {  	[tilespmem:s16], [sflag:$0x1] =	stream.indirect.gather [hbm4b:s4+s12], $0x1, s15, s12, $0xb8;
	[tilespmem:$0x8600] =	vst v63  }
0x13c: {  	s15 =	simm.s32 $0x3B00;
	s16 =	simm.s32 $0x7B00  }
0x13d: {  	[tilespmem:s16], [sflag:$0x2] =	stream.indirect.gather [hbm4b:s5+s12], $0x1, s15, s12, $0xb8;
	[tilespmem:$0x8600] =	vst v63  }
0x13e: {  	s15 =	simm.s32 $0x1B80;
	s16 =	simm.s32 $0x5B80  }
0x13f: {  	[tilespmem:s16], [sflag:$0x1] =	stream.indirect.gather [hbm4b:s4+s12], $0x1, s15, s12, $0xb8;
	[tilespmem:$0x8600] =	vst v63  }
0x140: {  	s15 =	simm.s32 $0x3B80;
	s16 =	simm.s32 $0x7B80  }
0x141: {  	[tilespmem:s16], [sflag:$0x2] =	stream.indirect.gather [hbm4b:s5+s12], $0x1, s15, s12, $0xb8;
	[tilespmem:$0x8600] =	vst v63  }
0x142: {  	s15 =	simm.s32 $0x1C00;
	s16 =	simm.s32 $0x5C00  }
0x143: {  	[tilespmem:s16], [sflag:$0x1] =	stream.indirect.gather [hbm4b:s4+s12], $0x1, s15, s12, $0xb8;
	[tilespmem:$0x8600] =	vst v63  }
0x144: {  	s15 =	simm.s32 $0x3C00;
	s16 =	simm.s32 $0x7C00  }
0x145: {  	[tilespmem:s16], [sflag:$0x2] =	stream.indirect.gather [hbm4b:s5+s12], $0x1, s15, s12, $0xb8;
	[tilespmem:$0x8600] =	vst v63  }
0x146: {  	s15 =	simm.s32 $0x1C80;
	s16 =	simm.s32 $0x5C80  }
0x147: {  	[tilespmem:s16], [sflag:$0x1] =	stream.indirect.gather [hbm4b:s4+s12], $0x1, s15, s12, $0xb8;
	[tilespmem:$0x8600] =	vst v63  }
0x148: {  	s15 =	simm.s32 $0x3C80;
	s16 =	simm.s32 $0x7C80  }
0x149: {  	[tilespmem:s16], [sflag:$0x2] =	stream.indirect.gather [hbm4b:s5+s12], $0x1, s15, s12, $0xb8;
	[tilespmem:$0x8600] =	vst v63  }
0x14a: {  	s15 =	simm.s32 $0x1D00;
	s16 =	simm.s32 $0x5D00  }
0x14b: {  	[tilespmem:s16], [sflag:$0x1] =	stream.indirect.gather [hbm4b:s4+s12], $0x1, s15, s12, $0xb8;
	[tilespmem:$0x8600] =	vst v63  }
0x14c: {  	s15 =	simm.s32 $0x3D00;
	s16 =	simm.s32 $0x7D00  }
0x14d: {  	[tilespmem:s16], [sflag:$0x2] =	stream.indirect.gather [hbm4b:s5+s12], $0x1, s15, s12, $0xb8;
	[tilespmem:$0x8600] =	vst v63  }
0x14e: {  	s15 =	simm.s32 $0x1D80;
	s16 =	simm.s32 $0x5D80  }
0x14f: {  	[tilespmem:s16], [sflag:$0x1] =	stream.indirect.gather [hbm4b:s4+s12], $0x1, s15, s12, $0xb8;
	[tilespmem:$0x8600] =	vst v63  }
0x150: {  	s15 =	simm.s32 $0x3D80;
	s16 =	simm.s32 $0x7D80  }
0x151: {  	[tilespmem:s16], [sflag:$0x2] =	stream.indirect.gather [hbm4b:s5+s12], $0x1, s15, s12, $0xb8;
	[tilespmem:$0x8600] =	vst v63  }
0x152: {  	s15 =	simm.s32 $0x1E00;
	s16 =	simm.s32 $0x5E00  }
0x153: {  	[tilespmem:s16], [sflag:$0x1] =	stream.indirect.gather [hbm4b:s4+s12], $0x1, s15, s12, $0xb8;
	[tilespmem:$0x8600] =	vst v63  }
0x154: {  	s15 =	simm.s32 $0x3E00;
	s16 =	simm.s32 $0x7E00  }
0x155: {  	[tilespmem:s16], [sflag:$0x2] =	stream.indirect.gather [hbm4b:s5+s12], $0x1, s15, s12, $0xb8;
	[tilespmem:$0x8600] =	vst v63  }
0x156: {  	s15 =	simm.s32 $0x1E80;
	s16 =	simm.s32 $0x5E80  }
0x157: {  	[tilespmem:s16], [sflag:$0x1] =	stream.indirect.gather [hbm4b:s4+s12], $0x1, s15, s12, $0xb8;
	[tilespmem:$0x8600] =	vst v63  }
0x158: {  	s15 =	simm.s32 $0x3E80;
	s16 =	simm.s32 $0x7E80  }
0x159: {  	[tilespmem:s16], [sflag:$0x2] =	stream.indirect.gather [hbm4b:s5+s12], $0x1, s15, s12, $0xb8;
	[tilespmem:$0x8600] =	vst v63  }
0x15a: {  	s15 =	simm.s32 $0x1F00;
	s16 =	simm.s32 $0x5F00  }
0x15b: {  	[tilespmem:s16], [sflag:$0x1] =	stream.indirect.gather [hbm4b:s4+s12], $0x1, s15, s12, $0xb8;
	[tilespmem:$0x8600] =	vst v63  }
0x15c: {  	s15 =	simm.s32 $0x3F00;
	s16 =	simm.s32 $0x7F00  }
0x15d: {  	[tilespmem:s16], [sflag:$0x2] =	stream.indirect.gather [hbm4b:s5+s12], $0x1, s15, s12, $0xb8;
	[tilespmem:$0x8600] =	vst v63  }
0x15e: {  	s15 =	simm.s32 $0x1F80;
	s16 =	simm.s32 $0x5F80  }
0x15f: {  	[tilespmem:s16], [sflag:$0x1] =	stream.indirect.gather [hbm4b:s4+s12], $0x1, s15, s12, $0xb8;
	[tilespmem:$0x8600] =	vst v63  }
0x160: {  	s15 =	simm.s32 $0x3F80;
	s16 =	simm.s32 $0x7F80  }
0x161: {  	[tilespmem:s16], [sflag:$0x2] =	stream.indirect.gather [hbm4b:s5+s12], $0x1, s15, s12, $0xb8;
	[tilespmem:$0x8600] =	vst v63  }
0x162: {  	s15 =	simm.s32 $0x2000;
	s16 =	simm.s32 $0x6000  }
0x163: {  	[tilespmem:s16], [sflag:$0x1] =	stream.indirect.gather [hbm4b:s4+s12], $0x1, s15, s12, $0xb8;
	[tilespmem:$0x8600] =	vst v63  }
0x164: {  	s15 =	simm.s32 $0x4000;
	s16 =	simm.s32 $0x8000  }
0x165: {  	[tilespmem:s16], [sflag:$0x2] =	stream.indirect.gather [hbm4b:s5+s12], $0x1, s15, s12, $0xb8;
	[tilespmem:$0x8600] =	vst v63  }
0x166: {  	s15 =	simm.s32 $0x2080;
	s16 =	simm.s32 $0x6080  }
0x167: {  	[tilespmem:s16], [sflag:$0x1] =	stream.indirect.gather [hbm4b:s4+s12], $0x1, s15, s12, $0xb8;
	[tilespmem:$0x8600] =	vst v63  }
0x168: {  	s15 =	simm.s32 $0x4080;
	s16 =	simm.s32 $0x8080  }
0x169: {  	[tilespmem:s16], [sflag:$0x2] =	stream.indirect.gather [hbm4b:s5+s12], $0x1, s15, s12, $0xb8;
	[tilespmem:$0x8600] =	vst v63  }
0x16a: {  	s15 =	simm.s32 $0x2100;
	s16 =	simm.s32 $0x6100  }
0x16b: {  	[tilespmem:s16], [sflag:$0x1] =	stream.indirect.gather [hbm4b:s4+s12], $0x1, s15, s12, $0xb8;
	[tilespmem:$0x8600] =	vst v63  }
0x16c: {  	s15 =	simm.s32 $0x4100;
	s16 =	simm.s32 $0x8100  }
0x16d: {  	[tilespmem:s16], [sflag:$0x2] =	stream.indirect.gather [hbm4b:s5+s12], $0x1, s15, s12, $0xb8;
	[tilespmem:$0x8600] =	vst v63  }
0x16e: {  	s15 =	simm.s32 $0x2180;
	s16 =	simm.s32 $0x6180  }
0x16f: {  	[tilespmem:s16], [sflag:$0x1] =	stream.indirect.gather [hbm4b:s4+s12], $0x1, s15, s12, $0xb8;
	[tilespmem:$0x8600] =	vst v63  }
0x170: {  	s15 =	simm.s32 $0x4180;
	s16 =	simm.s32 $0x8180  }
0x171: {  	[tilespmem:s16], [sflag:$0x2] =	stream.indirect.gather [hbm4b:s5+s12], $0x1, s15, s12, $0xb8;
	[tilespmem:$0x8600] =	vst v63  }
0x172: {  	s15 =	simm.s32 $0x2200;
	s16 =	simm.s32 $0x6200  }
0x173: {  	[tilespmem:s16], [sflag:$0x1] =	stream.indirect.gather [hbm4b:s4+s12], $0x1, s15, s12, $0xb8;
	[tilespmem:$0x8600] =	vst v63  }
0x174: {  	s15 =	simm.s32 $0x4200;
	s16 =	simm.s32 $0x8200  }
0x175: {  	[tilespmem:s16], [sflag:$0x2] =	stream.indirect.gather [hbm4b:s5+s12], $0x1, s15, s12, $0xb8;
	[tilespmem:$0x8600] =	vst v63  }
0x176: {  	_ = 	snop  }
0x177: {  	[tilespmem:s18], [sflag:$0x1] =	stream.indirect.gather [hbm4b:s4+s12], $0x1, s17, s12, $0xb8;
	[tilespmem:$0x8600] =	vst v63  }
0x178: {  	_ = 	snop  }
0x179: {  	[tilespmem:s20], [sflag:$0x2] =	stream.indirect.gather [hbm4b:s5+s12], $0x1, s19, s12, $0xb8;
	[tilespmem:$0x8600] =	vst v63  }
0x17a: {  	_ = 	snop  }
0x17b: {  	[tilespmem:s22], [sflag:$0x1] =	stream.indirect.gather [hbm4b:s4+s12], $0x1, s21, s12, $0xb8;
	[tilespmem:$0x8600] =	vst v63  }
0x17c: {  	_ = 	snop  }
0x17d: {  	[tilespmem:s24], [sflag:$0x2] =	stream.indirect.gather [hbm4b:s5+s12], $0x1, s23, s12, $0xb8;
	[tilespmem:$0x8600] =	vst v63  }
0x17e: {  	_ = 	snop  }
0x17f: {  	[tilespmem:s26], [sflag:$0x1] =	stream.indirect.gather [hbm4b:s4+s12], $0x1, s25, s12, $0xb8;
	[tilespmem:$0x8600] =	vst v63  }
0x180: {  	_ = 	snop  }
0x181: {  	[tilespmem:s29], [sflag:$0x2] =	stream.indirect.gather [hbm4b:s5+s12], $0x1, s28, s12, $0xb8;
	[tilespmem:$0x8600] =	vst v63  }
0x182: {  	_ =	swait.ge [sflag:s30], $0x2000  }
0x183: {  	[sflag:s30] =	ssyncset.done $0x0  }
0x184: {  	[sflag:s30] =	ssyncadd.s32 $0xFFFFE000  }
0x185: {  	_ =	swait.ge [sflag:s31], $0x2000  }
0x186: {  	[sflag:s31] =	ssyncset.done $0x0  }
0x187: {  	[sflag:s31] =	ssyncadd.s32 $0xFFFFE000  }
0x188: {  	_ =	swait.ge [sflag:s0], $0x80  }
0x189: {  	[sflag:s0] =	ssyncset.done $0x0  }
0x18a: {  	[sflag:s0] =	ssyncadd.s32 $0xFFFFFF80  }
0x18b: {  	_ =	swait.ge [sflag:s0], $0x80  }
0x18c: {  	[sflag:s0] =	ssyncset.done $0x0  }
0x18d: {  	[sflag:s0] =	ssyncadd.s32 $0xFFFFFF80  }
0x18e: {  	_ =	swait.ge [sflag:s0], $0x80  }
0x18f: {  	[sflag:s0] =	ssyncset.done $0x0  }
0x190: {  	[sflag:s0] =	ssyncadd.s32 $0xFFFFFF80  }
0x191: {  	_ =	swait.ge [sflag:s0], $0x80  }
0x192: {  	[sflag:s0] =	ssyncset.done $0x0  }
0x193: {  	s14 =	simm.s32 $0x0;
	[sflag:s0] =	ssyncadd.s32 $0xFFFFFF80  }
0x194: {  	v0 =	vld [tilespmem:s14+$0x4600]  }
0x195: {  	v1 =	vld [tilespmem:s14+$0x4400]  }
0x196: {  	v2 =	vld [tilespmem:s14+$0x6400]  }
0x197: {  	v3 =	vld [tilespmem:s14+$0x6600]  }
0x198: {  	v46 =	vld [tilespmem:s14+$0x8400]  }
0x199: {  	v47 =	vld [tilespmem:s14+$0x4800]  }
0x19a: {  	v6 =	vld [tilespmem:s14+$0x6800]  }
0x19b: {  	v7 =	vld [tilespmem:s14+$0x6A00];
	v1 =	vmul.f32 v2, v1  }
0x19c: {  	v2 =	vld [tilespmem:s14+$0x4A00]  }
0x19d: {  	v48 =	vld [tilespmem:s14+$0x6C00];
	v0 =	vmul.f32 v3, v0;
	v1 =	vadd.f32 v1, v46  }
0x19e: {  	v3 =	vld [tilespmem:s14+$0x4C00]  }
0x19f: {  	v49 =	vld [tilespmem:s14+$0x4E00];
	v0 =	vadd.f32 v0, v1;
	v1 =	vmul.f32 v6, v47  }
0x1a0: {  	v50 =	vld [tilespmem:s14+$0x6E00]  }
0x1a1: {  	v51 =	vld [tilespmem:s14+$0x7000];
	v0 =	vadd.f32 v1, v0;
	v1 =	vmul.f32 v7, v2  }
0x1a2: {  	v2 =	vld [tilespmem:s14+$0x5000]  }
0x1a3: {  	v52 =	vld [tilespmem:s14+$0x7200];
	v0 =	vadd.f32 v1, v0;
	v1 =	vmul.f32 v48, v3  }
0x1a4: {  	v3 =	vld [tilespmem:s14+$0x5200]  }
0x1a5: {  	v53 =	vld [tilespmem:s14+$0x5400];
	v0 =	vadd.f32 v1, v0;
	v1 =	vmul.f32 v50, v49  }
0x1a6: {  	v54 =	vld [tilespmem:s14+$0x7400]  }
0x1a7: {  	v55 =	vld [tilespmem:s14+$0x7600];
	v0 =	vadd.f32 v1, v0;
	v1 =	vmul.f32 v51, v2  }
0x1a8: {  	v2 =	vld [tilespmem:s14+$0x5600]  }
0x1a9: {  	v56 =	vld [tilespmem:s14+$0x7800];
	v0 =	vadd.f32 v1, v0;
	v1 =	vmul.f32 v52, v3  }
0x1aa: {  	v3 =	vld [tilespmem:s14+$0x5800]  }
0x1ab: {  	v57 =	vld [tilespmem:s14+$0x5A00];
	v0 =	vadd.f32 v1, v0;
	v1 =	vmul.f32 v54, v53  }
0x1ac: {  	v58 =	vld [tilespmem:s14+$0x7A00]  }
0x1ad: {  	v59 =	vld [tilespmem:s14+$0x7C00];
	v0 =	vadd.f32 v1, v0;
	v1 =	vmul.f32 v55, v2  }
0x1ae: {  	v2 =	vld [tilespmem:s14+$0x5C00]  }
0x1af: {  	v60 =	vld [tilespmem:s14+$0x7E00];
	v0 =	vadd.f32 v1, v0;
	v1 =	vmul.f32 v56, v3  }
0x1b0: {  	v3 =	vld [tilespmem:s14+$0x5E00]  }
0x1b1: {  	v61 =	vld [tilespmem:s14+$0x6000];
	v0 =	vadd.f32 v1, v0;
	v1 =	vmul.f32 v58, v57  }
0x1b2: {  	v62 =	vld [tilespmem:s14+$0x8000]  }
0x1b3: {  	v63 =	vld [tilespmem:s14+$0x8200];
	v0 =	vadd.f32 v1, v0;
	v1 =	vmul.f32 v59, v2  }
0x1b4: {  	v2 =	vld [tilespmem:s14+$0x6200]  }
0x1b5: {  	v0 =	vadd.f32 v1, v0;
	v1 =	vmul.f32 v60, v3;
	_ =	sdelay $0x1  }
0x1b6: {  	v0 =	vadd.f32 v1, v0;
	v1 =	vmul.f32 v62, v61;
	_ =	sdelay $0x1  }
0x1b7: {  	s16 =	simm.s32 $0x10;
	v2 =	vmul.f32 v63, v2;
	v3 =	vadd.f32 v1, v0  }
0x1b8: {  	v0 =	vld [tilespmem:s16+$0x4600]  }
0x1b9: {  	s15 =	simm.s32 $0x80;
	v1 =	vld [tilespmem:s16+$0x4400];
	v2 =	vadd.f32 v2, v3  }
.LBB2_4:
0x1ba: {  	p0 =	sne.s32 s15, $0x7C0;
	v3 =	vld [tilespmem:s16+$0x6400]  }
0x1bb: {  	v4 =	vld [tilespmem:s16+$0x6600];
	[tilespmem:s14+$0x8400] =	vst v2;
	s14 =	smov.u32 s16  }
0x1bc: {  	v2 =	vld [tilespmem:s14+$0x8400]  }
0x1bd: {  	v5 =	vld [tilespmem:s14+$0x4800]  }
0x1be: {  	v6 =	vld [tilespmem:s14+$0x6800]  }
0x1bf: {  	v1 =	vmul.f32 v3, v1;
	v3 =	vld [tilespmem:s14+$0x4A00]  }
0x1c0: {  	v7 =	vld [tilespmem:s14+$0x6A00]  }
0x1c1: {  	v0 =	vmul.f32 v4, v0;
	v1 =	vadd.f32 v1, v2;
	v2 =	vld [tilespmem:s14+$0x4C00]  }
0x1c2: {  	v4 =	vld [tilespmem:s14+$0x6C00]  }
0x1c3: {  	v0 =	vadd.f32 v0, v1;
	v1 =	vmul.f32 v6, v5;
	v5 =	vld [tilespmem:s14+$0x4E00]  }
0x1c4: {  	v6 =	vld [tilespmem:s14+$0x6E00]  }
0x1c5: {  	v0 =	vadd.f32 v1, v0;
	v1 =	vmul.f32 v7, v3;
	v3 =	vld [tilespmem:s14+$0x5000]  }
0x1c6: {  	v7 =	vld [tilespmem:s14+$0x7000]  }
0x1c7: {  	v0 =	vadd.f32 v1, v0;
	v1 =	vmul.f32 v4, v2;
	v2 =	vld [tilespmem:s14+$0x5200]  }
0x1c8: {  	v4 =	vld [tilespmem:s14+$0x7200]  }
0x1c9: {  	v0 =	vadd.f32 v1, v0;
	v1 =	vmul.f32 v6, v5;
	v5 =	vld [tilespmem:s14+$0x5400]  }
0x1ca: {  	v6 =	vld [tilespmem:s14+$0x7400]  }
0x1cb: {  	v0 =	vadd.f32 v1, v0;
	v1 =	vmul.f32 v7, v3;
	v3 =	vld [tilespmem:s14+$0x5600]  }
0x1cc: {  	v7 =	vld [tilespmem:s14+$0x7600]  }
0x1cd: {  	v0 =	vadd.f32 v1, v0;
	v1 =	vmul.f32 v4, v2;
	v2 =	vld [tilespmem:s14+$0x5800]  }
0x1ce: {  	v4 =	vld [tilespmem:s14+$0x7800]  }
0x1cf: {  	v0 =	vadd.f32 v1, v0;
	v1 =	vmul.f32 v6, v5;
	v5 =	vld [tilespmem:s14+$0x5A00]  }
0x1d0: {  	v6 =	vld [tilespmem:s14+$0x7A00]  }
0x1d1: {  	v0 =	vadd.f32 v1, v0;
	v1 =	vmul.f32 v7, v3;
	v3 =	vld [tilespmem:s14+$0x5C00]  }
0x1d2: {  	v7 =	vld [tilespmem:s14+$0x7C00]  }
0x1d3: {  	v0 =	vadd.f32 v1, v0;
	v1 =	vmul.f32 v4, v2;
	v2 =	vld [tilespmem:s14+$0x5E00]  }
0x1d4: {  	v4 =	vld [tilespmem:s14+$0x7E00]  }
0x1d5: {  	v0 =	vadd.f32 v1, v0;
	v1 =	vmul.f32 v6, v5;
	v5 =	vld [tilespmem:s14+$0x6000]  }
0x1d6: {  	v6 =	vld [tilespmem:s14+$0x8000]  }
0x1d7: {  	v0 =	vadd.f32 v1, v0;
	v1 =	vmul.f32 v7, v3;
	v3 =	vld [tilespmem:s14+$0x6200]  }
0x1d8: {  	v7 =	vld [tilespmem:s14+$0x8200]  }
0x1d9: {  	v0 =	vadd.f32 v1, v0;
	v1 =	vmul.f32 v4, v2;
	_ =	sdelay $0x1  }
.Ltmp1:
0x1da: {  	v0 =	vadd.f32 v1, v0;
	v1 =	vmul.f32 v6, v5;
	(pc) =	sbr.rel @p0 .LBB2_4-.Ltmp1, $4  }
0x1db: {  	_ = 	snop  }
0x1dc: {  	s16 =	sshra.s32 s15, $0x2;
	v2 =	vadd.f32 v1, v0;
	v3 =	vmul.f32 v7, v3  }
0x1dd: {  	v0 =	vld [tilespmem:s16+$0x4600]  }
0x1de: {  	s15 =	sadd.s32 $0x40, s15;
	v1 =	vld [tilespmem:s16+$0x4400];
	v2 =	vadd.f32 v3, v2  }
0x1df: {  	v3 =	vld [tilespmem:s16+$0x6400]  }
0x1e0: {  	v4 =	vld [tilespmem:s16+$0x6600];
	[tilespmem:s14+$0x8400] =	vst v2  }
0x1e1: {  	v2 =	vld [tilespmem:s16+$0x8400]  }
0x1e2: {  	v5 =	vld [tilespmem:s16+$0x4800]  }
0x1e3: {  	v6 =	vld [tilespmem:s16+$0x6800]  }
0x1e4: {  	v25 =	vld [tilespmem:s16+$0x4A00];
	v1 =	vmul.f32 v3, v1  }
0x1e5: {  	v7 =	vld [tilespmem:s16+$0x6A00]  }
0x1e6: {  	v26 =	vld [tilespmem:s16+$0x4C00];
	v0 =	vmul.f32 v4, v0;
	v1 =	vadd.f32 v1, v2  }
0x1e7: {  	v27 =	vld [tilespmem:s16+$0x6C00]  }
0x1e8: {  	v29 =	vld [tilespmem:s16+$0x4E00];
	v28 =	vmul.f32 v6, v5;
	v0 =	vadd.f32 v0, v1  }
0x1e9: {  	v30 =	vld [tilespmem:s16+$0x6E00]  }
0x1ea: {  	v32 =	vld [tilespmem:s16+$0x5000];
	v31 =	vmul.f32 v7, v25;
	v0 =	vadd.f32 v28, v0  }
0x1eb: {  	v33 =	vld [tilespmem:s16+$0x7000]  }
0x1ec: {  	v35 =	vld [tilespmem:s16+$0x5200];
	v34 =	vmul.f32 v27, v26;
	v0 =	vadd.f32 v31, v0  }
0x1ed: {  	v36 =	vld [tilespmem:s16+$0x7200]  }
0x1ee: {  	v38 =	vld [tilespmem:s16+$0x5400];
	v37 =	vmul.f32 v30, v29;
	v0 =	vadd.f32 v34, v0  }
0x1ef: {  	v39 =	vld [tilespmem:s16+$0x7400]  }
0x1f0: {  	v41 =	vld [tilespmem:s16+$0x5600];
	v40 =	vmul.f32 v33, v32;
	v0 =	vadd.f32 v37, v0  }
0x1f1: {  	v42 =	vld [tilespmem:s16+$0x7600]  }
0x1f2: {  	v44 =	vld [tilespmem:s16+$0x5800];
	v43 =	vmul.f32 v36, v35;
	v0 =	vadd.f32 v40, v0  }
0x1f3: {  	v45 =	vld [tilespmem:s16+$0x7800]  }
0x1f4: {  	v47 =	vld [tilespmem:s16+$0x5A00];
	v46 =	vmul.f32 v39, v38;
	v0 =	vadd.f32 v43, v0  }
0x1f5: {  	v48 =	vld [tilespmem:s16+$0x7A00]  }
0x1f6: {  	v50 =	vld [tilespmem:s16+$0x5C00];
	v49 =	vmul.f32 v42, v41;
	v0 =	vadd.f32 v46, v0  }
0x1f7: {  	v51 =	vld [tilespmem:s16+$0x7C00]  }
0x1f8: {  	v53 =	vld [tilespmem:s16+$0x5E00];
	v52 =	vmul.f32 v45, v44;
	v0 =	vadd.f32 v49, v0  }
0x1f9: {  	v54 =	vld [tilespmem:s16+$0x7E00]  }
0x1fa: {  	v56 =	vld [tilespmem:s16+$0x6000];
	v55 =	vmul.f32 v48, v47;
	v0 =	vadd.f32 v52, v0  }
0x1fb: {  	v57 =	vld [tilespmem:s16+$0x8000]  }
0x1fc: {  	v59 =	vld [tilespmem:s16+$0x6200];
	v58 =	vmul.f32 v51, v50;
	v0 =	vadd.f32 v55, v0  }
0x1fd: {  	v60 =	vld [tilespmem:s16+$0x8200]  }
0x1fe: {  	v61 =	vmul.f32 v54, v53;
	v0 =	vadd.f32 v58, v0;
	_ =	sdelay $0x1  }
0x1ff: {  	v62 =	vmul.f32 v57, v56;
	v0 =	vadd.f32 v61, v0;
	_ =	sdelay $0x1  }
0x200: {  	v63 =	vmul.f32 v60, v59;
	v0 =	vadd.f32 v62, v0;
	_ =	sdelay $0x1  }
0x201: {  	s2 =	sadd.s32 $0x1, s2;
	v0 =	vadd.f32 v63, v0  }
0x202: {  	p0 =	sne.s32 s2, s9  }
.Ltmp2:
0x203: {  	[tilespmem:s16+$0x8400] =	vst v0;
	(pc) =	sbr.rel @p0 .LBB2_1-.Ltmp2, $4  }
0x204: {  	[hbm4b:s8+s3] =	stream.linear.scatter [tilespmem:s13], [sflag:$0x4], $0x200, $0x38;
	[tilespmem:$0x8600] =	vst v63  }
0x205: {  	_ =	swait.ge [sflag:s10], $0x200  }
0x206: {  	[sflag:s10] =	ssyncset.done $0x0  }
0x207: {  	[sflag:s10] =	ssyncadd.s32 $0xFFFFFE00  }
0x208: {  	_ =	sfence.sel $0x180000  }
0x209: {  	[bflag:$0x0] =	sbarrier.arrive $0xFFFF  }
0x20a: {  	_ =	strace $0x9000004A  }
0x20b: {  	s0 =	stileid.u32;
	[bflag:$0x2] =	sbarrier.arrive $0xFFFF  }
0x20c: {  	p0 =	sne.s32 s0, $0x0;
	s0 =	rddreg [dreg:$0x5]  }
0x20d: {  	s0 =	sadd.s32 @!p0 $0x100000, s0  }
0x20e: {  	[sflag:s0] =	ssyncadd.tile.s32 @!p0 $0x1;
	_ =	shalt  }
.Lfunc_end2:
_tile_overlayer_lowered:
.L_overlay_start_2:
0x20f: {  	(tag) =	ssettag $0x2  }
0x210: {  	s0 =	rddreg [dreg:$0x0];
	s2 =	stileid.u32  }
0x211: {  	s1 =	rddreg [dreg:$0x1];
	p0 =	sne.s32 s2, $0x0  }
0x212: {  	s3 =	rddreg [dreg:$0x2];
	[bflag:$0x3] =	sbarrier.arrive $0xFFFF;
	s2 =	simm.s32 @!p0 $0x1C04  }
0x213: {  	[timem:s3], [sflag:s2] =	dma.local @!p0 [hbm:s0], s1  }
0x214: {  	s0 =	simm.s32 @!p0 $0x4  }
0x215: {  	_ =	swait.ge @!p0 [sflag:s0], s1  }
0x216: {  	s1 =	ssub.s32 @!p0 $0x0, s1;
	[sflag:s0] =	ssyncset.done @!p0 $0x0  }
0x217: {  	[sflag:s0] =	ssyncadd.s32 @!p0 s1  }
0x218: {  	[bflag:$0x3] =	sbarrier.arrive $0xFFFF  }
0x219: {  	_ =	shalt  }

</sc_bundles>
